<compile_context>
chip_gen: v7x
topology: tpu7x:2x2x1
jax: 0.10.2.dev20260603
libtpu: 0.0.44.dev20260713+nightly
codegen_flags: <defaults>
</compile_context>

<pallas_src>
import functools

import jax
import jax.numpy as jnp
from jax import lax
from jax.experimental import pallas as pl
from jax.experimental.pallas import tpu as pltpu
from jax.experimental.pallas import tpu_sc as plsc

E_DIM = 64
ROW_PAD = 128
BATCH = 16384
NUM_CORES = 2
NUM_SUBCORES = 16
NUM_WORKERS = NUM_CORES * NUM_SUBCORES
B_PER_W = BATCH // NUM_WORKERS
CHUNK = 128
N_CHUNKS = B_PER_W // CHUNK
LANES = 16


def _vsqrt(x):
    xi = lax.bitcast_convert_type(x, jnp.int32)
    yi = lax.shift_right_logical(xi, 1) + jnp.int32(0x1FBD1DF5)
    y = lax.bitcast_convert_type(yi, jnp.float32)
    for _ in range(3):
        y = 0.5 * (y + x / y)
    return y


def _dist_chunk(h_ref, l_ref, t_ref, out_ref):
    iota = lax.iota(jnp.int32, LANES)

    def group_body(g, _):
        def row_body(i, acc):
            r = g * LANES + i
            p = jnp.zeros((LANES,), jnp.float32)
            for k in range(E_DIM // LANES):
                sl = pl.ds(k * LANES, LANES)
                e = h_ref[r, sl] + l_ref[r, sl] - t_ref[r, sl]
                p = p + e * e
            s = jnp.sum(p)
            return jnp.where(iota == i, s, acc)

        acc = lax.fori_loop(0, LANES, row_body,
                            jnp.zeros((LANES,), jnp.float32))
        out_ref[pl.ds(g * LANES, LANES)] = _vsqrt(acc)
        return 0

    lax.fori_loop(0, CHUNK // LANES, group_body, 0)


def _make_kernel():
    f32 = jnp.float32
    mesh = plsc.VectorSubcoreMesh(core_axis_name="c", subcore_axis_name="s")
    out_type = (
        jax.ShapeDtypeStruct((BATCH,), f32),
        jax.ShapeDtypeStruct((BATCH,), f32),
        jax.ShapeDtypeStruct((BATCH, E_DIM), f32),
        jax.ShapeDtypeStruct((BATCH, E_DIM), f32),
        jax.ShapeDtypeStruct((BATCH, E_DIM), f32),
        jax.ShapeDtypeStruct((BATCH, E_DIM), f32),
    )
    scratch = [
        pltpu.VMEM((CHUNK,), jnp.int32),
        pltpu.VMEM((CHUNK,), jnp.int32),
        pltpu.VMEM((CHUNK,), jnp.int32),
        pltpu.VMEM((CHUNK,), jnp.int32),
        pltpu.VMEM((CHUNK,), jnp.int32),
        pltpu.VMEM((CHUNK,), jnp.int32),
        pltpu.VMEM((CHUNK, ROW_PAD), f32),
        pltpu.VMEM((CHUNK, ROW_PAD), f32),
        pltpu.VMEM((CHUNK, ROW_PAD), f32),
        pltpu.VMEM((CHUNK, ROW_PAD), f32),
        pltpu.VMEM((CHUNK, ROW_PAD), f32),
        pltpu.VMEM((CHUNK, ROW_PAD), f32),
        pltpu.VMEM((CHUNK,), f32),
        pltpu.VMEM((CHUNK,), f32),
        pltpu.SemaphoreType.DMA,
    ]

    @functools.partial(pl.kernel, mesh=mesh, out_type=out_type,
                       scratch_types=scratch,
                       compiler_params=pltpu.CompilerParams(
                           needs_layout_passes=False,
                           use_tc_tiling_on_sc=False))
    def trans_e(h_i, t_i, l_i, ha_i, ta_i, la_i, ent, rel,
                dist_o, dista_o, hv_o, tv_o, hav_o, tav_o,
                ih, it, il, iha, ita, ila,
                rh, rt, rl, rha, rta, rla,
                db, dab, sem):
        wid = lax.axis_index("s") * NUM_CORES + lax.axis_index("c")
        wbase = wid * B_PER_W
        for c in range(N_CHUNKS):
            sl = pl.ds(wbase + c * CHUNK, CHUNK)
            pltpu.sync_copy(h_i.at[sl], ih)
            pltpu.sync_copy(t_i.at[sl], it)
            pltpu.sync_copy(l_i.at[sl], il)
            pltpu.sync_copy(ha_i.at[sl], iha)
            pltpu.sync_copy(ta_i.at[sl], ita)
            pltpu.sync_copy(la_i.at[sl], ila)
            cps = [
                pltpu.async_copy(ent.at[ih], rh, sem),
                pltpu.async_copy(ent.at[it], rt, sem),
                pltpu.async_copy(rel.at[il], rl, sem),
                pltpu.async_copy(ent.at[iha], rha, sem),
                pltpu.async_copy(ent.at[ita], rta, sem),
                pltpu.async_copy(rel.at[ila], rla, sem),
            ]
            for cp in cps:
                cp.wait()
            dcol = pl.ds(0, E_DIM)
            pltpu.sync_copy(rh.at[:, dcol], hv_o.at[sl])
            pltpu.sync_copy(rt.at[:, dcol], tv_o.at[sl])
            pltpu.sync_copy(rha.at[:, dcol], hav_o.at[sl])
            pltpu.sync_copy(rta.at[:, dcol], tav_o.at[sl])
            _dist_chunk(rh, rl, rt, db)
            _dist_chunk(rha, rla, rta, dab)
            pltpu.sync_copy(db, dist_o.at[sl])
            pltpu.sync_copy(dab, dista_o.at[sl])

    return trans_e


_TRANS_E = _make_kernel()


def _linearize(t):
    return jnp.pad(lax.optimization_barrier(t),
                   ((0, 0), (0, ROW_PAD - E_DIM)))


def kernel(h_batch, t_batch, l_batch, h_apos_batch, t_apos_batch,
           l_apos_batch, entity_embedding, relation_embedding):
    i32 = jnp.int32
    ent = _linearize(entity_embedding)
    rel = _linearize(relation_embedding)
    return _TRANS_E(
        h_batch.astype(i32), t_batch.astype(i32), l_batch.astype(i32),
        h_apos_batch.astype(i32), t_apos_batch.astype(i32),
        l_apos_batch.astype(i32), ent, rel)

# --- scband reference (transcript-rebuilt; emitter-appended) ---
"""Pipeline reference for scband-trans-e-54039278518472 (READ-ONLY COPY).

The authoritative reference and input builder live on the scoring server;
editing this copy changes nothing except your own understanding.
"""

import jax, jax.numpy as jnp
import numpy as np

E_DIM = 64
ENTITY_NUM = 1000000
RELATION_NUM = 1000
BATCH = 16384
NORM_P = 2


def _l2_normalize(w):
    n = jnp.sqrt(jnp.sum(w * w, axis=1, keepdims=True))
    return w / jnp.maximum(n, 1e-12)


def setup_inputs(seed: int = 0) -> dict:
    key = jax.random.key(seed)
    k1, k2, k3, k4, k5, k6, k7, k8 = jax.random.split(key, 8)
    tmp = 6.0 / (E_DIM ** 0.5)
    entity_embedding = jax.random.uniform(k1, (ENTITY_NUM, E_DIM), minval=-tmp, maxval=tmp, dtype=jnp.float32)
    relation_embedding = jax.random.uniform(k2, (RELATION_NUM, E_DIM), minval=-tmp, maxval=tmp, dtype=jnp.float32)
    entity_embedding = _l2_normalize(entity_embedding)
    relation_embedding = _l2_normalize(relation_embedding)
    h_batch = jax.random.randint(k3, (BATCH,), 0, ENTITY_NUM, dtype=jnp.int64 if jax.config.jax_enable_x64 else jnp.int32)
    t_batch = jax.random.randint(k4, (BATCH,), 0, ENTITY_NUM, dtype=h_batch.dtype)
    l_batch = jax.random.randint(k5, (BATCH,), 0, RELATION_NUM, dtype=h_batch.dtype)
    h_apos_batch = jax.random.randint(k6, (BATCH,), 0, ENTITY_NUM, dtype=h_batch.dtype)
    t_apos_batch = jax.random.randint(k7, (BATCH,), 0, ENTITY_NUM, dtype=h_batch.dtype)
    l_apos_batch = jax.random.randint(k8, (BATCH,), 0, RELATION_NUM, dtype=h_batch.dtype)
    return {
        "h_batch": h_batch,
        "t_batch": t_batch,
        "l_batch": l_batch,
        "h_apos_batch": h_apos_batch,
        "t_apos_batch": t_apos_batch,
        "l_apos_batch": l_apos_batch,
        "entity_embedding": entity_embedding,
        "relation_embedding": relation_embedding,
    }


def _p_norm(x, p, axis):
    if p == 2:
        return jnp.sqrt(jnp.sum(x * x, axis=axis))
    return jnp.sum(jnp.abs(x) ** p, axis=axis) ** (1.0 / p)


def reference(h_batch, t_batch, l_batch, h_apos_batch, t_apos_batch, l_apos_batch, entity_embedding, relation_embedding):
    h_vec = jnp.take(entity_embedding, h_batch, axis=0)
    l_vec = jnp.take(relation_embedding, l_batch, axis=0)
    t_vec = jnp.take(entity_embedding, t_batch, axis=0)
    h_apos_vec = jnp.take(entity_embedding, h_apos_batch, axis=0)
    l_apos_vec = jnp.take(relation_embedding, l_apos_batch, axis=0)
    t_apos_vec = jnp.take(entity_embedding, t_apos_batch, axis=0)
    dist = _p_norm(h_vec + l_vec - t_vec, NORM_P, 1)
    dist_apos = _p_norm(h_apos_vec + l_apos_vec - t_apos_vec, NORM_P, 1)
    return (dist, dist_apos, h_vec, t_vec, h_apos_vec, t_apos_vec)

if __name__ == "__main__":
    import jax
    _d = setup_inputs()
    print(jax.jit(kernel)(*tuple(_d.values())))

</pallas_src>

<mosaic_0001>
#map = affine_map<(d0, d1) -> (0)>
#map1 = affine_map<(d0, d1) -> (0, 0)>
module attributes {stable_mosaic.version = 14 : i64} {
  func.func @trans_e(%arg0: i32, %arg1: i32, %arg2: memref<16384xi32, #tpu.memory_space<hbm>>, %arg3: memref<16384xi32, #tpu.memory_space<hbm>>, %arg4: memref<16384xi32, #tpu.memory_space<hbm>>, %arg5: memref<16384xi32, #tpu.memory_space<hbm>>, %arg6: memref<16384xi32, #tpu.memory_space<hbm>>, %arg7: memref<16384xi32, #tpu.memory_space<hbm>>, %arg8: memref<1000000x128xf32, #tpu.memory_space<hbm>>, %arg9: memref<1000x128xf32, #tpu.memory_space<hbm>>, %arg10: memref<16384xf32, #tpu.memory_space<hbm>>, %arg11: memref<16384xf32, #tpu.memory_space<hbm>>, %arg12: memref<16384x64xf32, #tpu.memory_space<hbm>>, %arg13: memref<16384x64xf32, #tpu.memory_space<hbm>>, %arg14: memref<16384x64xf32, #tpu.memory_space<hbm>>, %arg15: memref<16384x64xf32, #tpu.memory_space<hbm>>, %arg16: memref<128xi32, #tpu.memory_space<vmem>>, %arg17: memref<128xi32, #tpu.memory_space<vmem>>, %arg18: memref<128xi32, #tpu.memory_space<vmem>>, %arg19: memref<128xi32, #tpu.memory_space<vmem>>, %arg20: memref<128xi32, #tpu.memory_space<vmem>>, %arg21: memref<128xi32, #tpu.memory_space<vmem>>, %arg22: memref<128x128xf32, #tpu.memory_space<vmem>>, %arg23: memref<128x128xf32, #tpu.memory_space<vmem>>, %arg24: memref<128x128xf32, #tpu.memory_space<vmem>>, %arg25: memref<128x128xf32, #tpu.memory_space<vmem>>, %arg26: memref<128x128xf32, #tpu.memory_space<vmem>>, %arg27: memref<128x128xf32, #tpu.memory_space<vmem>>, %arg28: memref<128xf32, #tpu.memory_space<vmem>>, %arg29: memref<128xf32, #tpu.memory_space<vmem>>, %arg30: memref<!tpu.dma_semaphore, #tpu.memory_space<semaphore_mem>>) attributes {dimension_semantics = [#tpu.dimension_semantics<core_parallel>, #tpu.dimension_semantics<subcore_parallel>], iteration_bounds = array<i64: 2, 16>, scalar_prefetch = 0 : i64, scratch_operands = 15 : i64, tpu.core_type = #tpu.core_type<sc_vector_subcore>, window_params = [{transform_indices = #map}, {transform_indices = #map}, {transform_indices = #map}, {transform_indices = #map}, {transform_indices = #map}, {transform_indices = #map}, {transform_indices = #map1}, {transform_indices = #map1}, {transform_indices = #map}, {transform_indices = #map}, {transform_indices = #map1}, {transform_indices = #map1}, {transform_indices = #map1}, {transform_indices = #map1}]} {
    %mul3A = arith.constant 2 : i32
    %mul3A_0 = arith.muli %arg1, %mul3A : i32
    %add3A = arith.addi %mul3A_0, %arg0 : i32
    %mul3A_1 = arith.constant 512 : i32
    %mul3A_2 = arith.muli %add3A, %mul3A_1 : i32
    %add3A_3 = arith.constant 0 : i32
    %add3A_4 = arith.addi %mul3A_2, %add3A_3 : i32
    "tpu.region"() ({
      %run_scoped3A = tpu.sem_alloc : memref<!tpu.dma_semaphore, #tpu.memory_space<semaphore_mem>>
      %dma_start3A_215 = tpu.memref_slice %arg2[%add3A_4] : memref<16384xi32, #tpu.memory_space<hbm>> -> memref<128xi32, #tpu.memory_space<hbm>>
      %dma_start3A_216 = tpu.memref_slice %arg2[%add3A_4] : memref<16384xi32, #tpu.memory_space<hbm>> -> memref<128xi32, #tpu.memory_space<hbm>>
      tpu.enqueue_dma source(%dma_start3A_216 : memref<128xi32, #tpu.memory_space<hbm>>) target(%arg16 : memref<128xi32, #tpu.memory_space<vmem>>) target_semaphore(%run_scoped3A : memref<!tpu.dma_semaphore, #tpu.memory_space<semaphore_mem>>)
      %dma_wait3A_217 = tpu.memref_slice %arg2[%add3A_4] : memref<16384xi32, #tpu.memory_space<hbm>> -> memref<128xi32, #tpu.memory_space<hbm>>
      %dma_wait3A_218 = tpu.memref_slice %arg2[%add3A_4] : memref<16384xi32, #tpu.memory_space<hbm>> -> memref<128xi32, #tpu.memory_space<hbm>>
      tpu.wait_dma2 semaphore(%run_scoped3A : memref<!tpu.dma_semaphore, #tpu.memory_space<semaphore_mem>>) src(%dma_wait3A_218 : memref<128xi32, #tpu.memory_space<hbm>>) dst(%arg16 : memref<128xi32, #tpu.memory_space<vmem>>)
      tpu.yield
    }) : () -> ()
    "tpu.region"() ({
      %run_scoped3A = tpu.sem_alloc : memref<!tpu.dma_semaphore, #tpu.memory_space<semaphore_mem>>
      %dma_start3A_215 = tpu.memref_slice %arg3[%add3A_4] : memref<16384xi32, #tpu.memory_space<hbm>> -> memref<128xi32, #tpu.memory_space<hbm>>
      %dma_start3A_216 = tpu.memref_slice %arg3[%add3A_4] : memref<16384xi32, #tpu.memory_space<hbm>> -> memref<128xi32, #tpu.memory_space<hbm>>
      tpu.enqueue_dma source(%dma_start3A_216 : memref<128xi32, #tpu.memory_space<hbm>>) target(%arg17 : memref<128xi32, #tpu.memory_space<vmem>>) target_semaphore(%run_scoped3A : memref<!tpu.dma_semaphore, #tpu.memory_space<semaphore_mem>>)
      %dma_wait3A_217 = tpu.memref_slice %arg3[%add3A_4] : memref<16384xi32, #tpu.memory_space<hbm>> -> memref<128xi32, #tpu.memory_space<hbm>>
      %dma_wait3A_218 = tpu.memref_slice %arg3[%add3A_4] : memref<16384xi32, #tpu.memory_space<hbm>> -> memref<128xi32, #tpu.memory_space<hbm>>
      tpu.wait_dma2 semaphore(%run_scoped3A : memref<!tpu.dma_semaphore, #tpu.memory_space<semaphore_mem>>) src(%dma_wait3A_218 : memref<128xi32, #tpu.memory_space<hbm>>) dst(%arg17 : memref<128xi32, #tpu.memory_space<vmem>>)
      tpu.yield
    }) : () -> ()
    "tpu.region"() ({
      %run_scoped3A = tpu.sem_alloc : memref<!tpu.dma_semaphore, #tpu.memory_space<semaphore_mem>>
      %dma_start3A_215 = tpu.memref_slice %arg4[%add3A_4] : memref<16384xi32, #tpu.memory_space<hbm>> -> memref<128xi32, #tpu.memory_space<hbm>>
      %dma_start3A_216 = tpu.memref_slice %arg4[%add3A_4] : memref<16384xi32, #tpu.memory_space<hbm>> -> memref<128xi32, #tpu.memory_space<hbm>>
      tpu.enqueue_dma source(%dma_start3A_216 : memref<128xi32, #tpu.memory_space<hbm>>) target(%arg18 : memref<128xi32, #tpu.memory_space<vmem>>) target_semaphore(%run_scoped3A : memref<!tpu.dma_semaphore, #tpu.memory_space<semaphore_mem>>)
      %dma_wait3A_217 = tpu.memref_slice %arg4[%add3A_4] : memref<16384xi32, #tpu.memory_space<hbm>> -> memref<128xi32, #tpu.memory_space<hbm>>
      %dma_wait3A_218 = tpu.memref_slice %arg4[%add3A_4] : memref<16384xi32, #tpu.memory_space<hbm>> -> memref<128xi32, #tpu.memory_space<hbm>>
      tpu.wait_dma2 semaphore(%run_scoped3A : memref<!tpu.dma_semaphore, #tpu.memory_space<semaphore_mem>>) src(%dma_wait3A_218 : memref<128xi32, #tpu.memory_space<hbm>>) dst(%arg18 : memref<128xi32, #tpu.memory_space<vmem>>)
      tpu.yield
    }) : () -> ()
    "tpu.region"() ({
      %run_scoped3A = tpu.sem_alloc : memref<!tpu.dma_semaphore, #tpu.memory_space<semaphore_mem>>
      %dma_start3A_215 = tpu.memref_slice %arg5[%add3A_4] : memref<16384xi32, #tpu.memory_space<hbm>> -> memref<128xi32, #tpu.memory_space<hbm>>
      %dma_start3A_216 = tpu.memref_slice %arg5[%add3A_4] : memref<16384xi32, #tpu.memory_space<hbm>> -> memref<128xi32, #tpu.memory_space<hbm>>
      tpu.enqueue_dma source(%dma_start3A_216 : memref<128xi32, #tpu.memory_space<hbm>>) target(%arg19 : memref<128xi32, #tpu.memory_space<vmem>>) target_semaphore(%run_scoped3A : memref<!tpu.dma_semaphore, #tpu.memory_space<semaphore_mem>>)
      %dma_wait3A_217 = tpu.memref_slice %arg5[%add3A_4] : memref<16384xi32, #tpu.memory_space<hbm>> -> memref<128xi32, #tpu.memory_space<hbm>>
      %dma_wait3A_218 = tpu.memref_slice %arg5[%add3A_4] : memref<16384xi32, #tpu.memory_space<hbm>> -> memref<128xi32, #tpu.memory_space<hbm>>
      tpu.wait_dma2 semaphore(%run_scoped3A : memref<!tpu.dma_semaphore, #tpu.memory_space<semaphore_mem>>) src(%dma_wait3A_218 : memref<128xi32, #tpu.memory_space<hbm>>) dst(%arg19 : memref<128xi32, #tpu.memory_space<vmem>>)
      tpu.yield
    }) : () -> ()
    "tpu.region"() ({
      %run_scoped3A = tpu.sem_alloc : memref<!tpu.dma_semaphore, #tpu.memory_space<semaphore_mem>>
      %dma_start3A_215 = tpu.memref_slice %arg6[%add3A_4] : memref<16384xi32, #tpu.memory_space<hbm>> -> memref<128xi32, #tpu.memory_space<hbm>>
      %dma_start3A_216 = tpu.memref_slice %arg6[%add3A_4] : memref<16384xi32, #tpu.memory_space<hbm>> -> memref<128xi32, #tpu.memory_space<hbm>>
      tpu.enqueue_dma source(%dma_start3A_216 : memref<128xi32, #tpu.memory_space<hbm>>) target(%arg20 : memref<128xi32, #tpu.memory_space<vmem>>) target_semaphore(%run_scoped3A : memref<!tpu.dma_semaphore, #tpu.memory_space<semaphore_mem>>)
      %dma_wait3A_217 = tpu.memref_slice %arg6[%add3A_4] : memref<16384xi32, #tpu.memory_space<hbm>> -> memref<128xi32, #tpu.memory_space<hbm>>
      %dma_wait3A_218 = tpu.memref_slice %arg6[%add3A_4] : memref<16384xi32, #tpu.memory_space<hbm>> -> memref<128xi32, #tpu.memory_space<hbm>>
      tpu.wait_dma2 semaphore(%run_scoped3A : memref<!tpu.dma_semaphore, #tpu.memory_space<semaphore_mem>>) src(%dma_wait3A_218 : memref<128xi32, #tpu.memory_space<hbm>>) dst(%arg20 : memref<128xi32, #tpu.memory_space<vmem>>)
      tpu.yield
    }) : () -> ()
    "tpu.region"() ({
      %run_scoped3A = tpu.sem_alloc : memref<!tpu.dma_semaphore, #tpu.memory_space<semaphore_mem>>
      %dma_start3A_215 = tpu.memref_slice %arg7[%add3A_4] : memref<16384xi32, #tpu.memory_space<hbm>> -> memref<128xi32, #tpu.memory_space<hbm>>
      %dma_start3A_216 = tpu.memref_slice %arg7[%add3A_4] : memref<16384xi32, #tpu.memory_space<hbm>> -> memref<128xi32, #tpu.memory_space<hbm>>
      tpu.enqueue_dma source(%dma_start3A_216 : memref<128xi32, #tpu.memory_space<hbm>>) target(%arg21 : memref<128xi32, #tpu.memory_space<vmem>>) target_semaphore(%run_scoped3A : memref<!tpu.dma_semaphore, #tpu.memory_space<semaphore_mem>>)
      %dma_wait3A_217 = tpu.memref_slice %arg7[%add3A_4] : memref<16384xi32, #tpu.memory_space<hbm>> -> memref<128xi32, #tpu.memory_space<hbm>>
      %dma_wait3A_218 = tpu.memref_slice %arg7[%add3A_4] : memref<16384xi32, #tpu.memory_space<hbm>> -> memref<128xi32, #tpu.memory_space<hbm>>
      tpu.wait_dma2 semaphore(%run_scoped3A : memref<!tpu.dma_semaphore, #tpu.memory_space<semaphore_mem>>) src(%dma_wait3A_218 : memref<128xi32, #tpu.memory_space<hbm>>) dst(%arg21 : memref<128xi32, #tpu.memory_space<vmem>>)
      tpu.yield
    }) : () -> ()
    %dma_start3A = arith.constant 0 : i32
    %dma_start3A_5 = arith.constant 0 : i32
    %dma_start3A_6 = tpu.memref_slice %arg8[%dma_start3A, %dma_start3A_5] : memref<1000000x128xf32, #tpu.memory_space<hbm>> -> memref<1000000x128xf32, #tpu.memory_space<hbm>>
    tpu.enqueue_indirect_dma source(%dma_start3A_6 : memref<1000000x128xf32, #tpu.memory_space<hbm>>) target(%arg22 : memref<128x128xf32, #tpu.memory_space<vmem>>) offsets(%arg16 : memref<128xi32, #tpu.memory_space<vmem>>) semaphore(%arg30 : memref<!tpu.dma_semaphore, #tpu.memory_space<semaphore_mem>>)
    %dma_start3A_7 = arith.constant 0 : i32
    %dma_start3A_8 = arith.constant 0 : i32
    %dma_start3A_9 = tpu.memref_slice %arg8[%dma_start3A_7, %dma_start3A_8] : memref<1000000x128xf32, #tpu.memory_space<hbm>> -> memref<1000000x128xf32, #tpu.memory_space<hbm>>
    tpu.enqueue_indirect_dma source(%dma_start3A_9 : memref<1000000x128xf32, #tpu.memory_space<hbm>>) target(%arg23 : memref<128x128xf32, #tpu.memory_space<vmem>>) offsets(%arg17 : memref<128xi32, #tpu.memory_space<vmem>>) semaphore(%arg30 : memref<!tpu.dma_semaphore, #tpu.memory_space<semaphore_mem>>)
    %dma_start3A_10 = arith.constant 0 : i32
    %dma_start3A_11 = arith.constant 0 : i32
    %dma_start3A_12 = tpu.memref_slice %arg9[%dma_start3A_10, %dma_start3A_11] : memref<1000x128xf32, #tpu.memory_space<hbm>> -> memref<1000x128xf32, #tpu.memory_space<hbm>>
    tpu.enqueue_indirect_dma source(%dma_start3A_12 : memref<1000x128xf32, #tpu.memory_space<hbm>>) target(%arg24 : memref<128x128xf32, #tpu.memory_space<vmem>>) offsets(%arg18 : memref<128xi32, #tpu.memory_space<vmem>>) semaphore(%arg30 : memref<!tpu.dma_semaphore, #tpu.memory_space<semaphore_mem>>)
    %dma_start3A_13 = arith.constant 0 : i32
    %dma_start3A_14 = arith.constant 0 : i32
    %dma_start3A_15 = tpu.memref_slice %arg8[%dma_start3A_13, %dma_start3A_14] : memref<1000000x128xf32, #tpu.memory_space<hbm>> -> memref<1000000x128xf32, #tpu.memory_space<hbm>>
    tpu.enqueue_indirect_dma source(%dma_start3A_15 : memref<1000000x128xf32, #tpu.memory_space<hbm>>) target(%arg25 : memref<128x128xf32, #tpu.memory_space<vmem>>) offsets(%arg19 : memref<128xi32, #tpu.memory_space<vmem>>) semaphore(%arg30 : memref<!tpu.dma_semaphore, #tpu.memory_space<semaphore_mem>>)
    %dma_start3A_16 = arith.constant 0 : i32
    %dma_start3A_17 = arith.constant 0 : i32
    %dma_start3A_18 = tpu.memref_slice %arg8[%dma_start3A_16, %dma_start3A_17] : memref<1000000x128xf32, #tpu.memory_space<hbm>> -> memref<1000000x128xf32, #tpu.memory_space<hbm>>
    tpu.enqueue_indirect_dma source(%dma_start3A_18 : memref<1000000x128xf32, #tpu.memory_space<hbm>>) target(%arg26 : memref<128x128xf32, #tpu.memory_space<vmem>>) offsets(%arg20 : memref<128xi32, #tpu.memory_space<vmem>>) semaphore(%arg30 : memref<!tpu.dma_semaphore, #tpu.memory_space<semaphore_mem>>)
    %dma_start3A_19 = arith.constant 0 : i32
    %dma_start3A_20 = arith.constant 0 : i32
    %dma_start3A_21 = tpu.memref_slice %arg9[%dma_start3A_19, %dma_start3A_20] : memref<1000x128xf32, #tpu.memory_space<hbm>> -> memref<1000x128xf32, #tpu.memory_space<hbm>>
    tpu.enqueue_indirect_dma source(%dma_start3A_21 : memref<1000x128xf32, #tpu.memory_space<hbm>>) target(%arg27 : memref<128x128xf32, #tpu.memory_space<vmem>>) offsets(%arg21 : memref<128xi32, #tpu.memory_space<vmem>>) semaphore(%arg30 : memref<!tpu.dma_semaphore, #tpu.memory_space<semaphore_mem>>)
    %dma_wait3A = arith.constant 0 : i32
    %dma_wait3A_22 = arith.constant 0 : i32
    %dma_wait3A_23 = tpu.memref_slice %arg8[%dma_wait3A, %dma_wait3A_22] : memref<1000000x128xf32, #tpu.memory_space<hbm>> -> memref<1000000x128xf32, #tpu.memory_space<hbm>>
    tpu.wait_indirect_dma semaphore(%arg30 : memref<!tpu.dma_semaphore, #tpu.memory_space<semaphore_mem>>) src(%dma_wait3A_23 : memref<1000000x128xf32, #tpu.memory_space<hbm>>) dst(%arg22 : memref<128x128xf32, #tpu.memory_space<vmem>>)
    %dma_wait3A_24 = arith.constant 0 : i32
    %dma_wait3A_25 = arith.constant 0 : i32
    %dma_wait3A_26 = tpu.memref_slice %arg8[%dma_wait3A_24, %dma_wait3A_25] : memref<1000000x128xf32, #tpu.memory_space<hbm>> -> memref<1000000x128xf32, #tpu.memory_space<hbm>>
    tpu.wait_indirect_dma semaphore(%arg30 : memref<!tpu.dma_semaphore, #tpu.memory_space<semaphore_mem>>) src(%dma_wait3A_26 : memref<1000000x128xf32, #tpu.memory_space<hbm>>) dst(%arg23 : memref<128x128xf32, #tpu.memory_space<vmem>>)
    %dma_wait3A_27 = arith.constant 0 : i32
    %dma_wait3A_28 = arith.constant 0 : i32
    %dma_wait3A_29 = tpu.memref_slice %arg9[%dma_wait3A_27, %dma_wait3A_28] : memref<1000x128xf32, #tpu.memory_space<hbm>> -> memref<1000x128xf32, #tpu.memory_space<hbm>>
    tpu.wait_indirect_dma semaphore(%arg30 : memref<!tpu.dma_semaphore, #tpu.memory_space<semaphore_mem>>) src(%dma_wait3A_29 : memref<1000x128xf32, #tpu.memory_space<hbm>>) dst(%arg24 : memref<128x128xf32, #tpu.memory_space<vmem>>)
    %dma_wait3A_30 = arith.constant 0 : i32
    %dma_wait3A_31 = arith.constant 0 : i32
    %dma_wait3A_32 = tpu.memref_slice %arg8[%dma_wait3A_30, %dma_wait3A_31] : memref<1000000x128xf32, #tpu.memory_space<hbm>> -> memref<1000000x128xf32, #tpu.memory_space<hbm>>
    tpu.wait_indirect_dma semaphore(%arg30 : memref<!tpu.dma_semaphore, #tpu.memory_space<semaphore_mem>>) src(%dma_wait3A_32 : memref<1000000x128xf32, #tpu.memory_space<hbm>>) dst(%arg25 : memref<128x128xf32, #tpu.memory_space<vmem>>)
    %dma_wait3A_33 = arith.constant 0 : i32
    %dma_wait3A_34 = arith.constant 0 : i32
    %dma_wait3A_35 = tpu.memref_slice %arg8[%dma_wait3A_33, %dma_wait3A_34] : memref<1000000x128xf32, #tpu.memory_space<hbm>> -> memref<1000000x128xf32, #tpu.memory_space<hbm>>
    tpu.wait_indirect_dma semaphore(%arg30 : memref<!tpu.dma_semaphore, #tpu.memory_space<semaphore_mem>>) src(%dma_wait3A_35 : memref<1000000x128xf32, #tpu.memory_space<hbm>>) dst(%arg26 : memref<128x128xf32, #tpu.memory_space<vmem>>)
    %dma_wait3A_36 = arith.constant 0 : i32
    %dma_wait3A_37 = arith.constant 0 : i32
    %dma_wait3A_38 = tpu.memref_slice %arg9[%dma_wait3A_36, %dma_wait3A_37] : memref<1000x128xf32, #tpu.memory_space<hbm>> -> memref<1000x128xf32, #tpu.memory_space<hbm>>
    tpu.wait_indirect_dma semaphore(%arg30 : memref<!tpu.dma_semaphore, #tpu.memory_space<semaphore_mem>>) src(%dma_wait3A_38 : memref<1000x128xf32, #tpu.memory_space<hbm>>) dst(%arg27 : memref<128x128xf32, #tpu.memory_space<vmem>>)
    "tpu.region"() ({
      %run_scoped3A = tpu.sem_alloc : memref<!tpu.dma_semaphore, #tpu.memory_space<semaphore_mem>>
      %dma_start3A_215 = arith.constant 0 : i32
      %dma_start3A_216 = arith.constant 0 : i32
      %dma_start3A_217 = tpu.memref_slice %arg22[%dma_start3A_215, %dma_start3A_216] : memref<128x128xf32, #tpu.memory_space<vmem>> -> memref<128x64xf32, #tpu.memory_space<vmem>>
      %dma_start3A_218 = arith.constant 0 : i32
      %dma_start3A_219 = tpu.memref_slice %arg12[%add3A_4, %dma_start3A_218] : memref<16384x64xf32, #tpu.memory_space<hbm>> -> memref<128x64xf32, #tpu.memory_space<hbm>>
      %dma_start3A_220 = arith.constant 0 : i32
      %dma_start3A_221 = tpu.memref_slice %arg12[%add3A_4, %dma_start3A_220] : memref<16384x64xf32, #tpu.memory_space<hbm>> -> memref<128x64xf32, #tpu.memory_space<hbm>>
      %dma_start3A_222 = arith.constant 0 : i32
      %dma_start3A_223 = arith.constant 0 : i32
      %dma_start3A_224 = tpu.memref_slice %arg22[%dma_start3A_222, %dma_start3A_223] : memref<128x128xf32, #tpu.memory_space<vmem>> -> memref<128x64xf32, #tpu.memory_space<vmem>>
      tpu.enqueue_dma source(%dma_start3A_224 : memref<128x64xf32, #tpu.memory_space<vmem>>) target(%dma_start3A_221 : memref<128x64xf32, #tpu.memory_space<hbm>>) target_semaphore(%run_scoped3A : memref<!tpu.dma_semaphore, #tpu.memory_space<semaphore_mem>>)
      %dma_wait3A_225 = arith.constant 0 : i32
      %dma_wait3A_226 = arith.constant 0 : i32
      %dma_wait3A_227 = tpu.memref_slice %arg22[%dma_wait3A_225, %dma_wait3A_226] : memref<128x128xf32, #tpu.memory_space<vmem>> -> memref<128x64xf32, #tpu.memory_space<vmem>>
      %dma_wait3A_228 = arith.constant 0 : i32
      %dma_wait3A_229 = tpu.memref_slice %arg12[%add3A_4, %dma_wait3A_228] : memref<16384x64xf32, #tpu.memory_space<hbm>> -> memref<128x64xf32, #tpu.memory_space<hbm>>
      %dma_wait3A_230 = arith.constant 0 : i32
      %dma_wait3A_231 = tpu.memref_slice %arg12[%add3A_4, %dma_wait3A_230] : memref<16384x64xf32, #tpu.memory_space<hbm>> -> memref<128x64xf32, #tpu.memory_space<hbm>>
      %dma_wait3A_232 = arith.constant 0 : i32
      %dma_wait3A_233 = arith.constant 0 : i32
      %dma_wait3A_234 = tpu.memref_slice %arg22[%dma_wait3A_232, %dma_wait3A_233] : memref<128x128xf32, #tpu.memory_space<vmem>> -> memref<128x64xf32, #tpu.memory_space<vmem>>
      tpu.wait_dma2 semaphore(%run_scoped3A : memref<!tpu.dma_semaphore, #tpu.memory_space<semaphore_mem>>) src(%dma_wait3A_234 : memref<128x64xf32, #tpu.memory_space<vmem>>) dst(%dma_wait3A_231 : memref<128x64xf32, #tpu.memory_space<hbm>>)
      tpu.yield
    }) : () -> ()
    "tpu.region"() ({
      %run_scoped3A = tpu.sem_alloc : memref<!tpu.dma_semaphore, #tpu.memory_space<semaphore_mem>>
      %dma_start3A_215 = arith.constant 0 : i32
      %dma_start3A_216 = arith.constant 0 : i32
      %dma_start3A_217 = tpu.memref_slice %arg23[%dma_start3A_215, %dma_start3A_216] : memref<128x128xf32, #tpu.memory_space<vmem>> -> memref<128x64xf32, #tpu.memory_space<vmem>>
      %dma_start3A_218 = arith.constant 0 : i32
      %dma_start3A_219 = tpu.memref_slice %arg13[%add3A_4, %dma_start3A_218] : memref<16384x64xf32, #tpu.memory_space<hbm>> -> memref<128x64xf32, #tpu.memory_space<hbm>>
      %dma_start3A_220 = arith.constant 0 : i32
      %dma_start3A_221 = tpu.memref_slice %arg13[%add3A_4, %dma_start3A_220] : memref<16384x64xf32, #tpu.memory_space<hbm>> -> memref<128x64xf32, #tpu.memory_space<hbm>>
      %dma_start3A_222 = arith.constant 0 : i32
      %dma_start3A_223 = arith.constant 0 : i32
      %dma_start3A_224 = tpu.memref_slice %arg23[%dma_start3A_222, %dma_start3A_223] : memref<128x128xf32, #tpu.memory_space<vmem>> -> memref<128x64xf32, #tpu.memory_space<vmem>>
      tpu.enqueue_dma source(%dma_start3A_224 : memref<128x64xf32, #tpu.memory_space<vmem>>) target(%dma_start3A_221 : memref<128x64xf32, #tpu.memory_space<hbm>>) target_semaphore(%run_scoped3A : memref<!tpu.dma_semaphore, #tpu.memory_space<semaphore_mem>>)
      %dma_wait3A_225 = arith.constant 0 : i32
      %dma_wait3A_226 = arith.constant 0 : i32
      %dma_wait3A_227 = tpu.memref_slice %arg23[%dma_wait3A_225, %dma_wait3A_226] : memref<128x128xf32, #tpu.memory_space<vmem>> -> memref<128x64xf32, #tpu.memory_space<vmem>>
      %dma_wait3A_228 = arith.constant 0 : i32
      %dma_wait3A_229 = tpu.memref_slice %arg13[%add3A_4, %dma_wait3A_228] : memref<16384x64xf32, #tpu.memory_space<hbm>> -> memref<128x64xf32, #tpu.memory_space<hbm>>
      %dma_wait3A_230 = arith.constant 0 : i32
      %dma_wait3A_231 = tpu.memref_slice %arg13[%add3A_4, %dma_wait3A_230] : memref<16384x64xf32, #tpu.memory_space<hbm>> -> memref<128x64xf32, #tpu.memory_space<hbm>>
      %dma_wait3A_232 = arith.constant 0 : i32
      %dma_wait3A_233 = arith.constant 0 : i32
      %dma_wait3A_234 = tpu.memref_slice %arg23[%dma_wait3A_232, %dma_wait3A_233] : memref<128x128xf32, #tpu.memory_space<vmem>> -> memref<128x64xf32, #tpu.memory_space<vmem>>
      tpu.wait_dma2 semaphore(%run_scoped3A : memref<!tpu.dma_semaphore, #tpu.memory_space<semaphore_mem>>) src(%dma_wait3A_234 : memref<128x64xf32, #tpu.memory_space<vmem>>) dst(%dma_wait3A_231 : memref<128x64xf32, #tpu.memory_space<hbm>>)
      tpu.yield
    }) : () -> ()
    "tpu.region"() ({
      %run_scoped3A = tpu.sem_alloc : memref<!tpu.dma_semaphore, #tpu.memory_space<semaphore_mem>>
      %dma_start3A_215 = arith.constant 0 : i32
      %dma_start3A_216 = arith.constant 0 : i32
      %dma_start3A_217 = tpu.memref_slice %arg25[%dma_start3A_215, %dma_start3A_216] : memref<128x128xf32, #tpu.memory_space<vmem>> -> memref<128x64xf32, #tpu.memory_space<vmem>>
      %dma_start3A_218 = arith.constant 0 : i32
      %dma_start3A_219 = tpu.memref_slice %arg14[%add3A_4, %dma_start3A_218] : memref<16384x64xf32, #tpu.memory_space<hbm>> -> memref<128x64xf32, #tpu.memory_space<hbm>>
      %dma_start3A_220 = arith.constant 0 : i32
      %dma_start3A_221 = tpu.memref_slice %arg14[%add3A_4, %dma_start3A_220] : memref<16384x64xf32, #tpu.memory_space<hbm>> -> memref<128x64xf32, #tpu.memory_space<hbm>>
      %dma_start3A_222 = arith.constant 0 : i32
      %dma_start3A_223 = arith.constant 0 : i32
      %dma_start3A_224 = tpu.memref_slice %arg25[%dma_start3A_222, %dma_start3A_223] : memref<128x128xf32, #tpu.memory_space<vmem>> -> memref<128x64xf32, #tpu.memory_space<vmem>>
      tpu.enqueue_dma source(%dma_start3A_224 : memref<128x64xf32, #tpu.memory_space<vmem>>) target(%dma_start3A_221 : memref<128x64xf32, #tpu.memory_space<hbm>>) target_semaphore(%run_scoped3A : memref<!tpu.dma_semaphore, #tpu.memory_space<semaphore_mem>>)
      %dma_wait3A_225 = arith.constant 0 : i32
      %dma_wait3A_226 = arith.constant 0 : i32
      %dma_wait3A_227 = tpu.memref_slice %arg25[%dma_wait3A_225, %dma_wait3A_226] : memref<128x128xf32, #tpu.memory_space<vmem>> -> memref<128x64xf32, #tpu.memory_space<vmem>>
      %dma_wait3A_228 = arith.constant 0 : i32
      %dma_wait3A_229 = tpu.memref_slice %arg14[%add3A_4, %dma_wait3A_228] : memref<16384x64xf32, #tpu.memory_space<hbm>> -> memref<128x64xf32, #tpu.memory_space<hbm>>
      %dma_wait3A_230 = arith.constant 0 : i32
      %dma_wait3A_231 = tpu.memref_slice %arg14[%add3A_4, %dma_wait3A_230] : memref<16384x64xf32, #tpu.memory_space<hbm>> -> memref<128x64xf32, #tpu.memory_space<hbm>>
      %dma_wait3A_232 = arith.constant 0 : i32
      %dma_wait3A_233 = arith.constant 0 : i32
      %dma_wait3A_234 = tpu.memref_slice %arg25[%dma_wait3A_232, %dma_wait3A_233] : memref<128x128xf32, #tpu.memory_space<vmem>> -> memref<128x64xf32, #tpu.memory_space<vmem>>
      tpu.wait_dma2 semaphore(%run_scoped3A : memref<!tpu.dma_semaphore, #tpu.memory_space<semaphore_mem>>) src(%dma_wait3A_234 : memref<128x64xf32, #tpu.memory_space<vmem>>) dst(%dma_wait3A_231 : memref<128x64xf32, #tpu.memory_space<hbm>>)
      tpu.yield
    }) : () -> ()
    "tpu.region"() ({
      %run_scoped3A = tpu.sem_alloc : memref<!tpu.dma_semaphore, #tpu.memory_space<semaphore_mem>>
      %dma_start3A_215 = arith.constant 0 : i32
      %dma_start3A_216 = arith.constant 0 : i32
      %dma_start3A_217 = tpu.memref_slice %arg26[%dma_start3A_215, %dma_start3A_216] : memref<128x128xf32, #tpu.memory_space<vmem>> -> memref<128x64xf32, #tpu.memory_space<vmem>>
      %dma_start3A_218 = arith.constant 0 : i32
      %dma_start3A_219 = tpu.memref_slice %arg15[%add3A_4, %dma_start3A_218] : memref<16384x64xf32, #tpu.memory_space<hbm>> -> memref<128x64xf32, #tpu.memory_space<hbm>>
      %dma_start3A_220 = arith.constant 0 : i32
      %dma_start3A_221 = tpu.memref_slice %arg15[%add3A_4, %dma_start3A_220] : memref<16384x64xf32, #tpu.memory_space<hbm>> -> memref<128x64xf32, #tpu.memory_space<hbm>>
      %dma_start3A_222 = arith.constant 0 : i32
      %dma_start3A_223 = arith.constant 0 : i32
      %dma_start3A_224 = tpu.memref_slice %arg26[%dma_start3A_222, %dma_start3A_223] : memref<128x128xf32, #tpu.memory_space<vmem>> -> memref<128x64xf32, #tpu.memory_space<vmem>>
      tpu.enqueue_dma source(%dma_start3A_224 : memref<128x64xf32, #tpu.memory_space<vmem>>) target(%dma_start3A_221 : memref<128x64xf32, #tpu.memory_space<hbm>>) target_semaphore(%run_scoped3A : memref<!tpu.dma_semaphore, #tpu.memory_space<semaphore_mem>>)
      %dma_wait3A_225 = arith.constant 0 : i32
      %dma_wait3A_226 = arith.constant 0 : i32
      %dma_wait3A_227 = tpu.memref_slice %arg26[%dma_wait3A_225, %dma_wait3A_226] : memref<128x128xf32, #tpu.memory_space<vmem>> -> memref<128x64xf32, #tpu.memory_space<vmem>>
      %dma_wait3A_228 = arith.constant 0 : i32
      %dma_wait3A_229 = tpu.memref_slice %arg15[%add3A_4, %dma_wait3A_228] : memref<16384x64xf32, #tpu.memory_space<hbm>> -> memref<128x64xf32, #tpu.memory_space<hbm>>
      %dma_wait3A_230 = arith.constant 0 : i32
      %dma_wait3A_231 = tpu.memref_slice %arg15[%add3A_4, %dma_wait3A_230] : memref<16384x64xf32, #tpu.memory_space<hbm>> -> memref<128x64xf32, #tpu.memory_space<hbm>>
      %dma_wait3A_232 = arith.constant 0 : i32
      %dma_wait3A_233 = arith.constant 0 : i32
      %dma_wait3A_234 = tpu.memref_slice %arg26[%dma_wait3A_232, %dma_wait3A_233] : memref<128x128xf32, #tpu.memory_space<vmem>> -> memref<128x64xf32, #tpu.memory_space<vmem>>
      tpu.wait_dma2 semaphore(%run_scoped3A : memref<!tpu.dma_semaphore, #tpu.memory_space<semaphore_mem>>) src(%dma_wait3A_234 : memref<128x64xf32, #tpu.memory_space<vmem>>) dst(%dma_wait3A_231 : memref<128x64xf32, #tpu.memory_space<hbm>>)
      tpu.yield
    }) : () -> ()
    %iota3A = tpu.iota {dimensions = array<i32: 0>} : vector<16xi32>
    %scan3A = arith.constant 0 : i32
    %scan3A_39 = arith.constant 0 : i32
    %scan3A_40 = arith.constant 8 : i32
    %scan3A_41 = arith.addi %scan3A_39, %scan3A_40 : i32
    %scan3A_42 = arith.constant 1 : i32
    %scan3A_43 = scf.for %scan3A_215 = %scan3A_39 to %scan3A_41 step %scan3A_42 iter_args(%scan3A_216 = %scan3A) -> (i32)  : i32 {
      %broadcast_in_dim3A = arith.constant 0.000000e+00 : f32
      %broadcast_in_dim3A_217 = vector.broadcast %broadcast_in_dim3A : f32 to vector<16xf32>
      %scan3A_218 = arith.constant 0 : i32
      %scan3A_219 = arith.constant 16 : i32
      %scan3A_220 = arith.addi %scan3A_218, %scan3A_219 : i32
      %scan3A_221 = arith.constant 1 : i32
      %scan3A_222 = scf.for %scan3A_248 = %scan3A_218 to %scan3A_220 step %scan3A_221 iter_args(%scan3A_249 = %broadcast_in_dim3A_217) -> (vector<16xf32>)  : i32 {
        %mul3A_250 = arith.constant 16 : i32
        %mul3A_251 = arith.muli %scan3A_215, %mul3A_250 : i32
        %add3A_252 = arith.addi %mul3A_251, %scan3A_248 : i32
        %broadcast_in_dim3A_253 = arith.constant 0.000000e+00 : f32
        %broadcast_in_dim3A_254 = vector.broadcast %broadcast_in_dim3A_253 : f32 to vector<16xf32>
        %get3A = arith.index_cast %add3A_252 : i32 to index
        %get3A_255 = arith.constant 0 : index
        %get3A_256 = tpu.vector_load %arg22[%get3A, %get3A_255] {strides = array<i32>} : memref<128x128xf32, #tpu.memory_space<vmem>>, vector<16xf32>,
        %get3A_257 = arith.index_cast %add3A_252 : i32 to index
        %get3A_258 = arith.constant 0 : index
        %get3A_259 = tpu.vector_load %arg24[%get3A_257, %get3A_258] {strides = array<i32>} : memref<128x128xf32, #tpu.memory_space<vmem>>, vector<16xf32>,
        %add3A_260 = arith.addf %get3A_256, %get3A_259 : vector<16xf32>
        %get3A_261 = arith.index_cast %add3A_252 : i32 to index
        %get3A_262 = arith.constant 0 : index
        %get3A_263 = tpu.vector_load %arg23[%get3A_261, %get3A_262] {strides = array<i32>} : memref<128x128xf32, #tpu.memory_space<vmem>>, vector<16xf32>,
        %sub3A = arith.subf %add3A_260, %get3A_263 : vector<16xf32>
        %mul3A_264 = arith.mulf %sub3A, %sub3A : vector<16xf32>
        %add3A_265 = arith.addf %broadcast_in_dim3A_254, %mul3A_264 : vector<16xf32>
        %get3A_266 = arith.index_cast %add3A_252 : i32 to index
        %get3A_267 = arith.constant 16 : index
        %get3A_268 = tpu.vector_load %arg22[%get3A_266, %get3A_267] {strides = array<i32>} : memref<128x128xf32, #tpu.memory_space<vmem>>, vector<16xf32>,
        %get3A_269 = arith.index_cast %add3A_252 : i32 to index
        %get3A_270 = arith.constant 16 : index
        %get3A_271 = tpu.vector_load %arg24[%get3A_269, %get3A_270] {strides = array<i32>} : memref<128x128xf32, #tpu.memory_space<vmem>>, vector<16xf32>,
        %add3A_272 = arith.addf %get3A_268, %get3A_271 : vector<16xf32>
        %get3A_273 = arith.index_cast %add3A_252 : i32 to index
        %get3A_274 = arith.constant 16 : index
        %get3A_275 = tpu.vector_load %arg23[%get3A_273, %get3A_274] {strides = array<i32>} : memref<128x128xf32, #tpu.memory_space<vmem>>, vector<16xf32>,
        %sub3A_276 = arith.subf %add3A_272, %get3A_275 : vector<16xf32>
        %mul3A_277 = arith.mulf %sub3A_276, %sub3A_276 : vector<16xf32>
        %add3A_278 = arith.addf %add3A_265, %mul3A_277 : vector<16xf32>
        %get3A_279 = arith.index_cast %add3A_252 : i32 to index
        %get3A_280 = arith.constant 32 : index
        %get3A_281 = tpu.vector_load %arg22[%get3A_279, %get3A_280] {strides = array<i32>} : memref<128x128xf32, #tpu.memory_space<vmem>>, vector<16xf32>,
        %get3A_282 = arith.index_cast %add3A_252 : i32 to index
        %get3A_283 = arith.constant 32 : index
        %get3A_284 = tpu.vector_load %arg24[%get3A_282, %get3A_283] {strides = array<i32>} : memref<128x128xf32, #tpu.memory_space<vmem>>, vector<16xf32>,
        %add3A_285 = arith.addf %get3A_281, %get3A_284 : vector<16xf32>
        %get3A_286 = arith.index_cast %add3A_252 : i32 to index
        %get3A_287 = arith.constant 32 : index
        %get3A_288 = tpu.vector_load %arg23[%get3A_286, %get3A_287] {strides = array<i32>} : memref<128x128xf32, #tpu.memory_space<vmem>>, vector<16xf32>,
        %sub3A_289 = arith.subf %add3A_285, %get3A_288 : vector<16xf32>
        %mul3A_290 = arith.mulf %sub3A_289, %sub3A_289 : vector<16xf32>
        %add3A_291 = arith.addf %add3A_278, %mul3A_290 : vector<16xf32>
        %get3A_292 = arith.index_cast %add3A_252 : i32 to index
        %get3A_293 = arith.constant 48 : index
        %get3A_294 = tpu.vector_load %arg22[%get3A_292, %get3A_293] {strides = array<i32>} : memref<128x128xf32, #tpu.memory_space<vmem>>, vector<16xf32>,
        %get3A_295 = arith.index_cast %add3A_252 : i32 to index
        %get3A_296 = arith.constant 48 : index
        %get3A_297 = tpu.vector_load %arg24[%get3A_295, %get3A_296] {strides = array<i32>} : memref<128x128xf32, #tpu.memory_space<vmem>>, vector<16xf32>,
        %add3A_298 = arith.addf %get3A_294, %get3A_297 : vector<16xf32>
        %get3A_299 = arith.index_cast %add3A_252 : i32 to index
        %get3A_300 = arith.constant 48 : index
        %get3A_301 = tpu.vector_load %arg23[%get3A_299, %get3A_300] {strides = array<i32>} : memref<128x128xf32, #tpu.memory_space<vmem>>, vector<16xf32>,
        %sub3A_302 = arith.subf %add3A_298, %get3A_301 : vector<16xf32>
        %mul3A_303 = arith.mulf %sub3A_302, %sub3A_302 : vector<16xf32>
        %add3A_304 = arith.addf %add3A_291, %mul3A_303 : vector<16xf32>
        %reduce_sum3A = arith.constant true
        %reduce_sum3A_305 = vector.broadcast %reduce_sum3A : i1 to vector<16xi1>
        %reduce_sum3A_306 = tpu.scan <sum>, %add3A_304 masked %reduce_sum3A_305 : vector<16xf32>, vector<16xi1> -> vector<16xf32>
        %reduce_sum3A_307 = vector.extract %reduce_sum3A_306[15] : f32 from vector<16xf32>
        %eq3A = vector.broadcast %scan3A_248 : i32 to vector<16xi32>
        %eq3A_308 = arith.cmpi eq, %iota3A, %eq3A : vector<16xi32>
        %broadcast_in_dim3A_309 = vector.broadcast %reduce_sum3A_307 : f32 to vector<16xf32>
        %select_n3A = arith.select %eq3A_308, %broadcast_in_dim3A_309, %scan3A_249 : vector<16xi1>, vector<16xf32>
        scf.yield %select_n3A : vector<16xf32>
      }
      %scan3A_223 = arith.constant 16 : i32
      %bitcast_convert_type3A = tpu.bitcast %scan3A_222 : vector<16xf32> -> vector<16xi32>
      %shift_right_logical3A = arith.constant 1 : i32
      %shift_right_logical3A_224 = vector.broadcast %shift_right_logical3A : i32 to vector<16xi32>
      %shift_right_logical3A_225 = arith.shrui %bitcast_convert_type3A, %shift_right_logical3A_224 : vector<16xi32>
      %add3A_226 = arith.constant 532487669 : i32
      %add3A_227 = vector.broadcast %add3A_226 : i32 to vector<16xi32>
      %add3A_228 = arith.addi %shift_right_logical3A_225, %add3A_227 : vector<16xi32>
      %bitcast_convert_type3A_229 = tpu.bitcast %add3A_228 : vector<16xi32> -> vector<16xf32>
      %div3A = arith.divf %scan3A_222, %bitcast_convert_type3A_229 : vector<16xf32>
      %add3A_230 = arith.addf %bitcast_convert_type3A_229, %div3A : vector<16xf32>
      %mul3A_231 = arith.constant 5.000000e-01 : f32
      %mul3A_232 = vector.broadcast %mul3A_231 : f32 to vector<16xf32>
      %mul3A_233 = arith.mulf %mul3A_232, %add3A_230 : vector<16xf32>
      %div3A_234 = arith.divf %scan3A_222, %mul3A_233 : vector<16xf32>
      %add3A_235 = arith.addf %mul3A_233, %div3A_234 : vector<16xf32>
      %mul3A_236 = arith.constant 5.000000e-01 : f32
      %mul3A_237 = vector.broadcast %mul3A_236 : f32 to vector<16xf32>
      %mul3A_238 = arith.mulf %mul3A_237, %add3A_235 : vector<16xf32>
      %div3A_239 = arith.divf %scan3A_222, %mul3A_238 : vector<16xf32>
      %add3A_240 = arith.addf %mul3A_238, %div3A_239 : vector<16xf32>
      %mul3A_241 = arith.constant 5.000000e-01 : f32
      %mul3A_242 = vector.broadcast %mul3A_241 : f32 to vector<16xf32>
      %mul3A_243 = arith.mulf %mul3A_242, %add3A_240 : vector<16xf32>
      %mul3A_244 = arith.constant 16 : i32
      %mul3A_245 = arith.muli %scan3A_215, %mul3A_244 : i32
      %swap3A = arith.index_cast %mul3A_245 : i32 to index
      %swap3A_246 = tpu.vector_load %arg28[%swap3A] {strides = array<i32>} : memref<128xf32, #tpu.memory_space<vmem>>, vector<16xf32>,
      tpu.vector_store %arg28[%swap3A], %mul3A_243 {strides = array<i32>} : memref<128xf32, #tpu.memory_space<vmem>>, vector<16xf32>,
      %scan3A_247 = arith.constant 0 : i32
      scf.yield %scan3A_247 : i32
    }
    %scan3A_44 = arith.constant 8 : i32
    %iota3A_45 = tpu.iota {dimensions = array<i32: 0>} : vector<16xi32>
    %scan3A_46 = arith.constant 0 : i32
    %scan3A_47 = arith.constant 0 : i32
    %scan3A_48 = arith.constant 8 : i32
    %scan3A_49 = arith.addi %scan3A_47, %scan3A_48 : i32
    %scan3A_50 = arith.constant 1 : i32
    %scan3A_51 = scf.for %scan3A_215 = %scan3A_47 to %scan3A_49 step %scan3A_50 iter_args(%scan3A_216 = %scan3A_46) -> (i32)  : i32 {
      %broadcast_in_dim3A = arith.constant 0.000000e+00 : f32
      %broadcast_in_dim3A_217 = vector.broadcast %broadcast_in_dim3A : f32 to vector<16xf32>
      %scan3A_218 = arith.constant 0 : i32
      %scan3A_219 = arith.constant 16 : i32
      %scan3A_220 = arith.addi %scan3A_218, %scan3A_219 : i32
      %scan3A_221 = arith.constant 1 : i32
      %scan3A_222 = scf.for %scan3A_248 = %scan3A_218 to %scan3A_220 step %scan3A_221 iter_args(%scan3A_249 = %broadcast_in_dim3A_217) -> (vector<16xf32>)  : i32 {
        %mul3A_250 = arith.constant 16 : i32
        %mul3A_251 = arith.muli %scan3A_215, %mul3A_250 : i32
        %add3A_252 = arith.addi %mul3A_251, %scan3A_248 : i32
        %broadcast_in_dim3A_253 = arith.constant 0.000000e+00 : f32
        %broadcast_in_dim3A_254 = vector.broadcast %broadcast_in_dim3A_253 : f32 to vector<16xf32>
        %get3A = arith.index_cast %add3A_252 : i32 to index
        %get3A_255 = arith.constant 0 : index
        %get3A_256 = tpu.vector_load %arg25[%get3A, %get3A_255] {strides = array<i32>} : memref<128x128xf32, #tpu.memory_space<vmem>>, vector<16xf32>,
        %get3A_257 = arith.index_cast %add3A_252 : i32 to index
        %get3A_258 = arith.constant 0 : index
        %get3A_259 = tpu.vector_load %arg27[%get3A_257, %get3A_258] {strides = array<i32>} : memref<128x128xf32, #tpu.memory_space<vmem>>, vector<16xf32>,
        %add3A_260 = arith.addf %get3A_256, %get3A_259 : vector<16xf32>
        %get3A_261 = arith.index_cast %add3A_252 : i32 to index
        %get3A_262 = arith.constant 0 : index
        %get3A_263 = tpu.vector_load %arg26[%get3A_261, %get3A_262] {strides = array<i32>} : memref<128x128xf32, #tpu.memory_space<vmem>>, vector<16xf32>,
        %sub3A = arith.subf %add3A_260, %get3A_263 : vector<16xf32>
        %mul3A_264 = arith.mulf %sub3A, %sub3A : vector<16xf32>
        %add3A_265 = arith.addf %broadcast_in_dim3A_254, %mul3A_264 : vector<16xf32>
        %get3A_266 = arith.index_cast %add3A_252 : i32 to index
        %get3A_267 = arith.constant 16 : index
        %get3A_268 = tpu.vector_load %arg25[%get3A_266, %get3A_267] {strides = array<i32>} : memref<128x128xf32, #tpu.memory_space<vmem>>, vector<16xf32>,
        %get3A_269 = arith.index_cast %add3A_252 : i32 to index
        %get3A_270 = arith.constant 16 : index
        %get3A_271 = tpu.vector_load %arg27[%get3A_269, %get3A_270] {strides = array<i32>} : memref<128x128xf32, #tpu.memory_space<vmem>>, vector<16xf32>,
        %add3A_272 = arith.addf %get3A_268, %get3A_271 : vector<16xf32>
        %get3A_273 = arith.index_cast %add3A_252 : i32 to index
        %get3A_274 = arith.constant 16 : index
        %get3A_275 = tpu.vector_load %arg26[%get3A_273, %get3A_274] {strides = array<i32>} : memref<128x128xf32, #tpu.memory_space<vmem>>, vector<16xf32>,
        %sub3A_276 = arith.subf %add3A_272, %get3A_275 : vector<16xf32>
        %mul3A_277 = arith.mulf %sub3A_276, %sub3A_276 : vector<16xf32>
        %add3A_278 = arith.addf %add3A_265, %mul3A_277 : vector<16xf32>
        %get3A_279 = arith.index_cast %add3A_252 : i32 to index
        %get3A_280 = arith.constant 32 : index
        %get3A_281 = tpu.vector_load %arg25[%get3A_279, %get3A_280] {strides = array<i32>} : memref<128x128xf32, #tpu.memory_space<vmem>>, vector<16xf32>,
        %get3A_282 = arith.index_cast %add3A_252 : i32 to index
        %get3A_283 = arith.constant 32 : index
        %get3A_284 = tpu.vector_load %arg27[%get3A_282, %get3A_283] {strides = array<i32>} : memref<128x128xf32, #tpu.memory_space<vmem>>, vector<16xf32>,
        %add3A_285 = arith.addf %get3A_281, %get3A_284 : vector<16xf32>
        %get3A_286 = arith.index_cast %add3A_252 : i32 to index
        %get3A_287 = arith.constant 32 : index
        %get3A_288 = tpu.vector_load %arg26[%get3A_286, %get3A_287] {strides = array<i32>} : memref<128x128xf32, #tpu.memory_space<vmem>>, vector<16xf32>,
        %sub3A_289 = arith.subf %add3A_285, %get3A_288 : vector<16xf32>
        %mul3A_290 = arith.mulf %sub3A_289, %sub3A_289 : vector<16xf32>
        %add3A_291 = arith.addf %add3A_278, %mul3A_290 : vector<16xf32>
        %get3A_292 = arith.index_cast %add3A_252 : i32 to index
        %get3A_293 = arith.constant 48 : index
        %get3A_294 = tpu.vector_load %arg25[%get3A_292, %get3A_293] {strides = array<i32>} : memref<128x128xf32, #tpu.memory_space<vmem>>, vector<16xf32>,
        %get3A_295 = arith.index_cast %add3A_252 : i32 to index
        %get3A_296 = arith.constant 48 : index
        %get3A_297 = tpu.vector_load %arg27[%get3A_295, %get3A_296] {strides = array<i32>} : memref<128x128xf32, #tpu.memory_space<vmem>>, vector<16xf32>,
        %add3A_298 = arith.addf %get3A_294, %get3A_297 : vector<16xf32>
        %get3A_299 = arith.index_cast %add3A_252 : i32 to index
        %get3A_300 = arith.constant 48 : index
        %get3A_301 = tpu.vector_load %arg26[%get3A_299, %get3A_300] {strides = array<i32>} : memref<128x128xf32, #tpu.memory_space<vmem>>, vector<16xf32>,
        %sub3A_302 = arith.subf %add3A_298, %get3A_301 : vector<16xf32>
        %mul3A_303 = arith.mulf %sub3A_302, %sub3A_302 : vector<16xf32>
        %add3A_304 = arith.addf %add3A_291, %mul3A_303 : vector<16xf32>
        %reduce_sum3A = arith.constant true
        %reduce_sum3A_305 = vector.broadcast %reduce_sum3A : i1 to vector<16xi1>
        %reduce_sum3A_306 = tpu.scan <sum>, %add3A_304 masked %reduce_sum3A_305 : vector<16xf32>, vector<16xi1> -> vector<16xf32>
        %reduce_sum3A_307 = vector.extract %reduce_sum3A_306[15] : f32 from vector<16xf32>
        %eq3A = vector.broadcast %scan3A_248 : i32 to vector<16xi32>
        %eq3A_308 = arith.cmpi eq, %iota3A_45, %eq3A : vector<16xi32>
        %broadcast_in_dim3A_309 = vector.broadcast %reduce_sum3A_307 : f32 to vector<16xf32>
        %select_n3A = arith.select %eq3A_308, %broadcast_in_dim3A_309, %scan3A_249 : vector<16xi1>, vector<16xf32>
        scf.yield %select_n3A : vector<16xf32>
      }
      %scan3A_223 = arith.constant 16 : i32
      %bitcast_convert_type3A = tpu.bitcast %scan3A_222 : vector<16xf32> -> vector<16xi32>
      %shift_right_logical3A = arith.constant 1 : i32
      %shift_right_logical3A_224 = vector.broadcast %shift_right_logical3A : i32 to vector<16xi32>
      %shift_right_logical3A_225 = arith.shrui %bitcast_convert_type3A, %shift_right_logical3A_224 : vector<16xi32>
      %add3A_226 = arith.constant 532487669 : i32
      %add3A_227 = vector.broadcast %add3A_226 : i32 to vector<16xi32>
      %add3A_228 = arith.addi %shift_right_logical3A_225, %add3A_227 : vector<16xi32>
      %bitcast_convert_type3A_229 = tpu.bitcast %add3A_228 : vector<16xi32> -> vector<16xf32>
      %div3A = arith.divf %scan3A_222, %bitcast_convert_type3A_229 : vector<16xf32>
      %add3A_230 = arith.addf %bitcast_convert_type3A_229, %div3A : vector<16xf32>
      %mul3A_231 = arith.constant 5.000000e-01 : f32
      %mul3A_232 = vector.broadcast %mul3A_231 : f32 to vector<16xf32>
      %mul3A_233 = arith.mulf %mul3A_232, %add3A_230 : vector<16xf32>
      %div3A_234 = arith.divf %scan3A_222, %mul3A_233 : vector<16xf32>
      %add3A_235 = arith.addf %mul3A_233, %div3A_234 : vector<16xf32>
      %mul3A_236 = arith.constant 5.000000e-01 : f32
      %mul3A_237 = vector.broadcast %mul3A_236 : f32 to vector<16xf32>
      %mul3A_238 = arith.mulf %mul3A_237, %add3A_235 : vector<16xf32>
      %div3A_239 = arith.divf %scan3A_222, %mul3A_238 : vector<16xf32>
      %add3A_240 = arith.addf %mul3A_238, %div3A_239 : vector<16xf32>
      %mul3A_241 = arith.constant 5.000000e-01 : f32
      %mul3A_242 = vector.broadcast %mul3A_241 : f32 to vector<16xf32>
      %mul3A_243 = arith.mulf %mul3A_242, %add3A_240 : vector<16xf32>
      %mul3A_244 = arith.constant 16 : i32
      %mul3A_245 = arith.muli %scan3A_215, %mul3A_244 : i32
      %swap3A = arith.index_cast %mul3A_245 : i32 to index
      %swap3A_246 = tpu.vector_load %arg29[%swap3A] {strides = array<i32>} : memref<128xf32, #tpu.memory_space<vmem>>, vector<16xf32>,
      tpu.vector_store %arg29[%swap3A], %mul3A_243 {strides = array<i32>} : memref<128xf32, #tpu.memory_space<vmem>>, vector<16xf32>,
      %scan3A_247 = arith.constant 0 : i32
      scf.yield %scan3A_247 : i32
    }
    %scan3A_52 = arith.constant 8 : i32
    "tpu.region"() ({
      %run_scoped3A = tpu.sem_alloc : memref<!tpu.dma_semaphore, #tpu.memory_space<semaphore_mem>>
      %dma_start3A_215 = tpu.memref_slice %arg10[%add3A_4] : memref<16384xf32, #tpu.memory_space<hbm>> -> memref<128xf32, #tpu.memory_space<hbm>>
      %dma_start3A_216 = tpu.memref_slice %arg10[%add3A_4] : memref<16384xf32, #tpu.memory_space<hbm>> -> memref<128xf32, #tpu.memory_space<hbm>>
      tpu.enqueue_dma source(%arg28 : memref<128xf32, #tpu.memory_space<vmem>>) target(%dma_start3A_216 : memref<128xf32, #tpu.memory_space<hbm>>) target_semaphore(%run_scoped3A : memref<!tpu.dma_semaphore, #tpu.memory_space<semaphore_mem>>)
      %dma_wait3A_217 = tpu.memref_slice %arg10[%add3A_4] : memref<16384xf32, #tpu.memory_space<hbm>> -> memref<128xf32, #tpu.memory_space<hbm>>
      %dma_wait3A_218 = tpu.memref_slice %arg10[%add3A_4] : memref<16384xf32, #tpu.memory_space<hbm>> -> memref<128xf32, #tpu.memory_space<hbm>>
      tpu.wait_dma2 semaphore(%run_scoped3A : memref<!tpu.dma_semaphore, #tpu.memory_space<semaphore_mem>>) src(%arg28 : memref<128xf32, #tpu.memory_space<vmem>>) dst(%dma_wait3A_218 : memref<128xf32, #tpu.memory_space<hbm>>)
      tpu.yield
    }) : () -> ()
    "tpu.region"() ({
      %run_scoped3A = tpu.sem_alloc : memref<!tpu.dma_semaphore, #tpu.memory_space<semaphore_mem>>
      %dma_start3A_215 = tpu.memref_slice %arg11[%add3A_4] : memref<16384xf32, #tpu.memory_space<hbm>> -> memref<128xf32, #tpu.memory_space<hbm>>
      %dma_start3A_216 = tpu.memref_slice %arg11[%add3A_4] : memref<16384xf32, #tpu.memory_space<hbm>> -> memref<128xf32, #tpu.memory_space<hbm>>
      tpu.enqueue_dma source(%arg29 : memref<128xf32, #tpu.memory_space<vmem>>) target(%dma_start3A_216 : memref<128xf32, #tpu.memory_space<hbm>>) target_semaphore(%run_scoped3A : memref<!tpu.dma_semaphore, #tpu.memory_space<semaphore_mem>>)
      %dma_wait3A_217 = tpu.memref_slice %arg11[%add3A_4] : memref<16384xf32, #tpu.memory_space<hbm>> -> memref<128xf32, #tpu.memory_space<hbm>>
      %dma_wait3A_218 = tpu.memref_slice %arg11[%add3A_4] : memref<16384xf32, #tpu.memory_space<hbm>> -> memref<128xf32, #tpu.memory_space<hbm>>
      tpu.wait_dma2 semaphore(%run_scoped3A : memref<!tpu.dma_semaphore, #tpu.memory_space<semaphore_mem>>) src(%arg29 : memref<128xf32, #tpu.memory_space<vmem>>) dst(%dma_wait3A_218 : memref<128xf32, #tpu.memory_space<hbm>>)
      tpu.yield
    }) : () -> ()
    %add3A_53 = arith.constant 128 : i32
    %add3A_54 = arith.addi %mul3A_2, %add3A_53 : i32
    "tpu.region"() ({
      %run_scoped3A = tpu.sem_alloc : memref<!tpu.dma_semaphore, #tpu.memory_space<semaphore_mem>>
      %dma_start3A_215 = tpu.memref_slice %arg2[%add3A_54] : memref<16384xi32, #tpu.memory_space<hbm>> -> memref<128xi32, #tpu.memory_space<hbm>>
      %dma_start3A_216 = tpu.memref_slice %arg2[%add3A_54] : memref<16384xi32, #tpu.memory_space<hbm>> -> memref<128xi32, #tpu.memory_space<hbm>>
      tpu.enqueue_dma source(%dma_start3A_216 : memref<128xi32, #tpu.memory_space<hbm>>) target(%arg16 : memref<128xi32, #tpu.memory_space<vmem>>) target_semaphore(%run_scoped3A : memref<!tpu.dma_semaphore, #tpu.memory_space<semaphore_mem>>)
      %dma_wait3A_217 = tpu.memref_slice %arg2[%add3A_54] : memref<16384xi32, #tpu.memory_space<hbm>> -> memref<128xi32, #tpu.memory_space<hbm>>
      %dma_wait3A_218 = tpu.memref_slice %arg2[%add3A_54] : memref<16384xi32, #tpu.memory_space<hbm>> -> memref<128xi32, #tpu.memory_space<hbm>>
      tpu.wait_dma2 semaphore(%run_scoped3A : memref<!tpu.dma_semaphore, #tpu.memory_space<semaphore_mem>>) src(%dma_wait3A_218 : memref<128xi32, #tpu.memory_space<hbm>>) dst(%arg16 : memref<128xi32, #tpu.memory_space<vmem>>)
      tpu.yield
    }) : () -> ()
    "tpu.region"() ({
      %run_scoped3A = tpu.sem_alloc : memref<!tpu.dma_semaphore, #tpu.memory_space<semaphore_mem>>
      %dma_start3A_215 = tpu.memref_slice %arg3[%add3A_54] : memref<16384xi32, #tpu.memory_space<hbm>> -> memref<128xi32, #tpu.memory_space<hbm>>
      %dma_start3A_216 = tpu.memref_slice %arg3[%add3A_54] : memref<16384xi32, #tpu.memory_space<hbm>> -> memref<128xi32, #tpu.memory_space<hbm>>
      tpu.enqueue_dma source(%dma_start3A_216 : memref<128xi32, #tpu.memory_space<hbm>>) target(%arg17 : memref<128xi32, #tpu.memory_space<vmem>>) target_semaphore(%run_scoped3A : memref<!tpu.dma_semaphore, #tpu.memory_space<semaphore_mem>>)
      %dma_wait3A_217 = tpu.memref_slice %arg3[%add3A_54] : memref<16384xi32, #tpu.memory_space<hbm>> -> memref<128xi32, #tpu.memory_space<hbm>>
      %dma_wait3A_218 = tpu.memref_slice %arg3[%add3A_54] : memref<16384xi32, #tpu.memory_space<hbm>> -> memref<128xi32, #tpu.memory_space<hbm>>
      tpu.wait_dma2 semaphore(%run_scoped3A : memref<!tpu.dma_semaphore, #tpu.memory_space<semaphore_mem>>) src(%dma_wait3A_218 : memref<128xi32, #tpu.memory_space<hbm>>) dst(%arg17 : memref<128xi32, #tpu.memory_space<vmem>>)
      tpu.yield
    }) : () -> ()
    "tpu.region"() ({
      %run_scoped3A = tpu.sem_alloc : memref<!tpu.dma_semaphore, #tpu.memory_space<semaphore_mem>>
      %dma_start3A_215 = tpu.memref_slice %arg4[%add3A_54] : memref<16384xi32, #tpu.memory_space<hbm>> -> memref<128xi32, #tpu.memory_space<hbm>>
      %dma_start3A_216 = tpu.memref_slice %arg4[%add3A_54] : memref<16384xi32, #tpu.memory_space<hbm>> -> memref<128xi32, #tpu.memory_space<hbm>>
      tpu.enqueue_dma source(%dma_start3A_216 : memref<128xi32, #tpu.memory_space<hbm>>) target(%arg18 : memref<128xi32, #tpu.memory_space<vmem>>) target_semaphore(%run_scoped3A : memref<!tpu.dma_semaphore, #tpu.memory_space<semaphore_mem>>)
      %dma_wait3A_217 = tpu.memref_slice %arg4[%add3A_54] : memref<16384xi32, #tpu.memory_space<hbm>> -> memref<128xi32, #tpu.memory_space<hbm>>
      %dma_wait3A_218 = tpu.memref_slice %arg4[%add3A_54] : memref<16384xi32, #tpu.memory_space<hbm>> -> memref<128xi32, #tpu.memory_space<hbm>>
      tpu.wait_dma2 semaphore(%run_scoped3A : memref<!tpu.dma_semaphore, #tpu.memory_space<semaphore_mem>>) src(%dma_wait3A_218 : memref<128xi32, #tpu.memory_space<hbm>>) dst(%arg18 : memref<128xi32, #tpu.memory_space<vmem>>)
      tpu.yield
    }) : () -> ()
    "tpu.region"() ({
      %run_scoped3A = tpu.sem_alloc : memref<!tpu.dma_semaphore, #tpu.memory_space<semaphore_mem>>
      %dma_start3A_215 = tpu.memref_slice %arg5[%add3A_54] : memref<16384xi32, #tpu.memory_space<hbm>> -> memref<128xi32, #tpu.memory_space<hbm>>
      %dma_start3A_216 = tpu.memref_slice %arg5[%add3A_54] : memref<16384xi32, #tpu.memory_space<hbm>> -> memref<128xi32, #tpu.memory_space<hbm>>
      tpu.enqueue_dma source(%dma_start3A_216 : memref<128xi32, #tpu.memory_space<hbm>>) target(%arg19 : memref<128xi32, #tpu.memory_space<vmem>>) target_semaphore(%run_scoped3A : memref<!tpu.dma_semaphore, #tpu.memory_space<semaphore_mem>>)
      %dma_wait3A_217 = tpu.memref_slice %arg5[%add3A_54] : memref<16384xi32, #tpu.memory_space<hbm>> -> memref<128xi32, #tpu.memory_space<hbm>>
      %dma_wait3A_218 = tpu.memref_slice %arg5[%add3A_54] : memref<16384xi32, #tpu.memory_space<hbm>> -> memref<128xi32, #tpu.memory_space<hbm>>
      tpu.wait_dma2 semaphore(%run_scoped3A : memref<!tpu.dma_semaphore, #tpu.memory_space<semaphore_mem>>) src(%dma_wait3A_218 : memref<128xi32, #tpu.memory_space<hbm>>) dst(%arg19 : memref<128xi32, #tpu.memory_space<vmem>>)
      tpu.yield
    }) : () -> ()
    "tpu.region"() ({
      %run_scoped3A = tpu.sem_alloc : memref<!tpu.dma_semaphore, #tpu.memory_space<semaphore_mem>>
      %dma_start3A_215 = tpu.memref_slice %arg6[%add3A_54] : memref<16384xi32, #tpu.memory_space<hbm>> -> memref<128xi32, #tpu.memory_space<hbm>>
      %dma_start3A_216 = tpu.memref_slice %arg6[%add3A_54] : memref<16384xi32, #tpu.memory_space<hbm>> -> memref<128xi32, #tpu.memory_space<hbm>>
      tpu.enqueue_dma source(%dma_start3A_216 : memref<128xi32, #tpu.memory_space<hbm>>) target(%arg20 : memref<128xi32, #tpu.memory_space<vmem>>) target_semaphore(%run_scoped3A : memref<!tpu.dma_semaphore, #tpu.memory_space<semaphore_mem>>)
      %dma_wait3A_217 = tpu.memref_slice %arg6[%add3A_54] : memref<16384xi32, #tpu.memory_space<hbm>> -> memref<128xi32, #tpu.memory_space<hbm>>
      %dma_wait3A_218 = tpu.memref_slice %arg6[%add3A_54] : memref<16384xi32, #tpu.memory_space<hbm>> -> memref<128xi32, #tpu.memory_space<hbm>>
      tpu.wait_dma2 semaphore(%run_scoped3A : memref<!tpu.dma_semaphore, #tpu.memory_space<semaphore_mem>>) src(%dma_wait3A_218 : memref<128xi32, #tpu.memory_space<hbm>>) dst(%arg20 : memref<128xi32, #tpu.memory_space<vmem>>)
      tpu.yield
    }) : () -> ()
    "tpu.region"() ({
      %run_scoped3A = tpu.sem_alloc : memref<!tpu.dma_semaphore, #tpu.memory_space<semaphore_mem>>
      %dma_start3A_215 = tpu.memref_slice %arg7[%add3A_54] : memref<16384xi32, #tpu.memory_space<hbm>> -> memref<128xi32, #tpu.memory_space<hbm>>
      %dma_start3A_216 = tpu.memref_slice %arg7[%add3A_54] : memref<16384xi32, #tpu.memory_space<hbm>> -> memref<128xi32, #tpu.memory_space<hbm>>
      tpu.enqueue_dma source(%dma_start3A_216 : memref<128xi32, #tpu.memory_space<hbm>>) target(%arg21 : memref<128xi32, #tpu.memory_space<vmem>>) target_semaphore(%run_scoped3A : memref<!tpu.dma_semaphore, #tpu.memory_space<semaphore_mem>>)
      %dma_wait3A_217 = tpu.memref_slice %arg7[%add3A_54] : memref<16384xi32, #tpu.memory_space<hbm>> -> memref<128xi32, #tpu.memory_space<hbm>>
      %dma_wait3A_218 = tpu.memref_slice %arg7[%add3A_54] : memref<16384xi32, #tpu.memory_space<hbm>> -> memref<128xi32, #tpu.memory_space<hbm>>
      tpu.wait_dma2 semaphore(%run_scoped3A : memref<!tpu.dma_semaphore, #tpu.memory_space<semaphore_mem>>) src(%dma_wait3A_218 : memref<128xi32, #tpu.memory_space<hbm>>) dst(%arg21 : memref<128xi32, #tpu.memory_space<vmem>>)
      tpu.yield
    }) : () -> ()
    %dma_start3A_55 = arith.constant 0 : i32
    %dma_start3A_56 = arith.constant 0 : i32
    %dma_start3A_57 = tpu.memref_slice %arg8[%dma_start3A_55, %dma_start3A_56] : memref<1000000x128xf32, #tpu.memory_space<hbm>> -> memref<1000000x128xf32, #tpu.memory_space<hbm>>
    tpu.enqueue_indirect_dma source(%dma_start3A_57 : memref<1000000x128xf32, #tpu.memory_space<hbm>>) target(%arg22 : memref<128x128xf32, #tpu.memory_space<vmem>>) offsets(%arg16 : memref<128xi32, #tpu.memory_space<vmem>>) semaphore(%arg30 : memref<!tpu.dma_semaphore, #tpu.memory_space<semaphore_mem>>)
    %dma_start3A_58 = arith.constant 0 : i32
    %dma_start3A_59 = arith.constant 0 : i32
    %dma_start3A_60 = tpu.memref_slice %arg8[%dma_start3A_58, %dma_start3A_59] : memref<1000000x128xf32, #tpu.memory_space<hbm>> -> memref<1000000x128xf32, #tpu.memory_space<hbm>>
    tpu.enqueue_indirect_dma source(%dma_start3A_60 : memref<1000000x128xf32, #tpu.memory_space<hbm>>) target(%arg23 : memref<128x128xf32, #tpu.memory_space<vmem>>) offsets(%arg17 : memref<128xi32, #tpu.memory_space<vmem>>) semaphore(%arg30 : memref<!tpu.dma_semaphore, #tpu.memory_space<semaphore_mem>>)
    %dma_start3A_61 = arith.constant 0 : i32
    %dma_start3A_62 = arith.constant 0 : i32
    %dma_start3A_63 = tpu.memref_slice %arg9[%dma_start3A_61, %dma_start3A_62] : memref<1000x128xf32, #tpu.memory_space<hbm>> -> memref<1000x128xf32, #tpu.memory_space<hbm>>
    tpu.enqueue_indirect_dma source(%dma_start3A_63 : memref<1000x128xf32, #tpu.memory_space<hbm>>) target(%arg24 : memref<128x128xf32, #tpu.memory_space<vmem>>) offsets(%arg18 : memref<128xi32, #tpu.memory_space<vmem>>) semaphore(%arg30 : memref<!tpu.dma_semaphore, #tpu.memory_space<semaphore_mem>>)
    %dma_start3A_64 = arith.constant 0 : i32
    %dma_start3A_65 = arith.constant 0 : i32
    %dma_start3A_66 = tpu.memref_slice %arg8[%dma_start3A_64, %dma_start3A_65] : memref<1000000x128xf32, #tpu.memory_space<hbm>> -> memref<1000000x128xf32, #tpu.memory_space<hbm>>
    tpu.enqueue_indirect_dma source(%dma_start3A_66 : memref<1000000x128xf32, #tpu.memory_space<hbm>>) target(%arg25 : memref<128x128xf32, #tpu.memory_space<vmem>>) offsets(%arg19 : memref<128xi32, #tpu.memory_space<vmem>>) semaphore(%arg30 : memref<!tpu.dma_semaphore, #tpu.memory_space<semaphore_mem>>)
    %dma_start3A_67 = arith.constant 0 : i32
    %dma_start3A_68 = arith.constant 0 : i32
    %dma_start3A_69 = tpu.memref_slice %arg8[%dma_start3A_67, %dma_start3A_68] : memref<1000000x128xf32, #tpu.memory_space<hbm>> -> memref<1000000x128xf32, #tpu.memory_space<hbm>>
    tpu.enqueue_indirect_dma source(%dma_start3A_69 : memref<1000000x128xf32, #tpu.memory_space<hbm>>) target(%arg26 : memref<128x128xf32, #tpu.memory_space<vmem>>) offsets(%arg20 : memref<128xi32, #tpu.memory_space<vmem>>) semaphore(%arg30 : memref<!tpu.dma_semaphore, #tpu.memory_space<semaphore_mem>>)
    %dma_start3A_70 = arith.constant 0 : i32
    %dma_start3A_71 = arith.constant 0 : i32
    %dma_start3A_72 = tpu.memref_slice %arg9[%dma_start3A_70, %dma_start3A_71] : memref<1000x128xf32, #tpu.memory_space<hbm>> -> memref<1000x128xf32, #tpu.memory_space<hbm>>
    tpu.enqueue_indirect_dma source(%dma_start3A_72 : memref<1000x128xf32, #tpu.memory_space<hbm>>) target(%arg27 : memref<128x128xf32, #tpu.memory_space<vmem>>) offsets(%arg21 : memref<128xi32, #tpu.memory_space<vmem>>) semaphore(%arg30 : memref<!tpu.dma_semaphore, #tpu.memory_space<semaphore_mem>>)
    %dma_wait3A_73 = arith.constant 0 : i32
    %dma_wait3A_74 = arith.constant 0 : i32
    %dma_wait3A_75 = tpu.memref_slice %arg8[%dma_wait3A_73, %dma_wait3A_74] : memref<1000000x128xf32, #tpu.memory_space<hbm>> -> memref<1000000x128xf32, #tpu.memory_space<hbm>>
    tpu.wait_indirect_dma semaphore(%arg30 : memref<!tpu.dma_semaphore, #tpu.memory_space<semaphore_mem>>) src(%dma_wait3A_75 : memref<1000000x128xf32, #tpu.memory_space<hbm>>) dst(%arg22 : memref<128x128xf32, #tpu.memory_space<vmem>>)
    %dma_wait3A_76 = arith.constant 0 : i32
    %dma_wait3A_77 = arith.constant 0 : i32
    %dma_wait3A_78 = tpu.memref_slice %arg8[%dma_wait3A_76, %dma_wait3A_77] : memref<1000000x128xf32, #tpu.memory_space<hbm>> -> memref<1000000x128xf32, #tpu.memory_space<hbm>>
    tpu.wait_indirect_dma semaphore(%arg30 : memref<!tpu.dma_semaphore, #tpu.memory_space<semaphore_mem>>) src(%dma_wait3A_78 : memref<1000000x128xf32, #tpu.memory_space<hbm>>) dst(%arg23 : memref<128x128xf32, #tpu.memory_space<vmem>>)
    %dma_wait3A_79 = arith.constant 0 : i32
    %dma_wait3A_80 = arith.constant 0 : i32
    %dma_wait3A_81 = tpu.memref_slice %arg9[%dma_wait3A_79, %dma_wait3A_80] : memref<1000x128xf32, #tpu.memory_space<hbm>> -> memref<1000x128xf32, #tpu.memory_space<hbm>>
    tpu.wait_indirect_dma semaphore(%arg30 : memref<!tpu.dma_semaphore, #tpu.memory_space<semaphore_mem>>) src(%dma_wait3A_81 : memref<1000x128xf32, #tpu.memory_space<hbm>>) dst(%arg24 : memref<128x128xf32, #tpu.memory_space<vmem>>)
    %dma_wait3A_82 = arith.constant 0 : i32
    %dma_wait3A_83 = arith.constant 0 : i32
    %dma_wait3A_84 = tpu.memref_slice %arg8[%dma_wait3A_82, %dma_wait3A_83] : memref<1000000x128xf32, #tpu.memory_space<hbm>> -> memref<1000000x128xf32, #tpu.memory_space<hbm>>
    tpu.wait_indirect_dma semaphore(%arg30 : memref<!tpu.dma_semaphore, #tpu.memory_space<semaphore_mem>>) src(%dma_wait3A_84 : memref<1000000x128xf32, #tpu.memory_space<hbm>>) dst(%arg25 : memref<128x128xf32, #tpu.memory_space<vmem>>)
    %dma_wait3A_85 = arith.constant 0 : i32
    %dma_wait3A_86 = arith.constant 0 : i32
    %dma_wait3A_87 = tpu.memref_slice %arg8[%dma_wait3A_85, %dma_wait3A_86] : memref<1000000x128xf32, #tpu.memory_space<hbm>> -> memref<1000000x128xf32, #tpu.memory_space<hbm>>
    tpu.wait_indirect_dma semaphore(%arg30 : memref<!tpu.dma_semaphore, #tpu.memory_space<semaphore_mem>>) src(%dma_wait3A_87 : memref<1000000x128xf32, #tpu.memory_space<hbm>>) dst(%arg26 : memref<128x128xf32, #tpu.memory_space<vmem>>)
    %dma_wait3A_88 = arith.constant 0 : i32
    %dma_wait3A_89 = arith.constant 0 : i32
    %dma_wait3A_90 = tpu.memref_slice %arg9[%dma_wait3A_88, %dma_wait3A_89] : memref<1000x128xf32, #tpu.memory_space<hbm>> -> memref<1000x128xf32, #tpu.memory_space<hbm>>
    tpu.wait_indirect_dma semaphore(%arg30 : memref<!tpu.dma_semaphore, #tpu.memory_space<semaphore_mem>>) src(%dma_wait3A_90 : memref<1000x128xf32, #tpu.memory_space<hbm>>) dst(%arg27 : memref<128x128xf32, #tpu.memory_space<vmem>>)
    "tpu.region"() ({
      %run_scoped3A = tpu.sem_alloc : memref<!tpu.dma_semaphore, #tpu.memory_space<semaphore_mem>>
      %dma_start3A_215 = arith.constant 0 : i32
      %dma_start3A_216 = arith.constant 0 : i32
      %dma_start3A_217 = tpu.memref_slice %arg22[%dma_start3A_215, %dma_start3A_216] : memref<128x128xf32, #tpu.memory_space<vmem>> -> memref<128x64xf32, #tpu.memory_space<vmem>>
      %dma_start3A_218 = arith.constant 0 : i32
      %dma_start3A_219 = tpu.memref_slice %arg12[%add3A_54, %dma_start3A_218] : memref<16384x64xf32, #tpu.memory_space<hbm>> -> memref<128x64xf32, #tpu.memory_space<hbm>>
      %dma_start3A_220 = arith.constant 0 : i32
      %dma_start3A_221 = tpu.memref_slice %arg12[%add3A_54, %dma_start3A_220] : memref<16384x64xf32, #tpu.memory_space<hbm>> -> memref<128x64xf32, #tpu.memory_space<hbm>>
      %dma_start3A_222 = arith.constant 0 : i32
      %dma_start3A_223 = arith.constant 0 : i32
      %dma_start3A_224 = tpu.memref_slice %arg22[%dma_start3A_222, %dma_start3A_223] : memref<128x128xf32, #tpu.memory_space<vmem>> -> memref<128x64xf32, #tpu.memory_space<vmem>>
      tpu.enqueue_dma source(%dma_start3A_224 : memref<128x64xf32, #tpu.memory_space<vmem>>) target(%dma_start3A_221 : memref<128x64xf32, #tpu.memory_space<hbm>>) target_semaphore(%run_scoped3A : memref<!tpu.dma_semaphore, #tpu.memory_space<semaphore_mem>>)
      %dma_wait3A_225 = arith.constant 0 : i32
      %dma_wait3A_226 = arith.constant 0 : i32
      %dma_wait3A_227 = tpu.memref_slice %arg22[%dma_wait3A_225, %dma_wait3A_226] : memref<128x128xf32, #tpu.memory_space<vmem>> -> memref<128x64xf32, #tpu.memory_space<vmem>>
      %dma_wait3A_228 = arith.constant 0 : i32
      %dma_wait3A_229 = tpu.memref_slice %arg12[%add3A_54, %dma_wait3A_228] : memref<16384x64xf32, #tpu.memory_space<hbm>> -> memref<128x64xf32, #tpu.memory_space<hbm>>
      %dma_wait3A_230 = arith.constant 0 : i32
      %dma_wait3A_231 = tpu.memref_slice %arg12[%add3A_54, %dma_wait3A_230] : memref<16384x64xf32, #tpu.memory_space<hbm>> -> memref<128x64xf32, #tpu.memory_space<hbm>>
      %dma_wait3A_232 = arith.constant 0 : i32
      %dma_wait3A_233 = arith.constant 0 : i32
      %dma_wait3A_234 = tpu.memref_slice %arg22[%dma_wait3A_232, %dma_wait3A_233] : memref<128x128xf32, #tpu.memory_space<vmem>> -> memref<128x64xf32, #tpu.memory_space<vmem>>
      tpu.wait_dma2 semaphore(%run_scoped3A : memref<!tpu.dma_semaphore, #tpu.memory_space<semaphore_mem>>) src(%dma_wait3A_234 : memref<128x64xf32, #tpu.memory_space<vmem>>) dst(%dma_wait3A_231 : memref<128x64xf32, #tpu.memory_space<hbm>>)
      tpu.yield
    }) : () -> ()
    "tpu.region"() ({
      %run_scoped3A = tpu.sem_alloc : memref<!tpu.dma_semaphore, #tpu.memory_space<semaphore_mem>>
      %dma_start3A_215 = arith.constant 0 : i32
      %dma_start3A_216 = arith.constant 0 : i32
      %dma_start3A_217 = tpu.memref_slice %arg23[%dma_start3A_215, %dma_start3A_216] : memref<128x128xf32, #tpu.memory_space<vmem>> -> memref<128x64xf32, #tpu.memory_space<vmem>>
      %dma_start3A_218 = arith.constant 0 : i32
      %dma_start3A_219 = tpu.memref_slice %arg13[%add3A_54, %dma_start3A_218] : memref<16384x64xf32, #tpu.memory_space<hbm>> -> memref<128x64xf32, #tpu.memory_space<hbm>>
      %dma_start3A_220 = arith.constant 0 : i32
      %dma_start3A_221 = tpu.memref_slice %arg13[%add3A_54, %dma_start3A_220] : memref<16384x64xf32, #tpu.memory_space<hbm>> -> memref<128x64xf32, #tpu.memory_space<hbm>>
      %dma_start3A_222 = arith.constant 0 : i32
      %dma_start3A_223 = arith.constant 0 : i32
      %dma_start3A_224 = tpu.memref_slice %arg23[%dma_start3A_222, %dma_start3A_223] : memref<128x128xf32, #tpu.memory_space<vmem>> -> memref<128x64xf32, #tpu.memory_space<vmem>>
      tpu.enqueue_dma source(%dma_start3A_224 : memref<128x64xf32, #tpu.memory_space<vmem>>) target(%dma_start3A_221 : memref<128x64xf32, #tpu.memory_space<hbm>>) target_semaphore(%run_scoped3A : memref<!tpu.dma_semaphore, #tpu.memory_space<semaphore_mem>>)
      %dma_wait3A_225 = arith.constant 0 : i32
      %dma_wait3A_226 = arith.constant 0 : i32
      %dma_wait3A_227 = tpu.memref_slice %arg23[%dma_wait3A_225, %dma_wait3A_226] : memref<128x128xf32, #tpu.memory_space<vmem>> -> memref<128x64xf32, #tpu.memory_space<vmem>>
      %dma_wait3A_228 = arith.constant 0 : i32
      %dma_wait3A_229 = tpu.memref_slice %arg13[%add3A_54, %dma_wait3A_228] : memref<16384x64xf32, #tpu.memory_space<hbm>> -> memref<128x64xf32, #tpu.memory_space<hbm>>
      %dma_wait3A_230 = arith.constant 0 : i32
      %dma_wait3A_231 = tpu.memref_slice %arg13[%add3A_54, %dma_wait3A_230] : memref<16384x64xf32, #tpu.memory_space<hbm>> -> memref<128x64xf32, #tpu.memory_space<hbm>>
      %dma_wait3A_232 = arith.constant 0 : i32
      %dma_wait3A_233 = arith.constant 0 : i32
      %dma_wait3A_234 = tpu.memref_slice %arg23[%dma_wait3A_232, %dma_wait3A_233] : memref<128x128xf32, #tpu.memory_space<vmem>> -> memref<128x64xf32, #tpu.memory_space<vmem>>
      tpu.wait_dma2 semaphore(%run_scoped3A : memref<!tpu.dma_semaphore, #tpu.memory_space<semaphore_mem>>) src(%dma_wait3A_234 : memref<128x64xf32, #tpu.memory_space<vmem>>) dst(%dma_wait3A_231 : memref<128x64xf32, #tpu.memory_space<hbm>>)
      tpu.yield
    }) : () -> ()
    "tpu.region"() ({
      %run_scoped3A = tpu.sem_alloc : memref<!tpu.dma_semaphore, #tpu.memory_space<semaphore_mem>>
      %dma_start3A_215 = arith.constant 0 : i32
      %dma_start3A_216 = arith.constant 0 : i32
      %dma_start3A_217 = tpu.memref_slice %arg25[%dma_start3A_215, %dma_start3A_216] : memref<128x128xf32, #tpu.memory_space<vmem>> -> memref<128x64xf32, #tpu.memory_space<vmem>>
      %dma_start3A_218 = arith.constant 0 : i32
      %dma_start3A_219 = tpu.memref_slice %arg14[%add3A_54, %dma_start3A_218] : memref<16384x64xf32, #tpu.memory_space<hbm>> -> memref<128x64xf32, #tpu.memory_space<hbm>>
      %dma_start3A_220 = arith.constant 0 : i32
      %dma_start3A_221 = tpu.memref_slice %arg14[%add3A_54, %dma_start3A_220] : memref<16384x64xf32, #tpu.memory_space<hbm>> -> memref<128x64xf32, #tpu.memory_space<hbm>>
      %dma_start3A_222 = arith.constant 0 : i32
      %dma_start3A_223 = arith.constant 0 : i32
      %dma_start3A_224 = tpu.memref_slice %arg25[%dma_start3A_222, %dma_start3A_223] : memref<128x128xf32, #tpu.memory_space<vmem>> -> memref<128x64xf32, #tpu.memory_space<vmem>>
      tpu.enqueue_dma source(%dma_start3A_224 : memref<128x64xf32, #tpu.memory_space<vmem>>) target(%dma_start3A_221 : memref<128x64xf32, #tpu.memory_space<hbm>>) target_semaphore(%run_scoped3A : memref<!tpu.dma_semaphore, #tpu.memory_space<semaphore_mem>>)
      %dma_wait3A_225 = arith.constant 0 : i32
      %dma_wait3A_226 = arith.constant 0 : i32
      %dma_wait3A_227 = tpu.memref_slice %arg25[%dma_wait3A_225, %dma_wait3A_226] : memref<128x128xf32, #tpu.memory_space<vmem>> -> memref<128x64xf32, #tpu.memory_space<vmem>>
      %dma_wait3A_228 = arith.constant 0 : i32
      %dma_wait3A_229 = tpu.memref_slice %arg14[%add3A_54, %dma_wait3A_228] : memref<16384x64xf32, #tpu.memory_space<hbm>> -> memref<128x64xf32, #tpu.memory_space<hbm>>
      %dma_wait3A_230 = arith.constant 0 : i32
      %dma_wait3A_231 = tpu.memref_slice %arg14[%add3A_54, %dma_wait3A_230] : memref<16384x64xf32, #tpu.memory_space<hbm>> -> memref<128x64xf32, #tpu.memory_space<hbm>>
      %dma_wait3A_232 = arith.constant 0 : i32
      %dma_wait3A_233 = arith.constant 0 : i32
      %dma_wait3A_234 = tpu.memref_slice %arg25[%dma_wait3A_232, %dma_wait3A_233] : memref<128x128xf32, #tpu.memory_space<vmem>> -> memref<128x64xf32, #tpu.memory_space<vmem>>
      tpu.wait_dma2 semaphore(%run_scoped3A : memref<!tpu.dma_semaphore, #tpu.memory_space<semaphore_mem>>) src(%dma_wait3A_234 : memref<128x64xf32, #tpu.memory_space<vmem>>) dst(%dma_wait3A_231 : memref<128x64xf32, #tpu.memory_space<hbm>>)
      tpu.yield
    }) : () -> ()
    "tpu.region"() ({
      %run_scoped3A = tpu.sem_alloc : memref<!tpu.dma_semaphore, #tpu.memory_space<semaphore_mem>>
      %dma_start3A_215 = arith.constant 0 : i32
      %dma_start3A_216 = arith.constant 0 : i32
      %dma_start3A_217 = tpu.memref_slice %arg26[%dma_start3A_215, %dma_start3A_216] : memref<128x128xf32, #tpu.memory_space<vmem>> -> memref<128x64xf32, #tpu.memory_space<vmem>>
      %dma_start3A_218 = arith.constant 0 : i32
      %dma_start3A_219 = tpu.memref_slice %arg15[%add3A_54, %dma_start3A_218] : memref<16384x64xf32, #tpu.memory_space<hbm>> -> memref<128x64xf32, #tpu.memory_space<hbm>>
      %dma_start3A_220 = arith.constant 0 : i32
      %dma_start3A_221 = tpu.memref_slice %arg15[%add3A_54, %dma_start3A_220] : memref<16384x64xf32, #tpu.memory_space<hbm>> -> memref<128x64xf32, #tpu.memory_space<hbm>>
      %dma_start3A_222 = arith.constant 0 : i32
      %dma_start3A_223 = arith.constant 0 : i32
      %dma_start3A_224 = tpu.memref_slice %arg26[%dma_start3A_222, %dma_start3A_223] : memref<128x128xf32, #tpu.memory_space<vmem>> -> memref<128x64xf32, #tpu.memory_space<vmem>>
      tpu.enqueue_dma source(%dma_start3A_224 : memref<128x64xf32, #tpu.memory_space<vmem>>) target(%dma_start3A_221 : memref<128x64xf32, #tpu.memory_space<hbm>>) target_semaphore(%run_scoped3A : memref<!tpu.dma_semaphore, #tpu.memory_space<semaphore_mem>>)
      %dma_wait3A_225 = arith.constant 0 : i32
      %dma_wait3A_226 = arith.constant 0 : i32
      %dma_wait3A_227 = tpu.memref_slice %arg26[%dma_wait3A_225, %dma_wait3A_226] : memref<128x128xf32, #tpu.memory_space<vmem>> -> memref<128x64xf32, #tpu.memory_space<vmem>>
      %dma_wait3A_228 = arith.constant 0 : i32
      %dma_wait3A_229 = tpu.memref_slice %arg15[%add3A_54, %dma_wait3A_228] : memref<16384x64xf32, #tpu.memory_space<hbm>> -> memref<128x64xf32, #tpu.memory_space<hbm>>
      %dma_wait3A_230 = arith.constant 0 : i32
      %dma_wait3A_231 = tpu.memref_slice %arg15[%add3A_54, %dma_wait3A_230] : memref<16384x64xf32, #tpu.memory_space<hbm>> -> memref<128x64xf32, #tpu.memory_space<hbm>>
      %dma_wait3A_232 = arith.constant 0 : i32
      %dma_wait3A_233 = arith.constant 0 : i32
      %dma_wait3A_234 = tpu.memref_slice %arg26[%dma_wait3A_232, %dma_wait3A_233] : memref<128x128xf32, #tpu.memory_space<vmem>> -> memref<128x64xf32, #tpu.memory_space<vmem>>
      tpu.wait_dma2 semaphore(%run_scoped3A : memref<!tpu.dma_semaphore, #tpu.memory_space<semaphore_mem>>) src(%dma_wait3A_234 : memref<128x64xf32, #tpu.memory_space<vmem>>) dst(%dma_wait3A_231 : memref<128x64xf32, #tpu.memory_space<hbm>>)
      tpu.yield
    }) : () -> ()
    %iota3A_91 = tpu.iota {dimensions = array<i32: 0>} : vector<16xi32>
    %scan3A_92 = arith.constant 0 : i32
    %scan3A_93 = arith.constant 0 : i32
    %scan3A_94 = arith.constant 8 : i32
    %scan3A_95 = arith.addi %scan3A_93, %scan3A_94 : i32
    %scan3A_96 = arith.constant 1 : i32
    %scan3A_97 = scf.for %scan3A_215 = %scan3A_93 to %scan3A_95 step %scan3A_96 iter_args(%scan3A_216 = %scan3A_92) -> (i32)  : i32 {
      %broadcast_in_dim3A = arith.constant 0.000000e+00 : f32
      %broadcast_in_dim3A_217 = vector.broadcast %broadcast_in_dim3A : f32 to vector<16xf32>
      %scan3A_218 = arith.constant 0 : i32
      %scan3A_219 = arith.constant 16 : i32
      %scan3A_220 = arith.addi %scan3A_218, %scan3A_219 : i32
      %scan3A_221 = arith.constant 1 : i32
      %scan3A_222 = scf.for %scan3A_248 = %scan3A_218 to %scan3A_220 step %scan3A_221 iter_args(%scan3A_249 = %broadcast_in_dim3A_217) -> (vector<16xf32>)  : i32 {
        %mul3A_250 = arith.constant 16 : i32
        %mul3A_251 = arith.muli %scan3A_215, %mul3A_250 : i32
        %add3A_252 = arith.addi %mul3A_251, %scan3A_248 : i32
        %broadcast_in_dim3A_253 = arith.constant 0.000000e+00 : f32
        %broadcast_in_dim3A_254 = vector.broadcast %broadcast_in_dim3A_253 : f32 to vector<16xf32>
        %get3A = arith.index_cast %add3A_252 : i32 to index
        %get3A_255 = arith.constant 0 : index
        %get3A_256 = tpu.vector_load %arg22[%get3A, %get3A_255] {strides = array<i32>} : memref<128x128xf32, #tpu.memory_space<vmem>>, vector<16xf32>,
        %get3A_257 = arith.index_cast %add3A_252 : i32 to index
        %get3A_258 = arith.constant 0 : index
        %get3A_259 = tpu.vector_load %arg24[%get3A_257, %get3A_258] {strides = array<i32>} : memref<128x128xf32, #tpu.memory_space<vmem>>, vector<16xf32>,
        %add3A_260 = arith.addf %get3A_256, %get3A_259 : vector<16xf32>
        %get3A_261 = arith.index_cast %add3A_252 : i32 to index
        %get3A_262 = arith.constant 0 : index
        %get3A_263 = tpu.vector_load %arg23[%get3A_261, %get3A_262] {strides = array<i32>} : memref<128x128xf32, #tpu.memory_space<vmem>>, vector<16xf32>,
        %sub3A = arith.subf %add3A_260, %get3A_263 : vector<16xf32>
        %mul3A_264 = arith.mulf %sub3A, %sub3A : vector<16xf32>
        %add3A_265 = arith.addf %broadcast_in_dim3A_254, %mul3A_264 : vector<16xf32>
        %get3A_266 = arith.index_cast %add3A_252 : i32 to index
        %get3A_267 = arith.constant 16 : index
        %get3A_268 = tpu.vector_load %arg22[%get3A_266, %get3A_267] {strides = array<i32>} : memref<128x128xf32, #tpu.memory_space<vmem>>, vector<16xf32>,
        %get3A_269 = arith.index_cast %add3A_252 : i32 to index
        %get3A_270 = arith.constant 16 : index
        %get3A_271 = tpu.vector_load %arg24[%get3A_269, %get3A_270] {strides = array<i32>} : memref<128x128xf32, #tpu.memory_space<vmem>>, vector<16xf32>,
        %add3A_272 = arith.addf %get3A_268, %get3A_271 : vector<16xf32>
        %get3A_273 = arith.index_cast %add3A_252 : i32 to index
        %get3A_274 = arith.constant 16 : index
        %get3A_275 = tpu.vector_load %arg23[%get3A_273, %get3A_274] {strides = array<i32>} : memref<128x128xf32, #tpu.memory_space<vmem>>, vector<16xf32>,
        %sub3A_276 = arith.subf %add3A_272, %get3A_275 : vector<16xf32>
        %mul3A_277 = arith.mulf %sub3A_276, %sub3A_276 : vector<16xf32>
        %add3A_278 = arith.addf %add3A_265, %mul3A_277 : vector<16xf32>
        %get3A_279 = arith.index_cast %add3A_252 : i32 to index
        %get3A_280 = arith.constant 32 : index
        %get3A_281 = tpu.vector_load %arg22[%get3A_279, %get3A_280] {strides = array<i32>} : memref<128x128xf32, #tpu.memory_space<vmem>>, vector<16xf32>,
        %get3A_282 = arith.index_cast %add3A_252 : i32 to index
        %get3A_283 = arith.constant 32 : index
        %get3A_284 = tpu.vector_load %arg24[%get3A_282, %get3A_283] {strides = array<i32>} : memref<128x128xf32, #tpu.memory_space<vmem>>, vector<16xf32>,
        %add3A_285 = arith.addf %get3A_281, %get3A_284 : vector<16xf32>
        %get3A_286 = arith.index_cast %add3A_252 : i32 to index
        %get3A_287 = arith.constant 32 : index
        %get3A_288 = tpu.vector_load %arg23[%get3A_286, %get3A_287] {strides = array<i32>} : memref<128x128xf32, #tpu.memory_space<vmem>>, vector<16xf32>,
        %sub3A_289 = arith.subf %add3A_285, %get3A_288 : vector<16xf32>
        %mul3A_290 = arith.mulf %sub3A_289, %sub3A_289 : vector<16xf32>
        %add3A_291 = arith.addf %add3A_278, %mul3A_290 : vector<16xf32>
        %get3A_292 = arith.index_cast %add3A_252 : i32 to index
        %get3A_293 = arith.constant 48 : index
        %get3A_294 = tpu.vector_load %arg22[%get3A_292, %get3A_293] {strides = array<i32>} : memref<128x128xf32, #tpu.memory_space<vmem>>, vector<16xf32>,
        %get3A_295 = arith.index_cast %add3A_252 : i32 to index
        %get3A_296 = arith.constant 48 : index
        %get3A_297 = tpu.vector_load %arg24[%get3A_295, %get3A_296] {strides = array<i32>} : memref<128x128xf32, #tpu.memory_space<vmem>>, vector<16xf32>,
        %add3A_298 = arith.addf %get3A_294, %get3A_297 : vector<16xf32>
        %get3A_299 = arith.index_cast %add3A_252 : i32 to index
        %get3A_300 = arith.constant 48 : index
        %get3A_301 = tpu.vector_load %arg23[%get3A_299, %get3A_300] {strides = array<i32>} : memref<128x128xf32, #tpu.memory_space<vmem>>, vector<16xf32>,
        %sub3A_302 = arith.subf %add3A_298, %get3A_301 : vector<16xf32>
        %mul3A_303 = arith.mulf %sub3A_302, %sub3A_302 : vector<16xf32>
        %add3A_304 = arith.addf %add3A_291, %mul3A_303 : vector<16xf32>
        %reduce_sum3A = arith.constant true
        %reduce_sum3A_305 = vector.broadcast %reduce_sum3A : i1 to vector<16xi1>
        %reduce_sum3A_306 = tpu.scan <sum>, %add3A_304 masked %reduce_sum3A_305 : vector<16xf32>, vector<16xi1> -> vector<16xf32>
        %reduce_sum3A_307 = vector.extract %reduce_sum3A_306[15] : f32 from vector<16xf32>
        %eq3A = vector.broadcast %scan3A_248 : i32 to vector<16xi32>
        %eq3A_308 = arith.cmpi eq, %iota3A_91, %eq3A : vector<16xi32>
        %broadcast_in_dim3A_309 = vector.broadcast %reduce_sum3A_307 : f32 to vector<16xf32>
        %select_n3A = arith.select %eq3A_308, %broadcast_in_dim3A_309, %scan3A_249 : vector<16xi1>, vector<16xf32>
        scf.yield %select_n3A : vector<16xf32>
      }
      %scan3A_223 = arith.constant 16 : i32
      %bitcast_convert_type3A = tpu.bitcast %scan3A_222 : vector<16xf32> -> vector<16xi32>
      %shift_right_logical3A = arith.constant 1 : i32
      %shift_right_logical3A_224 = vector.broadcast %shift_right_logical3A : i32 to vector<16xi32>
      %shift_right_logical3A_225 = arith.shrui %bitcast_convert_type3A, %shift_right_logical3A_224 : vector<16xi32>
      %add3A_226 = arith.constant 532487669 : i32
      %add3A_227 = vector.broadcast %add3A_226 : i32 to vector<16xi32>
      %add3A_228 = arith.addi %shift_right_logical3A_225, %add3A_227 : vector<16xi32>
      %bitcast_convert_type3A_229 = tpu.bitcast %add3A_228 : vector<16xi32> -> vector<16xf32>
      %div3A = arith.divf %scan3A_222, %bitcast_convert_type3A_229 : vector<16xf32>
      %add3A_230 = arith.addf %bitcast_convert_type3A_229, %div3A : vector<16xf32>
      %mul3A_231 = arith.constant 5.000000e-01 : f32
      %mul3A_232 = vector.broadcast %mul3A_231 : f32 to vector<16xf32>
      %mul3A_233 = arith.mulf %mul3A_232, %add3A_230 : vector<16xf32>
      %div3A_234 = arith.divf %scan3A_222, %mul3A_233 : vector<16xf32>
      %add3A_235 = arith.addf %mul3A_233, %div3A_234 : vector<16xf32>
      %mul3A_236 = arith.constant 5.000000e-01 : f32
      %mul3A_237 = vector.broadcast %mul3A_236 : f32 to vector<16xf32>
      %mul3A_238 = arith.mulf %mul3A_237, %add3A_235 : vector<16xf32>
      %div3A_239 = arith.divf %scan3A_222, %mul3A_238 : vector<16xf32>
      %add3A_240 = arith.addf %mul3A_238, %div3A_239 : vector<16xf32>
      %mul3A_241 = arith.constant 5.000000e-01 : f32
      %mul3A_242 = vector.broadcast %mul3A_241 : f32 to vector<16xf32>
      %mul3A_243 = arith.mulf %mul3A_242, %add3A_240 : vector<16xf32>
      %mul3A_244 = arith.constant 16 : i32
      %mul3A_245 = arith.muli %scan3A_215, %mul3A_244 : i32
      %swap3A = arith.index_cast %mul3A_245 : i32 to index
      %swap3A_246 = tpu.vector_load %arg28[%swap3A] {strides = array<i32>} : memref<128xf32, #tpu.memory_space<vmem>>, vector<16xf32>,
      tpu.vector_store %arg28[%swap3A], %mul3A_243 {strides = array<i32>} : memref<128xf32, #tpu.memory_space<vmem>>, vector<16xf32>,
      %scan3A_247 = arith.constant 0 : i32
      scf.yield %scan3A_247 : i32
    }
    %scan3A_98 = arith.constant 8 : i32
    %iota3A_99 = tpu.iota {dimensions = array<i32: 0>} : vector<16xi32>
    %scan3A_100 = arith.constant 0 : i32
    %scan3A_101 = arith.constant 0 : i32
    %scan3A_102 = arith.constant 8 : i32
    %scan3A_103 = arith.addi %scan3A_101, %scan3A_102 : i32
    %scan3A_104 = arith.constant 1 : i32
    %scan3A_105 = scf.for %scan3A_215 = %scan3A_101 to %scan3A_103 step %scan3A_104 iter_args(%scan3A_216 = %scan3A_100) -> (i32)  : i32 {
      %broadcast_in_dim3A = arith.constant 0.000000e+00 : f32
      %broadcast_in_dim3A_217 = vector.broadcast %broadcast_in_dim3A : f32 to vector<16xf32>
      %scan3A_218 = arith.constant 0 : i32
      %scan3A_219 = arith.constant 16 : i32
      %scan3A_220 = arith.addi %scan3A_218, %scan3A_219 : i32
      %scan3A_221 = arith.constant 1 : i32
      %scan3A_222 = scf.for %scan3A_248 = %scan3A_218 to %scan3A_220 step %scan3A_221 iter_args(%scan3A_249 = %broadcast_in_dim3A_217) -> (vector<16xf32>)  : i32 {
        %mul3A_250 = arith.constant 16 : i32
        %mul3A_251 = arith.muli %scan3A_215, %mul3A_250 : i32
        %add3A_252 = arith.addi %mul3A_251, %scan3A_248 : i32
        %broadcast_in_dim3A_253 = arith.constant 0.000000e+00 : f32
        %broadcast_in_dim3A_254 = vector.broadcast %broadcast_in_dim3A_253 : f32 to vector<16xf32>
        %get3A = arith.index_cast %add3A_252 : i32 to index
        %get3A_255 = arith.constant 0 : index
        %get3A_256 = tpu.vector_load %arg25[%get3A, %get3A_255] {strides = array<i32>} : memref<128x128xf32, #tpu.memory_space<vmem>>, vector<16xf32>,
        %get3A_257 = arith.index_cast %add3A_252 : i32 to index
        %get3A_258 = arith.constant 0 : index
        %get3A_259 = tpu.vector_load %arg27[%get3A_257, %get3A_258] {strides = array<i32>} : memref<128x128xf32, #tpu.memory_space<vmem>>, vector<16xf32>,
        %add3A_260 = arith.addf %get3A_256, %get3A_259 : vector<16xf32>
        %get3A_261 = arith.index_cast %add3A_252 : i32 to index
        %get3A_262 = arith.constant 0 : index
        %get3A_263 = tpu.vector_load %arg26[%get3A_261, %get3A_262] {strides = array<i32>} : memref<128x128xf32, #tpu.memory_space<vmem>>, vector<16xf32>,
        %sub3A = arith.subf %add3A_260, %get3A_263 : vector<16xf32>
        %mul3A_264 = arith.mulf %sub3A, %sub3A : vector<16xf32>
        %add3A_265 = arith.addf %broadcast_in_dim3A_254, %mul3A_264 : vector<16xf32>
        %get3A_266 = arith.index_cast %add3A_252 : i32 to index
        %get3A_267 = arith.constant 16 : index
        %get3A_268 = tpu.vector_load %arg25[%get3A_266, %get3A_267] {strides = array<i32>} : memref<128x128xf32, #tpu.memory_space<vmem>>, vector<16xf32>,
        %get3A_269 = arith.index_cast %add3A_252 : i32 to index
        %get3A_270 = arith.constant 16 : index
        %get3A_271 = tpu.vector_load %arg27[%get3A_269, %get3A_270] {strides = array<i32>} : memref<128x128xf32, #tpu.memory_space<vmem>>, vector<16xf32>,
        %add3A_272 = arith.addf %get3A_268, %get3A_271 : vector<16xf32>
        %get3A_273 = arith.index_cast %add3A_252 : i32 to index
        %get3A_274 = arith.constant 16 : index
        %get3A_275 = tpu.vector_load %arg26[%get3A_273, %get3A_274] {strides = array<i32>} : memref<128x128xf32, #tpu.memory_space<vmem>>, vector<16xf32>,
        %sub3A_276 = arith.subf %add3A_272, %get3A_275 : vector<16xf32>
        %mul3A_277 = arith.mulf %sub3A_276, %sub3A_276 : vector<16xf32>
        %add3A_278 = arith.addf %add3A_265, %mul3A_277 : vector<16xf32>
        %get3A_279 = arith.index_cast %add3A_252 : i32 to index
        %get3A_280 = arith.constant 32 : index
        %get3A_281 = tpu.vector_load %arg25[%get3A_279, %get3A_280] {strides = array<i32>} : memref<128x128xf32, #tpu.memory_space<vmem>>, vector<16xf32>,
        %get3A_282 = arith.index_cast %add3A_252 : i32 to index
        %get3A_283 = arith.constant 32 : index
        %get3A_284 = tpu.vector_load %arg27[%get3A_282, %get3A_283] {strides = array<i32>} : memref<128x128xf32, #tpu.memory_space<vmem>>, vector<16xf32>,
        %add3A_285 = arith.addf %get3A_281, %get3A_284 : vector<16xf32>
        %get3A_286 = arith.index_cast %add3A_252 : i32 to index
        %get3A_287 = arith.constant 32 : index
        %get3A_288 = tpu.vector_load %arg26[%get3A_286, %get3A_287] {strides = array<i32>} : memref<128x128xf32, #tpu.memory_space<vmem>>, vector<16xf32>,
        %sub3A_289 = arith.subf %add3A_285, %get3A_288 : vector<16xf32>
        %mul3A_290 = arith.mulf %sub3A_289, %sub3A_289 : vector<16xf32>
        %add3A_291 = arith.addf %add3A_278, %mul3A_290 : vector<16xf32>
        %get3A_292 = arith.index_cast %add3A_252 : i32 to index
        %get3A_293 = arith.constant 48 : index
        %get3A_294 = tpu.vector_load %arg25[%get3A_292, %get3A_293] {strides = array<i32>} : memref<128x128xf32, #tpu.memory_space<vmem>>, vector<16xf32>,
        %get3A_295 = arith.index_cast %add3A_252 : i32 to index
        %get3A_296 = arith.constant 48 : index
        %get3A_297 = tpu.vector_load %arg27[%get3A_295, %get3A_296] {strides = array<i32>} : memref<128x128xf32, #tpu.memory_space<vmem>>, vector<16xf32>,
        %add3A_298 = arith.addf %get3A_294, %get3A_297 : vector<16xf32>
        %get3A_299 = arith.index_cast %add3A_252 : i32 to index
        %get3A_300 = arith.constant 48 : index
        %get3A_301 = tpu.vector_load %arg26[%get3A_299, %get3A_300] {strides = array<i32>} : memref<128x128xf32, #tpu.memory_space<vmem>>, vector<16xf32>,
        %sub3A_302 = arith.subf %add3A_298, %get3A_301 : vector<16xf32>
        %mul3A_303 = arith.mulf %sub3A_302, %sub3A_302 : vector<16xf32>
        %add3A_304 = arith.addf %add3A_291, %mul3A_303 : vector<16xf32>
        %reduce_sum3A = arith.constant true
        %reduce_sum3A_305 = vector.broadcast %reduce_sum3A : i1 to vector<16xi1>
        %reduce_sum3A_306 = tpu.scan <sum>, %add3A_304 masked %reduce_sum3A_305 : vector<16xf32>, vector<16xi1> -> vector<16xf32>
        %reduce_sum3A_307 = vector.extract %reduce_sum3A_306[15] : f32 from vector<16xf32>
        %eq3A = vector.broadcast %scan3A_248 : i32 to vector<16xi32>
        %eq3A_308 = arith.cmpi eq, %iota3A_99, %eq3A : vector<16xi32>
        %broadcast_in_dim3A_309 = vector.broadcast %reduce_sum3A_307 : f32 to vector<16xf32>
        %select_n3A = arith.select %eq3A_308, %broadcast_in_dim3A_309, %scan3A_249 : vector<16xi1>, vector<16xf32>
        scf.yield %select_n3A : vector<16xf32>
      }
      %scan3A_223 = arith.constant 16 : i32
      %bitcast_convert_type3A = tpu.bitcast %scan3A_222 : vector<16xf32> -> vector<16xi32>
      %shift_right_logical3A = arith.constant 1 : i32
      %shift_right_logical3A_224 = vector.broadcast %shift_right_logical3A : i32 to vector<16xi32>
      %shift_right_logical3A_225 = arith.shrui %bitcast_convert_type3A, %shift_right_logical3A_224 : vector<16xi32>
      %add3A_226 = arith.constant 532487669 : i32
      %add3A_227 = vector.broadcast %add3A_226 : i32 to vector<16xi32>
      %add3A_228 = arith.addi %shift_right_logical3A_225, %add3A_227 : vector<16xi32>
      %bitcast_convert_type3A_229 = tpu.bitcast %add3A_228 : vector<16xi32> -> vector<16xf32>
      %div3A = arith.divf %scan3A_222, %bitcast_convert_type3A_229 : vector<16xf32>
      %add3A_230 = arith.addf %bitcast_convert_type3A_229, %div3A : vector<16xf32>
      %mul3A_231 = arith.constant 5.000000e-01 : f32
      %mul3A_232 = vector.broadcast %mul3A_231 : f32 to vector<16xf32>
      %mul3A_233 = arith.mulf %mul3A_232, %add3A_230 : vector<16xf32>
      %div3A_234 = arith.divf %scan3A_222, %mul3A_233 : vector<16xf32>
      %add3A_235 = arith.addf %mul3A_233, %div3A_234 : vector<16xf32>
      %mul3A_236 = arith.constant 5.000000e-01 : f32
      %mul3A_237 = vector.broadcast %mul3A_236 : f32 to vector<16xf32>
      %mul3A_238 = arith.mulf %mul3A_237, %add3A_235 : vector<16xf32>
      %div3A_239 = arith.divf %scan3A_222, %mul3A_238 : vector<16xf32>
      %add3A_240 = arith.addf %mul3A_238, %div3A_239 : vector<16xf32>
      %mul3A_241 = arith.constant 5.000000e-01 : f32
      %mul3A_242 = vector.broadcast %mul3A_241 : f32 to vector<16xf32>
      %mul3A_243 = arith.mulf %mul3A_242, %add3A_240 : vector<16xf32>
      %mul3A_244 = arith.constant 16 : i32
      %mul3A_245 = arith.muli %scan3A_215, %mul3A_244 : i32
      %swap3A = arith.index_cast %mul3A_245 : i32 to index
      %swap3A_246 = tpu.vector_load %arg29[%swap3A] {strides = array<i32>} : memref<128xf32, #tpu.memory_space<vmem>>, vector<16xf32>,
      tpu.vector_store %arg29[%swap3A], %mul3A_243 {strides = array<i32>} : memref<128xf32, #tpu.memory_space<vmem>>, vector<16xf32>,
      %scan3A_247 = arith.constant 0 : i32
      scf.yield %scan3A_247 : i32
    }
    %scan3A_106 = arith.constant 8 : i32
    "tpu.region"() ({
      %run_scoped3A = tpu.sem_alloc : memref<!tpu.dma_semaphore, #tpu.memory_space<semaphore_mem>>
      %dma_start3A_215 = tpu.memref_slice %arg10[%add3A_54] : memref<16384xf32, #tpu.memory_space<hbm>> -> memref<128xf32, #tpu.memory_space<hbm>>
      %dma_start3A_216 = tpu.memref_slice %arg10[%add3A_54] : memref<16384xf32, #tpu.memory_space<hbm>> -> memref<128xf32, #tpu.memory_space<hbm>>
      tpu.enqueue_dma source(%arg28 : memref<128xf32, #tpu.memory_space<vmem>>) target(%dma_start3A_216 : memref<128xf32, #tpu.memory_space<hbm>>) target_semaphore(%run_scoped3A : memref<!tpu.dma_semaphore, #tpu.memory_space<semaphore_mem>>)
      %dma_wait3A_217 = tpu.memref_slice %arg10[%add3A_54] : memref<16384xf32, #tpu.memory_space<hbm>> -> memref<128xf32, #tpu.memory_space<hbm>>
      %dma_wait3A_218 = tpu.memref_slice %arg10[%add3A_54] : memref<16384xf32, #tpu.memory_space<hbm>> -> memref<128xf32, #tpu.memory_space<hbm>>
      tpu.wait_dma2 semaphore(%run_scoped3A : memref<!tpu.dma_semaphore, #tpu.memory_space<semaphore_mem>>) src(%arg28 : memref<128xf32, #tpu.memory_space<vmem>>) dst(%dma_wait3A_218 : memref<128xf32, #tpu.memory_space<hbm>>)
      tpu.yield
    }) : () -> ()
    "tpu.region"() ({
      %run_scoped3A = tpu.sem_alloc : memref<!tpu.dma_semaphore, #tpu.memory_space<semaphore_mem>>
      %dma_start3A_215 = tpu.memref_slice %arg11[%add3A_54] : memref<16384xf32, #tpu.memory_space<hbm>> -> memref<128xf32, #tpu.memory_space<hbm>>
      %dma_start3A_216 = tpu.memref_slice %arg11[%add3A_54] : memref<16384xf32, #tpu.memory_space<hbm>> -> memref<128xf32, #tpu.memory_space<hbm>>
      tpu.enqueue_dma source(%arg29 : memref<128xf32, #tpu.memory_space<vmem>>) target(%dma_start3A_216 : memref<128xf32, #tpu.memory_space<hbm>>) target_semaphore(%run_scoped3A : memref<!tpu.dma_semaphore, #tpu.memory_space<semaphore_mem>>)
      %dma_wait3A_217 = tpu.memref_slice %arg11[%add3A_54] : memref<16384xf32, #tpu.memory_space<hbm>> -> memref<128xf32, #tpu.memory_space<hbm>>
      %dma_wait3A_218 = tpu.memref_slice %arg11[%add3A_54] : memref<16384xf32, #tpu.memory_space<hbm>> -> memref<128xf32, #tpu.memory_space<hbm>>
      tpu.wait_dma2 semaphore(%run_scoped3A : memref<!tpu.dma_semaphore, #tpu.memory_space<semaphore_mem>>) src(%arg29 : memref<128xf32, #tpu.memory_space<vmem>>) dst(%dma_wait3A_218 : memref<128xf32, #tpu.memory_space<hbm>>)
      tpu.yield
    }) : () -> ()
    %add3A_107 = arith.constant 256 : i32
    %add3A_108 = arith.addi %mul3A_2, %add3A_107 : i32
    "tpu.region"() ({
      %run_scoped3A = tpu.sem_alloc : memref<!tpu.dma_semaphore, #tpu.memory_space<semaphore_mem>>
      %dma_start3A_215 = tpu.memref_slice %arg2[%add3A_108] : memref<16384xi32, #tpu.memory_space<hbm>> -> memref<128xi32, #tpu.memory_space<hbm>>
      %dma_start3A_216 = tpu.memref_slice %arg2[%add3A_108] : memref<16384xi32, #tpu.memory_space<hbm>> -> memref<128xi32, #tpu.memory_space<hbm>>
      tpu.enqueue_dma source(%dma_start3A_216 : memref<128xi32, #tpu.memory_space<hbm>>) target(%arg16 : memref<128xi32, #tpu.memory_space<vmem>>) target_semaphore(%run_scoped3A : memref<!tpu.dma_semaphore, #tpu.memory_space<semaphore_mem>>)
      %dma_wait3A_217 = tpu.memref_slice %arg2[%add3A_108] : memref<16384xi32, #tpu.memory_space<hbm>> -> memref<128xi32, #tpu.memory_space<hbm>>
      %dma_wait3A_218 = tpu.memref_slice %arg2[%add3A_108] : memref<16384xi32, #tpu.memory_space<hbm>> -> memref<128xi32, #tpu.memory_space<hbm>>
      tpu.wait_dma2 semaphore(%run_scoped3A : memref<!tpu.dma_semaphore, #tpu.memory_space<semaphore_mem>>) src(%dma_wait3A_218 : memref<128xi32, #tpu.memory_space<hbm>>) dst(%arg16 : memref<128xi32, #tpu.memory_space<vmem>>)
      tpu.yield
    }) : () -> ()
    "tpu.region"() ({
      %run_scoped3A = tpu.sem_alloc : memref<!tpu.dma_semaphore, #tpu.memory_space<semaphore_mem>>
      %dma_start3A_215 = tpu.memref_slice %arg3[%add3A_108] : memref<16384xi32, #tpu.memory_space<hbm>> -> memref<128xi32, #tpu.memory_space<hbm>>
      %dma_start3A_216 = tpu.memref_slice %arg3[%add3A_108] : memref<16384xi32, #tpu.memory_space<hbm>> -> memref<128xi32, #tpu.memory_space<hbm>>
      tpu.enqueue_dma source(%dma_start3A_216 : memref<128xi32, #tpu.memory_space<hbm>>) target(%arg17 : memref<128xi32, #tpu.memory_space<vmem>>) target_semaphore(%run_scoped3A : memref<!tpu.dma_semaphore, #tpu.memory_space<semaphore_mem>>)
      %dma_wait3A_217 = tpu.memref_slice %arg3[%add3A_108] : memref<16384xi32, #tpu.memory_space<hbm>> -> memref<128xi32, #tpu.memory_space<hbm>>
      %dma_wait3A_218 = tpu.memref_slice %arg3[%add3A_108] : memref<16384xi32, #tpu.memory_space<hbm>> -> memref<128xi32, #tpu.memory_space<hbm>>
      tpu.wait_dma2 semaphore(%run_scoped3A : memref<!tpu.dma_semaphore, #tpu.memory_space<semaphore_mem>>) src(%dma_wait3A_218 : memref<128xi32, #tpu.memory_space<hbm>>) dst(%arg17 : memref<128xi32, #tpu.memory_space<vmem>>)
      tpu.yield
    }) : () -> ()
    "tpu.region"() ({
      %run_scoped3A = tpu.sem_alloc : memref<!tpu.dma_semaphore, #tpu.memory_space<semaphore_mem>>
      %dma_start3A_215 = tpu.memref_slice %arg4[%add3A_108] : memref<16384xi32, #tpu.memory_space<hbm>> -> memref<128xi32, #tpu.memory_space<hbm>>
      %dma_start3A_216 = tpu.memref_slice %arg4[%add3A_108] : memref<16384xi32, #tpu.memory_space<hbm>> -> memref<128xi32, #tpu.memory_space<hbm>>
      tpu.enqueue_dma source(%dma_start3A_216 : memref<128xi32, #tpu.memory_space<hbm>>) target(%arg18 : memref<128xi32, #tpu.memory_space<vmem>>) target_semaphore(%run_scoped3A : memref<!tpu.dma_semaphore, #tpu.memory_space<semaphore_mem>>)
      %dma_wait3A_217 = tpu.memref_slice %arg4[%add3A_108] : memref<16384xi32, #tpu.memory_space<hbm>> -> memref<128xi32, #tpu.memory_space<hbm>>
      %dma_wait3A_218 = tpu.memref_slice %arg4[%add3A_108] : memref<16384xi32, #tpu.memory_space<hbm>> -> memref<128xi32, #tpu.memory_space<hbm>>
      tpu.wait_dma2 semaphore(%run_scoped3A : memref<!tpu.dma_semaphore, #tpu.memory_space<semaphore_mem>>) src(%dma_wait3A_218 : memref<128xi32, #tpu.memory_space<hbm>>) dst(%arg18 : memref<128xi32, #tpu.memory_space<vmem>>)
      tpu.yield
    }) : () -> ()
    "tpu.region"() ({
      %run_scoped3A = tpu.sem_alloc : memref<!tpu.dma_semaphore, #tpu.memory_space<semaphore_mem>>
      %dma_start3A_215 = tpu.memref_slice %arg5[%add3A_108] : memref<16384xi32, #tpu.memory_space<hbm>> -> memref<128xi32, #tpu.memory_space<hbm>>
      %dma_start3A_216 = tpu.memref_slice %arg5[%add3A_108] : memref<16384xi32, #tpu.memory_space<hbm>> -> memref<128xi32, #tpu.memory_space<hbm>>
      tpu.enqueue_dma source(%dma_start3A_216 : memref<128xi32, #tpu.memory_space<hbm>>) target(%arg19 : memref<128xi32, #tpu.memory_space<vmem>>) target_semaphore(%run_scoped3A : memref<!tpu.dma_semaphore, #tpu.memory_space<semaphore_mem>>)
      %dma_wait3A_217 = tpu.memref_slice %arg5[%add3A_108] : memref<16384xi32, #tpu.memory_space<hbm>> -> memref<128xi32, #tpu.memory_space<hbm>>
      %dma_wait3A_218 = tpu.memref_slice %arg5[%add3A_108] : memref<16384xi32, #tpu.memory_space<hbm>> -> memref<128xi32, #tpu.memory_space<hbm>>
      tpu.wait_dma2 semaphore(%run_scoped3A : memref<!tpu.dma_semaphore, #tpu.memory_space<semaphore_mem>>) src(%dma_wait3A_218 : memref<128xi32, #tpu.memory_space<hbm>>) dst(%arg19 : memref<128xi32, #tpu.memory_space<vmem>>)
      tpu.yield
    }) : () -> ()
    "tpu.region"() ({
      %run_scoped3A = tpu.sem_alloc : memref<!tpu.dma_semaphore, #tpu.memory_space<semaphore_mem>>
      %dma_start3A_215 = tpu.memref_slice %arg6[%add3A_108] : memref<16384xi32, #tpu.memory_space<hbm>> -> memref<128xi32, #tpu.memory_space<hbm>>
      %dma_start3A_216 = tpu.memref_slice %arg6[%add3A_108] : memref<16384xi32, #tpu.memory_space<hbm>> -> memref<128xi32, #tpu.memory_space<hbm>>
      tpu.enqueue_dma source(%dma_start3A_216 : memref<128xi32, #tpu.memory_space<hbm>>) target(%arg20 : memref<128xi32, #tpu.memory_space<vmem>>) target_semaphore(%run_scoped3A : memref<!tpu.dma_semaphore, #tpu.memory_space<semaphore_mem>>)
      %dma_wait3A_217 = tpu.memref_slice %arg6[%add3A_108] : memref<16384xi32, #tpu.memory_space<hbm>> -> memref<128xi32, #tpu.memory_space<hbm>>
      %dma_wait3A_218 = tpu.memref_slice %arg6[%add3A_108] : memref<16384xi32, #tpu.memory_space<hbm>> -> memref<128xi32, #tpu.memory_space<hbm>>
      tpu.wait_dma2 semaphore(%run_scoped3A : memref<!tpu.dma_semaphore, #tpu.memory_space<semaphore_mem>>) src(%dma_wait3A_218 : memref<128xi32, #tpu.memory_space<hbm>>) dst(%arg20 : memref<128xi32, #tpu.memory_space<vmem>>)
      tpu.yield
    }) : () -> ()
    "tpu.region"() ({
      %run_scoped3A = tpu.sem_alloc : memref<!tpu.dma_semaphore, #tpu.memory_space<semaphore_mem>>
      %dma_start3A_215 = tpu.memref_slice %arg7[%add3A_108] : memref<16384xi32, #tpu.memory_space<hbm>> -> memref<128xi32, #tpu.memory_space<hbm>>
      %dma_start3A_216 = tpu.memref_slice %arg7[%add3A_108] : memref<16384xi32, #tpu.memory_space<hbm>> -> memref<128xi32, #tpu.memory_space<hbm>>
      tpu.enqueue_dma source(%dma_start3A_216 : memref<128xi32, #tpu.memory_space<hbm>>) target(%arg21 : memref<128xi32, #tpu.memory_space<vmem>>) target_semaphore(%run_scoped3A : memref<!tpu.dma_semaphore, #tpu.memory_space<semaphore_mem>>)
      %dma_wait3A_217 = tpu.memref_slice %arg7[%add3A_108] : memref<16384xi32, #tpu.memory_space<hbm>> -> memref<128xi32, #tpu.memory_space<hbm>>
      %dma_wait3A_218 = tpu.memref_slice %arg7[%add3A_108] : memref<16384xi32, #tpu.memory_space<hbm>> -> memref<128xi32, #tpu.memory_space<hbm>>
      tpu.wait_dma2 semaphore(%run_scoped3A : memref<!tpu.dma_semaphore, #tpu.memory_space<semaphore_mem>>) src(%dma_wait3A_218 : memref<128xi32, #tpu.memory_space<hbm>>) dst(%arg21 : memref<128xi32, #tpu.memory_space<vmem>>)
      tpu.yield
    }) : () -> ()
    %dma_start3A_109 = arith.constant 0 : i32
    %dma_start3A_110 = arith.constant 0 : i32
    %dma_start3A_111 = tpu.memref_slice %arg8[%dma_start3A_109, %dma_start3A_110] : memref<1000000x128xf32, #tpu.memory_space<hbm>> -> memref<1000000x128xf32, #tpu.memory_space<hbm>>
    tpu.enqueue_indirect_dma source(%dma_start3A_111 : memref<1000000x128xf32, #tpu.memory_space<hbm>>) target(%arg22 : memref<128x128xf32, #tpu.memory_space<vmem>>) offsets(%arg16 : memref<128xi32, #tpu.memory_space<vmem>>) semaphore(%arg30 : memref<!tpu.dma_semaphore, #tpu.memory_space<semaphore_mem>>)
    %dma_start3A_112 = arith.constant 0 : i32
    %dma_start3A_113 = arith.constant 0 : i32
    %dma_start3A_114 = tpu.memref_slice %arg8[%dma_start3A_112, %dma_start3A_113] : memref<1000000x128xf32, #tpu.memory_space<hbm>> -> memref<1000000x128xf32, #tpu.memory_space<hbm>>
    tpu.enqueue_indirect_dma source(%dma_start3A_114 : memref<1000000x128xf32, #tpu.memory_space<hbm>>) target(%arg23 : memref<128x128xf32, #tpu.memory_space<vmem>>) offsets(%arg17 : memref<128xi32, #tpu.memory_space<vmem>>) semaphore(%arg30 : memref<!tpu.dma_semaphore, #tpu.memory_space<semaphore_mem>>)
    %dma_start3A_115 = arith.constant 0 : i32
    %dma_start3A_116 = arith.constant 0 : i32
    %dma_start3A_117 = tpu.memref_slice %arg9[%dma_start3A_115, %dma_start3A_116] : memref<1000x128xf32, #tpu.memory_space<hbm>> -> memref<1000x128xf32, #tpu.memory_space<hbm>>
    tpu.enqueue_indirect_dma source(%dma_start3A_117 : memref<1000x128xf32, #tpu.memory_space<hbm>>) target(%arg24 : memref<128x128xf32, #tpu.memory_space<vmem>>) offsets(%arg18 : memref<128xi32, #tpu.memory_space<vmem>>) semaphore(%arg30 : memref<!tpu.dma_semaphore, #tpu.memory_space<semaphore_mem>>)
    %dma_start3A_118 = arith.constant 0 : i32
    %dma_start3A_119 = arith.constant 0 : i32
    %dma_start3A_120 = tpu.memref_slice %arg8[%dma_start3A_118, %dma_start3A_119] : memref<1000000x128xf32, #tpu.memory_space<hbm>> -> memref<1000000x128xf32, #tpu.memory_space<hbm>>
    tpu.enqueue_indirect_dma source(%dma_start3A_120 : memref<1000000x128xf32, #tpu.memory_space<hbm>>) target(%arg25 : memref<128x128xf32, #tpu.memory_space<vmem>>) offsets(%arg19 : memref<128xi32, #tpu.memory_space<vmem>>) semaphore(%arg30 : memref<!tpu.dma_semaphore, #tpu.memory_space<semaphore_mem>>)
    %dma_start3A_121 = arith.constant 0 : i32
    %dma_start3A_122 = arith.constant 0 : i32
    %dma_start3A_123 = tpu.memref_slice %arg8[%dma_start3A_121, %dma_start3A_122] : memref<1000000x128xf32, #tpu.memory_space<hbm>> -> memref<1000000x128xf32, #tpu.memory_space<hbm>>
    tpu.enqueue_indirect_dma source(%dma_start3A_123 : memref<1000000x128xf32, #tpu.memory_space<hbm>>) target(%arg26 : memref<128x128xf32, #tpu.memory_space<vmem>>) offsets(%arg20 : memref<128xi32, #tpu.memory_space<vmem>>) semaphore(%arg30 : memref<!tpu.dma_semaphore, #tpu.memory_space<semaphore_mem>>)
    %dma_start3A_124 = arith.constant 0 : i32
    %dma_start3A_125 = arith.constant 0 : i32
    %dma_start3A_126 = tpu.memref_slice %arg9[%dma_start3A_124, %dma_start3A_125] : memref<1000x128xf32, #tpu.memory_space<hbm>> -> memref<1000x128xf32, #tpu.memory_space<hbm>>
    tpu.enqueue_indirect_dma source(%dma_start3A_126 : memref<1000x128xf32, #tpu.memory_space<hbm>>) target(%arg27 : memref<128x128xf32, #tpu.memory_space<vmem>>) offsets(%arg21 : memref<128xi32, #tpu.memory_space<vmem>>) semaphore(%arg30 : memref<!tpu.dma_semaphore, #tpu.memory_space<semaphore_mem>>)
    %dma_wait3A_127 = arith.constant 0 : i32
    %dma_wait3A_128 = arith.constant 0 : i32
    %dma_wait3A_129 = tpu.memref_slice %arg8[%dma_wait3A_127, %dma_wait3A_128] : memref<1000000x128xf32, #tpu.memory_space<hbm>> -> memref<1000000x128xf32, #tpu.memory_space<hbm>>
    tpu.wait_indirect_dma semaphore(%arg30 : memref<!tpu.dma_semaphore, #tpu.memory_space<semaphore_mem>>) src(%dma_wait3A_129 : memref<1000000x128xf32, #tpu.memory_space<hbm>>) dst(%arg22 : memref<128x128xf32, #tpu.memory_space<vmem>>)
    %dma_wait3A_130 = arith.constant 0 : i32
    %dma_wait3A_131 = arith.constant 0 : i32
    %dma_wait3A_132 = tpu.memref_slice %arg8[%dma_wait3A_130, %dma_wait3A_131] : memref<1000000x128xf32, #tpu.memory_space<hbm>> -> memref<1000000x128xf32, #tpu.memory_space<hbm>>
    tpu.wait_indirect_dma semaphore(%arg30 : memref<!tpu.dma_semaphore, #tpu.memory_space<semaphore_mem>>) src(%dma_wait3A_132 : memref<1000000x128xf32, #tpu.memory_space<hbm>>) dst(%arg23 : memref<128x128xf32, #tpu.memory_space<vmem>>)
    %dma_wait3A_133 = arith.constant 0 : i32
    %dma_wait3A_134 = arith.constant 0 : i32
    %dma_wait3A_135 = tpu.memref_slice %arg9[%dma_wait3A_133, %dma_wait3A_134] : memref<1000x128xf32, #tpu.memory_space<hbm>> -> memref<1000x128xf32, #tpu.memory_space<hbm>>
    tpu.wait_indirect_dma semaphore(%arg30 : memref<!tpu.dma_semaphore, #tpu.memory_space<semaphore_mem>>) src(%dma_wait3A_135 : memref<1000x128xf32, #tpu.memory_space<hbm>>) dst(%arg24 : memref<128x128xf32, #tpu.memory_space<vmem>>)
    %dma_wait3A_136 = arith.constant 0 : i32
    %dma_wait3A_137 = arith.constant 0 : i32
    %dma_wait3A_138 = tpu.memref_slice %arg8[%dma_wait3A_136, %dma_wait3A_137] : memref<1000000x128xf32, #tpu.memory_space<hbm>> -> memref<1000000x128xf32, #tpu.memory_space<hbm>>
    tpu.wait_indirect_dma semaphore(%arg30 : memref<!tpu.dma_semaphore, #tpu.memory_space<semaphore_mem>>) src(%dma_wait3A_138 : memref<1000000x128xf32, #tpu.memory_space<hbm>>) dst(%arg25 : memref<128x128xf32, #tpu.memory_space<vmem>>)
    %dma_wait3A_139 = arith.constant 0 : i32
    %dma_wait3A_140 = arith.constant 0 : i32
    %dma_wait3A_141 = tpu.memref_slice %arg8[%dma_wait3A_139, %dma_wait3A_140] : memref<1000000x128xf32, #tpu.memory_space<hbm>> -> memref<1000000x128xf32, #tpu.memory_space<hbm>>
    tpu.wait_indirect_dma semaphore(%arg30 : memref<!tpu.dma_semaphore, #tpu.memory_space<semaphore_mem>>) src(%dma_wait3A_141 : memref<1000000x128xf32, #tpu.memory_space<hbm>>) dst(%arg26 : memref<128x128xf32, #tpu.memory_space<vmem>>)
    %dma_wait3A_142 = arith.constant 0 : i32
    %dma_wait3A_143 = arith.constant 0 : i32
    %dma_wait3A_144 = tpu.memref_slice %arg9[%dma_wait3A_142, %dma_wait3A_143] : memref<1000x128xf32, #tpu.memory_space<hbm>> -> memref<1000x128xf32, #tpu.memory_space<hbm>>
    tpu.wait_indirect_dma semaphore(%arg30 : memref<!tpu.dma_semaphore, #tpu.memory_space<semaphore_mem>>) src(%dma_wait3A_144 : memref<1000x128xf32, #tpu.memory_space<hbm>>) dst(%arg27 : memref<128x128xf32, #tpu.memory_space<vmem>>)
    "tpu.region"() ({
      %run_scoped3A = tpu.sem_alloc : memref<!tpu.dma_semaphore, #tpu.memory_space<semaphore_mem>>
      %dma_start3A_215 = arith.constant 0 : i32
      %dma_start3A_216 = arith.constant 0 : i32
      %dma_start3A_217 = tpu.memref_slice %arg22[%dma_start3A_215, %dma_start3A_216] : memref<128x128xf32, #tpu.memory_space<vmem>> -> memref<128x64xf32, #tpu.memory_space<vmem>>
      %dma_start3A_218 = arith.constant 0 : i32
      %dma_start3A_219 = tpu.memref_slice %arg12[%add3A_108, %dma_start3A_218] : memref<16384x64xf32, #tpu.memory_space<hbm>> -> memref<128x64xf32, #tpu.memory_space<hbm>>
      %dma_start3A_220 = arith.constant 0 : i32
      %dma_start3A_221 = tpu.memref_slice %arg12[%add3A_108, %dma_start3A_220] : memref<16384x64xf32, #tpu.memory_space<hbm>> -> memref<128x64xf32, #tpu.memory_space<hbm>>
      %dma_start3A_222 = arith.constant 0 : i32
      %dma_start3A_223 = arith.constant 0 : i32
      %dma_start3A_224 = tpu.memref_slice %arg22[%dma_start3A_222, %dma_start3A_223] : memref<128x128xf32, #tpu.memory_space<vmem>> -> memref<128x64xf32, #tpu.memory_space<vmem>>
      tpu.enqueue_dma source(%dma_start3A_224 : memref<128x64xf32, #tpu.memory_space<vmem>>) target(%dma_start3A_221 : memref<128x64xf32, #tpu.memory_space<hbm>>) target_semaphore(%run_scoped3A : memref<!tpu.dma_semaphore, #tpu.memory_space<semaphore_mem>>)
      %dma_wait3A_225 = arith.constant 0 : i32
      %dma_wait3A_226 = arith.constant 0 : i32
      %dma_wait3A_227 = tpu.memref_slice %arg22[%dma_wait3A_225, %dma_wait3A_226] : memref<128x128xf32, #tpu.memory_space<vmem>> -> memref<128x64xf32, #tpu.memory_space<vmem>>
      %dma_wait3A_228 = arith.constant 0 : i32
      %dma_wait3A_229 = tpu.memref_slice %arg12[%add3A_108, %dma_wait3A_228] : memref<16384x64xf32, #tpu.memory_space<hbm>> -> memref<128x64xf32, #tpu.memory_space<hbm>>
      %dma_wait3A_230 = arith.constant 0 : i32
      %dma_wait3A_231 = tpu.memref_slice %arg12[%add3A_108, %dma_wait3A_230] : memref<16384x64xf32, #tpu.memory_space<hbm>> -> memref<128x64xf32, #tpu.memory_space<hbm>>
      %dma_wait3A_232 = arith.constant 0 : i32
      %dma_wait3A_233 = arith.constant 0 : i32
      %dma_wait3A_234 = tpu.memref_slice %arg22[%dma_wait3A_232, %dma_wait3A_233] : memref<128x128xf32, #tpu.memory_space<vmem>> -> memref<128x64xf32, #tpu.memory_space<vmem>>
      tpu.wait_dma2 semaphore(%run_scoped3A : memref<!tpu.dma_semaphore, #tpu.memory_space<semaphore_mem>>) src(%dma_wait3A_234 : memref<128x64xf32, #tpu.memory_space<vmem>>) dst(%dma_wait3A_231 : memref<128x64xf32, #tpu.memory_space<hbm>>)
      tpu.yield
    }) : () -> ()
    "tpu.region"() ({
      %run_scoped3A = tpu.sem_alloc : memref<!tpu.dma_semaphore, #tpu.memory_space<semaphore_mem>>
      %dma_start3A_215 = arith.constant 0 : i32
      %dma_start3A_216 = arith.constant 0 : i32
      %dma_start3A_217 = tpu.memref_slice %arg23[%dma_start3A_215, %dma_start3A_216] : memref<128x128xf32, #tpu.memory_space<vmem>> -> memref<128x64xf32, #tpu.memory_space<vmem>>
      %dma_start3A_218 = arith.constant 0 : i32
      %dma_start3A_219 = tpu.memref_slice %arg13[%add3A_108, %dma_start3A_218] : memref<16384x64xf32, #tpu.memory_space<hbm>> -> memref<128x64xf32, #tpu.memory_space<hbm>>
      %dma_start3A_220 = arith.constant 0 : i32
      %dma_start3A_221 = tpu.memref_slice %arg13[%add3A_108, %dma_start3A_220] : memref<16384x64xf32, #tpu.memory_space<hbm>> -> memref<128x64xf32, #tpu.memory_space<hbm>>
      %dma_start3A_222 = arith.constant 0 : i32
      %dma_start3A_223 = arith.constant 0 : i32
      %dma_start3A_224 = tpu.memref_slice %arg23[%dma_start3A_222, %dma_start3A_223] : memref<128x128xf32, #tpu.memory_space<vmem>> -> memref<128x64xf32, #tpu.memory_space<vmem>>
      tpu.enqueue_dma source(%dma_start3A_224 : memref<128x64xf32, #tpu.memory_space<vmem>>) target(%dma_start3A_221 : memref<128x64xf32, #tpu.memory_space<hbm>>) target_semaphore(%run_scoped3A : memref<!tpu.dma_semaphore, #tpu.memory_space<semaphore_mem>>)
      %dma_wait3A_225 = arith.constant 0 : i32
      %dma_wait3A_226 = arith.constant 0 : i32
      %dma_wait3A_227 = tpu.memref_slice %arg23[%dma_wait3A_225, %dma_wait3A_226] : memref<128x128xf32, #tpu.memory_space<vmem>> -> memref<128x64xf32, #tpu.memory_space<vmem>>
      %dma_wait3A_228 = arith.constant 0 : i32
      %dma_wait3A_229 = tpu.memref_slice %arg13[%add3A_108, %dma_wait3A_228] : memref<16384x64xf32, #tpu.memory_space<hbm>> -> memref<128x64xf32, #tpu.memory_space<hbm>>
      %dma_wait3A_230 = arith.constant 0 : i32
      %dma_wait3A_231 = tpu.memref_slice %arg13[%add3A_108, %dma_wait3A_230] : memref<16384x64xf32, #tpu.memory_space<hbm>> -> memref<128x64xf32, #tpu.memory_space<hbm>>
      %dma_wait3A_232 = arith.constant 0 : i32
      %dma_wait3A_233 = arith.constant 0 : i32
      %dma_wait3A_234 = tpu.memref_slice %arg23[%dma_wait3A_232, %dma_wait3A_233] : memref<128x128xf32, #tpu.memory_space<vmem>> -> memref<128x64xf32, #tpu.memory_space<vmem>>
      tpu.wait_dma2 semaphore(%run_scoped3A : memref<!tpu.dma_semaphore, #tpu.memory_space<semaphore_mem>>) src(%dma_wait3A_234 : memref<128x64xf32, #tpu.memory_space<vmem>>) dst(%dma_wait3A_231 : memref<128x64xf32, #tpu.memory_space<hbm>>)
      tpu.yield
    }) : () -> ()
    "tpu.region"() ({
      %run_scoped3A = tpu.sem_alloc : memref<!tpu.dma_semaphore, #tpu.memory_space<semaphore_mem>>
      %dma_start3A_215 = arith.constant 0 : i32
      %dma_start3A_216 = arith.constant 0 : i32
      %dma_start3A_217 = tpu.memref_slice %arg25[%dma_start3A_215, %dma_start3A_216] : memref<128x128xf32, #tpu.memory_space<vmem>> -> memref<128x64xf32, #tpu.memory_space<vmem>>
      %dma_start3A_218 = arith.constant 0 : i32
      %dma_start3A_219 = tpu.memref_slice %arg14[%add3A_108, %dma_start3A_218] : memref<16384x64xf32, #tpu.memory_space<hbm>> -> memref<128x64xf32, #tpu.memory_space<hbm>>
      %dma_start3A_220 = arith.constant 0 : i32
      %dma_start3A_221 = tpu.memref_slice %arg14[%add3A_108, %dma_start3A_220] : memref<16384x64xf32, #tpu.memory_space<hbm>> -> memref<128x64xf32, #tpu.memory_space<hbm>>
      %dma_start3A_222 = arith.constant 0 : i32
      %dma_start3A_223 = arith.constant 0 : i32
      %dma_start3A_224 = tpu.memref_slice %arg25[%dma_start3A_222, %dma_start3A_223] : memref<128x128xf32, #tpu.memory_space<vmem>> -> memref<128x64xf32, #tpu.memory_space<vmem>>
      tpu.enqueue_dma source(%dma_start3A_224 : memref<128x64xf32, #tpu.memory_space<vmem>>) target(%dma_start3A_221 : memref<128x64xf32, #tpu.memory_space<hbm>>) target_semaphore(%run_scoped3A : memref<!tpu.dma_semaphore, #tpu.memory_space<semaphore_mem>>)
      %dma_wait3A_225 = arith.constant 0 : i32
      %dma_wait3A_226 = arith.constant 0 : i32
      %dma_wait3A_227 = tpu.memref_slice %arg25[%dma_wait3A_225, %dma_wait3A_226] : memref<128x128xf32, #tpu.memory_space<vmem>> -> memref<128x64xf32, #tpu.memory_space<vmem>>
      %dma_wait3A_228 = arith.constant 0 : i32
      %dma_wait3A_229 = tpu.memref_slice %arg14[%add3A_108, %dma_wait3A_228] : memref<16384x64xf32, #tpu.memory_space<hbm>> -> memref<128x64xf32, #tpu.memory_space<hbm>>
      %dma_wait3A_230 = arith.constant 0 : i32
      %dma_wait3A_231 = tpu.memref_slice %arg14[%add3A_108, %dma_wait3A_230] : memref<16384x64xf32, #tpu.memory_space<hbm>> -> memref<128x64xf32, #tpu.memory_space<hbm>>
      %dma_wait3A_232 = arith.constant 0 : i32
      %dma_wait3A_233 = arith.constant 0 : i32
      %dma_wait3A_234 = tpu.memref_slice %arg25[%dma_wait3A_232, %dma_wait3A_233] : memref<128x128xf32, #tpu.memory_space<vmem>> -> memref<128x64xf32, #tpu.memory_space<vmem>>
      tpu.wait_dma2 semaphore(%run_scoped3A : memref<!tpu.dma_semaphore, #tpu.memory_space<semaphore_mem>>) src(%dma_wait3A_234 : memref<128x64xf32, #tpu.memory_space<vmem>>) dst(%dma_wait3A_231 : memref<128x64xf32, #tpu.memory_space<hbm>>)
      tpu.yield
    }) : () -> ()
    "tpu.region"() ({
      %run_scoped3A = tpu.sem_alloc : memref<!tpu.dma_semaphore, #tpu.memory_space<semaphore_mem>>
      %dma_start3A_215 = arith.constant 0 : i32
      %dma_start3A_216 = arith.constant 0 : i32
      %dma_start3A_217 = tpu.memref_slice %arg26[%dma_start3A_215, %dma_start3A_216] : memref<128x128xf32, #tpu.memory_space<vmem>> -> memref<128x64xf32, #tpu.memory_space<vmem>>
      %dma_start3A_218 = arith.constant 0 : i32
      %dma_start3A_219 = tpu.memref_slice %arg15[%add3A_108, %dma_start3A_218] : memref<16384x64xf32, #tpu.memory_space<hbm>> -> memref<128x64xf32, #tpu.memory_space<hbm>>
      %dma_start3A_220 = arith.constant 0 : i32
      %dma_start3A_221 = tpu.memref_slice %arg15[%add3A_108, %dma_start3A_220] : memref<16384x64xf32, #tpu.memory_space<hbm>> -> memref<128x64xf32, #tpu.memory_space<hbm>>
      %dma_start3A_222 = arith.constant 0 : i32
      %dma_start3A_223 = arith.constant 0 : i32
      %dma_start3A_224 = tpu.memref_slice %arg26[%dma_start3A_222, %dma_start3A_223] : memref<128x128xf32, #tpu.memory_space<vmem>> -> memref<128x64xf32, #tpu.memory_space<vmem>>
      tpu.enqueue_dma source(%dma_start3A_224 : memref<128x64xf32, #tpu.memory_space<vmem>>) target(%dma_start3A_221 : memref<128x64xf32, #tpu.memory_space<hbm>>) target_semaphore(%run_scoped3A : memref<!tpu.dma_semaphore, #tpu.memory_space<semaphore_mem>>)
      %dma_wait3A_225 = arith.constant 0 : i32
      %dma_wait3A_226 = arith.constant 0 : i32
      %dma_wait3A_227 = tpu.memref_slice %arg26[%dma_wait3A_225, %dma_wait3A_226] : memref<128x128xf32, #tpu.memory_space<vmem>> -> memref<128x64xf32, #tpu.memory_space<vmem>>
      %dma_wait3A_228 = arith.constant 0 : i32
      %dma_wait3A_229 = tpu.memref_slice %arg15[%add3A_108, %dma_wait3A_228] : memref<16384x64xf32, #tpu.memory_space<hbm>> -> memref<128x64xf32, #tpu.memory_space<hbm>>
      %dma_wait3A_230 = arith.constant 0 : i32
      %dma_wait3A_231 = tpu.memref_slice %arg15[%add3A_108, %dma_wait3A_230] : memref<16384x64xf32, #tpu.memory_space<hbm>> -> memref<128x64xf32, #tpu.memory_space<hbm>>
      %dma_wait3A_232 = arith.constant 0 : i32
      %dma_wait3A_233 = arith.constant 0 : i32
      %dma_wait3A_234 = tpu.memref_slice %arg26[%dma_wait3A_232, %dma_wait3A_233] : memref<128x128xf32, #tpu.memory_space<vmem>> -> memref<128x64xf32, #tpu.memory_space<vmem>>
      tpu.wait_dma2 semaphore(%run_scoped3A : memref<!tpu.dma_semaphore, #tpu.memory_space<semaphore_mem>>) src(%dma_wait3A_234 : memref<128x64xf32, #tpu.memory_space<vmem>>) dst(%dma_wait3A_231 : memref<128x64xf32, #tpu.memory_space<hbm>>)
      tpu.yield
    }) : () -> ()
    %iota3A_145 = tpu.iota {dimensions = array<i32: 0>} : vector<16xi32>
    %scan3A_146 = arith.constant 0 : i32
    %scan3A_147 = arith.constant 0 : i32
    %scan3A_148 = arith.constant 8 : i32
    %scan3A_149 = arith.addi %scan3A_147, %scan3A_148 : i32
    %scan3A_150 = arith.constant 1 : i32
    %scan3A_151 = scf.for %scan3A_215 = %scan3A_147 to %scan3A_149 step %scan3A_150 iter_args(%scan3A_216 = %scan3A_146) -> (i32)  : i32 {
      %broadcast_in_dim3A = arith.constant 0.000000e+00 : f32
      %broadcast_in_dim3A_217 = vector.broadcast %broadcast_in_dim3A : f32 to vector<16xf32>
      %scan3A_218 = arith.constant 0 : i32
      %scan3A_219 = arith.constant 16 : i32
      %scan3A_220 = arith.addi %scan3A_218, %scan3A_219 : i32
      %scan3A_221 = arith.constant 1 : i32
      %scan3A_222 = scf.for %scan3A_248 = %scan3A_218 to %scan3A_220 step %scan3A_221 iter_args(%scan3A_249 = %broadcast_in_dim3A_217) -> (vector<16xf32>)  : i32 {
        %mul3A_250 = arith.constant 16 : i32
        %mul3A_251 = arith.muli %scan3A_215, %mul3A_250 : i32
        %add3A_252 = arith.addi %mul3A_251, %scan3A_248 : i32
        %broadcast_in_dim3A_253 = arith.constant 0.000000e+00 : f32
        %broadcast_in_dim3A_254 = vector.broadcast %broadcast_in_dim3A_253 : f32 to vector<16xf32>
        %get3A = arith.index_cast %add3A_252 : i32 to index
        %get3A_255 = arith.constant 0 : index
        %get3A_256 = tpu.vector_load %arg22[%get3A, %get3A_255] {strides = array<i32>} : memref<128x128xf32, #tpu.memory_space<vmem>>, vector<16xf32>,
        %get3A_257 = arith.index_cast %add3A_252 : i32 to index
        %get3A_258 = arith.constant 0 : index
        %get3A_259 = tpu.vector_load %arg24[%get3A_257, %get3A_258] {strides = array<i32>} : memref<128x128xf32, #tpu.memory_space<vmem>>, vector<16xf32>,
        %add3A_260 = arith.addf %get3A_256, %get3A_259 : vector<16xf32>
        %get3A_261 = arith.index_cast %add3A_252 : i32 to index
        %get3A_262 = arith.constant 0 : index
        %get3A_263 = tpu.vector_load %arg23[%get3A_261, %get3A_262] {strides = array<i32>} : memref<128x128xf32, #tpu.memory_space<vmem>>, vector<16xf32>,
        %sub3A = arith.subf %add3A_260, %get3A_263 : vector<16xf32>
        %mul3A_264 = arith.mulf %sub3A, %sub3A : vector<16xf32>
        %add3A_265 = arith.addf %broadcast_in_dim3A_254, %mul3A_264 : vector<16xf32>
        %get3A_266 = arith.index_cast %add3A_252 : i32 to index
        %get3A_267 = arith.constant 16 : index
        %get3A_268 = tpu.vector_load %arg22[%get3A_266, %get3A_267] {strides = array<i32>} : memref<128x128xf32, #tpu.memory_space<vmem>>, vector<16xf32>,
        %get3A_269 = arith.index_cast %add3A_252 : i32 to index
        %get3A_270 = arith.constant 16 : index
        %get3A_271 = tpu.vector_load %arg24[%get3A_269, %get3A_270] {strides = array<i32>} : memref<128x128xf32, #tpu.memory_space<vmem>>, vector<16xf32>,
        %add3A_272 = arith.addf %get3A_268, %get3A_271 : vector<16xf32>
        %get3A_273 = arith.index_cast %add3A_252 : i32 to index
        %get3A_274 = arith.constant 16 : index
        %get3A_275 = tpu.vector_load %arg23[%get3A_273, %get3A_274] {strides = array<i32>} : memref<128x128xf32, #tpu.memory_space<vmem>>, vector<16xf32>,
        %sub3A_276 = arith.subf %add3A_272, %get3A_275 : vector<16xf32>
        %mul3A_277 = arith.mulf %sub3A_276, %sub3A_276 : vector<16xf32>
        %add3A_278 = arith.addf %add3A_265, %mul3A_277 : vector<16xf32>
        %get3A_279 = arith.index_cast %add3A_252 : i32 to index
        %get3A_280 = arith.constant 32 : index
        %get3A_281 = tpu.vector_load %arg22[%get3A_279, %get3A_280] {strides = array<i32>} : memref<128x128xf32, #tpu.memory_space<vmem>>, vector<16xf32>,
        %get3A_282 = arith.index_cast %add3A_252 : i32 to index
        %get3A_283 = arith.constant 32 : index
        %get3A_284 = tpu.vector_load %arg24[%get3A_282, %get3A_283] {strides = array<i32>} : memref<128x128xf32, #tpu.memory_space<vmem>>, vector<16xf32>,
        %add3A_285 = arith.addf %get3A_281, %get3A_284 : vector<16xf32>
        %get3A_286 = arith.index_cast %add3A_252 : i32 to index
        %get3A_287 = arith.constant 32 : index
        %get3A_288 = tpu.vector_load %arg23[%get3A_286, %get3A_287] {strides = array<i32>} : memref<128x128xf32, #tpu.memory_space<vmem>>, vector<16xf32>,
        %sub3A_289 = arith.subf %add3A_285, %get3A_288 : vector<16xf32>
        %mul3A_290 = arith.mulf %sub3A_289, %sub3A_289 : vector<16xf32>
        %add3A_291 = arith.addf %add3A_278, %mul3A_290 : vector<16xf32>
        %get3A_292 = arith.index_cast %add3A_252 : i32 to index
        %get3A_293 = arith.constant 48 : index
        %get3A_294 = tpu.vector_load %arg22[%get3A_292, %get3A_293] {strides = array<i32>} : memref<128x128xf32, #tpu.memory_space<vmem>>, vector<16xf32>,
        %get3A_295 = arith.index_cast %add3A_252 : i32 to index
        %get3A_296 = arith.constant 48 : index
        %get3A_297 = tpu.vector_load %arg24[%get3A_295, %get3A_296] {strides = array<i32>} : memref<128x128xf32, #tpu.memory_space<vmem>>, vector<16xf32>,
        %add3A_298 = arith.addf %get3A_294, %get3A_297 : vector<16xf32>
        %get3A_299 = arith.index_cast %add3A_252 : i32 to index
        %get3A_300 = arith.constant 48 : index
        %get3A_301 = tpu.vector_load %arg23[%get3A_299, %get3A_300] {strides = array<i32>} : memref<128x128xf32, #tpu.memory_space<vmem>>, vector<16xf32>,
        %sub3A_302 = arith.subf %add3A_298, %get3A_301 : vector<16xf32>
        %mul3A_303 = arith.mulf %sub3A_302, %sub3A_302 : vector<16xf32>
        %add3A_304 = arith.addf %add3A_291, %mul3A_303 : vector<16xf32>
        %reduce_sum3A = arith.constant true
        %reduce_sum3A_305 = vector.broadcast %reduce_sum3A : i1 to vector<16xi1>
        %reduce_sum3A_306 = tpu.scan <sum>, %add3A_304 masked %reduce_sum3A_305 : vector<16xf32>, vector<16xi1> -> vector<16xf32>
        %reduce_sum3A_307 = vector.extract %reduce_sum3A_306[15] : f32 from vector<16xf32>
        %eq3A = vector.broadcast %scan3A_248 : i32 to vector<16xi32>
        %eq3A_308 = arith.cmpi eq, %iota3A_145, %eq3A : vector<16xi32>
        %broadcast_in_dim3A_309 = vector.broadcast %reduce_sum3A_307 : f32 to vector<16xf32>
        %select_n3A = arith.select %eq3A_308, %broadcast_in_dim3A_309, %scan3A_249 : vector<16xi1>, vector<16xf32>
        scf.yield %select_n3A : vector<16xf32>
      }
      %scan3A_223 = arith.constant 16 : i32
      %bitcast_convert_type3A = tpu.bitcast %scan3A_222 : vector<16xf32> -> vector<16xi32>
      %shift_right_logical3A = arith.constant 1 : i32
      %shift_right_logical3A_224 = vector.broadcast %shift_right_logical3A : i32 to vector<16xi32>
      %shift_right_logical3A_225 = arith.shrui %bitcast_convert_type3A, %shift_right_logical3A_224 : vector<16xi32>
      %add3A_226 = arith.constant 532487669 : i32
      %add3A_227 = vector.broadcast %add3A_226 : i32 to vector<16xi32>
      %add3A_228 = arith.addi %shift_right_logical3A_225, %add3A_227 : vector<16xi32>
      %bitcast_convert_type3A_229 = tpu.bitcast %add3A_228 : vector<16xi32> -> vector<16xf32>
      %div3A = arith.divf %scan3A_222, %bitcast_convert_type3A_229 : vector<16xf32>
      %add3A_230 = arith.addf %bitcast_convert_type3A_229, %div3A : vector<16xf32>
      %mul3A_231 = arith.constant 5.000000e-01 : f32
      %mul3A_232 = vector.broadcast %mul3A_231 : f32 to vector<16xf32>
      %mul3A_233 = arith.mulf %mul3A_232, %add3A_230 : vector<16xf32>
      %div3A_234 = arith.divf %scan3A_222, %mul3A_233 : vector<16xf32>
      %add3A_235 = arith.addf %mul3A_233, %div3A_234 : vector<16xf32>
      %mul3A_236 = arith.constant 5.000000e-01 : f32
      %mul3A_237 = vector.broadcast %mul3A_236 : f32 to vector<16xf32>
      %mul3A_238 = arith.mulf %mul3A_237, %add3A_235 : vector<16xf32>
      %div3A_239 = arith.divf %scan3A_222, %mul3A_238 : vector<16xf32>
      %add3A_240 = arith.addf %mul3A_238, %div3A_239 : vector<16xf32>
      %mul3A_241 = arith.constant 5.000000e-01 : f32
      %mul3A_242 = vector.broadcast %mul3A_241 : f32 to vector<16xf32>
      %mul3A_243 = arith.mulf %mul3A_242, %add3A_240 : vector<16xf32>
      %mul3A_244 = arith.constant 16 : i32
      %mul3A_245 = arith.muli %scan3A_215, %mul3A_244 : i32
      %swap3A = arith.index_cast %mul3A_245 : i32 to index
      %swap3A_246 = tpu.vector_load %arg28[%swap3A] {strides = array<i32>} : memref<128xf32, #tpu.memory_space<vmem>>, vector<16xf32>,
      tpu.vector_store %arg28[%swap3A], %mul3A_243 {strides = array<i32>} : memref<128xf32, #tpu.memory_space<vmem>>, vector<16xf32>,
      %scan3A_247 = arith.constant 0 : i32
      scf.yield %scan3A_247 : i32
    }
    %scan3A_152 = arith.constant 8 : i32
    %iota3A_153 = tpu.iota {dimensions = array<i32: 0>} : vector<16xi32>
    %scan3A_154 = arith.constant 0 : i32
    %scan3A_155 = arith.constant 0 : i32
    %scan3A_156 = arith.constant 8 : i32
    %scan3A_157 = arith.addi %scan3A_155, %scan3A_156 : i32
    %scan3A_158 = arith.constant 1 : i32
    %scan3A_159 = scf.for %scan3A_215 = %scan3A_155 to %scan3A_157 step %scan3A_158 iter_args(%scan3A_216 = %scan3A_154) -> (i32)  : i32 {
      %broadcast_in_dim3A = arith.constant 0.000000e+00 : f32
      %broadcast_in_dim3A_217 = vector.broadcast %broadcast_in_dim3A : f32 to vector<16xf32>
      %scan3A_218 = arith.constant 0 : i32
      %scan3A_219 = arith.constant 16 : i32
      %scan3A_220 = arith.addi %scan3A_218, %scan3A_219 : i32
      %scan3A_221 = arith.constant 1 : i32
      %scan3A_222 = scf.for %scan3A_248 = %scan3A_218 to %scan3A_220 step %scan3A_221 iter_args(%scan3A_249 = %broadcast_in_dim3A_217) -> (vector<16xf32>)  : i32 {
        %mul3A_250 = arith.constant 16 : i32
        %mul3A_251 = arith.muli %scan3A_215, %mul3A_250 : i32
        %add3A_252 = arith.addi %mul3A_251, %scan3A_248 : i32
        %broadcast_in_dim3A_253 = arith.constant 0.000000e+00 : f32
        %broadcast_in_dim3A_254 = vector.broadcast %broadcast_in_dim3A_253 : f32 to vector<16xf32>
        %get3A = arith.index_cast %add3A_252 : i32 to index
        %get3A_255 = arith.constant 0 : index
        %get3A_256 = tpu.vector_load %arg25[%get3A, %get3A_255] {strides = array<i32>} : memref<128x128xf32, #tpu.memory_space<vmem>>, vector<16xf32>,
        %get3A_257 = arith.index_cast %add3A_252 : i32 to index
        %get3A_258 = arith.constant 0 : index
        %get3A_259 = tpu.vector_load %arg27[%get3A_257, %get3A_258] {strides = array<i32>} : memref<128x128xf32, #tpu.memory_space<vmem>>, vector<16xf32>,
        %add3A_260 = arith.addf %get3A_256, %get3A_259 : vector<16xf32>
        %get3A_261 = arith.index_cast %add3A_252 : i32 to index
        %get3A_262 = arith.constant 0 : index
        %get3A_263 = tpu.vector_load %arg26[%get3A_261, %get3A_262] {strides = array<i32>} : memref<128x128xf32, #tpu.memory_space<vmem>>, vector<16xf32>,
        %sub3A = arith.subf %add3A_260, %get3A_263 : vector<16xf32>
        %mul3A_264 = arith.mulf %sub3A, %sub3A : vector<16xf32>
        %add3A_265 = arith.addf %broadcast_in_dim3A_254, %mul3A_264 : vector<16xf32>
        %get3A_266 = arith.index_cast %add3A_252 : i32 to index
        %get3A_267 = arith.constant 16 : index
        %get3A_268 = tpu.vector_load %arg25[%get3A_266, %get3A_267] {strides = array<i32>} : memref<128x128xf32, #tpu.memory_space<vmem>>, vector<16xf32>,
        %get3A_269 = arith.index_cast %add3A_252 : i32 to index
        %get3A_270 = arith.constant 16 : index
        %get3A_271 = tpu.vector_load %arg27[%get3A_269, %get3A_270] {strides = array<i32>} : memref<128x128xf32, #tpu.memory_space<vmem>>, vector<16xf32>,
        %add3A_272 = arith.addf %get3A_268, %get3A_271 : vector<16xf32>
        %get3A_273 = arith.index_cast %add3A_252 : i32 to index
        %get3A_274 = arith.constant 16 : index
        %get3A_275 = tpu.vector_load %arg26[%get3A_273, %get3A_274] {strides = array<i32>} : memref<128x128xf32, #tpu.memory_space<vmem>>, vector<16xf32>,
        %sub3A_276 = arith.subf %add3A_272, %get3A_275 : vector<16xf32>
        %mul3A_277 = arith.mulf %sub3A_276, %sub3A_276 : vector<16xf32>
        %add3A_278 = arith.addf %add3A_265, %mul3A_277 : vector<16xf32>
        %get3A_279 = arith.index_cast %add3A_252 : i32 to index
        %get3A_280 = arith.constant 32 : index
        %get3A_281 = tpu.vector_load %arg25[%get3A_279, %get3A_280] {strides = array<i32>} : memref<128x128xf32, #tpu.memory_space<vmem>>, vector<16xf32>,
        %get3A_282 = arith.index_cast %add3A_252 : i32 to index
        %get3A_283 = arith.constant 32 : index
        %get3A_284 = tpu.vector_load %arg27[%get3A_282, %get3A_283] {strides = array<i32>} : memref<128x128xf32, #tpu.memory_space<vmem>>, vector<16xf32>,
        %add3A_285 = arith.addf %get3A_281, %get3A_284 : vector<16xf32>
        %get3A_286 = arith.index_cast %add3A_252 : i32 to index
        %get3A_287 = arith.constant 32 : index
        %get3A_288 = tpu.vector_load %arg26[%get3A_286, %get3A_287] {strides = array<i32>} : memref<128x128xf32, #tpu.memory_space<vmem>>, vector<16xf32>,
        %sub3A_289 = arith.subf %add3A_285, %get3A_288 : vector<16xf32>
        %mul3A_290 = arith.mulf %sub3A_289, %sub3A_289 : vector<16xf32>
        %add3A_291 = arith.addf %add3A_278, %mul3A_290 : vector<16xf32>
        %get3A_292 = arith.index_cast %add3A_252 : i32 to index
        %get3A_293 = arith.constant 48 : index
        %get3A_294 = tpu.vector_load %arg25[%get3A_292, %get3A_293] {strides = array<i32>} : memref<128x128xf32, #tpu.memory_space<vmem>>, vector<16xf32>,
        %get3A_295 = arith.index_cast %add3A_252 : i32 to index
        %get3A_296 = arith.constant 48 : index
        %get3A_297 = tpu.vector_load %arg27[%get3A_295, %get3A_296] {strides = array<i32>} : memref<128x128xf32, #tpu.memory_space<vmem>>, vector<16xf32>,
        %add3A_298 = arith.addf %get3A_294, %get3A_297 : vector<16xf32>
        %get3A_299 = arith.index_cast %add3A_252 : i32 to index
        %get3A_300 = arith.constant 48 : index
        %get3A_301 = tpu.vector_load %arg26[%get3A_299, %get3A_300] {strides = array<i32>} : memref<128x128xf32, #tpu.memory_space<vmem>>, vector<16xf32>,
        %sub3A_302 = arith.subf %add3A_298, %get3A_301 : vector<16xf32>
        %mul3A_303 = arith.mulf %sub3A_302, %sub3A_302 : vector<16xf32>
        %add3A_304 = arith.addf %add3A_291, %mul3A_303 : vector<16xf32>
        %reduce_sum3A = arith.constant true
        %reduce_sum3A_305 = vector.broadcast %reduce_sum3A : i1 to vector<16xi1>
        %reduce_sum3A_306 = tpu.scan <sum>, %add3A_304 masked %reduce_sum3A_305 : vector<16xf32>, vector<16xi1> -> vector<16xf32>
        %reduce_sum3A_307 = vector.extract %reduce_sum3A_306[15] : f32 from vector<16xf32>
        %eq3A = vector.broadcast %scan3A_248 : i32 to vector<16xi32>
        %eq3A_308 = arith.cmpi eq, %iota3A_153, %eq3A : vector<16xi32>
        %broadcast_in_dim3A_309 = vector.broadcast %reduce_sum3A_307 : f32 to vector<16xf32>
        %select_n3A = arith.select %eq3A_308, %broadcast_in_dim3A_309, %scan3A_249 : vector<16xi1>, vector<16xf32>
        scf.yield %select_n3A : vector<16xf32>
      }
      %scan3A_223 = arith.constant 16 : i32
      %bitcast_convert_type3A = tpu.bitcast %scan3A_222 : vector<16xf32> -> vector<16xi32>
      %shift_right_logical3A = arith.constant 1 : i32
      %shift_right_logical3A_224 = vector.broadcast %shift_right_logical3A : i32 to vector<16xi32>
      %shift_right_logical3A_225 = arith.shrui %bitcast_convert_type3A, %shift_right_logical3A_224 : vector<16xi32>
      %add3A_226 = arith.constant 532487669 : i32
      %add3A_227 = vector.broadcast %add3A_226 : i32 to vector<16xi32>
      %add3A_228 = arith.addi %shift_right_logical3A_225, %add3A_227 : vector<16xi32>
      %bitcast_convert_type3A_229 = tpu.bitcast %add3A_228 : vector<16xi32> -> vector<16xf32>
      %div3A = arith.divf %scan3A_222, %bitcast_convert_type3A_229 : vector<16xf32>
      %add3A_230 = arith.addf %bitcast_convert_type3A_229, %div3A : vector<16xf32>
      %mul3A_231 = arith.constant 5.000000e-01 : f32
      %mul3A_232 = vector.broadcast %mul3A_231 : f32 to vector<16xf32>
      %mul3A_233 = arith.mulf %mul3A_232, %add3A_230 : vector<16xf32>
      %div3A_234 = arith.divf %scan3A_222, %mul3A_233 : vector<16xf32>
      %add3A_235 = arith.addf %mul3A_233, %div3A_234 : vector<16xf32>
      %mul3A_236 = arith.constant 5.000000e-01 : f32
      %mul3A_237 = vector.broadcast %mul3A_236 : f32 to vector<16xf32>
      %mul3A_238 = arith.mulf %mul3A_237, %add3A_235 : vector<16xf32>
      %div3A_239 = arith.divf %scan3A_222, %mul3A_238 : vector<16xf32>
      %add3A_240 = arith.addf %mul3A_238, %div3A_239 : vector<16xf32>
      %mul3A_241 = arith.constant 5.000000e-01 : f32
      %mul3A_242 = vector.broadcast %mul3A_241 : f32 to vector<16xf32>
      %mul3A_243 = arith.mulf %mul3A_242, %add3A_240 : vector<16xf32>
      %mul3A_244 = arith.constant 16 : i32
      %mul3A_245 = arith.muli %scan3A_215, %mul3A_244 : i32
      %swap3A = arith.index_cast %mul3A_245 : i32 to index
      %swap3A_246 = tpu.vector_load %arg29[%swap3A] {strides = array<i32>} : memref<128xf32, #tpu.memory_space<vmem>>, vector<16xf32>,
      tpu.vector_store %arg29[%swap3A], %mul3A_243 {strides = array<i32>} : memref<128xf32, #tpu.memory_space<vmem>>, vector<16xf32>,
      %scan3A_247 = arith.constant 0 : i32
      scf.yield %scan3A_247 : i32
    }
    %scan3A_160 = arith.constant 8 : i32
    "tpu.region"() ({
      %run_scoped3A = tpu.sem_alloc : memref<!tpu.dma_semaphore, #tpu.memory_space<semaphore_mem>>
      %dma_start3A_215 = tpu.memref_slice %arg10[%add3A_108] : memref<16384xf32, #tpu.memory_space<hbm>> -> memref<128xf32, #tpu.memory_space<hbm>>
      %dma_start3A_216 = tpu.memref_slice %arg10[%add3A_108] : memref<16384xf32, #tpu.memory_space<hbm>> -> memref<128xf32, #tpu.memory_space<hbm>>
      tpu.enqueue_dma source(%arg28 : memref<128xf32, #tpu.memory_space<vmem>>) target(%dma_start3A_216 : memref<128xf32, #tpu.memory_space<hbm>>) target_semaphore(%run_scoped3A : memref<!tpu.dma_semaphore, #tpu.memory_space<semaphore_mem>>)
      %dma_wait3A_217 = tpu.memref_slice %arg10[%add3A_108] : memref<16384xf32, #tpu.memory_space<hbm>> -> memref<128xf32, #tpu.memory_space<hbm>>
      %dma_wait3A_218 = tpu.memref_slice %arg10[%add3A_108] : memref<16384xf32, #tpu.memory_space<hbm>> -> memref<128xf32, #tpu.memory_space<hbm>>
      tpu.wait_dma2 semaphore(%run_scoped3A : memref<!tpu.dma_semaphore, #tpu.memory_space<semaphore_mem>>) src(%arg28 : memref<128xf32, #tpu.memory_space<vmem>>) dst(%dma_wait3A_218 : memref<128xf32, #tpu.memory_space<hbm>>)
      tpu.yield
    }) : () -> ()
    "tpu.region"() ({
      %run_scoped3A = tpu.sem_alloc : memref<!tpu.dma_semaphore, #tpu.memory_space<semaphore_mem>>
      %dma_start3A_215 = tpu.memref_slice %arg11[%add3A_108] : memref<16384xf32, #tpu.memory_space<hbm>> -> memref<128xf32, #tpu.memory_space<hbm>>
      %dma_start3A_216 = tpu.memref_slice %arg11[%add3A_108] : memref<16384xf32, #tpu.memory_space<hbm>> -> memref<128xf32, #tpu.memory_space<hbm>>
      tpu.enqueue_dma source(%arg29 : memref<128xf32, #tpu.memory_space<vmem>>) target(%dma_start3A_216 : memref<128xf32, #tpu.memory_space<hbm>>) target_semaphore(%run_scoped3A : memref<!tpu.dma_semaphore, #tpu.memory_space<semaphore_mem>>)
      %dma_wait3A_217 = tpu.memref_slice %arg11[%add3A_108] : memref<16384xf32, #tpu.memory_space<hbm>> -> memref<128xf32, #tpu.memory_space<hbm>>
      %dma_wait3A_218 = tpu.memref_slice %arg11[%add3A_108] : memref<16384xf32, #tpu.memory_space<hbm>> -> memref<128xf32, #tpu.memory_space<hbm>>
      tpu.wait_dma2 semaphore(%run_scoped3A : memref<!tpu.dma_semaphore, #tpu.memory_space<semaphore_mem>>) src(%arg29 : memref<128xf32, #tpu.memory_space<vmem>>) dst(%dma_wait3A_218 : memref<128xf32, #tpu.memory_space<hbm>>)
      tpu.yield
    }) : () -> ()
    %add3A_161 = arith.constant 384 : i32
    %add3A_162 = arith.addi %mul3A_2, %add3A_161 : i32
    "tpu.region"() ({
      %run_scoped3A = tpu.sem_alloc : memref<!tpu.dma_semaphore, #tpu.memory_space<semaphore_mem>>
      %dma_start3A_215 = tpu.memref_slice %arg2[%add3A_162] : memref<16384xi32, #tpu.memory_space<hbm>> -> memref<128xi32, #tpu.memory_space<hbm>>
      %dma_start3A_216 = tpu.memref_slice %arg2[%add3A_162] : memref<16384xi32, #tpu.memory_space<hbm>> -> memref<128xi32, #tpu.memory_space<hbm>>
      tpu.enqueue_dma source(%dma_start3A_216 : memref<128xi32, #tpu.memory_space<hbm>>) target(%arg16 : memref<128xi32, #tpu.memory_space<vmem>>) target_semaphore(%run_scoped3A : memref<!tpu.dma_semaphore, #tpu.memory_space<semaphore_mem>>)
      %dma_wait3A_217 = tpu.memref_slice %arg2[%add3A_162] : memref<16384xi32, #tpu.memory_space<hbm>> -> memref<128xi32, #tpu.memory_space<hbm>>
      %dma_wait3A_218 = tpu.memref_slice %arg2[%add3A_162] : memref<16384xi32, #tpu.memory_space<hbm>> -> memref<128xi32, #tpu.memory_space<hbm>>
      tpu.wait_dma2 semaphore(%run_scoped3A : memref<!tpu.dma_semaphore, #tpu.memory_space<semaphore_mem>>) src(%dma_wait3A_218 : memref<128xi32, #tpu.memory_space<hbm>>) dst(%arg16 : memref<128xi32, #tpu.memory_space<vmem>>)
      tpu.yield
    }) : () -> ()
    "tpu.region"() ({
      %run_scoped3A = tpu.sem_alloc : memref<!tpu.dma_semaphore, #tpu.memory_space<semaphore_mem>>
      %dma_start3A_215 = tpu.memref_slice %arg3[%add3A_162] : memref<16384xi32, #tpu.memory_space<hbm>> -> memref<128xi32, #tpu.memory_space<hbm>>
      %dma_start3A_216 = tpu.memref_slice %arg3[%add3A_162] : memref<16384xi32, #tpu.memory_space<hbm>> -> memref<128xi32, #tpu.memory_space<hbm>>
      tpu.enqueue_dma source(%dma_start3A_216 : memref<128xi32, #tpu.memory_space<hbm>>) target(%arg17 : memref<128xi32, #tpu.memory_space<vmem>>) target_semaphore(%run_scoped3A : memref<!tpu.dma_semaphore, #tpu.memory_space<semaphore_mem>>)
      %dma_wait3A_217 = tpu.memref_slice %arg3[%add3A_162] : memref<16384xi32, #tpu.memory_space<hbm>> -> memref<128xi32, #tpu.memory_space<hbm>>
      %dma_wait3A_218 = tpu.memref_slice %arg3[%add3A_162] : memref<16384xi32, #tpu.memory_space<hbm>> -> memref<128xi32, #tpu.memory_space<hbm>>
      tpu.wait_dma2 semaphore(%run_scoped3A : memref<!tpu.dma_semaphore, #tpu.memory_space<semaphore_mem>>) src(%dma_wait3A_218 : memref<128xi32, #tpu.memory_space<hbm>>) dst(%arg17 : memref<128xi32, #tpu.memory_space<vmem>>)
      tpu.yield
    }) : () -> ()
    "tpu.region"() ({
      %run_scoped3A = tpu.sem_alloc : memref<!tpu.dma_semaphore, #tpu.memory_space<semaphore_mem>>
      %dma_start3A_215 = tpu.memref_slice %arg4[%add3A_162] : memref<16384xi32, #tpu.memory_space<hbm>> -> memref<128xi32, #tpu.memory_space<hbm>>
      %dma_start3A_216 = tpu.memref_slice %arg4[%add3A_162] : memref<16384xi32, #tpu.memory_space<hbm>> -> memref<128xi32, #tpu.memory_space<hbm>>
      tpu.enqueue_dma source(%dma_start3A_216 : memref<128xi32, #tpu.memory_space<hbm>>) target(%arg18 : memref<128xi32, #tpu.memory_space<vmem>>) target_semaphore(%run_scoped3A : memref<!tpu.dma_semaphore, #tpu.memory_space<semaphore_mem>>)
      %dma_wait3A_217 = tpu.memref_slice %arg4[%add3A_162] : memref<16384xi32, #tpu.memory_space<hbm>> -> memref<128xi32, #tpu.memory_space<hbm>>
      %dma_wait3A_218 = tpu.memref_slice %arg4[%add3A_162] : memref<16384xi32, #tpu.memory_space<hbm>> -> memref<128xi32, #tpu.memory_space<hbm>>
      tpu.wait_dma2 semaphore(%run_scoped3A : memref<!tpu.dma_semaphore, #tpu.memory_space<semaphore_mem>>) src(%dma_wait3A_218 : memref<128xi32, #tpu.memory_space<hbm>>) dst(%arg18 : memref<128xi32, #tpu.memory_space<vmem>>)
      tpu.yield
    }) : () -> ()
    "tpu.region"() ({
      %run_scoped3A = tpu.sem_alloc : memref<!tpu.dma_semaphore, #tpu.memory_space<semaphore_mem>>
      %dma_start3A_215 = tpu.memref_slice %arg5[%add3A_162] : memref<16384xi32, #tpu.memory_space<hbm>> -> memref<128xi32, #tpu.memory_space<hbm>>
      %dma_start3A_216 = tpu.memref_slice %arg5[%add3A_162] : memref<16384xi32, #tpu.memory_space<hbm>> -> memref<128xi32, #tpu.memory_space<hbm>>
      tpu.enqueue_dma source(%dma_start3A_216 : memref<128xi32, #tpu.memory_space<hbm>>) target(%arg19 : memref<128xi32, #tpu.memory_space<vmem>>) target_semaphore(%run_scoped3A : memref<!tpu.dma_semaphore, #tpu.memory_space<semaphore_mem>>)
      %dma_wait3A_217 = tpu.memref_slice %arg5[%add3A_162] : memref<16384xi32, #tpu.memory_space<hbm>> -> memref<128xi32, #tpu.memory_space<hbm>>
      %dma_wait3A_218 = tpu.memref_slice %arg5[%add3A_162] : memref<16384xi32, #tpu.memory_space<hbm>> -> memref<128xi32, #tpu.memory_space<hbm>>
      tpu.wait_dma2 semaphore(%run_scoped3A : memref<!tpu.dma_semaphore, #tpu.memory_space<semaphore_mem>>) src(%dma_wait3A_218 : memref<128xi32, #tpu.memory_space<hbm>>) dst(%arg19 : memref<128xi32, #tpu.memory_space<vmem>>)
      tpu.yield
    }) : () -> ()
    "tpu.region"() ({
      %run_scoped3A = tpu.sem_alloc : memref<!tpu.dma_semaphore, #tpu.memory_space<semaphore_mem>>
      %dma_start3A_215 = tpu.memref_slice %arg6[%add3A_162] : memref<16384xi32, #tpu.memory_space<hbm>> -> memref<128xi32, #tpu.memory_space<hbm>>
      %dma_start3A_216 = tpu.memref_slice %arg6[%add3A_162] : memref<16384xi32, #tpu.memory_space<hbm>> -> memref<128xi32, #tpu.memory_space<hbm>>
      tpu.enqueue_dma source(%dma_start3A_216 : memref<128xi32, #tpu.memory_space<hbm>>) target(%arg20 : memref<128xi32, #tpu.memory_space<vmem>>) target_semaphore(%run_scoped3A : memref<!tpu.dma_semaphore, #tpu.memory_space<semaphore_mem>>)
      %dma_wait3A_217 = tpu.memref_slice %arg6[%add3A_162] : memref<16384xi32, #tpu.memory_space<hbm>> -> memref<128xi32, #tpu.memory_space<hbm>>
      %dma_wait3A_218 = tpu.memref_slice %arg6[%add3A_162] : memref<16384xi32, #tpu.memory_space<hbm>> -> memref<128xi32, #tpu.memory_space<hbm>>
      tpu.wait_dma2 semaphore(%run_scoped3A : memref<!tpu.dma_semaphore, #tpu.memory_space<semaphore_mem>>) src(%dma_wait3A_218 : memref<128xi32, #tpu.memory_space<hbm>>) dst(%arg20 : memref<128xi32, #tpu.memory_space<vmem>>)
      tpu.yield
    }) : () -> ()
    "tpu.region"() ({
      %run_scoped3A = tpu.sem_alloc : memref<!tpu.dma_semaphore, #tpu.memory_space<semaphore_mem>>
      %dma_start3A_215 = tpu.memref_slice %arg7[%add3A_162] : memref<16384xi32, #tpu.memory_space<hbm>> -> memref<128xi32, #tpu.memory_space<hbm>>
      %dma_start3A_216 = tpu.memref_slice %arg7[%add3A_162] : memref<16384xi32, #tpu.memory_space<hbm>> -> memref<128xi32, #tpu.memory_space<hbm>>
      tpu.enqueue_dma source(%dma_start3A_216 : memref<128xi32, #tpu.memory_space<hbm>>) target(%arg21 : memref<128xi32, #tpu.memory_space<vmem>>) target_semaphore(%run_scoped3A : memref<!tpu.dma_semaphore, #tpu.memory_space<semaphore_mem>>)
      %dma_wait3A_217 = tpu.memref_slice %arg7[%add3A_162] : memref<16384xi32, #tpu.memory_space<hbm>> -> memref<128xi32, #tpu.memory_space<hbm>>
      %dma_wait3A_218 = tpu.memref_slice %arg7[%add3A_162] : memref<16384xi32, #tpu.memory_space<hbm>> -> memref<128xi32, #tpu.memory_space<hbm>>
      tpu.wait_dma2 semaphore(%run_scoped3A : memref<!tpu.dma_semaphore, #tpu.memory_space<semaphore_mem>>) src(%dma_wait3A_218 : memref<128xi32, #tpu.memory_space<hbm>>) dst(%arg21 : memref<128xi32, #tpu.memory_space<vmem>>)
      tpu.yield
    }) : () -> ()
    %dma_start3A_163 = arith.constant 0 : i32
    %dma_start3A_164 = arith.constant 0 : i32
    %dma_start3A_165 = tpu.memref_slice %arg8[%dma_start3A_163, %dma_start3A_164] : memref<1000000x128xf32, #tpu.memory_space<hbm>> -> memref<1000000x128xf32, #tpu.memory_space<hbm>>
    tpu.enqueue_indirect_dma source(%dma_start3A_165 : memref<1000000x128xf32, #tpu.memory_space<hbm>>) target(%arg22 : memref<128x128xf32, #tpu.memory_space<vmem>>) offsets(%arg16 : memref<128xi32, #tpu.memory_space<vmem>>) semaphore(%arg30 : memref<!tpu.dma_semaphore, #tpu.memory_space<semaphore_mem>>)
    %dma_start3A_166 = arith.constant 0 : i32
    %dma_start3A_167 = arith.constant 0 : i32
    %dma_start3A_168 = tpu.memref_slice %arg8[%dma_start3A_166, %dma_start3A_167] : memref<1000000x128xf32, #tpu.memory_space<hbm>> -> memref<1000000x128xf32, #tpu.memory_space<hbm>>
    tpu.enqueue_indirect_dma source(%dma_start3A_168 : memref<1000000x128xf32, #tpu.memory_space<hbm>>) target(%arg23 : memref<128x128xf32, #tpu.memory_space<vmem>>) offsets(%arg17 : memref<128xi32, #tpu.memory_space<vmem>>) semaphore(%arg30 : memref<!tpu.dma_semaphore, #tpu.memory_space<semaphore_mem>>)
    %dma_start3A_169 = arith.constant 0 : i32
    %dma_start3A_170 = arith.constant 0 : i32
    %dma_start3A_171 = tpu.memref_slice %arg9[%dma_start3A_169, %dma_start3A_170] : memref<1000x128xf32, #tpu.memory_space<hbm>> -> memref<1000x128xf32, #tpu.memory_space<hbm>>
    tpu.enqueue_indirect_dma source(%dma_start3A_171 : memref<1000x128xf32, #tpu.memory_space<hbm>>) target(%arg24 : memref<128x128xf32, #tpu.memory_space<vmem>>) offsets(%arg18 : memref<128xi32, #tpu.memory_space<vmem>>) semaphore(%arg30 : memref<!tpu.dma_semaphore, #tpu.memory_space<semaphore_mem>>)
    %dma_start3A_172 = arith.constant 0 : i32
    %dma_start3A_173 = arith.constant 0 : i32
    %dma_start3A_174 = tpu.memref_slice %arg8[%dma_start3A_172, %dma_start3A_173] : memref<1000000x128xf32, #tpu.memory_space<hbm>> -> memref<1000000x128xf32, #tpu.memory_space<hbm>>
    tpu.enqueue_indirect_dma source(%dma_start3A_174 : memref<1000000x128xf32, #tpu.memory_space<hbm>>) target(%arg25 : memref<128x128xf32, #tpu.memory_space<vmem>>) offsets(%arg19 : memref<128xi32, #tpu.memory_space<vmem>>) semaphore(%arg30 : memref<!tpu.dma_semaphore, #tpu.memory_space<semaphore_mem>>)
    %dma_start3A_175 = arith.constant 0 : i32
    %dma_start3A_176 = arith.constant 0 : i32
    %dma_start3A_177 = tpu.memref_slice %arg8[%dma_start3A_175, %dma_start3A_176] : memref<1000000x128xf32, #tpu.memory_space<hbm>> -> memref<1000000x128xf32, #tpu.memory_space<hbm>>
    tpu.enqueue_indirect_dma source(%dma_start3A_177 : memref<1000000x128xf32, #tpu.memory_space<hbm>>) target(%arg26 : memref<128x128xf32, #tpu.memory_space<vmem>>) offsets(%arg20 : memref<128xi32, #tpu.memory_space<vmem>>) semaphore(%arg30 : memref<!tpu.dma_semaphore, #tpu.memory_space<semaphore_mem>>)
    %dma_start3A_178 = arith.constant 0 : i32
    %dma_start3A_179 = arith.constant 0 : i32
    %dma_start3A_180 = tpu.memref_slice %arg9[%dma_start3A_178, %dma_start3A_179] : memref<1000x128xf32, #tpu.memory_space<hbm>> -> memref<1000x128xf32, #tpu.memory_space<hbm>>
    tpu.enqueue_indirect_dma source(%dma_start3A_180 : memref<1000x128xf32, #tpu.memory_space<hbm>>) target(%arg27 : memref<128x128xf32, #tpu.memory_space<vmem>>) offsets(%arg21 : memref<128xi32, #tpu.memory_space<vmem>>) semaphore(%arg30 : memref<!tpu.dma_semaphore, #tpu.memory_space<semaphore_mem>>)
    %dma_wait3A_181 = arith.constant 0 : i32
    %dma_wait3A_182 = arith.constant 0 : i32
    %dma_wait3A_183 = tpu.memref_slice %arg8[%dma_wait3A_181, %dma_wait3A_182] : memref<1000000x128xf32, #tpu.memory_space<hbm>> -> memref<1000000x128xf32, #tpu.memory_space<hbm>>
    tpu.wait_indirect_dma semaphore(%arg30 : memref<!tpu.dma_semaphore, #tpu.memory_space<semaphore_mem>>) src(%dma_wait3A_183 : memref<1000000x128xf32, #tpu.memory_space<hbm>>) dst(%arg22 : memref<128x128xf32, #tpu.memory_space<vmem>>)
    %dma_wait3A_184 = arith.constant 0 : i32
    %dma_wait3A_185 = arith.constant 0 : i32
    %dma_wait3A_186 = tpu.memref_slice %arg8[%dma_wait3A_184, %dma_wait3A_185] : memref<1000000x128xf32, #tpu.memory_space<hbm>> -> memref<1000000x128xf32, #tpu.memory_space<hbm>>
    tpu.wait_indirect_dma semaphore(%arg30 : memref<!tpu.dma_semaphore, #tpu.memory_space<semaphore_mem>>) src(%dma_wait3A_186 : memref<1000000x128xf32, #tpu.memory_space<hbm>>) dst(%arg23 : memref<128x128xf32, #tpu.memory_space<vmem>>)
    %dma_wait3A_187 = arith.constant 0 : i32
    %dma_wait3A_188 = arith.constant 0 : i32
    %dma_wait3A_189 = tpu.memref_slice %arg9[%dma_wait3A_187, %dma_wait3A_188] : memref<1000x128xf32, #tpu.memory_space<hbm>> -> memref<1000x128xf32, #tpu.memory_space<hbm>>
    tpu.wait_indirect_dma semaphore(%arg30 : memref<!tpu.dma_semaphore, #tpu.memory_space<semaphore_mem>>) src(%dma_wait3A_189 : memref<1000x128xf32, #tpu.memory_space<hbm>>) dst(%arg24 : memref<128x128xf32, #tpu.memory_space<vmem>>)
    %dma_wait3A_190 = arith.constant 0 : i32
    %dma_wait3A_191 = arith.constant 0 : i32
    %dma_wait3A_192 = tpu.memref_slice %arg8[%dma_wait3A_190, %dma_wait3A_191] : memref<1000000x128xf32, #tpu.memory_space<hbm>> -> memref<1000000x128xf32, #tpu.memory_space<hbm>>
    tpu.wait_indirect_dma semaphore(%arg30 : memref<!tpu.dma_semaphore, #tpu.memory_space<semaphore_mem>>) src(%dma_wait3A_192 : memref<1000000x128xf32, #tpu.memory_space<hbm>>) dst(%arg25 : memref<128x128xf32, #tpu.memory_space<vmem>>)
    %dma_wait3A_193 = arith.constant 0 : i32
    %dma_wait3A_194 = arith.constant 0 : i32
    %dma_wait3A_195 = tpu.memref_slice %arg8[%dma_wait3A_193, %dma_wait3A_194] : memref<1000000x128xf32, #tpu.memory_space<hbm>> -> memref<1000000x128xf32, #tpu.memory_space<hbm>>
    tpu.wait_indirect_dma semaphore(%arg30 : memref<!tpu.dma_semaphore, #tpu.memory_space<semaphore_mem>>) src(%dma_wait3A_195 : memref<1000000x128xf32, #tpu.memory_space<hbm>>) dst(%arg26 : memref<128x128xf32, #tpu.memory_space<vmem>>)
    %dma_wait3A_196 = arith.constant 0 : i32
    %dma_wait3A_197 = arith.constant 0 : i32
    %dma_wait3A_198 = tpu.memref_slice %arg9[%dma_wait3A_196, %dma_wait3A_197] : memref<1000x128xf32, #tpu.memory_space<hbm>> -> memref<1000x128xf32, #tpu.memory_space<hbm>>
    tpu.wait_indirect_dma semaphore(%arg30 : memref<!tpu.dma_semaphore, #tpu.memory_space<semaphore_mem>>) src(%dma_wait3A_198 : memref<1000x128xf32, #tpu.memory_space<hbm>>) dst(%arg27 : memref<128x128xf32, #tpu.memory_space<vmem>>)
    "tpu.region"() ({
      %run_scoped3A = tpu.sem_alloc : memref<!tpu.dma_semaphore, #tpu.memory_space<semaphore_mem>>
      %dma_start3A_215 = arith.constant 0 : i32
      %dma_start3A_216 = arith.constant 0 : i32
      %dma_start3A_217 = tpu.memref_slice %arg22[%dma_start3A_215, %dma_start3A_216] : memref<128x128xf32, #tpu.memory_space<vmem>> -> memref<128x64xf32, #tpu.memory_space<vmem>>
      %dma_start3A_218 = arith.constant 0 : i32
      %dma_start3A_219 = tpu.memref_slice %arg12[%add3A_162, %dma_start3A_218] : memref<16384x64xf32, #tpu.memory_space<hbm>> -> memref<128x64xf32, #tpu.memory_space<hbm>>
      %dma_start3A_220 = arith.constant 0 : i32
      %dma_start3A_221 = tpu.memref_slice %arg12[%add3A_162, %dma_start3A_220] : memref<16384x64xf32, #tpu.memory_space<hbm>> -> memref<128x64xf32, #tpu.memory_space<hbm>>
      %dma_start3A_222 = arith.constant 0 : i32
      %dma_start3A_223 = arith.constant 0 : i32
      %dma_start3A_224 = tpu.memref_slice %arg22[%dma_start3A_222, %dma_start3A_223] : memref<128x128xf32, #tpu.memory_space<vmem>> -> memref<128x64xf32, #tpu.memory_space<vmem>>
      tpu.enqueue_dma source(%dma_start3A_224 : memref<128x64xf32, #tpu.memory_space<vmem>>) target(%dma_start3A_221 : memref<128x64xf32, #tpu.memory_space<hbm>>) target_semaphore(%run_scoped3A : memref<!tpu.dma_semaphore, #tpu.memory_space<semaphore_mem>>)
      %dma_wait3A_225 = arith.constant 0 : i32
      %dma_wait3A_226 = arith.constant 0 : i32
      %dma_wait3A_227 = tpu.memref_slice %arg22[%dma_wait3A_225, %dma_wait3A_226] : memref<128x128xf32, #tpu.memory_space<vmem>> -> memref<128x64xf32, #tpu.memory_space<vmem>>
      %dma_wait3A_228 = arith.constant 0 : i32
      %dma_wait3A_229 = tpu.memref_slice %arg12[%add3A_162, %dma_wait3A_228] : memref<16384x64xf32, #tpu.memory_space<hbm>> -> memref<128x64xf32, #tpu.memory_space<hbm>>
      %dma_wait3A_230 = arith.constant 0 : i32
      %dma_wait3A_231 = tpu.memref_slice %arg12[%add3A_162, %dma_wait3A_230] : memref<16384x64xf32, #tpu.memory_space<hbm>> -> memref<128x64xf32, #tpu.memory_space<hbm>>
      %dma_wait3A_232 = arith.constant 0 : i32
      %dma_wait3A_233 = arith.constant 0 : i32
      %dma_wait3A_234 = tpu.memref_slice %arg22[%dma_wait3A_232, %dma_wait3A_233] : memref<128x128xf32, #tpu.memory_space<vmem>> -> memref<128x64xf32, #tpu.memory_space<vmem>>
      tpu.wait_dma2 semaphore(%run_scoped3A : memref<!tpu.dma_semaphore, #tpu.memory_space<semaphore_mem>>) src(%dma_wait3A_234 : memref<128x64xf32, #tpu.memory_space<vmem>>) dst(%dma_wait3A_231 : memref<128x64xf32, #tpu.memory_space<hbm>>)
      tpu.yield
    }) : () -> ()
    "tpu.region"() ({
      %run_scoped3A = tpu.sem_alloc : memref<!tpu.dma_semaphore, #tpu.memory_space<semaphore_mem>>
      %dma_start3A_215 = arith.constant 0 : i32
      %dma_start3A_216 = arith.constant 0 : i32
      %dma_start3A_217 = tpu.memref_slice %arg23[%dma_start3A_215, %dma_start3A_216] : memref<128x128xf32, #tpu.memory_space<vmem>> -> memref<128x64xf32, #tpu.memory_space<vmem>>
      %dma_start3A_218 = arith.constant 0 : i32
      %dma_start3A_219 = tpu.memref_slice %arg13[%add3A_162, %dma_start3A_218] : memref<16384x64xf32, #tpu.memory_space<hbm>> -> memref<128x64xf32, #tpu.memory_space<hbm>>
      %dma_start3A_220 = arith.constant 0 : i32
      %dma_start3A_221 = tpu.memref_slice %arg13[%add3A_162, %dma_start3A_220] : memref<16384x64xf32, #tpu.memory_space<hbm>> -> memref<128x64xf32, #tpu.memory_space<hbm>>
      %dma_start3A_222 = arith.constant 0 : i32
      %dma_start3A_223 = arith.constant 0 : i32
      %dma_start3A_224 = tpu.memref_slice %arg23[%dma_start3A_222, %dma_start3A_223] : memref<128x128xf32, #tpu.memory_space<vmem>> -> memref<128x64xf32, #tpu.memory_space<vmem>>
      tpu.enqueue_dma source(%dma_start3A_224 : memref<128x64xf32, #tpu.memory_space<vmem>>) target(%dma_start3A_221 : memref<128x64xf32, #tpu.memory_space<hbm>>) target_semaphore(%run_scoped3A : memref<!tpu.dma_semaphore, #tpu.memory_space<semaphore_mem>>)
      %dma_wait3A_225 = arith.constant 0 : i32
      %dma_wait3A_226 = arith.constant 0 : i32
      %dma_wait3A_227 = tpu.memref_slice %arg23[%dma_wait3A_225, %dma_wait3A_226] : memref<128x128xf32, #tpu.memory_space<vmem>> -> memref<128x64xf32, #tpu.memory_space<vmem>>
      %dma_wait3A_228 = arith.constant 0 : i32
      %dma_wait3A_229 = tpu.memref_slice %arg13[%add3A_162, %dma_wait3A_228] : memref<16384x64xf32, #tpu.memory_space<hbm>> -> memref<128x64xf32, #tpu.memory_space<hbm>>
      %dma_wait3A_230 = arith.constant 0 : i32
      %dma_wait3A_231 = tpu.memref_slice %arg13[%add3A_162, %dma_wait3A_230] : memref<16384x64xf32, #tpu.memory_space<hbm>> -> memref<128x64xf32, #tpu.memory_space<hbm>>
      %dma_wait3A_232 = arith.constant 0 : i32
      %dma_wait3A_233 = arith.constant 0 : i32
      %dma_wait3A_234 = tpu.memref_slice %arg23[%dma_wait3A_232, %dma_wait3A_233] : memref<128x128xf32, #tpu.memory_space<vmem>> -> memref<128x64xf32, #tpu.memory_space<vmem>>
      tpu.wait_dma2 semaphore(%run_scoped3A : memref<!tpu.dma_semaphore, #tpu.memory_space<semaphore_mem>>) src(%dma_wait3A_234 : memref<128x64xf32, #tpu.memory_space<vmem>>) dst(%dma_wait3A_231 : memref<128x64xf32, #tpu.memory_space<hbm>>)
      tpu.yield
    }) : () -> ()
    "tpu.region"() ({
      %run_scoped3A = tpu.sem_alloc : memref<!tpu.dma_semaphore, #tpu.memory_space<semaphore_mem>>
      %dma_start3A_215 = arith.constant 0 : i32
      %dma_start3A_216 = arith.constant 0 : i32
      %dma_start3A_217 = tpu.memref_slice %arg25[%dma_start3A_215, %dma_start3A_216] : memref<128x128xf32, #tpu.memory_space<vmem>> -> memref<128x64xf32, #tpu.memory_space<vmem>>
      %dma_start3A_218 = arith.constant 0 : i32
      %dma_start3A_219 = tpu.memref_slice %arg14[%add3A_162, %dma_start3A_218] : memref<16384x64xf32, #tpu.memory_space<hbm>> -> memref<128x64xf32, #tpu.memory_space<hbm>>
      %dma_start3A_220 = arith.constant 0 : i32
      %dma_start3A_221 = tpu.memref_slice %arg14[%add3A_162, %dma_start3A_220] : memref<16384x64xf32, #tpu.memory_space<hbm>> -> memref<128x64xf32, #tpu.memory_space<hbm>>
      %dma_start3A_222 = arith.constant 0 : i32
      %dma_start3A_223 = arith.constant 0 : i32
      %dma_start3A_224 = tpu.memref_slice %arg25[%dma_start3A_222, %dma_start3A_223] : memref<128x128xf32, #tpu.memory_space<vmem>> -> memref<128x64xf32, #tpu.memory_space<vmem>>
      tpu.enqueue_dma source(%dma_start3A_224 : memref<128x64xf32, #tpu.memory_space<vmem>>) target(%dma_start3A_221 : memref<128x64xf32, #tpu.memory_space<hbm>>) target_semaphore(%run_scoped3A : memref<!tpu.dma_semaphore, #tpu.memory_space<semaphore_mem>>)
      %dma_wait3A_225 = arith.constant 0 : i32
      %dma_wait3A_226 = arith.constant 0 : i32
      %dma_wait3A_227 = tpu.memref_slice %arg25[%dma_wait3A_225, %dma_wait3A_226] : memref<128x128xf32, #tpu.memory_space<vmem>> -> memref<128x64xf32, #tpu.memory_space<vmem>>
      %dma_wait3A_228 = arith.constant 0 : i32
      %dma_wait3A_229 = tpu.memref_slice %arg14[%add3A_162, %dma_wait3A_228] : memref<16384x64xf32, #tpu.memory_space<hbm>> -> memref<128x64xf32, #tpu.memory_space<hbm>>
      %dma_wait3A_230 = arith.constant 0 : i32
      %dma_wait3A_231 = tpu.memref_slice %arg14[%add3A_162, %dma_wait3A_230] : memref<16384x64xf32, #tpu.memory_space<hbm>> -> memref<128x64xf32, #tpu.memory_space<hbm>>
      %dma_wait3A_232 = arith.constant 0 : i32
      %dma_wait3A_233 = arith.constant 0 : i32
      %dma_wait3A_234 = tpu.memref_slice %arg25[%dma_wait3A_232, %dma_wait3A_233] : memref<128x128xf32, #tpu.memory_space<vmem>> -> memref<128x64xf32, #tpu.memory_space<vmem>>
      tpu.wait_dma2 semaphore(%run_scoped3A : memref<!tpu.dma_semaphore, #tpu.memory_space<semaphore_mem>>) src(%dma_wait3A_234 : memref<128x64xf32, #tpu.memory_space<vmem>>) dst(%dma_wait3A_231 : memref<128x64xf32, #tpu.memory_space<hbm>>)
      tpu.yield
    }) : () -> ()
    "tpu.region"() ({
      %run_scoped3A = tpu.sem_alloc : memref<!tpu.dma_semaphore, #tpu.memory_space<semaphore_mem>>
      %dma_start3A_215 = arith.constant 0 : i32
      %dma_start3A_216 = arith.constant 0 : i32
      %dma_start3A_217 = tpu.memref_slice %arg26[%dma_start3A_215, %dma_start3A_216] : memref<128x128xf32, #tpu.memory_space<vmem>> -> memref<128x64xf32, #tpu.memory_space<vmem>>
      %dma_start3A_218 = arith.constant 0 : i32
      %dma_start3A_219 = tpu.memref_slice %arg15[%add3A_162, %dma_start3A_218] : memref<16384x64xf32, #tpu.memory_space<hbm>> -> memref<128x64xf32, #tpu.memory_space<hbm>>
      %dma_start3A_220 = arith.constant 0 : i32
      %dma_start3A_221 = tpu.memref_slice %arg15[%add3A_162, %dma_start3A_220] : memref<16384x64xf32, #tpu.memory_space<hbm>> -> memref<128x64xf32, #tpu.memory_space<hbm>>
      %dma_start3A_222 = arith.constant 0 : i32
      %dma_start3A_223 = arith.constant 0 : i32
      %dma_start3A_224 = tpu.memref_slice %arg26[%dma_start3A_222, %dma_start3A_223] : memref<128x128xf32, #tpu.memory_space<vmem>> -> memref<128x64xf32, #tpu.memory_space<vmem>>
      tpu.enqueue_dma source(%dma_start3A_224 : memref<128x64xf32, #tpu.memory_space<vmem>>) target(%dma_start3A_221 : memref<128x64xf32, #tpu.memory_space<hbm>>) target_semaphore(%run_scoped3A : memref<!tpu.dma_semaphore, #tpu.memory_space<semaphore_mem>>)
      %dma_wait3A_225 = arith.constant 0 : i32
      %dma_wait3A_226 = arith.constant 0 : i32
      %dma_wait3A_227 = tpu.memref_slice %arg26[%dma_wait3A_225, %dma_wait3A_226] : memref<128x128xf32, #tpu.memory_space<vmem>> -> memref<128x64xf32, #tpu.memory_space<vmem>>
      %dma_wait3A_228 = arith.constant 0 : i32
      %dma_wait3A_229 = tpu.memref_slice %arg15[%add3A_162, %dma_wait3A_228] : memref<16384x64xf32, #tpu.memory_space<hbm>> -> memref<128x64xf32, #tpu.memory_space<hbm>>
      %dma_wait3A_230 = arith.constant 0 : i32
      %dma_wait3A_231 = tpu.memref_slice %arg15[%add3A_162, %dma_wait3A_230] : memref<16384x64xf32, #tpu.memory_space<hbm>> -> memref<128x64xf32, #tpu.memory_space<hbm>>
      %dma_wait3A_232 = arith.constant 0 : i32
      %dma_wait3A_233 = arith.constant 0 : i32
      %dma_wait3A_234 = tpu.memref_slice %arg26[%dma_wait3A_232, %dma_wait3A_233] : memref<128x128xf32, #tpu.memory_space<vmem>> -> memref<128x64xf32, #tpu.memory_space<vmem>>
      tpu.wait_dma2 semaphore(%run_scoped3A : memref<!tpu.dma_semaphore, #tpu.memory_space<semaphore_mem>>) src(%dma_wait3A_234 : memref<128x64xf32, #tpu.memory_space<vmem>>) dst(%dma_wait3A_231 : memref<128x64xf32, #tpu.memory_space<hbm>>)
      tpu.yield
    }) : () -> ()
    %iota3A_199 = tpu.iota {dimensions = array<i32: 0>} : vector<16xi32>
    %scan3A_200 = arith.constant 0 : i32
    %scan3A_201 = arith.constant 0 : i32
    %scan3A_202 = arith.constant 8 : i32
    %scan3A_203 = arith.addi %scan3A_201, %scan3A_202 : i32
    %scan3A_204 = arith.constant 1 : i32
    %scan3A_205 = scf.for %scan3A_215 = %scan3A_201 to %scan3A_203 step %scan3A_204 iter_args(%scan3A_216 = %scan3A_200) -> (i32)  : i32 {
      %broadcast_in_dim3A = arith.constant 0.000000e+00 : f32
      %broadcast_in_dim3A_217 = vector.broadcast %broadcast_in_dim3A : f32 to vector<16xf32>
      %scan3A_218 = arith.constant 0 : i32
      %scan3A_219 = arith.constant 16 : i32
      %scan3A_220 = arith.addi %scan3A_218, %scan3A_219 : i32
      %scan3A_221 = arith.constant 1 : i32
      %scan3A_222 = scf.for %scan3A_248 = %scan3A_218 to %scan3A_220 step %scan3A_221 iter_args(%scan3A_249 = %broadcast_in_dim3A_217) -> (vector<16xf32>)  : i32 {
        %mul3A_250 = arith.constant 16 : i32
        %mul3A_251 = arith.muli %scan3A_215, %mul3A_250 : i32
        %add3A_252 = arith.addi %mul3A_251, %scan3A_248 : i32
        %broadcast_in_dim3A_253 = arith.constant 0.000000e+00 : f32
        %broadcast_in_dim3A_254 = vector.broadcast %broadcast_in_dim3A_253 : f32 to vector<16xf32>
        %get3A = arith.index_cast %add3A_252 : i32 to index
        %get3A_255 = arith.constant 0 : index
        %get3A_256 = tpu.vector_load %arg22[%get3A, %get3A_255] {strides = array<i32>} : memref<128x128xf32, #tpu.memory_space<vmem>>, vector<16xf32>,
        %get3A_257 = arith.index_cast %add3A_252 : i32 to index
        %get3A_258 = arith.constant 0 : index
        %get3A_259 = tpu.vector_load %arg24[%get3A_257, %get3A_258] {strides = array<i32>} : memref<128x128xf32, #tpu.memory_space<vmem>>, vector<16xf32>,
        %add3A_260 = arith.addf %get3A_256, %get3A_259 : vector<16xf32>
        %get3A_261 = arith.index_cast %add3A_252 : i32 to index
        %get3A_262 = arith.constant 0 : index
        %get3A_263 = tpu.vector_load %arg23[%get3A_261, %get3A_262] {strides = array<i32>} : memref<128x128xf32, #tpu.memory_space<vmem>>, vector<16xf32>,
        %sub3A = arith.subf %add3A_260, %get3A_263 : vector<16xf32>
        %mul3A_264 = arith.mulf %sub3A, %sub3A : vector<16xf32>
        %add3A_265 = arith.addf %broadcast_in_dim3A_254, %mul3A_264 : vector<16xf32>
        %get3A_266 = arith.index_cast %add3A_252 : i32 to index
        %get3A_267 = arith.constant 16 : index
        %get3A_268 = tpu.vector_load %arg22[%get3A_266, %get3A_267] {strides = array<i32>} : memref<128x128xf32, #tpu.memory_space<vmem>>, vector<16xf32>,
        %get3A_269 = arith.index_cast %add3A_252 : i32 to index
        %get3A_270 = arith.constant 16 : index
        %get3A_271 = tpu.vector_load %arg24[%get3A_269, %get3A_270] {strides = array<i32>} : memref<128x128xf32, #tpu.memory_space<vmem>>, vector<16xf32>,
        %add3A_272 = arith.addf %get3A_268, %get3A_271 : vector<16xf32>
        %get3A_273 = arith.index_cast %add3A_252 : i32 to index
        %get3A_274 = arith.constant 16 : index
        %get3A_275 = tpu.vector_load %arg23[%get3A_273, %get3A_274] {strides = array<i32>} : memref<128x128xf32, #tpu.memory_space<vmem>>, vector<16xf32>,
        %sub3A_276 = arith.subf %add3A_272, %get3A_275 : vector<16xf32>
        %mul3A_277 = arith.mulf %sub3A_276, %sub3A_276 : vector<16xf32>
        %add3A_278 = arith.addf %add3A_265, %mul3A_277 : vector<16xf32>
        %get3A_279 = arith.index_cast %add3A_252 : i32 to index
        %get3A_280 = arith.constant 32 : index
        %get3A_281 = tpu.vector_load %arg22[%get3A_279, %get3A_280] {strides = array<i32>} : memref<128x128xf32, #tpu.memory_space<vmem>>, vector<16xf32>,
        %get3A_282 = arith.index_cast %add3A_252 : i32 to index
        %get3A_283 = arith.constant 32 : index
        %get3A_284 = tpu.vector_load %arg24[%get3A_282, %get3A_283] {strides = array<i32>} : memref<128x128xf32, #tpu.memory_space<vmem>>, vector<16xf32>,
        %add3A_285 = arith.addf %get3A_281, %get3A_284 : vector<16xf32>
        %get3A_286 = arith.index_cast %add3A_252 : i32 to index
        %get3A_287 = arith.constant 32 : index
        %get3A_288 = tpu.vector_load %arg23[%get3A_286, %get3A_287] {strides = array<i32>} : memref<128x128xf32, #tpu.memory_space<vmem>>, vector<16xf32>,
        %sub3A_289 = arith.subf %add3A_285, %get3A_288 : vector<16xf32>
        %mul3A_290 = arith.mulf %sub3A_289, %sub3A_289 : vector<16xf32>
        %add3A_291 = arith.addf %add3A_278, %mul3A_290 : vector<16xf32>
        %get3A_292 = arith.index_cast %add3A_252 : i32 to index
        %get3A_293 = arith.constant 48 : index
        %get3A_294 = tpu.vector_load %arg22[%get3A_292, %get3A_293] {strides = array<i32>} : memref<128x128xf32, #tpu.memory_space<vmem>>, vector<16xf32>,
        %get3A_295 = arith.index_cast %add3A_252 : i32 to index
        %get3A_296 = arith.constant 48 : index
        %get3A_297 = tpu.vector_load %arg24[%get3A_295, %get3A_296] {strides = array<i32>} : memref<128x128xf32, #tpu.memory_space<vmem>>, vector<16xf32>,
        %add3A_298 = arith.addf %get3A_294, %get3A_297 : vector<16xf32>
        %get3A_299 = arith.index_cast %add3A_252 : i32 to index
        %get3A_300 = arith.constant 48 : index
        %get3A_301 = tpu.vector_load %arg23[%get3A_299, %get3A_300] {strides = array<i32>} : memref<128x128xf32, #tpu.memory_space<vmem>>, vector<16xf32>,
        %sub3A_302 = arith.subf %add3A_298, %get3A_301 : vector<16xf32>
        %mul3A_303 = arith.mulf %sub3A_302, %sub3A_302 : vector<16xf32>
        %add3A_304 = arith.addf %add3A_291, %mul3A_303 : vector<16xf32>
        %reduce_sum3A = arith.constant true
        %reduce_sum3A_305 = vector.broadcast %reduce_sum3A : i1 to vector<16xi1>
        %reduce_sum3A_306 = tpu.scan <sum>, %add3A_304 masked %reduce_sum3A_305 : vector<16xf32>, vector<16xi1> -> vector<16xf32>
        %reduce_sum3A_307 = vector.extract %reduce_sum3A_306[15] : f32 from vector<16xf32>
        %eq3A = vector.broadcast %scan3A_248 : i32 to vector<16xi32>
        %eq3A_308 = arith.cmpi eq, %iota3A_199, %eq3A : vector<16xi32>
        %broadcast_in_dim3A_309 = vector.broadcast %reduce_sum3A_307 : f32 to vector<16xf32>
        %select_n3A = arith.select %eq3A_308, %broadcast_in_dim3A_309, %scan3A_249 : vector<16xi1>, vector<16xf32>
        scf.yield %select_n3A : vector<16xf32>
      }
      %scan3A_223 = arith.constant 16 : i32
      %bitcast_convert_type3A = tpu.bitcast %scan3A_222 : vector<16xf32> -> vector<16xi32>
      %shift_right_logical3A = arith.constant 1 : i32
      %shift_right_logical3A_224 = vector.broadcast %shift_right_logical3A : i32 to vector<16xi32>
      %shift_right_logical3A_225 = arith.shrui %bitcast_convert_type3A, %shift_right_logical3A_224 : vector<16xi32>
      %add3A_226 = arith.constant 532487669 : i32
      %add3A_227 = vector.broadcast %add3A_226 : i32 to vector<16xi32>
      %add3A_228 = arith.addi %shift_right_logical3A_225, %add3A_227 : vector<16xi32>
      %bitcast_convert_type3A_229 = tpu.bitcast %add3A_228 : vector<16xi32> -> vector<16xf32>
      %div3A = arith.divf %scan3A_222, %bitcast_convert_type3A_229 : vector<16xf32>
      %add3A_230 = arith.addf %bitcast_convert_type3A_229, %div3A : vector<16xf32>
      %mul3A_231 = arith.constant 5.000000e-01 : f32
      %mul3A_232 = vector.broadcast %mul3A_231 : f32 to vector<16xf32>
      %mul3A_233 = arith.mulf %mul3A_232, %add3A_230 : vector<16xf32>
      %div3A_234 = arith.divf %scan3A_222, %mul3A_233 : vector<16xf32>
      %add3A_235 = arith.addf %mul3A_233, %div3A_234 : vector<16xf32>
      %mul3A_236 = arith.constant 5.000000e-01 : f32
      %mul3A_237 = vector.broadcast %mul3A_236 : f32 to vector<16xf32>
      %mul3A_238 = arith.mulf %mul3A_237, %add3A_235 : vector<16xf32>
      %div3A_239 = arith.divf %scan3A_222, %mul3A_238 : vector<16xf32>
      %add3A_240 = arith.addf %mul3A_238, %div3A_239 : vector<16xf32>
      %mul3A_241 = arith.constant 5.000000e-01 : f32
      %mul3A_242 = vector.broadcast %mul3A_241 : f32 to vector<16xf32>
      %mul3A_243 = arith.mulf %mul3A_242, %add3A_240 : vector<16xf32>
      %mul3A_244 = arith.constant 16 : i32
      %mul3A_245 = arith.muli %scan3A_215, %mul3A_244 : i32
      %swap3A = arith.index_cast %mul3A_245 : i32 to index
      %swap3A_246 = tpu.vector_load %arg28[%swap3A] {strides = array<i32>} : memref<128xf32, #tpu.memory_space<vmem>>, vector<16xf32>,
      tpu.vector_store %arg28[%swap3A], %mul3A_243 {strides = array<i32>} : memref<128xf32, #tpu.memory_space<vmem>>, vector<16xf32>,
      %scan3A_247 = arith.constant 0 : i32
      scf.yield %scan3A_247 : i32
    }
    %scan3A_206 = arith.constant 8 : i32
    %iota3A_207 = tpu.iota {dimensions = array<i32: 0>} : vector<16xi32>
    %scan3A_208 = arith.constant 0 : i32
    %scan3A_209 = arith.constant 0 : i32
    %scan3A_210 = arith.constant 8 : i32
    %scan3A_211 = arith.addi %scan3A_209, %scan3A_210 : i32
    %scan3A_212 = arith.constant 1 : i32
    %scan3A_213 = scf.for %scan3A_215 = %scan3A_209 to %scan3A_211 step %scan3A_212 iter_args(%scan3A_216 = %scan3A_208) -> (i32)  : i32 {
      %broadcast_in_dim3A = arith.constant 0.000000e+00 : f32
      %broadcast_in_dim3A_217 = vector.broadcast %broadcast_in_dim3A : f32 to vector<16xf32>
      %scan3A_218 = arith.constant 0 : i32
      %scan3A_219 = arith.constant 16 : i32
      %scan3A_220 = arith.addi %scan3A_218, %scan3A_219 : i32
      %scan3A_221 = arith.constant 1 : i32
      %scan3A_222 = scf.for %scan3A_248 = %scan3A_218 to %scan3A_220 step %scan3A_221 iter_args(%scan3A_249 = %broadcast_in_dim3A_217) -> (vector<16xf32>)  : i32 {
        %mul3A_250 = arith.constant 16 : i32
        %mul3A_251 = arith.muli %scan3A_215, %mul3A_250 : i32
        %add3A_252 = arith.addi %mul3A_251, %scan3A_248 : i32
        %broadcast_in_dim3A_253 = arith.constant 0.000000e+00 : f32
        %broadcast_in_dim3A_254 = vector.broadcast %broadcast_in_dim3A_253 : f32 to vector<16xf32>
        %get3A = arith.index_cast %add3A_252 : i32 to index
        %get3A_255 = arith.constant 0 : index
        %get3A_256 = tpu.vector_load %arg25[%get3A, %get3A_255] {strides = array<i32>} : memref<128x128xf32, #tpu.memory_space<vmem>>, vector<16xf32>,
        %get3A_257 = arith.index_cast %add3A_252 : i32 to index
        %get3A_258 = arith.constant 0 : index
        %get3A_259 = tpu.vector_load %arg27[%get3A_257, %get3A_258] {strides = array<i32>} : memref<128x128xf32, #tpu.memory_space<vmem>>, vector<16xf32>,
        %add3A_260 = arith.addf %get3A_256, %get3A_259 : vector<16xf32>
        %get3A_261 = arith.index_cast %add3A_252 : i32 to index
        %get3A_262 = arith.constant 0 : index
        %get3A_263 = tpu.vector_load %arg26[%get3A_261, %get3A_262] {strides = array<i32>} : memref<128x128xf32, #tpu.memory_space<vmem>>, vector<16xf32>,
        %sub3A = arith.subf %add3A_260, %get3A_263 : vector<16xf32>
        %mul3A_264 = arith.mulf %sub3A, %sub3A : vector<16xf32>
        %add3A_265 = arith.addf %broadcast_in_dim3A_254, %mul3A_264 : vector<16xf32>
        %get3A_266 = arith.index_cast %add3A_252 : i32 to index
        %get3A_267 = arith.constant 16 : index
        %get3A_268 = tpu.vector_load %arg25[%get3A_266, %get3A_267] {strides = array<i32>} : memref<128x128xf32, #tpu.memory_space<vmem>>, vector<16xf32>,
        %get3A_269 = arith.index_cast %add3A_252 : i32 to index
        %get3A_270 = arith.constant 16 : index
        %get3A_271 = tpu.vector_load %arg27[%get3A_269, %get3A_270] {strides = array<i32>} : memref<128x128xf32, #tpu.memory_space<vmem>>, vector<16xf32>,
        %add3A_272 = arith.addf %get3A_268, %get3A_271 : vector<16xf32>
        %get3A_273 = arith.index_cast %add3A_252 : i32 to index
        %get3A_274 = arith.constant 16 : index
        %get3A_275 = tpu.vector_load %arg26[%get3A_273, %get3A_274] {strides = array<i32>} : memref<128x128xf32, #tpu.memory_space<vmem>>, vector<16xf32>,
        %sub3A_276 = arith.subf %add3A_272, %get3A_275 : vector<16xf32>
        %mul3A_277 = arith.mulf %sub3A_276, %sub3A_276 : vector<16xf32>
        %add3A_278 = arith.addf %add3A_265, %mul3A_277 : vector<16xf32>
        %get3A_279 = arith.index_cast %add3A_252 : i32 to index
        %get3A_280 = arith.constant 32 : index
        %get3A_281 = tpu.vector_load %arg25[%get3A_279, %get3A_280] {strides = array<i32>} : memref<128x128xf32, #tpu.memory_space<vmem>>, vector<16xf32>,
        %get3A_282 = arith.index_cast %add3A_252 : i32 to index
        %get3A_283 = arith.constant 32 : index
        %get3A_284 = tpu.vector_load %arg27[%get3A_282, %get3A_283] {strides = array<i32>} : memref<128x128xf32, #tpu.memory_space<vmem>>, vector<16xf32>,
        %add3A_285 = arith.addf %get3A_281, %get3A_284 : vector<16xf32>
        %get3A_286 = arith.index_cast %add3A_252 : i32 to index
        %get3A_287 = arith.constant 32 : index
        %get3A_288 = tpu.vector_load %arg26[%get3A_286, %get3A_287] {strides = array<i32>} : memref<128x128xf32, #tpu.memory_space<vmem>>, vector<16xf32>,
        %sub3A_289 = arith.subf %add3A_285, %get3A_288 : vector<16xf32>
        %mul3A_290 = arith.mulf %sub3A_289, %sub3A_289 : vector<16xf32>
        %add3A_291 = arith.addf %add3A_278, %mul3A_290 : vector<16xf32>
        %get3A_292 = arith.index_cast %add3A_252 : i32 to index
        %get3A_293 = arith.constant 48 : index
        %get3A_294 = tpu.vector_load %arg25[%get3A_292, %get3A_293] {strides = array<i32>} : memref<128x128xf32, #tpu.memory_space<vmem>>, vector<16xf32>,
        %get3A_295 = arith.index_cast %add3A_252 : i32 to index
        %get3A_296 = arith.constant 48 : index
        %get3A_297 = tpu.vector_load %arg27[%get3A_295, %get3A_296] {strides = array<i32>} : memref<128x128xf32, #tpu.memory_space<vmem>>, vector<16xf32>,
        %add3A_298 = arith.addf %get3A_294, %get3A_297 : vector<16xf32>
        %get3A_299 = arith.index_cast %add3A_252 : i32 to index
        %get3A_300 = arith.constant 48 : index
        %get3A_301 = tpu.vector_load %arg26[%get3A_299, %get3A_300] {strides = array<i32>} : memref<128x128xf32, #tpu.memory_space<vmem>>, vector<16xf32>,
        %sub3A_302 = arith.subf %add3A_298, %get3A_301 : vector<16xf32>
        %mul3A_303 = arith.mulf %sub3A_302, %sub3A_302 : vector<16xf32>
        %add3A_304 = arith.addf %add3A_291, %mul3A_303 : vector<16xf32>
        %reduce_sum3A = arith.constant true
        %reduce_sum3A_305 = vector.broadcast %reduce_sum3A : i1 to vector<16xi1>
        %reduce_sum3A_306 = tpu.scan <sum>, %add3A_304 masked %reduce_sum3A_305 : vector<16xf32>, vector<16xi1> -> vector<16xf32>
        %reduce_sum3A_307 = vector.extract %reduce_sum3A_306[15] : f32 from vector<16xf32>
        %eq3A = vector.broadcast %scan3A_248 : i32 to vector<16xi32>
        %eq3A_308 = arith.cmpi eq, %iota3A_207, %eq3A : vector<16xi32>
        %broadcast_in_dim3A_309 = vector.broadcast %reduce_sum3A_307 : f32 to vector<16xf32>
        %select_n3A = arith.select %eq3A_308, %broadcast_in_dim3A_309, %scan3A_249 : vector<16xi1>, vector<16xf32>
        scf.yield %select_n3A : vector<16xf32>
      }
      %scan3A_223 = arith.constant 16 : i32
      %bitcast_convert_type3A = tpu.bitcast %scan3A_222 : vector<16xf32> -> vector<16xi32>
      %shift_right_logical3A = arith.constant 1 : i32
      %shift_right_logical3A_224 = vector.broadcast %shift_right_logical3A : i32 to vector<16xi32>
      %shift_right_logical3A_225 = arith.shrui %bitcast_convert_type3A, %shift_right_logical3A_224 : vector<16xi32>
      %add3A_226 = arith.constant 532487669 : i32
      %add3A_227 = vector.broadcast %add3A_226 : i32 to vector<16xi32>
      %add3A_228 = arith.addi %shift_right_logical3A_225, %add3A_227 : vector<16xi32>
      %bitcast_convert_type3A_229 = tpu.bitcast %add3A_228 : vector<16xi32> -> vector<16xf32>
      %div3A = arith.divf %scan3A_222, %bitcast_convert_type3A_229 : vector<16xf32>
      %add3A_230 = arith.addf %bitcast_convert_type3A_229, %div3A : vector<16xf32>
      %mul3A_231 = arith.constant 5.000000e-01 : f32
      %mul3A_232 = vector.broadcast %mul3A_231 : f32 to vector<16xf32>
      %mul3A_233 = arith.mulf %mul3A_232, %add3A_230 : vector<16xf32>
      %div3A_234 = arith.divf %scan3A_222, %mul3A_233 : vector<16xf32>
      %add3A_235 = arith.addf %mul3A_233, %div3A_234 : vector<16xf32>
      %mul3A_236 = arith.constant 5.000000e-01 : f32
      %mul3A_237 = vector.broadcast %mul3A_236 : f32 to vector<16xf32>
      %mul3A_238 = arith.mulf %mul3A_237, %add3A_235 : vector<16xf32>
      %div3A_239 = arith.divf %scan3A_222, %mul3A_238 : vector<16xf32>
      %add3A_240 = arith.addf %mul3A_238, %div3A_239 : vector<16xf32>
      %mul3A_241 = arith.constant 5.000000e-01 : f32
      %mul3A_242 = vector.broadcast %mul3A_241 : f32 to vector<16xf32>
      %mul3A_243 = arith.mulf %mul3A_242, %add3A_240 : vector<16xf32>
      %mul3A_244 = arith.constant 16 : i32
      %mul3A_245 = arith.muli %scan3A_215, %mul3A_244 : i32
      %swap3A = arith.index_cast %mul3A_245 : i32 to index
      %swap3A_246 = tpu.vector_load %arg29[%swap3A] {strides = array<i32>} : memref<128xf32, #tpu.memory_space<vmem>>, vector<16xf32>,
      tpu.vector_store %arg29[%swap3A], %mul3A_243 {strides = array<i32>} : memref<128xf32, #tpu.memory_space<vmem>>, vector<16xf32>,
      %scan3A_247 = arith.constant 0 : i32
      scf.yield %scan3A_247 : i32
    }
    %scan3A_214 = arith.constant 8 : i32
    "tpu.region"() ({
      %run_scoped3A = tpu.sem_alloc : memref<!tpu.dma_semaphore, #tpu.memory_space<semaphore_mem>>
      %dma_start3A_215 = tpu.memref_slice %arg10[%add3A_162] : memref<16384xf32, #tpu.memory_space<hbm>> -> memref<128xf32, #tpu.memory_space<hbm>>
      %dma_start3A_216 = tpu.memref_slice %arg10[%add3A_162] : memref<16384xf32, #tpu.memory_space<hbm>> -> memref<128xf32, #tpu.memory_space<hbm>>
      tpu.enqueue_dma source(%arg28 : memref<128xf32, #tpu.memory_space<vmem>>) target(%dma_start3A_216 : memref<128xf32, #tpu.memory_space<hbm>>) target_semaphore(%run_scoped3A : memref<!tpu.dma_semaphore, #tpu.memory_space<semaphore_mem>>)
      %dma_wait3A_217 = tpu.memref_slice %arg10[%add3A_162] : memref<16384xf32, #tpu.memory_space<hbm>> -> memref<128xf32, #tpu.memory_space<hbm>>
      %dma_wait3A_218 = tpu.memref_slice %arg10[%add3A_162] : memref<16384xf32, #tpu.memory_space<hbm>> -> memref<128xf32, #tpu.memory_space<hbm>>
      tpu.wait_dma2 semaphore(%run_scoped3A : memref<!tpu.dma_semaphore, #tpu.memory_space<semaphore_mem>>) src(%arg28 : memref<128xf32, #tpu.memory_space<vmem>>) dst(%dma_wait3A_218 : memref<128xf32, #tpu.memory_space<hbm>>)
      tpu.yield
    }) : () -> ()
    "tpu.region"() ({
      %run_scoped3A = tpu.sem_alloc : memref<!tpu.dma_semaphore, #tpu.memory_space<semaphore_mem>>
      %dma_start3A_215 = tpu.memref_slice %arg11[%add3A_162] : memref<16384xf32, #tpu.memory_space<hbm>> -> memref<128xf32, #tpu.memory_space<hbm>>
      %dma_start3A_216 = tpu.memref_slice %arg11[%add3A_162] : memref<16384xf32, #tpu.memory_space<hbm>> -> memref<128xf32, #tpu.memory_space<hbm>>
      tpu.enqueue_dma source(%arg29 : memref<128xf32, #tpu.memory_space<vmem>>) target(%dma_start3A_216 : memref<128xf32, #tpu.memory_space<hbm>>) target_semaphore(%run_scoped3A : memref<!tpu.dma_semaphore, #tpu.memory_space<semaphore_mem>>)
      %dma_wait3A_217 = tpu.memref_slice %arg11[%add3A_162] : memref<16384xf32, #tpu.memory_space<hbm>> -> memref<128xf32, #tpu.memory_space<hbm>>
      %dma_wait3A_218 = tpu.memref_slice %arg11[%add3A_162] : memref<16384xf32, #tpu.memory_space<hbm>> -> memref<128xf32, #tpu.memory_space<hbm>>
      tpu.wait_dma2 semaphore(%run_scoped3A : memref<!tpu.dma_semaphore, #tpu.memory_space<semaphore_mem>>) src(%arg29 : memref<128xf32, #tpu.memory_space<vmem>>) dst(%dma_wait3A_218 : memref<128xf32, #tpu.memory_space<hbm>>)
      tpu.yield
    }) : () -> ()
    return
  }
}

</mosaic_0001>

<sc_bundles>
// kernel: kernel.3.cloned.1.call-start
scs
__scs_entry_jumppad:
0x0: {  	(pc) =	sbr.rel $0x88, $3  }
0x1: {  	(tag) =	ssettag $0x0;
	lr =	simm.s32 $0x1  }
0x2: {  	[smem:$0x3F99] =	sst lr;
	_ =	strace $0xD0000000  }
0x3: {  	_ = 	snop  }
0x4: {  	_ = 	snop  }
0x5: {  	_ = 	snop  }
0x6: {  	_ = 	snop  }
0x7: {  	_ = 	snop  }
__scs_overlays_trampoline_lowered:
0x8: {  	[smem:$0x3FA8] =	sst s0  }
0x9: {  	[smem:$0x3FA9] =	sst s1  }
0xa: {  	[smem:$0x3FAA] =	sst s2  }
0xb: {  	[smem:$0x3FAB] =	sst s3  }
0xc: {  	[smem:$0x3FAC] =	sst s4  }
0xd: {  	[smem:$0x3FAD] =	sst s5  }
0xe: {  	[smem:$0x3FAE] =	sst s6  }
0xf: {  	[smem:$0x3FAF] =	sst s7  }
0x10: {  	[smem:$0x3FB0] =	sst s8  }
0x11: {  	[smem:$0x3FB1] =	sst s9;
	s0 =	simm.s32 @!p0 $0x0  }
0x12: {  	s1 =	sld [smem:$0x3F97];
	s0 =	simm.s32 @p0 $0x1  }
0x13: {  	[smem:$0x3FB2] =	sst s0;
	s0 =	simm.s32 @!p1 $0x0  }
0x14: {  	s2 =	sld [smem:$0x3F96];
	s0 =	simm.s32 @p1 $0x1  }
0x15: {  	[smem:$0x3FB3] =	sst s0;
	s0 =	simm.s32 @!p2 $0x0  }
0x16: {  	s3 =	sld [smem:$0x3FDB];
	s0 =	simm.s32 @p2 $0x1  }
0x17: {  	s4 =	simm.s32 $0x1BF5;
	[smem:$0x3FB5] =	sst s0  }
0x18: {  	s0 =	sld [smem:$0x3F98];
	_ =	swait.ge [sflag:s4], $0x0  }
0x19: {  	s7 =	sld [smem:$0x3F99]  }
0x1a: {  	s8 =	sadd.s32 $0xFFFFE003, lr  }
0x1b: {  	s9 =	sadd.s32 $0xFFFFFEF7, lr;
	s5 =	simm.s32 $0xFFFFFFFF;
	p2 =	slt.u32 s8, $0xFFFFF086  }
0x1c: {  	p1 =	slt.u32 s9, $0xF7A;
	s5 =	simm.s32 @!p2 $0x0  }
0x1d: {  	s5 =	simm.s32 @p1 $0x1;
	p0 =	seq.s32 s7, s2  }
0x1e: {  	s7 =	smul.u32 @!p0 $0xF7A, s2;
	p2 =	seq.s32 @!p0 s5, $0x0  }
0x1f: {  	s9 =	smul.u32 $0xF7A, s1;
	s8 =	simm.s32 @!p0 $0x1BF5;
	p2 =	por !p2, p0  }
0x20: {  	[sflag:s8] =	ssyncset.s32 @!p0 $0xFFFFF086;
	s6 =	sadd.s32 @!p0 s3, s7;
	s7 =	simm.s32 @!p0 $0x108  }
0x21: {  	s3 =	sadd.s32 s3, s9;
	s6 =	sadd.s32 @!p0 $0x88, s6;
	s7 =	simm.s32 @p2 $0x1082  }
0x22: {  	[simem:s7], [sflag:s8] =	dma.local @!p0 [hbm:s6], $0xF7A  }
0x23: {  	s9 =	sor.u32 $0xD0000000, s2;
	s6 =	simm.s32 $0x108;
	_ =	swait.ge @!p0 [sflag:s8], $0x0  }
0x24: {  	s3 =	sadd.s32 $0x88, s3;
	s6 =	simm.s32 @!p1 $0x1082;
	[sflag:s4] =	ssyncset.s32 $0xFFFFF086  }
0x25: {  	[simem:s6], [sflag:s4] =	dma.local [hbm:s3], $0xF7A  }
0x26: {  	[smem:$0x3F99] =	sst s1;
	(tag) =	ssettag s2;
	_ =	strace s9  }
0x27: {  	s1 =	sld [smem:$0x3FA9]  }
0x28: {  	s2 =	sld [smem:$0x3FAA]  }
0x29: {  	s4 =	sld [smem:$0x3FAC]  }
0x2a: {  	p0 =	seq.s32 s5, $0x0;
	s5 =	sld [smem:$0x3FAD]  }
0x2b: {  	s6 =	sld [smem:$0x3FAE]  }
0x2c: {  	s7 =	sld [smem:$0x3FAF]  }
0x2d: {  	s3 =	simm.s32 $0x108;
	s8 =	sld [smem:$0x3FB0]  }
0x2e: {  	s3 =	simm.s32 @!p0 $0x1082;
	s9 =	sld [smem:$0x3FB1]  }
0x2f: {  	lr =	sadd.s32 s0, s3;
	s0 =	sld [smem:$0x3FA8]  }
0x30: {  	s3 =	sld [smem:$0x3FAB]  }
0x31: {  	[smem:$0x3FB4] =	sst s10  }
0x32: {  	s10 =	sld [smem:$0x3FB2];
	_ =	sdelay $0x3  }
0x33: {  	p0 =	seq.s32 s10, $0x1;
	s10 =	sld [smem:$0x3FB4];
	_ =	sdelay $0x3  }
0x34: {  	[smem:$0x3FB4] =	sst s10  }
0x35: {  	s10 =	sld [smem:$0x3FB3];
	_ =	sdelay $0x3  }
0x36: {  	p1 =	seq.s32 s10, $0x1;
	s10 =	sld [smem:$0x3FB4];
	_ =	sdelay $0x3  }
0x37: {  	[smem:$0x3FB4] =	sst s10  }
0x38: {  	s10 =	sld [smem:$0x3FB5]  }
0x39: {  	_ = 	snop;
	(pc) =	sbr.ind lr, $3  }
0x3a: {  	_ = 	snop  }
0x3b: {  	_ = 	snop  }
0x3c: {  	p2 =	seq.s32 s10, $0x1;
	s10 =	sld [smem:$0x3FB4]  }
0x3d: {  	_ =	shalt  }
0x3e: {  	_ =	shalt  }
0x3f: {  	_ =	shalt  }
0x40: {  	_ =	shalt  }
0x41: {  	_ =	shalt  }
0x42: {  	_ =	shalt  }
0x43: {  	_ =	shalt  }
0x44: {  	_ =	shalt  }
0x45: {  	_ =	shalt  }
0x46: {  	_ =	shalt  }
0x47: {  	_ =	shalt  }
0x48: {  	_ =	shalt  }
0x49: {  	_ =	shalt  }
0x4a: {  	_ =	shalt  }
0x4b: {  	_ =	shalt  }
0x4c: {  	_ =	shalt  }
0x4d: {  	_ =	shalt  }
0x4e: {  	_ =	shalt  }
0x4f: {  	_ =	shalt  }
0x50: {  	_ =	shalt  }
0x51: {  	_ =	shalt  }
0x52: {  	_ =	shalt  }
0x53: {  	_ =	shalt  }
0x54: {  	_ =	shalt  }
0x55: {  	_ =	shalt  }
0x56: {  	_ =	shalt  }
0x57: {  	_ =	shalt  }
0x58: {  	_ =	shalt  }
0x59: {  	_ =	shalt  }
0x5a: {  	_ =	shalt  }
0x5b: {  	_ =	shalt  }
0x5c: {  	_ =	shalt  }
0x5d: {  	_ =	shalt  }
0x5e: {  	_ =	shalt  }
0x5f: {  	_ =	shalt  }
0x60: {  	_ =	shalt  }
0x61: {  	_ =	shalt  }
0x62: {  	_ =	shalt  }
0x63: {  	_ =	shalt  }
0x64: {  	_ =	shalt  }
0x65: {  	_ =	shalt  }
0x66: {  	_ =	shalt  }
0x67: {  	_ =	shalt  }
0x68: {  	_ =	shalt  }
0x69: {  	_ =	shalt  }
0x6a: {  	_ =	shalt  }
0x6b: {  	_ =	shalt  }
0x6c: {  	_ =	shalt  }
0x6d: {  	_ =	shalt  }
0x6e: {  	_ =	shalt  }
0x6f: {  	_ =	shalt  }
0x70: {  	_ =	shalt  }
0x71: {  	_ =	shalt  }
0x72: {  	_ =	shalt  }
0x73: {  	_ =	shalt  }
0x74: {  	_ =	shalt  }
0x75: {  	_ =	shalt  }
0x76: {  	_ =	shalt  }
0x77: {  	_ =	shalt  }
0x78: {  	_ =	shalt  }
0x79: {  	_ =	shalt  }
0x7a: {  	_ =	shalt  }
0x7b: {  	_ =	shalt  }
0x7c: {  	_ =	shalt  }
0x7d: {  	_ =	shalt  }
0x7e: {  	_ =	shalt  }
0x7f: {  	_ =	shalt  }
0x80: {  	_ =	shalt  }
0x81: {  	_ =	shalt  }
0x82: {  	_ =	shalt  }
0x83: {  	_ =	shalt  }
0x84: {  	_ =	shalt  }
0x85: {  	_ =	shalt  }
0x86: {  	_ =	shalt  }
0x87: {  	_ =	shalt  }
.Lfunc_end0:
.L_simem_size_0:
called_computation.1_lowered:
.L_overlay_start_0:
0x88: {  	s2 =	sld [smem:$0x3FD9]  }
0x89: {  	s3 =	sld [smem:$0x3FFE];
	_ =	sdelay $0x1  }
0x8a: {  	s1 =	srdreg.scid  }
0x8b: {  	s0 =	sand.u32 $0x1, s1  }
0x8c: {  	s28 =	sshll.u32 s0, $0xA;
	s2 =	sadd.s32 s3, s2  }
0x8d: {  	s2 =	sadd.s32 s2, s28  }
0x8e: {  	[smem:$0x3FC0] =	sst s2  }
0x8f: {  	_ = 	snop  }
0x90: {  	s2 =	sld [smem:$0x3FC9]  }
0x91: {  	s29 =	sld [smem:$0x3FC8]  }
0x92: {  	s4 =	sld [smem:$0x3FC7]  }
0x93: {  	s5 =	sld [smem:$0x3FD0]  }
0x94: {  	s6 =	sld [smem:$0x3FC6]  }
0x95: {  	s7 =	sld [smem:$0x3FC5]  }
0x96: {  	s9 =	simm.s32 $0xA;
	s10 =	simm.s32 $0x10;
	s8 =	sld [smem:$0x3FC4]  }
0x97: {  	[smem:s10], [sflag:s9] =	dma.local [hbm:s5], $0x1  }
0x98: {  	_ =	swait.eq [sflag:s9], $0x1  }
0x99: {  	s30 =	sld [smem:$0x10]  }
0x9a: {  	s31 =	sld [smem:$0x11]  }
0x9b: {  	s11 =	sld [smem:$0x13];
	[sflag:s9] =	ssyncset.done $0x0  }
0x9c: {  	s12 =	sld [smem:$0x14];
	[sflag:s9] =	ssyncadd.s32 $0xFFFFFFFF  }
0x9d: {  	s18 =	sld [smem:$0x15];
	(tm) =	ssettm $0x1  }
0x9e: {  	s13 =	sld [smem:$0x3FFB];
	_ =	sdelay $0x3  }
0x9f: {  	_ =	strace s13  }
0xa0: {  	s13 =	sld [smem:$0x3FFC];
	_ =	sdelay $0x3  }
0xa1: {  	_ =	strace s13  }
0xa2: {  	s13 =	sld [smem:$0x3FFD];
	_ =	sdelay $0x3  }
0xa3: {  	_ =	strace s13  }
0xa4: {  	_ =	strace $0x8FFFFFFF  }
0xa5: {  	s19 =	sld [smem:$0x3FDB];
	_ =	sdelay $0x1  }
0xa6: {  	s14 =	simm.s32 $_scs_section_size  }
0xa7: {  	s15 =	simm.s32 $_size__tile_overlayer_lowered;
	s16 =	simm.s32 $_tile_overlayer_lowered  }
0xa8: {  	s22 =	simm.s32 $0x1BFF;
	s21 =	sshll.u32 s16, $0x1;
	s13 =	sadd.s32 s14, s19  }
0xa9: {  	s17 =	simm.s32 $0x0;
	s20 =	sshll.u32 s15, $0x1;
	s15 =	sadd.s32 s21, s13  }
0xaa: {  	[timem:s17], [sflag:s22] =	dma.local [hbm:s15], s20  }
0xab: {  	_ =	swait.ge [sflag:s22], s20  }
0xac: {  	s14 =	ssub.s32 $0x0, s20;
	[sflag:s22] =	ssyncset.done $0x0  }
0xad: {  	[sflag:s22] =	ssyncadd.s32 s14;
	_ =	sdelay $0x1  }
0xae: {  	s23 =	simm.s32 $0x1B8B  }
0xaf: {  	_ =	swait.ge [sflag:s23], $0x1  }
0xb0: {  	[sflag:s23] =	ssyncset.done $0x0  }
0xb1: {  	s25 =	simm.s32 $0x1B8E;
	s24 =	sld [smem:$0x3FFE];
	[sflag:s23] =	ssyncadd.s32 $0xFFFFFFFF  }
0xb2: {  	s26 =	simm.s32 $execute0_lowered;
	[smem:$0x3FD2] =	sst s25  }
0xb3: {  	s15 =	sshll.u32 s26, $0x1;
	_ =	strace $0x80000049;
	[dreg:$0x1] =	wrdreg $0xFFFFFFFF  }
0xb4: {  	s28 =	simm.s32 $_size_execute0_lowered;
	s13 =	sadd.s32 s13, s15;
	[dreg:$0x0] =	wrdreg $0x0  }
0xb5: {  	s15 =	sshll.u32 s28, $0x1;
	[dreg:$0x2] =	wrdreg s13  }
0xb6: {  	[dreg:$0x3] =	wrdreg s15  }
0xb7: {  	[dreg:$0x4] =	wrdreg $0xC0  }
0xb8: {  	_ =	task [dreg:s17], $0x5FFFF  }
0xb9: {  	[dreg:$0x1] =	wrdreg $0xFFFFFFFF  }
0xba: {  	[dreg:$0x0] =	wrdreg $0x60  }
0xbb: {  	[dreg:$0x2] =	wrdreg s2  }
0xbc: {  	[dreg:$0x3] =	wrdreg s29  }
0xbd: {  	[dreg:$0x4] =	wrdreg s4  }
0xbe: {  	[dreg:$0x5] =	wrdreg s6  }
0xbf: {  	[dreg:$0x6] =	wrdreg s7  }
0xc0: {  	[dreg:$0x7] =	wrdreg s8  }
0xc1: {  	[dreg:$0x8] =	wrdreg s24  }
0xc2: {  	[dreg:$0x9] =	wrdreg s11  }
0xc3: {  	[dreg:$0xa] =	wrdreg s30  }
0xc4: {  	[dreg:$0xb] =	wrdreg s31  }
0xc5: {  	[dreg:$0xc] =	wrdreg s18  }
0xc6: {  	[dreg:$0xd] =	wrdreg s12  }
0xc7: {  	[dreg:$0xe] =	wrdreg $0x9  }
0xc8: {  	_ =	task.clear_ibuf [dreg:s17], $0xFFFFF;
	_ =	strace $0x90000049  }
0xc9: {  	s29 =	simm.s32 $0x9;
	_ =	strace $0x8000004B  }
0xca: {  	_ =	swait.ge [sflag:s29], $0x1  }
0xcb: {  	[sflag:s29] =	ssyncadd.s32 $0xFFFFFFFF  }
0xcc: {  	_ =	strace $0x9000004B  }
0xcd: {  	_ =	sfence  }
0xce: {  	s30 =	sld [smem:$0x0];
	_ =	sdelay $0x2  }
0xcf: {  	s31 =	sshll.u32 s1, $0xD;
	s1 =	sshrl.u32 s1, $0x2  }
0xd0: {  	s3 =	sand.u32 $0x4000, s31;
	s1 =	sadd.s32 s1, s30  }
0xd1: {  	s0 =	sor.u32 s3, s0;
	s1 =	sshll.u32 s1, $0x11  }
0xd2: {  	s0 =	sor.u32 s1, s0  }
0xd3: {  	s0 =	sadd.s32 $0x8F2B, s0  }
0xd4: {  	[sflag:s0] =	ssyncadd.remote.s32 $0x1  }
0xd5: {  	_ =	sfence.sel $0xFFFF  }
0xd6: {  	[dreg:$0x0] =	wrdreg $0xFFFFFFFF;
	(pc) =	sbr.abs _section_cstart, $3  }
0xd7: {  	[dreg:$0x1] =	wrdreg $0xFFFFFFFF  }
0xd8: {  	_ =	task.clear_ibuf [dreg:s17], $0x2FFFF;
	_ =	strace $0x9FFFFFFF  }
0xd9: {  	(tm) =	ssettm $0x7FFFFFFF  }
tec
execute0_lowered:
.L_overlay_start_1:
0x0: {  	(tag) =	ssettag $0x1  }
0x1: {  	s18 =	rddreg [dreg:$0x0]  }
0x2: {  	s19 =	rddreg [dreg:$0x1]  }
0x3: {  	s20 =	rddreg [dreg:$0x2]  }
0x4: {  	s21 =	rddreg [dreg:$0x3]  }
0x5: {  	s0 =	rddreg [dreg:$0x6]  }
0x6: {  	s14 =	rddreg [dreg:$0xa]  }
0x7: {  	s15 =	rddreg [dreg:$0xb]  }
0x8: {  	s28 =	rddreg [dreg:$0x4]  }
0x9: {  	s1 =	srdreg.scid;
	s30 =	rddreg [dreg:$0x5]  }
0xa: {  	s3 =	stileid.u32;
	s31 =	rddreg [dreg:$0x9];
	s2 =	sand.u32 $0x1, s1  }
0xb: {  	s1 =	simm.s32 $0x0;
	s3 =	sshll.u32 s3, $0xA;
	s16 =	sadd.s32 $0x1400, s0  }
0xc: {  	s17 =	sadd.s32 $0x21400, s0;
	s4 =	sshll.u32 s2, $0x9;
	s2 =	ssub.s32 $0x2, s2  }
0xd: {  	[smem:$0x7FF] =	sst s1;
	s23 =	sor.u32 s4, s3;
	s22 =	sshrl.u32 s2, $0x1  }
0xe: {  	s5 =	sshll.u32 s23, $0x3;
	s22 =	ssub.s32 s2, s22;
	s24 =	sor.u32 $0x80, s23  }
0xf: {  	s25 =	sor.u32 $0x100, s23;
	s26 =	sor.u32 $0x180, s23;
	s23 =	sshrl.u32 s23, $0x3  }
0x10: {  	s2 =	sadd.s32 s14, s5;
	s3 =	sadd.s32 s15, s5;
	s4 =	sadd.s32 s16, s5  }
0x11: {  	s5 =	sadd.s32 s17, s5;
	s9 =	sshll.u32 s24, $0x3;
	s13 =	sshll.u32 s25, $0x3  }
0x12: {  	s29 =	sshll.u32 s26, $0x3;
	s0 =	sadd.s32 s18, s23;
	s6 =	sadd.s32 s14, s9  }
0x13: {  	s7 =	sadd.s32 s15, s9;
	s8 =	sadd.s32 s16, s9;
	s9 =	sadd.s32 s17, s9  }
0x14: {  	s10 =	sadd.s32 s14, s13;
	s11 =	sadd.s32 s15, s13;
	s12 =	sadd.s32 s16, s13  }
0x15: {  	s13 =	sadd.s32 s17, s13;
	s14 =	sadd.s32 s14, s29;
	s15 =	sadd.s32 s15, s29  }
0x16: {  	s16 =	sadd.s32 s16, s29;
	s17 =	sadd.s32 s17, s29;
	s29 =	rddreg [dreg:$0x8]  }
0x17: {  	[dreg:$0xd] =	wrdreg s0;
	s0 =	sadd.s32 s19, s23  }
0x18: {  	[dreg:$0xe] =	wrdreg s0;
	s0 =	sadd.s32 s20, s23  }
0x19: {  	[dreg:$0xf] =	wrdreg s0;
	s0 =	sadd.s32 s21, s23  }
0x1a: {  	[dreg:$0x10] =	wrdreg s0;
	s0 =	sadd.s32 s28, s23  }
0x1b: {  	[dreg:$0x11] =	wrdreg s0;
	s0 =	sadd.s32 s30, s23  }
0x1c: {  	[dreg:$0x12] =	wrdreg s0;
	s0 =	sadd.s32 s29, s23  }
0x1d: {  	s24 =	sshrl.u32 s24, $0x3;
	s23 =	sadd.s32 s31, s23;
	[dreg:$0x13] =	wrdreg s0  }
0x1e: {  	[dreg:$0x14] =	wrdreg s23;
	s23 =	sadd.s32 s18, s24  }
0x1f: {  	[dreg:$0x15] =	wrdreg s23;
	s23 =	sadd.s32 s19, s24  }
0x20: {  	[dreg:$0x16] =	wrdreg s23;
	s23 =	sadd.s32 s20, s24  }
0x21: {  	[dreg:$0x17] =	wrdreg s23;
	s23 =	sadd.s32 s21, s24  }
0x22: {  	[dreg:$0x18] =	wrdreg s23;
	s23 =	sadd.s32 s28, s24  }
0x23: {  	[dreg:$0x19] =	wrdreg s23;
	s23 =	sadd.s32 s30, s24  }
0x24: {  	[dreg:$0x1a] =	wrdreg s23;
	s23 =	sadd.s32 s29, s24  }
0x25: {  	s24 =	sadd.s32 s31, s24;
	[dreg:$0x1b] =	wrdreg s23;
	s23 =	sshrl.u32 s25, $0x3  }
0x26: {  	[dreg:$0x1c] =	wrdreg s24;
	s25 =	sadd.s32 s18, s23  }
0x27: {  	s24 =	sshrl.u32 s26, $0x3;
	s26 =	sadd.s32 s19, s23;
	[dreg:$0x1d] =	wrdreg s25  }
0x28: {  	s18 =	sadd.s32 s18, s24;
	[dreg:$0x1e] =	wrdreg s26  }
0x29: {  	s19 =	sadd.s32 s19, s24;
	[smem:$0x7F5] =	sst s18  }
0x2a: {  	s25 =	sadd.s32 s20, s23;
	[smem:$0x7F6] =	sst s19  }
0x2b: {  	s26 =	sadd.s32 s21, s23;
	[dreg:$0x1f] =	wrdreg s25  }
0x2c: {  	s20 =	sadd.s32 s20, s24;
	[smem:$0x7F0] =	sst s26  }
0x2d: {  	s25 =	sadd.s32 s28, s23;
	[smem:$0x7F7] =	sst s20  }
0x2e: {  	s26 =	sadd.s32 s30, s23;
	[smem:$0x7F1] =	sst s25  }
0x2f: {  	[smem:$0x7F2] =	sst s26;
	s25 =	sadd.s32 s29, s23  }
0x30: {  	s26 =	sadd.s32 s31, s23;
	[smem:$0x7F3] =	sst s25  }
0x31: {  	s23 =	sadd.s32 s21, s24;
	[smem:$0x7F4] =	sst s26  }
0x32: {  	[smem:$0x7F8] =	sst s23;
	s25 =	sadd.s32 s28, s24  }
0x33: {  	s26 =	sadd.s32 s30, s24;
	[smem:$0x7F9] =	sst s25  }
0x34: {  	s28 =	sadd.s32 s29, s24;
	[smem:$0x7FA] =	sst s26  }
0x35: {  	s29 =	sadd.s32 s31, s24;
	[smem:$0x7FB] =	sst s28  }
0x36: {  	[smem:$0x7FC] =	sst s29  }
0x37: {  	s18 =	simm.s32 $0x0;
	_ =	strace $0x8000004A  }
0x38: {  	s31 =	smax.u32 s22, $0x1;
	s24 =	simm.s32 $0x1;
	s30 =	rddreg [dreg:$0x6]  }
0x39: {  	v0 =	vlaneseq.u32;
	s25 =	simm.s32 $0x2;
	[smem:$0x7FD] =	sst s31;
	s23 =	sadd.s32 $0xF43800, s30  }
.LBB2_1:
0x3a: {  	[smem:$0x7EF] =	sst s18  }
0x3b: {  	s0 =	rddreg [dreg:$0xd]  }
0x3c: {  	[tilespmem:s1], [sflag:$0x2] =	stream.linear.gather [hbm4b:s0+s1], $0x80, $0x38;
	[tilespmem:$0x18400] =	vst v63  }
0x3d: {  	_ =	swait.ge [sflag:s25], $0x80  }
0x3e: {  	[sflag:s25] =	ssyncset.done $0x0  }
0x3f: {  	s19 =	simm.s32 $0x80;
	s28 =	rddreg [dreg:$0xe];
	[sflag:s25] =	ssyncadd.s32 $0xFFFFFF80  }
0x40: {  	[tilespmem:s19], [sflag:$0x2] =	stream.linear.gather [hbm4b:s28+s1], $0x80, $0x38;
	[tilespmem:$0x18400] =	vst v63  }
0x41: {  	_ =	swait.ge [sflag:s25], $0x80  }
0x42: {  	[sflag:s25] =	ssyncset.done $0x0  }
0x43: {  	s20 =	simm.s32 $0x100;
	s29 =	rddreg [dreg:$0xf];
	[sflag:s25] =	ssyncadd.s32 $0xFFFFFF80  }
0x44: {  	[tilespmem:s20], [sflag:$0x2] =	stream.linear.gather [hbm4b:s29+s1], $0x80, $0x38;
	[tilespmem:$0x18400] =	vst v63  }
0x45: {  	_ =	swait.ge [sflag:s25], $0x80  }
0x46: {  	[sflag:s25] =	ssyncset.done $0x0  }
0x47: {  	s21 =	simm.s32 $0x180;
	s30 =	rddreg [dreg:$0x10];
	[sflag:s25] =	ssyncadd.s32 $0xFFFFFF80  }
0x48: {  	[tilespmem:s21], [sflag:$0x2] =	stream.linear.gather [hbm4b:s30+s1], $0x80, $0x38;
	[tilespmem:$0x18400] =	vst v63  }
0x49: {  	_ =	swait.ge [sflag:s25], $0x80  }
0x4a: {  	[sflag:s25] =	ssyncset.done $0x0  }
0x4b: {  	s22 =	simm.s32 $0x200;
	s31 =	rddreg [dreg:$0x11];
	[sflag:s25] =	ssyncadd.s32 $0xFFFFFF80  }
0x4c: {  	[tilespmem:s22], [sflag:$0x2] =	stream.linear.gather [hbm4b:s31+s1], $0x80, $0x38;
	[tilespmem:$0x18400] =	vst v63  }
0x4d: {  	_ =	swait.ge [sflag:s25], $0x80  }
0x4e: {  	[sflag:s25] =	ssyncset.done $0x0  }
0x4f: {  	s26 =	simm.s32 $0x280;
	s18 =	rddreg [dreg:$0x12];
	[sflag:s25] =	ssyncadd.s32 $0xFFFFFF80  }
0x50: {  	[tilespmem:s26], [sflag:$0x2] =	stream.linear.gather [hbm4b:s18+s1], $0x80, $0x38;
	[tilespmem:$0x18400] =	vst v63  }
0x51: {  	_ =	swait.ge [sflag:s25], $0x80  }
0x52: {  	[sflag:s25] =	ssyncset.done $0x0  }
0x53: {  	s0 =	simm.s32 $0x300;
	[sflag:s25] =	ssyncadd.s32 $0xFFFFFF80  }
0x54: {  	[tilespmem:s0], [sflag:$0x1] =	stream.indirect.gather [hbm4b:s23+s19], $0x80, s1, s19, $0xb8;
	[tilespmem:$0x18400] =	vst v63  }
0x55: {  	s28 =	simm.s32 $0x4300  }
0x56: {  	[tilespmem:s28], [sflag:$0x1] =	stream.indirect.gather [hbm4b:s23+s19], $0x80, s19, s19, $0xb8;
	[tilespmem:$0x18400] =	vst v63  }
0x57: {  	s18 =	rddreg [dreg:$0x7];
	s28 =	simm.s32 $0x8300  }
0x58: {  	[tilespmem:s28], [sflag:$0x1] =	stream.indirect.gather [hbm4b:s18+s19], $0x80, s20, s19, $0xb8;
	[tilespmem:$0x18400] =	vst v63  }
0x59: {  	s29 =	simm.s32 $0xC300  }
0x5a: {  	[tilespmem:s29], [sflag:$0x1] =	stream.indirect.gather [hbm4b:s23+s19], $0x80, s21, s19, $0xb8;
	[tilespmem:$0x18400] =	vst v63  }
0x5b: {  	s30 =	simm.s32 $0x10300  }
0x5c: {  	[tilespmem:s30], [sflag:$0x1] =	stream.indirect.gather [hbm4b:s23+s19], $0x80, s22, s19, $0xb8;
	[tilespmem:$0x18400] =	vst v63  }
0x5d: {  	s31 =	simm.s32 $0x14300  }
0x5e: {  	[tilespmem:s31], [sflag:$0x1] =	stream.indirect.gather [hbm4b:s18+s19], $0x80, s26, s19, $0xb8;
	[tilespmem:$0x18400] =	vst v63  }
0x5f: {  	_ =	swait.ge [sflag:s24], $0x4000  }
0x60: {  	[sflag:s24] =	ssyncset.done $0x0  }
0x61: {  	[sflag:s24] =	ssyncadd.s32 $0xFFFFC000  }
0x62: {  	_ =	swait.ge [sflag:s24], $0x4000  }
0x63: {  	[sflag:s24] =	ssyncset.done $0x0  }
0x64: {  	[sflag:s24] =	ssyncadd.s32 $0xFFFFC000  }
0x65: {  	_ =	swait.ge [sflag:s24], $0x4000  }
0x66: {  	[sflag:s24] =	ssyncset.done $0x0  }
0x67: {  	[sflag:s24] =	ssyncadd.s32 $0xFFFFC000  }
0x68: {  	_ =	swait.ge [sflag:s24], $0x4000  }
0x69: {  	[sflag:s24] =	ssyncset.done $0x0  }
0x6a: {  	[sflag:s24] =	ssyncadd.s32 $0xFFFFC000  }
0x6b: {  	_ =	swait.ge [sflag:s24], $0x4000  }
0x6c: {  	[sflag:s24] =	ssyncset.done $0x0  }
0x6d: {  	[sflag:s24] =	ssyncadd.s32 $0xFFFFC000  }
0x6e: {  	_ =	swait.ge [sflag:s24], $0x4000  }
0x6f: {  	s20 =	sadd.s32 $0x0, s2;
	[sflag:s24] =	ssyncset.done $0x0  }
0x70: {  	s18 =	simm.s32 $0x8;
	s19 =	simm.s32 $0x380;
	[sflag:s24] =	ssyncadd.s32 $0xFFFFC000  }
.LBB2_2:
0x71: {  	[hbm4b:s20+s1] =	stream.linear.scatter [tilespmem:s0], [sflag:$0x2], $0x40, $0x38;
	[tilespmem:$0x18400] =	vst v63  }
0x72: {  	s20 =	smov.u32 s18;
	s0 =	smov.u32 s19;
	p0 =	sne.s32 s18, $0x3F8  }
.Ltmp0:
0x73: {  	s18 =	sadd.s32 $0x8, s18;
	(pc) =	sbr.rel @p0 .LBB2_2-.Ltmp0, $2  }
0x74: {  	_ =	sdelay $0x2  }
0x75: {  	s19 =	sadd.s32 $0x80, s19;
	s20 =	sadd.s32 s20, s2  }
0x76: {  	[hbm4b:s20+s1] =	stream.linear.scatter [tilespmem:s0], [sflag:$0x2], $0x40, $0x38;
	[tilespmem:$0x18400] =	vst v63  }
0x77: {  	_ =	swait.ge [sflag:s25], $0x2000  }
0x78: {  	s0 =	simm.s32 $0x4300;
	s18 =	simm.s32 $0x8;
	[sflag:s25] =	ssyncset.done $0x0  }
0x79: {  	s20 =	sadd.s32 $0x0, s3;
	s19 =	simm.s32 $0x4380;
	[sflag:s25] =	ssyncadd.s32 $0xFFFFE000  }
.LBB2_4:
0x7a: {  	[hbm4b:s20+s1] =	stream.linear.scatter [tilespmem:s0], [sflag:$0x2], $0x40, $0x38;
	[tilespmem:$0x18400] =	vst v63  }
0x7b: {  	s20 =	smov.u32 s18;
	s0 =	smov.u32 s19;
	p0 =	sne.s32 s18, $0x3F8  }
.Ltmp1:
0x7c: {  	s18 =	sadd.s32 $0x8, s18;
	(pc) =	sbr.rel @p0 .LBB2_4-.Ltmp1, $2  }
0x7d: {  	_ =	sdelay $0x2  }
0x7e: {  	s19 =	sadd.s32 $0x80, s19;
	s20 =	sadd.s32 s20, s3  }
0x7f: {  	[hbm4b:s20+s1] =	stream.linear.scatter [tilespmem:s0], [sflag:$0x2], $0x40, $0x38;
	[tilespmem:$0x18400] =	vst v63  }
0x80: {  	_ =	swait.ge [sflag:s25], $0x2000  }
0x81: {  	s0 =	simm.s32 $0xC300;
	s18 =	simm.s32 $0x8;
	[sflag:s25] =	ssyncset.done $0x0  }
0x82: {  	s20 =	sadd.s32 $0x0, s4;
	s19 =	simm.s32 $0xC380;
	[sflag:s25] =	ssyncadd.s32 $0xFFFFE000  }
.LBB2_6:
0x83: {  	[hbm4b:s20+s1] =	stream.linear.scatter [tilespmem:s0], [sflag:$0x2], $0x40, $0x38;
	[tilespmem:$0x18400] =	vst v63  }
0x84: {  	s20 =	smov.u32 s18;
	s0 =	smov.u32 s19;
	p0 =	sne.s32 s18, $0x3F8  }
.Ltmp2:
0x85: {  	s18 =	sadd.s32 $0x8, s18;
	(pc) =	sbr.rel @p0 .LBB2_6-.Ltmp2, $2  }
0x86: {  	_ =	sdelay $0x2  }
0x87: {  	s19 =	sadd.s32 $0x80, s19;
	s20 =	sadd.s32 s20, s4  }
0x88: {  	[hbm4b:s20+s1] =	stream.linear.scatter [tilespmem:s0], [sflag:$0x2], $0x40, $0x38;
	[tilespmem:$0x18400] =	vst v63  }
0x89: {  	_ =	swait.ge [sflag:s25], $0x2000  }
0x8a: {  	s0 =	simm.s32 $0x10300;
	s18 =	simm.s32 $0x8;
	[sflag:s25] =	ssyncset.done $0x0  }
0x8b: {  	s20 =	sadd.s32 $0x0, s5;
	s19 =	simm.s32 $0x10380;
	[sflag:s25] =	ssyncadd.s32 $0xFFFFE000  }
.LBB2_8:
0x8c: {  	[hbm4b:s20+s1] =	stream.linear.scatter [tilespmem:s0], [sflag:$0x2], $0x40, $0x38;
	[tilespmem:$0x18400] =	vst v63  }
0x8d: {  	s20 =	smov.u32 s18;
	s0 =	smov.u32 s19;
	p0 =	sne.s32 s18, $0x3F8  }
.Ltmp3:
0x8e: {  	s18 =	sadd.s32 $0x8, s18;
	(pc) =	sbr.rel @p0 .LBB2_8-.Ltmp3, $2  }
0x8f: {  	_ =	sdelay $0x2  }
0x90: {  	s19 =	sadd.s32 $0x80, s19;
	s20 =	sadd.s32 s20, s5  }
0x91: {  	[hbm4b:s20+s1] =	stream.linear.scatter [tilespmem:s0], [sflag:$0x2], $0x40, $0x38;
	[tilespmem:$0x18400] =	vst v63  }
0x92: {  	_ =	swait.ge [sflag:s25], $0x2000  }
0x93: {  	s21 =	simm.s32 $0x0;
	s22 =	simm.s32 $0x320;
	[sflag:s25] =	ssyncset.done $0x0  }
0x94: {  	s0 =	simm.s32 $0x8320;
	s18 =	simm.s32 $0x4320;
	[sflag:s25] =	ssyncadd.s32 $0xFFFFE000  }
.LBB2_10:
0x95: {  	v1 =	vld [tilespmem:s22+$0x10]  }
0x96: {  	v2 =	vld [tilespmem:s18+$0xFFFFFFE0]  }
0x97: {  	v3 =	vld [tilespmem:s22+$0x0]  }
0x98: {  	v4 =	vld [tilespmem:s22+$0xFFFFFFE0]  }
0x99: {  	v5 =	vld [tilespmem:s0+$0xFFFFFFE0]  }
0x9a: {  	v6 =	vld [tilespmem:s22+$0xFFFFFFF0]  }
0x9b: {  	v7 =	vld [tilespmem:s0+$0xFFFFFFF0]  }
0x9c: {  	v8 =	vld [tilespmem:s0+$0x0]  }
0x9d: {  	v9 =	vld [tilespmem:s18+$0xFFFFFFF0]  }
0x9e: {  	v10 =	vld [tilespmem:s0+$0x10]  }
0x9f: {  	v11 =	vld [tilespmem:s18+$0x0]  }
0xa0: {  	v12 =	vld [tilespmem:s18+$0x10];
	s19 =	sadd.s32 $0x80, s22;
	v4 =	vadd.f32 v5, v4;
	v5 =	vadd.f32 v7, v6  }
0xa1: {  	v13 =	vld [tilespmem:s19+$0x10];
	v3 =	vadd.f32 v8, v3  }
0xa2: {  	s26 =	sadd.s32 $0x80, s0;
	v6 =	vld [tilespmem:s19+$0xFFFFFFF0];
	v2 =	vsub.f32 v4, v2;
	v4 =	vsub.f32 v5, v9  }
0xa3: {  	s20 =	sadd.s32 $0x80, s18;
	v7 =	vld [tilespmem:s26+$0xFFFFFFF0];
	v1 =	vadd.f32 v10, v1  }
0xa4: {  	v14 =	vld [tilespmem:s20+$0xFFFFFFE0];
	v3 =	vsub.f32 v3, v11;
	v2 =	vmul.f32 v2, v2;
	v4 =	vmul.f32 v4, v4  }
0xa5: {  	v8 =	vld [tilespmem:s20+$0xFFFFFFF0]  }
0xa6: {  	v16 =	vld [tilespmem:s19+$0xFFFFFFE0];
	v1 =	vsub.f32 v1, v12;
	v2 =	vadd.f32 v4, v2;
	v4 =	vmul.f32 v3, v3  }
0xa7: {  	v17 =	vld [tilespmem:s26+$0xFFFFFFE0]  }
0xa8: {  	v15 =	vld [tilespmem:s19+$0x0];
	v1 =	vmul.f32 v1, v1;
	v6 =	vadd.f32 v7, v6;
	v7 =	vadd.f32 v4, v2  }
0xa9: {  	v5 =	vld [tilespmem:s26+$0x0]  }
0xaa: {  	v9 =	vld [tilespmem:s26+$0x10];
	v6 =	vsub.f32 v6, v8;
	v8 =	vadd.f32 v1, v7  }
0xab: {  	v10 =	vld [tilespmem:s20+$0x0]  }
0xac: {  	s30 =	sadd.s32 $0x80, s19;
	v62 =	vadd.f32 v17, v16;
	v11 =	vld [tilespmem:s20+$0x10];
	(xrf2) =	vadd.scan.msk.f32 $0xffff, v8  }
0xad: {  	v3 =	vld [tilespmem:s30+$0x10]  }
0xae: {  	s29 =	sadd.s32 $0x80, s20;
	v12 =	vsub.f32 v62, v14;
	v15 =	vadd.f32 v5, v15;
	v5 =	vld [tilespmem:s30+$0xFFFFFFE0]  }
0xaf: {  	v13 =	vadd.f32 v9, v13;
	v2 =	vld [tilespmem:s29+$0xFFFFFFE0]  }
0xb0: {  	s19 =	sadd.s32 $0x80, s26;
	v9 =	vmul.f32 v12, v12;
	v4 =	vld [tilespmem:s30+$0x0];
	v63 =	vmul.f32 v6, v6;
	v10 =	vsub.f32 v15, v10  }
0xb1: {  	v6 =	vld [tilespmem:s19+$0xFFFFFFE0]  }
0xb2: {  	s28 =	simm.s32 $0x1;
	v7 =	vld [tilespmem:s30+$0xFFFFFFF0];
	v8 =	vadd.f32 v63, v9;
	v9 =	vmul.f32 v10, v10;
	v10 =	vsub.f32 v13, v11  }
0xb3: {  	s31 =	simm.s32 $0x0;
	s20 =	simm.s32 $0x2;
	s26 =	simm.s32 $0x3;
	v1 =	vimm.f32 $0.0e+00;
	v11 =	vld [tilespmem:s19+$0xFFFFFFF0]  }
.LBB2_11:
0xb4: {  	p0 =	sne.s32 s26, $0xF;
	v12 =	vld [tilespmem:s19+$0x0];
	v8 =	vadd.f32 v9, v8;
	v14 =	vmul.f32 v10, v10  }
0xb5: {  	v10 =	vld [tilespmem:s29+$0xFFFFFFF0]  }
0xb6: {  	v13 =	vld [tilespmem:s19+$0x10];
	v8 =	vadd.f32 v14, v8;
	v9, _, _ =	vpop (xrf2)  }
0xb7: {  	v15 =	vmov s31;
	s31 =	smov.u32 s28;
	s28 =	smov.u32 s20;
	s20 =	smov.u32 s26;
	v14 =	vld [tilespmem:s29+$0x0];
	v9 =	vbroadcast v9, $0xF  }
0xb8: {  	s30 =	sadd.s32 $0x80, s30;
	vm0 =	veq.s32 v15, v0;
	v5 =	vadd.f32 v6, v5;
	v6 =	vadd.f32 v11, v7;
	v11 =	vld [tilespmem:s29+$0x10];
	(xrf2) =	vadd.scan.msk.f32 $0xffff, v8  }
0xb9: {  	s29 =	sadd.s32 $0x80, s29;
	v15 =	vld [tilespmem:s30+$0x10];
	v7 =	vadd.f32 v12, v4;
	v1 =	vsel vm0, v9, v1  }
0xba: {  	v8 =	vsub.f32 v5, v2;
	v2 =	vld [tilespmem:s29+$0xFFFFFFE0];
	v6 =	vsub.f32 v6, v10  }
.Ltmp4:
0xbb: {  	v4 =	vld [tilespmem:s30+$0x0];
	v12 =	vadd.f32 v13, v3;
	(pc) =	sbr.rel @p0 .LBB2_11-.Ltmp4, $4  }
0xbc: {  	s19 =	sadd.s32 $0x80, s19;
	v8 =	vmul.f32 v8, v8;
	v5 =	vld [tilespmem:s30+$0xFFFFFFE0];
	v9 =	vmul.f32 v6, v6;
	v10 =	vsub.f32 v7, v14  }
0xbd: {  	v6 =	vld [tilespmem:s19+$0xFFFFFFE0]  }
0xbe: {  	v7 =	vld [tilespmem:s30+$0xFFFFFFF0];
	v8 =	vadd.f32 v9, v8;
	v9 =	vmul.f32 v10, v10;
	v10 =	vsub.f32 v12, v11;
	v3 =	vmovc v15  }
0xbf: {  	s26 =	sadd.s32 $0x1, s26;
	v11 =	vld [tilespmem:s19+$0xFFFFFFF0]  }
0xc0: {  	v12 =	vld [tilespmem:s19+$0x0]  }
0xc1: {  	v13 =	vld [tilespmem:s29+$0xFFFFFFF0]  }
0xc2: {  	v14 =	vld [tilespmem:s19+$0x10]  }
0xc3: {  	v15 =	vld [tilespmem:s29+$0x0];
	v5 =	vadd.f32 v6, v5  }
0xc4: {  	v57 =	vadd.f32 v11, v7  }
0xc5: {  	v58 =	vld [tilespmem:s29+$0x10];
	v2 =	vsub.f32 v5, v2  }
0xc6: {  	v4 =	vadd.f32 v12, v4;
	v59 =	vsub.f32 v57, v13  }
0xc7: {  	v3 =	vadd.f32 v14, v3  }
0xc8: {  	v2 =	vmul.f32 v2, v2;
	v4 =	vsub.f32 v4, v15;
	v5 =	vmul.f32 v59, v59;
	_ =	sdelay $0x1  }
0xc9: {  	v3 =	vsub.f32 v3, v58;
	v4 =	vmul.f32 v4, v4;
	v2 =	vadd.f32 v5, v2  }
0xca: {  	v60 =	vadd.f32 v9, v8;
	v61 =	vmul.f32 v10, v10  }
0xcb: {  	v3 =	vmul.f32 v3, v3;
	v2 =	vadd.f32 v4, v2  }
0xcc: {  	v62 =	vadd.f32 v61, v60  }
0xcd: {  	v2 =	vadd.f32 v3, v2  }
0xce: {  	(xrf2) =	vadd.scan.msk.f32 $0xffff, v62  }
0xcf: {  	(xrf2) =	vadd.scan.msk.f32 $0xffff, v2;
	_ =	sdelay $0x6  }
0xd0: {  	v2, _, _ =	vpop (xrf2)  }
0xd1: {  	v3 =	vmov s31;
	v2 =	vbroadcast v2, $0xF  }
0xd2: {  	vm0 =	veq.s32 v3, v0;
	v4, _, _ =	vpop (xrf2)  }
0xd3: {  	v3 =	vbroadcast v4, $0xF;
	v1 =	vsel vm0, v2, v1;
	v2 =	vmov s28;
	v63, _, _ =	vpop (xrf2)  }
0xd4: {  	vm14 =	veq.s32 v2, v0;
	v2 =	vmov s20;
	v4 =	vbroadcast v63, $0xF  }
0xd5: {  	v1 =	vsel vm14, v3, v1;
	vm15 =	veq.s32 v2, v0  }
0xd6: {  	v1 =	vsel vm15, v4, v1  }
0xd7: {  	v2 =	vshrl.u32 v1, $0x1  }
0xd8: {  	v2 =	vadd.s32 $0x1FBD1DF5, v2  }
0xd9: {  	(erf) = vrcp.f32 v2;
	_ =	sdelay $0x8  }
0xda: {  	v3 =	vpop (erf)  }
0xdb: {  	v3 =	vmul.f32 v3, v1;
	_ =	sdelay $0x1  }
0xdc: {  	v2 =	vadd.f32 v2, v3;
	_ =	sdelay $0x1  }
0xdd: {  	v2 =	vmul.f32 $5.000000000e-01, v2;
	_ =	sdelay $0x1  }
0xde: {  	(erf) = vrcp.f32 v2;
	_ =	sdelay $0x8  }
0xdf: {  	v3 =	vpop (erf)  }
0xe0: {  	v3 =	vmul.f32 v3, v1;
	_ =	sdelay $0x1  }
0xe1: {  	v2 =	vadd.f32 v3, v2;
	_ =	sdelay $0x1  }
0xe2: {  	v2 =	vmul.f32 $5.000000000e-01, v2;
	_ =	sdelay $0x1  }
0xe3: {  	(erf) = vrcp.f32 v2;
	_ =	sdelay $0x8  }
0xe4: {  	v3 =	vpop (erf)  }
0xe5: {  	s31 =	sshll.u32 s21, $0x4;
	s21 =	sadd.s32 $0x1, s21;
	v1 =	vmul.f32 v3, v1  }
0xe6: {  	p0 =	sne.s32 s21, $0x8  }
.Ltmp5:
0xe7: {  	v1 =	vadd.f32 v1, v2;
	(pc) =	sbr.rel @p0 .LBB2_10-.Ltmp5, $4  }
0xe8: {  	_ = 	snop  }
0xe9: {  	v1 =	vmul.f32 $5.000000000e-01, v1  }
0xea: {  	s19 =	sand.u32 $0x3FFFFFF0, s31  }
0xeb: {  	s22 =	sadd.s32 $0x800, s22;
	s0 =	sadd.s32 $0x800, s0;
	s18 =	sadd.s32 $0x800, s18;
	[tilespmem:s19+$0x18300] =	vst v1  }
0xec: {  	s21 =	simm.s32 $0x0  }
0xed: {  	s22 =	simm.s32 $0xC320;
	s0 =	simm.s32 $0x14320;
	s18 =	simm.s32 $0x10320  }
.LBB2_14:
0xee: {  	v1 =	vld [tilespmem:s22+$0x10]  }
0xef: {  	v2 =	vld [tilespmem:s18+$0xFFFFFFE0]  }
0xf0: {  	v3 =	vld [tilespmem:s22+$0x0]  }
0xf1: {  	v4 =	vld [tilespmem:s22+$0xFFFFFFE0]  }
0xf2: {  	v5 =	vld [tilespmem:s0+$0xFFFFFFE0]  }
0xf3: {  	v6 =	vld [tilespmem:s22+$0xFFFFFFF0]  }
0xf4: {  	v7 =	vld [tilespmem:s0+$0xFFFFFFF0]  }
0xf5: {  	v8 =	vld [tilespmem:s0+$0x0]  }
0xf6: {  	v9 =	vld [tilespmem:s18+$0xFFFFFFF0]  }
0xf7: {  	v10 =	vld [tilespmem:s0+$0x10]  }
0xf8: {  	v11 =	vld [tilespmem:s18+$0x0]  }
0xf9: {  	v12 =	vld [tilespmem:s18+$0x10];
	s19 =	sadd.s32 $0x80, s22;
	v4 =	vadd.f32 v5, v4;
	v5 =	vadd.f32 v7, v6  }
0xfa: {  	v13 =	vld [tilespmem:s19+$0x10];
	v3 =	vadd.f32 v8, v3  }
0xfb: {  	s26 =	sadd.s32 $0x80, s0;
	v6 =	vld [tilespmem:s19+$0xFFFFFFF0];
	v2 =	vsub.f32 v4, v2;
	v4 =	vsub.f32 v5, v9  }
0xfc: {  	s20 =	sadd.s32 $0x80, s18;
	v7 =	vld [tilespmem:s26+$0xFFFFFFF0];
	v1 =	vadd.f32 v10, v1  }
0xfd: {  	v14 =	vld [tilespmem:s20+$0xFFFFFFE0];
	v3 =	vsub.f32 v3, v11;
	v2 =	vmul.f32 v2, v2;
	v4 =	vmul.f32 v4, v4  }
0xfe: {  	v8 =	vld [tilespmem:s20+$0xFFFFFFF0]  }
0xff: {  	v16 =	vld [tilespmem:s19+$0xFFFFFFE0];
	v1 =	vsub.f32 v1, v12;
	v2 =	vadd.f32 v4, v2;
	v4 =	vmul.f32 v3, v3  }
0x100: {  	v17 =	vld [tilespmem:s26+$0xFFFFFFE0]  }
0x101: {  	v15 =	vld [tilespmem:s19+$0x0];
	v1 =	vmul.f32 v1, v1;
	v6 =	vadd.f32 v7, v6;
	v7 =	vadd.f32 v4, v2  }
0x102: {  	v5 =	vld [tilespmem:s26+$0x0]  }
0x103: {  	v9 =	vld [tilespmem:s26+$0x10];
	v6 =	vsub.f32 v6, v8;
	v8 =	vadd.f32 v1, v7  }
0x104: {  	v10 =	vld [tilespmem:s20+$0x0]  }
0x105: {  	s30 =	sadd.s32 $0x80, s19;
	v62 =	vadd.f32 v17, v16;
	v11 =	vld [tilespmem:s20+$0x10];
	(xrf2) =	vadd.scan.msk.f32 $0xffff, v8  }
0x106: {  	v3 =	vld [tilespmem:s30+$0x10]  }
0x107: {  	s29 =	sadd.s32 $0x80, s20;
	v12 =	vsub.f32 v62, v14;
	v15 =	vadd.f32 v5, v15;
	v5 =	vld [tilespmem:s30+$0xFFFFFFE0]  }
0x108: {  	v13 =	vadd.f32 v9, v13;
	v2 =	vld [tilespmem:s29+$0xFFFFFFE0]  }
0x109: {  	s19 =	sadd.s32 $0x80, s26;
	v9 =	vmul.f32 v12, v12;
	v4 =	vld [tilespmem:s30+$0x0];
	v63 =	vmul.f32 v6, v6;
	v10 =	vsub.f32 v15, v10  }
0x10a: {  	v6 =	vld [tilespmem:s19+$0xFFFFFFE0]  }
0x10b: {  	s28 =	simm.s32 $0x1;
	v7 =	vld [tilespmem:s30+$0xFFFFFFF0];
	v8 =	vadd.f32 v63, v9;
	v9 =	vmul.f32 v10, v10;
	v10 =	vsub.f32 v13, v11  }
0x10c: {  	s31 =	simm.s32 $0x0;
	s20 =	simm.s32 $0x2;
	s26 =	simm.s32 $0x3;
	v1 =	vimm.f32 $0.0e+00;
	v11 =	vld [tilespmem:s19+$0xFFFFFFF0]  }
.LBB2_15:
0x10d: {  	p0 =	sne.s32 s26, $0xF;
	v12 =	vld [tilespmem:s19+$0x0];
	v8 =	vadd.f32 v9, v8;
	v14 =	vmul.f32 v10, v10  }
0x10e: {  	v10 =	vld [tilespmem:s29+$0xFFFFFFF0]  }
0x10f: {  	v13 =	vld [tilespmem:s19+$0x10];
	v8 =	vadd.f32 v14, v8;
	v9, _, _ =	vpop (xrf2)  }
0x110: {  	v15 =	vmov s31;
	s31 =	smov.u32 s28;
	s28 =	smov.u32 s20;
	s20 =	smov.u32 s26;
	v14 =	vld [tilespmem:s29+$0x0];
	v9 =	vbroadcast v9, $0xF  }
0x111: {  	s30 =	sadd.s32 $0x80, s30;
	vm0 =	veq.s32 v15, v0;
	v5 =	vadd.f32 v6, v5;
	v6 =	vadd.f32 v11, v7;
	v11 =	vld [tilespmem:s29+$0x10];
	(xrf2) =	vadd.scan.msk.f32 $0xffff, v8  }
0x112: {  	s29 =	sadd.s32 $0x80, s29;
	v15 =	vld [tilespmem:s30+$0x10];
	v7 =	vadd.f32 v12, v4;
	v1 =	vsel vm0, v9, v1  }
0x113: {  	v8 =	vsub.f32 v5, v2;
	v2 =	vld [tilespmem:s29+$0xFFFFFFE0];
	v6 =	vsub.f32 v6, v10  }
.Ltmp6:
0x114: {  	v4 =	vld [tilespmem:s30+$0x0];
	v12 =	vadd.f32 v13, v3;
	(pc) =	sbr.rel @p0 .LBB2_15-.Ltmp6, $4  }
0x115: {  	s19 =	sadd.s32 $0x80, s19;
	v8 =	vmul.f32 v8, v8;
	v5 =	vld [tilespmem:s30+$0xFFFFFFE0];
	v9 =	vmul.f32 v6, v6;
	v10 =	vsub.f32 v7, v14  }
0x116: {  	v6 =	vld [tilespmem:s19+$0xFFFFFFE0]  }
0x117: {  	v7 =	vld [tilespmem:s30+$0xFFFFFFF0];
	v8 =	vadd.f32 v9, v8;
	v9 =	vmul.f32 v10, v10;
	v10 =	vsub.f32 v12, v11;
	v3 =	vmovc v15  }
0x118: {  	s26 =	sadd.s32 $0x1, s26;
	v11 =	vld [tilespmem:s19+$0xFFFFFFF0]  }
0x119: {  	v12 =	vld [tilespmem:s19+$0x0]  }
0x11a: {  	v13 =	vld [tilespmem:s29+$0xFFFFFFF0]  }
0x11b: {  	v14 =	vld [tilespmem:s19+$0x10]  }
0x11c: {  	v15 =	vld [tilespmem:s29+$0x0];
	v5 =	vadd.f32 v6, v5  }
0x11d: {  	v57 =	vadd.f32 v11, v7  }
0x11e: {  	v58 =	vld [tilespmem:s29+$0x10];
	v2 =	vsub.f32 v5, v2  }
0x11f: {  	v4 =	vadd.f32 v12, v4;
	v59 =	vsub.f32 v57, v13  }
0x120: {  	v3 =	vadd.f32 v14, v3  }
0x121: {  	v2 =	vmul.f32 v2, v2;
	v4 =	vsub.f32 v4, v15;
	v5 =	vmul.f32 v59, v59;
	_ =	sdelay $0x1  }
0x122: {  	v3 =	vsub.f32 v3, v58;
	v4 =	vmul.f32 v4, v4;
	v2 =	vadd.f32 v5, v2  }
0x123: {  	v60 =	vadd.f32 v9, v8;
	v61 =	vmul.f32 v10, v10  }
0x124: {  	v3 =	vmul.f32 v3, v3;
	v2 =	vadd.f32 v4, v2  }
0x125: {  	v62 =	vadd.f32 v61, v60  }
0x126: {  	v2 =	vadd.f32 v3, v2  }
0x127: {  	(xrf2) =	vadd.scan.msk.f32 $0xffff, v62  }
0x128: {  	(xrf2) =	vadd.scan.msk.f32 $0xffff, v2;
	_ =	sdelay $0x6  }
0x129: {  	v2, _, _ =	vpop (xrf2)  }
0x12a: {  	v3 =	vmov s31;
	v2 =	vbroadcast v2, $0xF  }
0x12b: {  	vm0 =	veq.s32 v3, v0;
	v4, _, _ =	vpop (xrf2)  }
0x12c: {  	v3 =	vbroadcast v4, $0xF;
	v1 =	vsel vm0, v2, v1;
	v2 =	vmov s28;
	v63, _, _ =	vpop (xrf2)  }
0x12d: {  	vm14 =	veq.s32 v2, v0;
	v2 =	vmov s20;
	v4 =	vbroadcast v63, $0xF  }
0x12e: {  	v1 =	vsel vm14, v3, v1;
	vm15 =	veq.s32 v2, v0  }
0x12f: {  	v1 =	vsel vm15, v4, v1  }
0x130: {  	v2 =	vshrl.u32 v1, $0x1  }
0x131: {  	v2 =	vadd.s32 $0x1FBD1DF5, v2  }
0x132: {  	(erf) = vrcp.f32 v2;
	_ =	sdelay $0x8  }
0x133: {  	v3 =	vpop (erf)  }
0x134: {  	v3 =	vmul.f32 v3, v1;
	_ =	sdelay $0x1  }
0x135: {  	v2 =	vadd.f32 v2, v3;
	_ =	sdelay $0x1  }
0x136: {  	v2 =	vmul.f32 $5.000000000e-01, v2;
	_ =	sdelay $0x1  }
0x137: {  	(erf) = vrcp.f32 v2;
	_ =	sdelay $0x8  }
0x138: {  	v3 =	vpop (erf)  }
0x139: {  	v3 =	vmul.f32 v3, v1;
	_ =	sdelay $0x1  }
0x13a: {  	v2 =	vadd.f32 v3, v2;
	_ =	sdelay $0x1  }
0x13b: {  	v2 =	vmul.f32 $5.000000000e-01, v2;
	_ =	sdelay $0x1  }
0x13c: {  	(erf) = vrcp.f32 v2;
	_ =	sdelay $0x8  }
0x13d: {  	v3 =	vpop (erf)  }
0x13e: {  	s31 =	sshll.u32 s21, $0x4;
	s21 =	sadd.s32 $0x1, s21;
	v1 =	vmul.f32 v3, v1  }
0x13f: {  	p0 =	sne.s32 s21, $0x8  }
.Ltmp7:
0x140: {  	v1 =	vadd.f32 v1, v2;
	(pc) =	sbr.rel @p0 .LBB2_14-.Ltmp7, $4  }
0x141: {  	_ = 	snop  }
0x142: {  	v1 =	vmul.f32 $5.000000000e-01, v1  }
0x143: {  	s19 =	sand.u32 $0x3FFFFFF0, s31  }
0x144: {  	s22 =	sadd.s32 $0x800, s22;
	s0 =	sadd.s32 $0x800, s0;
	s18 =	sadd.s32 $0x800, s18;
	[tilespmem:s19+$0x18380] =	vst v1  }
0x145: {  	s18 =	simm.s32 $0x0;
	s0 =	rddreg [dreg:$0x13];
	s19 =	simm.s32 $0x18300  }
0x146: {  	[hbm4b:s0+s18] =	stream.linear.scatter [tilespmem:s19], [sflag:$0x2], $0x80, $0x38;
	[tilespmem:$0x18400] =	vst v63  }
0x147: {  	_ =	swait.ge [sflag:s25], $0x80  }
0x148: {  	[sflag:s25] =	ssyncset.done $0x0  }
0x149: {  	s21 =	simm.s32 $0x18380;
	s20 =	rddreg [dreg:$0x14];
	[sflag:s25] =	ssyncadd.s32 $0xFFFFFF80  }
0x14a: {  	[hbm4b:s20+s18] =	stream.linear.scatter [tilespmem:s21], [sflag:$0x2], $0x80, $0x38;
	[tilespmem:$0x18400] =	vst v63  }
0x14b: {  	_ =	swait.ge [sflag:s25], $0x80  }
0x14c: {  	[sflag:s25] =	ssyncset.done $0x0  }
0x14d: {  	s22 =	rddreg [dreg:$0x15];
	[sflag:s25] =	ssyncadd.s32 $0xFFFFFF80  }
0x14e: {  	[tilespmem:s18], [sflag:$0x2] =	stream.linear.gather [hbm4b:s22+s18], $0x80, $0x38;
	[tilespmem:$0x18400] =	vst v63  }
0x14f: {  	_ =	swait.ge [sflag:s25], $0x80  }
0x150: {  	[sflag:s25] =	ssyncset.done $0x0  }
0x151: {  	s19 =	simm.s32 $0x80;
	s26 =	rddreg [dreg:$0x16];
	[sflag:s25] =	ssyncadd.s32 $0xFFFFFF80  }
0x152: {  	[tilespmem:s19], [sflag:$0x2] =	stream.linear.gather [hbm4b:s26+s18], $0x80, $0x38;
	[tilespmem:$0x18400] =	vst v63  }
0x153: {  	_ =	swait.ge [sflag:s25], $0x80  }
0x154: {  	[sflag:s25] =	ssyncset.done $0x0  }
0x155: {  	s20 =	simm.s32 $0x100;
	s28 =	rddreg [dreg:$0x17];
	[sflag:s25] =	ssyncadd.s32 $0xFFFFFF80  }
0x156: {  	[tilespmem:s20], [sflag:$0x2] =	stream.linear.gather [hbm4b:s28+s18], $0x80, $0x38;
	[tilespmem:$0x18400] =	vst v63  }
0x157: {  	_ =	swait.ge [sflag:s25], $0x80  }
0x158: {  	[sflag:s25] =	ssyncset.done $0x0  }
0x159: {  	s21 =	simm.s32 $0x180;
	s29 =	rddreg [dreg:$0x18];
	[sflag:s25] =	ssyncadd.s32 $0xFFFFFF80  }
0x15a: {  	[tilespmem:s21], [sflag:$0x2] =	stream.linear.gather [hbm4b:s29+s18], $0x80, $0x38;
	[tilespmem:$0x18400] =	vst v63  }
0x15b: {  	_ =	swait.ge [sflag:s25], $0x80  }
0x15c: {  	[sflag:s25] =	ssyncset.done $0x0  }
0x15d: {  	s22 =	simm.s32 $0x200;
	s30 =	rddreg [dreg:$0x19];
	[sflag:s25] =	ssyncadd.s32 $0xFFFFFF80  }
0x15e: {  	[tilespmem:s22], [sflag:$0x2] =	stream.linear.gather [hbm4b:s30+s18], $0x80, $0x38;
	[tilespmem:$0x18400] =	vst v63  }
0x15f: {  	_ =	swait.ge [sflag:s25], $0x80  }
0x160: {  	[sflag:s25] =	ssyncset.done $0x0  }
0x161: {  	s26 =	simm.s32 $0x280;
	s31 =	rddreg [dreg:$0x1a];
	[sflag:s25] =	ssyncadd.s32 $0xFFFFFF80  }
0x162: {  	[tilespmem:s26], [sflag:$0x2] =	stream.linear.gather [hbm4b:s31+s18], $0x80, $0x38;
	[tilespmem:$0x18400] =	vst v63  }
0x163: {  	_ =	swait.ge [sflag:s25], $0x80  }
0x164: {  	[sflag:s25] =	ssyncset.done $0x0  }
0x165: {  	s0 =	simm.s32 $0x300;
	[sflag:s25] =	ssyncadd.s32 $0xFFFFFF80  }
0x166: {  	[tilespmem:s0], [sflag:$0x1] =	stream.indirect.gather [hbm4b:s23+s19], $0x80, s18, s19, $0xb8;
	[tilespmem:$0x18400] =	vst v63  }
0x167: {  	s28 =	simm.s32 $0x4300  }
0x168: {  	[tilespmem:s28], [sflag:$0x1] =	stream.indirect.gather [hbm4b:s23+s19], $0x80, s19, s19, $0xb8;
	[tilespmem:$0x18400] =	vst v63  }
0x169: {  	s18 =	rddreg [dreg:$0x7];
	s28 =	simm.s32 $0x8300  }
0x16a: {  	[tilespmem:s28], [sflag:$0x1] =	stream.indirect.gather [hbm4b:s18+s19], $0x80, s20, s19, $0xb8;
	[tilespmem:$0x18400] =	vst v63  }
0x16b: {  	s29 =	simm.s32 $0xC300  }
0x16c: {  	[tilespmem:s29], [sflag:$0x1] =	stream.indirect.gather [hbm4b:s23+s19], $0x80, s21, s19, $0xb8;
	[tilespmem:$0x18400] =	vst v63  }
0x16d: {  	s30 =	simm.s32 $0x10300  }
0x16e: {  	[tilespmem:s30], [sflag:$0x1] =	stream.indirect.gather [hbm4b:s23+s19], $0x80, s22, s19, $0xb8;
	[tilespmem:$0x18400] =	vst v63  }
0x16f: {  	s31 =	simm.s32 $0x14300  }
0x170: {  	[tilespmem:s31], [sflag:$0x1] =	stream.indirect.gather [hbm4b:s18+s19], $0x80, s26, s19, $0xb8;
	[tilespmem:$0x18400] =	vst v63  }
0x171: {  	_ =	swait.ge [sflag:s24], $0x4000  }
0x172: {  	[sflag:s24] =	ssyncset.done $0x0  }
0x173: {  	[sflag:s24] =	ssyncadd.s32 $0xFFFFC000  }
0x174: {  	_ =	swait.ge [sflag:s24], $0x4000  }
0x175: {  	[sflag:s24] =	ssyncset.done $0x0  }
0x176: {  	[sflag:s24] =	ssyncadd.s32 $0xFFFFC000  }
0x177: {  	_ =	swait.ge [sflag:s24], $0x4000  }
0x178: {  	[sflag:s24] =	ssyncset.done $0x0  }
0x179: {  	[sflag:s24] =	ssyncadd.s32 $0xFFFFC000  }
0x17a: {  	_ =	swait.ge [sflag:s24], $0x4000  }
0x17b: {  	[sflag:s24] =	ssyncset.done $0x0  }
0x17c: {  	[sflag:s24] =	ssyncadd.s32 $0xFFFFC000  }
0x17d: {  	_ =	swait.ge [sflag:s24], $0x4000  }
0x17e: {  	[sflag:s24] =	ssyncset.done $0x0  }
0x17f: {  	[sflag:s24] =	ssyncadd.s32 $0xFFFFC000  }
0x180: {  	_ =	swait.ge [sflag:s24], $0x4000  }
0x181: {  	s20 =	sadd.s32 $0x0, s6;
	[sflag:s24] =	ssyncset.done $0x0  }
0x182: {  	s18 =	simm.s32 $0x8;
	s19 =	simm.s32 $0x380;
	[sflag:s24] =	ssyncadd.s32 $0xFFFFC000  }
.LBB2_18:
0x183: {  	[hbm4b:s20+s1] =	stream.linear.scatter [tilespmem:s0], [sflag:$0x2], $0x40, $0x38;
	[tilespmem:$0x18400] =	vst v63  }
0x184: {  	s20 =	smov.u32 s18;
	s0 =	smov.u32 s19;
	p0 =	sne.s32 s18, $0x3F8  }
.Ltmp8:
0x185: {  	s18 =	sadd.s32 $0x8, s18;
	(pc) =	sbr.rel @p0 .LBB2_18-.Ltmp8, $2  }
0x186: {  	_ =	sdelay $0x2  }
0x187: {  	s19 =	sadd.s32 $0x80, s19;
	s20 =	sadd.s32 s20, s6  }
0x188: {  	[hbm4b:s20+s1] =	stream.linear.scatter [tilespmem:s0], [sflag:$0x2], $0x40, $0x38;
	[tilespmem:$0x18400] =	vst v63  }
0x189: {  	_ =	swait.ge [sflag:s25], $0x2000  }
0x18a: {  	s0 =	simm.s32 $0x4300;
	s18 =	simm.s32 $0x8;
	[sflag:s25] =	ssyncset.done $0x0  }
0x18b: {  	s20 =	sadd.s32 $0x0, s7;
	s19 =	simm.s32 $0x4380;
	[sflag:s25] =	ssyncadd.s32 $0xFFFFE000  }
.LBB2_20:
0x18c: {  	[hbm4b:s20+s1] =	stream.linear.scatter [tilespmem:s0], [sflag:$0x2], $0x40, $0x38;
	[tilespmem:$0x18400] =	vst v63  }
0x18d: {  	s20 =	smov.u32 s18;
	s0 =	smov.u32 s19;
	p0 =	sne.s32 s18, $0x3F8  }
.Ltmp9:
0x18e: {  	s18 =	sadd.s32 $0x8, s18;
	(pc) =	sbr.rel @p0 .LBB2_20-.Ltmp9, $2  }
0x18f: {  	_ =	sdelay $0x2  }
0x190: {  	s19 =	sadd.s32 $0x80, s19;
	s20 =	sadd.s32 s20, s7  }
0x191: {  	[hbm4b:s20+s1] =	stream.linear.scatter [tilespmem:s0], [sflag:$0x2], $0x40, $0x38;
	[tilespmem:$0x18400] =	vst v63  }
0x192: {  	_ =	swait.ge [sflag:s25], $0x2000  }
0x193: {  	s0 =	simm.s32 $0xC300;
	s18 =	simm.s32 $0x8;
	[sflag:s25] =	ssyncset.done $0x0  }
0x194: {  	s20 =	sadd.s32 $0x0, s8;
	s19 =	simm.s32 $0xC380;
	[sflag:s25] =	ssyncadd.s32 $0xFFFFE000  }
.LBB2_22:
0x195: {  	[hbm4b:s20+s1] =	stream.linear.scatter [tilespmem:s0], [sflag:$0x2], $0x40, $0x38;
	[tilespmem:$0x18400] =	vst v63  }
0x196: {  	s20 =	smov.u32 s18;
	s0 =	smov.u32 s19;
	p0 =	sne.s32 s18, $0x3F8  }
.Ltmp10:
0x197: {  	s18 =	sadd.s32 $0x8, s18;
	(pc) =	sbr.rel @p0 .LBB2_22-.Ltmp10, $2  }
0x198: {  	_ =	sdelay $0x2  }
0x199: {  	s19 =	sadd.s32 $0x80, s19;
	s20 =	sadd.s32 s20, s8  }
0x19a: {  	[hbm4b:s20+s1] =	stream.linear.scatter [tilespmem:s0], [sflag:$0x2], $0x40, $0x38;
	[tilespmem:$0x18400] =	vst v63  }
0x19b: {  	_ =	swait.ge [sflag:s25], $0x2000  }
0x19c: {  	s0 =	simm.s32 $0x10300;
	s18 =	simm.s32 $0x8;
	[sflag:s25] =	ssyncset.done $0x0  }
0x19d: {  	s20 =	sadd.s32 $0x0, s9;
	s19 =	simm.s32 $0x10380;
	[sflag:s25] =	ssyncadd.s32 $0xFFFFE000  }
.LBB2_24:
0x19e: {  	[hbm4b:s20+s1] =	stream.linear.scatter [tilespmem:s0], [sflag:$0x2], $0x40, $0x38;
	[tilespmem:$0x18400] =	vst v63  }
0x19f: {  	s20 =	smov.u32 s18;
	s0 =	smov.u32 s19;
	p0 =	sne.s32 s18, $0x3F8  }
.Ltmp11:
0x1a0: {  	s18 =	sadd.s32 $0x8, s18;
	(pc) =	sbr.rel @p0 .LBB2_24-.Ltmp11, $2  }
0x1a1: {  	_ =	sdelay $0x2  }
0x1a2: {  	s19 =	sadd.s32 $0x80, s19;
	s20 =	sadd.s32 s20, s9  }
0x1a3: {  	[hbm4b:s20+s1] =	stream.linear.scatter [tilespmem:s0], [sflag:$0x2], $0x40, $0x38;
	[tilespmem:$0x18400] =	vst v63  }
0x1a4: {  	_ =	swait.ge [sflag:s25], $0x2000  }
0x1a5: {  	s21 =	simm.s32 $0x0;
	s0 =	simm.s32 $0x320;
	[sflag:s25] =	ssyncset.done $0x0  }
0x1a6: {  	s18 =	simm.s32 $0x8320;
	s22 =	simm.s32 $0x4320;
	[sflag:s25] =	ssyncadd.s32 $0xFFFFE000  }
.LBB2_26:
0x1a7: {  	v1 =	vld [tilespmem:s0+$0x10]  }
0x1a8: {  	v2 =	vld [tilespmem:s22+$0xFFFFFFE0]  }
0x1a9: {  	v3 =	vld [tilespmem:s0+$0x0]  }
0x1aa: {  	v4 =	vld [tilespmem:s0+$0xFFFFFFE0]  }
0x1ab: {  	v5 =	vld [tilespmem:s18+$0xFFFFFFE0]  }
0x1ac: {  	v6 =	vld [tilespmem:s0+$0xFFFFFFF0]  }
0x1ad: {  	v7 =	vld [tilespmem:s18+$0xFFFFFFF0]  }
0x1ae: {  	v8 =	vld [tilespmem:s18+$0x0]  }
0x1af: {  	v9 =	vld [tilespmem:s22+$0xFFFFFFF0]  }
0x1b0: {  	v10 =	vld [tilespmem:s18+$0x10]  }
0x1b1: {  	v11 =	vld [tilespmem:s22+$0x0]  }
0x1b2: {  	v12 =	vld [tilespmem:s22+$0x10];
	s19 =	sadd.s32 $0x80, s0;
	v4 =	vadd.f32 v5, v4;
	v5 =	vadd.f32 v7, v6  }
0x1b3: {  	v13 =	vld [tilespmem:s19+$0x10];
	v3 =	vadd.f32 v8, v3  }
0x1b4: {  	s26 =	sadd.s32 $0x80, s18;
	v6 =	vld [tilespmem:s19+$0xFFFFFFF0];
	v2 =	vsub.f32 v4, v2;
	v4 =	vsub.f32 v5, v9  }
0x1b5: {  	s20 =	sadd.s32 $0x80, s22;
	v7 =	vld [tilespmem:s26+$0xFFFFFFF0];
	v1 =	vadd.f32 v10, v1  }
0x1b6: {  	v14 =	vld [tilespmem:s20+$0xFFFFFFE0];
	v3 =	vsub.f32 v3, v11;
	v2 =	vmul.f32 v2, v2;
	v4 =	vmul.f32 v4, v4  }
0x1b7: {  	v8 =	vld [tilespmem:s20+$0xFFFFFFF0]  }
0x1b8: {  	v16 =	vld [tilespmem:s19+$0xFFFFFFE0];
	v1 =	vsub.f32 v1, v12;
	v2 =	vadd.f32 v4, v2;
	v4 =	vmul.f32 v3, v3  }
0x1b9: {  	v17 =	vld [tilespmem:s26+$0xFFFFFFE0]  }
0x1ba: {  	v15 =	vld [tilespmem:s19+$0x0];
	v1 =	vmul.f32 v1, v1;
	v6 =	vadd.f32 v7, v6;
	v7 =	vadd.f32 v4, v2  }
0x1bb: {  	v5 =	vld [tilespmem:s26+$0x0]  }
0x1bc: {  	v9 =	vld [tilespmem:s26+$0x10];
	v6 =	vsub.f32 v6, v8;
	v8 =	vadd.f32 v1, v7  }
0x1bd: {  	v10 =	vld [tilespmem:s20+$0x0]  }
0x1be: {  	s30 =	sadd.s32 $0x80, s19;
	v62 =	vadd.f32 v17, v16;
	v11 =	vld [tilespmem:s20+$0x10];
	(xrf2) =	vadd.scan.msk.f32 $0xffff, v8  }
0x1bf: {  	v3 =	vld [tilespmem:s30+$0x10]  }
0x1c0: {  	s29 =	sadd.s32 $0x80, s20;
	v12 =	vsub.f32 v62, v14;
	v15 =	vadd.f32 v5, v15;
	v5 =	vld [tilespmem:s30+$0xFFFFFFE0]  }
0x1c1: {  	v13 =	vadd.f32 v9, v13;
	v2 =	vld [tilespmem:s29+$0xFFFFFFE0]  }
0x1c2: {  	s19 =	sadd.s32 $0x80, s26;
	v9 =	vmul.f32 v12, v12;
	v4 =	vld [tilespmem:s30+$0x0];
	v63 =	vmul.f32 v6, v6;
	v10 =	vsub.f32 v15, v10  }
0x1c3: {  	v6 =	vld [tilespmem:s19+$0xFFFFFFE0]  }
0x1c4: {  	s28 =	simm.s32 $0x1;
	v7 =	vld [tilespmem:s30+$0xFFFFFFF0];
	v8 =	vadd.f32 v63, v9;
	v9 =	vmul.f32 v10, v10;
	v10 =	vsub.f32 v13, v11  }
0x1c5: {  	s31 =	simm.s32 $0x0;
	s20 =	simm.s32 $0x2;
	s26 =	simm.s32 $0x3;
	v1 =	vimm.f32 $0.0e+00;
	v11 =	vld [tilespmem:s19+$0xFFFFFFF0]  }
.LBB2_27:
0x1c6: {  	p0 =	sne.s32 s26, $0xF;
	v12 =	vld [tilespmem:s19+$0x0];
	v8 =	vadd.f32 v9, v8;
	v14 =	vmul.f32 v10, v10  }
0x1c7: {  	v10 =	vld [tilespmem:s29+$0xFFFFFFF0]  }
0x1c8: {  	v13 =	vld [tilespmem:s19+$0x10];
	v8 =	vadd.f32 v14, v8;
	v9, _, _ =	vpop (xrf2)  }
0x1c9: {  	v15 =	vmov s31;
	s31 =	smov.u32 s28;
	s28 =	smov.u32 s20;
	s20 =	smov.u32 s26;
	v14 =	vld [tilespmem:s29+$0x0];
	v9 =	vbroadcast v9, $0xF  }
0x1ca: {  	s30 =	sadd.s32 $0x80, s30;
	vm0 =	veq.s32 v15, v0;
	v5 =	vadd.f32 v6, v5;
	v6 =	vadd.f32 v11, v7;
	v11 =	vld [tilespmem:s29+$0x10];
	(xrf2) =	vadd.scan.msk.f32 $0xffff, v8  }
0x1cb: {  	s29 =	sadd.s32 $0x80, s29;
	v15 =	vld [tilespmem:s30+$0x10];
	v7 =	vadd.f32 v12, v4;
	v1 =	vsel vm0, v9, v1  }
0x1cc: {  	v8 =	vsub.f32 v5, v2;
	v2 =	vld [tilespmem:s29+$0xFFFFFFE0];
	v6 =	vsub.f32 v6, v10  }
.Ltmp12:
0x1cd: {  	v4 =	vld [tilespmem:s30+$0x0];
	v12 =	vadd.f32 v13, v3;
	(pc) =	sbr.rel @p0 .LBB2_27-.Ltmp12, $4  }
0x1ce: {  	s19 =	sadd.s32 $0x80, s19;
	v8 =	vmul.f32 v8, v8;
	v5 =	vld [tilespmem:s30+$0xFFFFFFE0];
	v9 =	vmul.f32 v6, v6;
	v10 =	vsub.f32 v7, v14  }
0x1cf: {  	v6 =	vld [tilespmem:s19+$0xFFFFFFE0]  }
0x1d0: {  	v7 =	vld [tilespmem:s30+$0xFFFFFFF0];
	v8 =	vadd.f32 v9, v8;
	v9 =	vmul.f32 v10, v10;
	v10 =	vsub.f32 v12, v11;
	v3 =	vmovc v15  }
0x1d1: {  	s26 =	sadd.s32 $0x1, s26;
	v11 =	vld [tilespmem:s19+$0xFFFFFFF0]  }
0x1d2: {  	v12 =	vld [tilespmem:s19+$0x0]  }
0x1d3: {  	v13 =	vld [tilespmem:s29+$0xFFFFFFF0]  }
0x1d4: {  	v14 =	vld [tilespmem:s19+$0x10]  }
0x1d5: {  	v15 =	vld [tilespmem:s29+$0x0];
	v5 =	vadd.f32 v6, v5  }
0x1d6: {  	v57 =	vadd.f32 v11, v7  }
0x1d7: {  	v58 =	vld [tilespmem:s29+$0x10];
	v2 =	vsub.f32 v5, v2  }
0x1d8: {  	v4 =	vadd.f32 v12, v4;
	v59 =	vsub.f32 v57, v13  }
0x1d9: {  	v3 =	vadd.f32 v14, v3  }
0x1da: {  	v2 =	vmul.f32 v2, v2;
	v4 =	vsub.f32 v4, v15;
	v5 =	vmul.f32 v59, v59;
	_ =	sdelay $0x1  }
0x1db: {  	v3 =	vsub.f32 v3, v58;
	v4 =	vmul.f32 v4, v4;
	v2 =	vadd.f32 v5, v2  }
0x1dc: {  	v60 =	vadd.f32 v9, v8;
	v61 =	vmul.f32 v10, v10  }
0x1dd: {  	v3 =	vmul.f32 v3, v3;
	v2 =	vadd.f32 v4, v2  }
0x1de: {  	v62 =	vadd.f32 v61, v60  }
0x1df: {  	v2 =	vadd.f32 v3, v2  }
0x1e0: {  	(xrf2) =	vadd.scan.msk.f32 $0xffff, v62  }
0x1e1: {  	(xrf2) =	vadd.scan.msk.f32 $0xffff, v2;
	_ =	sdelay $0x6  }
0x1e2: {  	v2, _, _ =	vpop (xrf2)  }
0x1e3: {  	v3 =	vmov s31;
	v2 =	vbroadcast v2, $0xF  }
0x1e4: {  	vm0 =	veq.s32 v3, v0;
	v4, _, _ =	vpop (xrf2)  }
0x1e5: {  	v3 =	vbroadcast v4, $0xF;
	v1 =	vsel vm0, v2, v1;
	v2 =	vmov s28;
	v63, _, _ =	vpop (xrf2)  }
0x1e6: {  	vm14 =	veq.s32 v2, v0;
	v2 =	vmov s20;
	v4 =	vbroadcast v63, $0xF  }
0x1e7: {  	v1 =	vsel vm14, v3, v1;
	vm15 =	veq.s32 v2, v0  }
0x1e8: {  	v1 =	vsel vm15, v4, v1  }
0x1e9: {  	v2 =	vshrl.u32 v1, $0x1  }
0x1ea: {  	v2 =	vadd.s32 $0x1FBD1DF5, v2  }
0x1eb: {  	(erf) = vrcp.f32 v2;
	_ =	sdelay $0x8  }
0x1ec: {  	v3 =	vpop (erf)  }
0x1ed: {  	v3 =	vmul.f32 v3, v1;
	_ =	sdelay $0x1  }
0x1ee: {  	v2 =	vadd.f32 v2, v3;
	_ =	sdelay $0x1  }
0x1ef: {  	v2 =	vmul.f32 $5.000000000e-01, v2;
	_ =	sdelay $0x1  }
0x1f0: {  	(erf) = vrcp.f32 v2;
	_ =	sdelay $0x8  }
0x1f1: {  	v3 =	vpop (erf)  }
0x1f2: {  	v3 =	vmul.f32 v3, v1;
	_ =	sdelay $0x1  }
0x1f3: {  	v2 =	vadd.f32 v3, v2;
	_ =	sdelay $0x1  }
0x1f4: {  	v2 =	vmul.f32 $5.000000000e-01, v2;
	_ =	sdelay $0x1  }
0x1f5: {  	(erf) = vrcp.f32 v2;
	_ =	sdelay $0x8  }
0x1f6: {  	v3 =	vpop (erf)  }
0x1f7: {  	s31 =	sshll.u32 s21, $0x4;
	s21 =	sadd.s32 $0x1, s21;
	v1 =	vmul.f32 v3, v1  }
0x1f8: {  	p0 =	sne.s32 s21, $0x8  }
.Ltmp13:
0x1f9: {  	v1 =	vadd.f32 v1, v2;
	(pc) =	sbr.rel @p0 .LBB2_26-.Ltmp13, $4  }
0x1fa: {  	_ = 	snop  }
0x1fb: {  	v1 =	vmul.f32 $5.000000000e-01, v1  }
0x1fc: {  	s19 =	sand.u32 $0x3FFFFFF0, s31  }
0x1fd: {  	s0 =	sadd.s32 $0x800, s0;
	s18 =	sadd.s32 $0x800, s18;
	s22 =	sadd.s32 $0x800, s22;
	[tilespmem:s19+$0x18300] =	vst v1  }
0x1fe: {  	s21 =	simm.s32 $0x0  }
0x1ff: {  	s22 =	simm.s32 $0xC320;
	s0 =	simm.s32 $0x14320;
	s18 =	simm.s32 $0x10320  }
.LBB2_30:
0x200: {  	v1 =	vld [tilespmem:s22+$0x10]  }
0x201: {  	v2 =	vld [tilespmem:s18+$0xFFFFFFE0]  }
0x202: {  	v3 =	vld [tilespmem:s22+$0x0]  }
0x203: {  	v4 =	vld [tilespmem:s22+$0xFFFFFFE0]  }
0x204: {  	v5 =	vld [tilespmem:s0+$0xFFFFFFE0]  }
0x205: {  	v6 =	vld [tilespmem:s22+$0xFFFFFFF0]  }
0x206: {  	v7 =	vld [tilespmem:s0+$0xFFFFFFF0]  }
0x207: {  	v8 =	vld [tilespmem:s0+$0x0]  }
0x208: {  	v9 =	vld [tilespmem:s18+$0xFFFFFFF0]  }
0x209: {  	v10 =	vld [tilespmem:s0+$0x10]  }
0x20a: {  	v11 =	vld [tilespmem:s18+$0x0]  }
0x20b: {  	v12 =	vld [tilespmem:s18+$0x10];
	s19 =	sadd.s32 $0x80, s22;
	v4 =	vadd.f32 v5, v4;
	v5 =	vadd.f32 v7, v6  }
0x20c: {  	v13 =	vld [tilespmem:s19+$0x10];
	v3 =	vadd.f32 v8, v3  }
0x20d: {  	s26 =	sadd.s32 $0x80, s0;
	v6 =	vld [tilespmem:s19+$0xFFFFFFF0];
	v2 =	vsub.f32 v4, v2;
	v4 =	vsub.f32 v5, v9  }
0x20e: {  	s20 =	sadd.s32 $0x80, s18;
	v7 =	vld [tilespmem:s26+$0xFFFFFFF0];
	v1 =	vadd.f32 v10, v1  }
0x20f: {  	v14 =	vld [tilespmem:s20+$0xFFFFFFE0];
	v3 =	vsub.f32 v3, v11;
	v2 =	vmul.f32 v2, v2;
	v4 =	vmul.f32 v4, v4  }
0x210: {  	v8 =	vld [tilespmem:s20+$0xFFFFFFF0]  }
0x211: {  	v16 =	vld [tilespmem:s19+$0xFFFFFFE0];
	v1 =	vsub.f32 v1, v12;
	v2 =	vadd.f32 v4, v2;
	v4 =	vmul.f32 v3, v3  }
0x212: {  	v17 =	vld [tilespmem:s26+$0xFFFFFFE0]  }
0x213: {  	v15 =	vld [tilespmem:s19+$0x0];
	v1 =	vmul.f32 v1, v1;
	v6 =	vadd.f32 v7, v6;
	v7 =	vadd.f32 v4, v2  }
0x214: {  	v5 =	vld [tilespmem:s26+$0x0]  }
0x215: {  	v9 =	vld [tilespmem:s26+$0x10];
	v6 =	vsub.f32 v6, v8;
	v8 =	vadd.f32 v1, v7  }
0x216: {  	v10 =	vld [tilespmem:s20+$0x0]  }
0x217: {  	s30 =	sadd.s32 $0x80, s19;
	v62 =	vadd.f32 v17, v16;
	v11 =	vld [tilespmem:s20+$0x10];
	(xrf2) =	vadd.scan.msk.f32 $0xffff, v8  }
0x218: {  	v3 =	vld [tilespmem:s30+$0x10]  }
0x219: {  	s29 =	sadd.s32 $0x80, s20;
	v12 =	vsub.f32 v62, v14;
	v15 =	vadd.f32 v5, v15;
	v5 =	vld [tilespmem:s30+$0xFFFFFFE0]  }
0x21a: {  	v13 =	vadd.f32 v9, v13;
	v2 =	vld [tilespmem:s29+$0xFFFFFFE0]  }
0x21b: {  	s19 =	sadd.s32 $0x80, s26;
	v9 =	vmul.f32 v12, v12;
	v4 =	vld [tilespmem:s30+$0x0];
	v63 =	vmul.f32 v6, v6;
	v10 =	vsub.f32 v15, v10  }
0x21c: {  	v6 =	vld [tilespmem:s19+$0xFFFFFFE0]  }
0x21d: {  	s28 =	simm.s32 $0x1;
	v7 =	vld [tilespmem:s30+$0xFFFFFFF0];
	v8 =	vadd.f32 v63, v9;
	v9 =	vmul.f32 v10, v10;
	v10 =	vsub.f32 v13, v11  }
0x21e: {  	s31 =	simm.s32 $0x0;
	s20 =	simm.s32 $0x2;
	s26 =	simm.s32 $0x3;
	v1 =	vimm.f32 $0.0e+00;
	v11 =	vld [tilespmem:s19+$0xFFFFFFF0]  }
.LBB2_31:
0x21f: {  	p0 =	sne.s32 s26, $0xF;
	v12 =	vld [tilespmem:s19+$0x0];
	v8 =	vadd.f32 v9, v8;
	v14 =	vmul.f32 v10, v10  }
0x220: {  	v10 =	vld [tilespmem:s29+$0xFFFFFFF0]  }
0x221: {  	v13 =	vld [tilespmem:s19+$0x10];
	v8 =	vadd.f32 v14, v8;
	v9, _, _ =	vpop (xrf2)  }
0x222: {  	v15 =	vmov s31;
	s31 =	smov.u32 s28;
	s28 =	smov.u32 s20;
	s20 =	smov.u32 s26;
	v14 =	vld [tilespmem:s29+$0x0];
	v9 =	vbroadcast v9, $0xF  }
0x223: {  	s30 =	sadd.s32 $0x80, s30;
	vm0 =	veq.s32 v15, v0;
	v5 =	vadd.f32 v6, v5;
	v6 =	vadd.f32 v11, v7;
	v11 =	vld [tilespmem:s29+$0x10];
	(xrf2) =	vadd.scan.msk.f32 $0xffff, v8  }
0x224: {  	s29 =	sadd.s32 $0x80, s29;
	v15 =	vld [tilespmem:s30+$0x10];
	v7 =	vadd.f32 v12, v4;
	v1 =	vsel vm0, v9, v1  }
0x225: {  	v8 =	vsub.f32 v5, v2;
	v2 =	vld [tilespmem:s29+$0xFFFFFFE0];
	v6 =	vsub.f32 v6, v10  }
.Ltmp14:
0x226: {  	v4 =	vld [tilespmem:s30+$0x0];
	v12 =	vadd.f32 v13, v3;
	(pc) =	sbr.rel @p0 .LBB2_31-.Ltmp14, $4  }
0x227: {  	s19 =	sadd.s32 $0x80, s19;
	v8 =	vmul.f32 v8, v8;
	v5 =	vld [tilespmem:s30+$0xFFFFFFE0];
	v9 =	vmul.f32 v6, v6;
	v10 =	vsub.f32 v7, v14  }
0x228: {  	v6 =	vld [tilespmem:s19+$0xFFFFFFE0]  }
0x229: {  	v7 =	vld [tilespmem:s30+$0xFFFFFFF0];
	v8 =	vadd.f32 v9, v8;
	v9 =	vmul.f32 v10, v10;
	v10 =	vsub.f32 v12, v11;
	v3 =	vmovc v15  }
0x22a: {  	s26 =	sadd.s32 $0x1, s26;
	v11 =	vld [tilespmem:s19+$0xFFFFFFF0]  }
0x22b: {  	v12 =	vld [tilespmem:s19+$0x0]  }
0x22c: {  	v13 =	vld [tilespmem:s29+$0xFFFFFFF0]  }
0x22d: {  	v14 =	vld [tilespmem:s19+$0x10]  }
0x22e: {  	v15 =	vld [tilespmem:s29+$0x0];
	v5 =	vadd.f32 v6, v5  }
0x22f: {  	v57 =	vadd.f32 v11, v7  }
0x230: {  	v58 =	vld [tilespmem:s29+$0x10];
	v2 =	vsub.f32 v5, v2  }
0x231: {  	v4 =	vadd.f32 v12, v4;
	v59 =	vsub.f32 v57, v13  }
0x232: {  	v3 =	vadd.f32 v14, v3  }
0x233: {  	v2 =	vmul.f32 v2, v2;
	v4 =	vsub.f32 v4, v15;
	v5 =	vmul.f32 v59, v59;
	_ =	sdelay $0x1  }
0x234: {  	v3 =	vsub.f32 v3, v58;
	v4 =	vmul.f32 v4, v4;
	v2 =	vadd.f32 v5, v2  }
0x235: {  	v60 =	vadd.f32 v9, v8;
	v61 =	vmul.f32 v10, v10  }
0x236: {  	v3 =	vmul.f32 v3, v3;
	v2 =	vadd.f32 v4, v2  }
0x237: {  	v62 =	vadd.f32 v61, v60  }
0x238: {  	v2 =	vadd.f32 v3, v2  }
0x239: {  	(xrf2) =	vadd.scan.msk.f32 $0xffff, v62  }
0x23a: {  	(xrf2) =	vadd.scan.msk.f32 $0xffff, v2;
	_ =	sdelay $0x6  }
0x23b: {  	v2, _, _ =	vpop (xrf2)  }
0x23c: {  	v3 =	vmov s31;
	v2 =	vbroadcast v2, $0xF  }
0x23d: {  	vm0 =	veq.s32 v3, v0;
	v4, _, _ =	vpop (xrf2)  }
0x23e: {  	v3 =	vbroadcast v4, $0xF;
	v1 =	vsel vm0, v2, v1;
	v2 =	vmov s28;
	v63, _, _ =	vpop (xrf2)  }
0x23f: {  	vm14 =	veq.s32 v2, v0;
	v2 =	vmov s20;
	v4 =	vbroadcast v63, $0xF  }
0x240: {  	v1 =	vsel vm14, v3, v1;
	vm15 =	veq.s32 v2, v0  }
0x241: {  	v1 =	vsel vm15, v4, v1  }
0x242: {  	v2 =	vshrl.u32 v1, $0x1  }
0x243: {  	v2 =	vadd.s32 $0x1FBD1DF5, v2  }
0x244: {  	(erf) = vrcp.f32 v2;
	_ =	sdelay $0x8  }
0x245: {  	v3 =	vpop (erf)  }
0x246: {  	v3 =	vmul.f32 v3, v1;
	_ =	sdelay $0x1  }
0x247: {  	v2 =	vadd.f32 v2, v3;
	_ =	sdelay $0x1  }
0x248: {  	v2 =	vmul.f32 $5.000000000e-01, v2;
	_ =	sdelay $0x1  }
0x249: {  	(erf) = vrcp.f32 v2;
	_ =	sdelay $0x8  }
0x24a: {  	v3 =	vpop (erf)  }
0x24b: {  	v3 =	vmul.f32 v3, v1;
	_ =	sdelay $0x1  }
0x24c: {  	v2 =	vadd.f32 v3, v2;
	_ =	sdelay $0x1  }
0x24d: {  	v2 =	vmul.f32 $5.000000000e-01, v2;
	_ =	sdelay $0x1  }
0x24e: {  	(erf) = vrcp.f32 v2;
	_ =	sdelay $0x8  }
0x24f: {  	v3 =	vpop (erf)  }
0x250: {  	s31 =	sshll.u32 s21, $0x4;
	s21 =	sadd.s32 $0x1, s21;
	v1 =	vmul.f32 v3, v1  }
0x251: {  	p0 =	sne.s32 s21, $0x8  }
.Ltmp15:
0x252: {  	v1 =	vadd.f32 v1, v2;
	(pc) =	sbr.rel @p0 .LBB2_30-.Ltmp15, $4  }
0x253: {  	_ = 	snop  }
0x254: {  	v1 =	vmul.f32 $5.000000000e-01, v1  }
0x255: {  	s19 =	sand.u32 $0x3FFFFFF0, s31  }
0x256: {  	s22 =	sadd.s32 $0x800, s22;
	s0 =	sadd.s32 $0x800, s0;
	s18 =	sadd.s32 $0x800, s18;
	[tilespmem:s19+$0x18380] =	vst v1  }
0x257: {  	s18 =	simm.s32 $0x0;
	s0 =	rddreg [dreg:$0x1b];
	s19 =	simm.s32 $0x18300  }
0x258: {  	[hbm4b:s0+s18] =	stream.linear.scatter [tilespmem:s19], [sflag:$0x2], $0x80, $0x38;
	[tilespmem:$0x18400] =	vst v63  }
0x259: {  	_ =	swait.ge [sflag:s25], $0x80  }
0x25a: {  	[sflag:s25] =	ssyncset.done $0x0  }
0x25b: {  	s21 =	simm.s32 $0x18380;
	s20 =	rddreg [dreg:$0x1c];
	[sflag:s25] =	ssyncadd.s32 $0xFFFFFF80  }
0x25c: {  	[hbm4b:s20+s18] =	stream.linear.scatter [tilespmem:s21], [sflag:$0x2], $0x80, $0x38;
	[tilespmem:$0x18400] =	vst v63  }
0x25d: {  	_ =	swait.ge [sflag:s25], $0x80  }
0x25e: {  	[sflag:s25] =	ssyncset.done $0x0  }
0x25f: {  	s22 =	rddreg [dreg:$0x1d];
	[sflag:s25] =	ssyncadd.s32 $0xFFFFFF80  }
0x260: {  	[tilespmem:s18], [sflag:$0x2] =	stream.linear.gather [hbm4b:s22+s18], $0x80, $0x38;
	[tilespmem:$0x18400] =	vst v63  }
0x261: {  	_ =	swait.ge [sflag:s25], $0x80  }
0x262: {  	[sflag:s25] =	ssyncset.done $0x0  }
0x263: {  	s19 =	simm.s32 $0x80;
	s26 =	rddreg [dreg:$0x1e];
	[sflag:s25] =	ssyncadd.s32 $0xFFFFFF80  }
0x264: {  	[tilespmem:s19], [sflag:$0x2] =	stream.linear.gather [hbm4b:s26+s18], $0x80, $0x38;
	[tilespmem:$0x18400] =	vst v63  }
0x265: {  	_ =	swait.ge [sflag:s25], $0x80  }
0x266: {  	[sflag:s25] =	ssyncset.done $0x0  }
0x267: {  	s20 =	simm.s32 $0x100;
	s28 =	rddreg [dreg:$0x1f];
	[sflag:s25] =	ssyncadd.s32 $0xFFFFFF80  }
0x268: {  	[tilespmem:s20], [sflag:$0x2] =	stream.linear.gather [hbm4b:s28+s18], $0x80, $0x38;
	[tilespmem:$0x18400] =	vst v63  }
0x269: {  	_ =	swait.ge [sflag:s25], $0x80  }
0x26a: {  	s29 =	sld [smem:$0x7F0]  }
0x26b: {  	[sflag:s25] =	ssyncset.done $0x0  }
0x26c: {  	s21 =	simm.s32 $0x180;
	[sflag:s25] =	ssyncadd.s32 $0xFFFFFF80  }
0x26d: {  	[tilespmem:s21], [sflag:$0x2] =	stream.linear.gather [hbm4b:s29+s18], $0x80, $0x38;
	[tilespmem:$0x18400] =	vst v63  }
0x26e: {  	_ =	swait.ge [sflag:s25], $0x80  }
0x26f: {  	s30 =	sld [smem:$0x7F1]  }
0x270: {  	[sflag:s25] =	ssyncset.done $0x0  }
0x271: {  	s22 =	simm.s32 $0x200;
	[sflag:s25] =	ssyncadd.s32 $0xFFFFFF80  }
0x272: {  	[tilespmem:s22], [sflag:$0x2] =	stream.linear.gather [hbm4b:s30+s18], $0x80, $0x38;
	[tilespmem:$0x18400] =	vst v63  }
0x273: {  	_ =	swait.ge [sflag:s25], $0x80  }
0x274: {  	s31 =	sld [smem:$0x7F2]  }
0x275: {  	[sflag:s25] =	ssyncset.done $0x0  }
0x276: {  	s26 =	simm.s32 $0x280;
	[sflag:s25] =	ssyncadd.s32 $0xFFFFFF80  }
0x277: {  	[tilespmem:s26], [sflag:$0x2] =	stream.linear.gather [hbm4b:s31+s18], $0x80, $0x38;
	[tilespmem:$0x18400] =	vst v63  }
0x278: {  	_ =	swait.ge [sflag:s25], $0x80  }
0x279: {  	[sflag:s25] =	ssyncset.done $0x0  }
0x27a: {  	s0 =	simm.s32 $0x300;
	[sflag:s25] =	ssyncadd.s32 $0xFFFFFF80  }
0x27b: {  	[tilespmem:s0], [sflag:$0x1] =	stream.indirect.gather [hbm4b:s23+s19], $0x80, s18, s19, $0xb8;
	[tilespmem:$0x18400] =	vst v63  }
0x27c: {  	s28 =	simm.s32 $0x4300  }
0x27d: {  	[tilespmem:s28], [sflag:$0x1] =	stream.indirect.gather [hbm4b:s23+s19], $0x80, s19, s19, $0xb8;
	[tilespmem:$0x18400] =	vst v63  }
0x27e: {  	s18 =	rddreg [dreg:$0x7];
	s28 =	simm.s32 $0x8300  }
0x27f: {  	[tilespmem:s28], [sflag:$0x1] =	stream.indirect.gather [hbm4b:s18+s19], $0x80, s20, s19, $0xb8;
	[tilespmem:$0x18400] =	vst v63  }
0x280: {  	s29 =	simm.s32 $0xC300  }
0x281: {  	[tilespmem:s29], [sflag:$0x1] =	stream.indirect.gather [hbm4b:s23+s19], $0x80, s21, s19, $0xb8;
	[tilespmem:$0x18400] =	vst v63  }
0x282: {  	s30 =	simm.s32 $0x10300  }
0x283: {  	[tilespmem:s30], [sflag:$0x1] =	stream.indirect.gather [hbm4b:s23+s19], $0x80, s22, s19, $0xb8;
	[tilespmem:$0x18400] =	vst v63  }
0x284: {  	s31 =	simm.s32 $0x14300  }
0x285: {  	[tilespmem:s31], [sflag:$0x1] =	stream.indirect.gather [hbm4b:s18+s19], $0x80, s26, s19, $0xb8;
	[tilespmem:$0x18400] =	vst v63  }
0x286: {  	_ =	swait.ge [sflag:s24], $0x4000  }
0x287: {  	[sflag:s24] =	ssyncset.done $0x0  }
0x288: {  	[sflag:s24] =	ssyncadd.s32 $0xFFFFC000  }
0x289: {  	_ =	swait.ge [sflag:s24], $0x4000  }
0x28a: {  	[sflag:s24] =	ssyncset.done $0x0  }
0x28b: {  	[sflag:s24] =	ssyncadd.s32 $0xFFFFC000  }
0x28c: {  	_ =	swait.ge [sflag:s24], $0x4000  }
0x28d: {  	[sflag:s24] =	ssyncset.done $0x0  }
0x28e: {  	[sflag:s24] =	ssyncadd.s32 $0xFFFFC000  }
0x28f: {  	_ =	swait.ge [sflag:s24], $0x4000  }
0x290: {  	[sflag:s24] =	ssyncset.done $0x0  }
0x291: {  	[sflag:s24] =	ssyncadd.s32 $0xFFFFC000  }
0x292: {  	_ =	swait.ge [sflag:s24], $0x4000  }
0x293: {  	[sflag:s24] =	ssyncset.done $0x0  }
0x294: {  	[sflag:s24] =	ssyncadd.s32 $0xFFFFC000  }
0x295: {  	_ =	swait.ge [sflag:s24], $0x4000  }
0x296: {  	s20 =	sadd.s32 $0x0, s10;
	[sflag:s24] =	ssyncset.done $0x0  }
0x297: {  	s18 =	simm.s32 $0x8;
	s19 =	simm.s32 $0x380;
	[sflag:s24] =	ssyncadd.s32 $0xFFFFC000  }
.LBB2_34:
0x298: {  	[hbm4b:s20+s1] =	stream.linear.scatter [tilespmem:s0], [sflag:$0x2], $0x40, $0x38;
	[tilespmem:$0x18400] =	vst v63  }
0x299: {  	s20 =	smov.u32 s18;
	s0 =	smov.u32 s19;
	p0 =	sne.s32 s18, $0x3F8  }
.Ltmp16:
0x29a: {  	s18 =	sadd.s32 $0x8, s18;
	(pc) =	sbr.rel @p0 .LBB2_34-.Ltmp16, $2  }
0x29b: {  	_ =	sdelay $0x2  }
0x29c: {  	s19 =	sadd.s32 $0x80, s19;
	s20 =	sadd.s32 s20, s10  }
0x29d: {  	[hbm4b:s20+s1] =	stream.linear.scatter [tilespmem:s0], [sflag:$0x2], $0x40, $0x38;
	[tilespmem:$0x18400] =	vst v63  }
0x29e: {  	_ =	swait.ge [sflag:s25], $0x2000  }
0x29f: {  	s0 =	simm.s32 $0x4300;
	s18 =	simm.s32 $0x8;
	[sflag:s25] =	ssyncset.done $0x0  }
0x2a0: {  	s20 =	sadd.s32 $0x0, s11;
	s19 =	simm.s32 $0x4380;
	[sflag:s25] =	ssyncadd.s32 $0xFFFFE000  }
.LBB2_36:
0x2a1: {  	[hbm4b:s20+s1] =	stream.linear.scatter [tilespmem:s0], [sflag:$0x2], $0x40, $0x38;
	[tilespmem:$0x18400] =	vst v63  }
0x2a2: {  	s20 =	smov.u32 s18;
	s0 =	smov.u32 s19;
	p0 =	sne.s32 s18, $0x3F8  }
.Ltmp17:
0x2a3: {  	s18 =	sadd.s32 $0x8, s18;
	(pc) =	sbr.rel @p0 .LBB2_36-.Ltmp17, $2  }
0x2a4: {  	_ =	sdelay $0x2  }
0x2a5: {  	s19 =	sadd.s32 $0x80, s19;
	s20 =	sadd.s32 s20, s11  }
0x2a6: {  	[hbm4b:s20+s1] =	stream.linear.scatter [tilespmem:s0], [sflag:$0x2], $0x40, $0x38;
	[tilespmem:$0x18400] =	vst v63  }
0x2a7: {  	_ =	swait.ge [sflag:s25], $0x2000  }
0x2a8: {  	s0 =	simm.s32 $0xC300;
	s18 =	simm.s32 $0x8;
	[sflag:s25] =	ssyncset.done $0x0  }
0x2a9: {  	s20 =	sadd.s32 $0x0, s12;
	s19 =	simm.s32 $0xC380;
	[sflag:s25] =	ssyncadd.s32 $0xFFFFE000  }
.LBB2_38:
0x2aa: {  	[hbm4b:s20+s1] =	stream.linear.scatter [tilespmem:s0], [sflag:$0x2], $0x40, $0x38;
	[tilespmem:$0x18400] =	vst v63  }
0x2ab: {  	s20 =	smov.u32 s18;
	s0 =	smov.u32 s19;
	p0 =	sne.s32 s18, $0x3F8  }
.Ltmp18:
0x2ac: {  	s18 =	sadd.s32 $0x8, s18;
	(pc) =	sbr.rel @p0 .LBB2_38-.Ltmp18, $2  }
0x2ad: {  	_ =	sdelay $0x2  }
0x2ae: {  	s19 =	sadd.s32 $0x80, s19;
	s20 =	sadd.s32 s20, s12  }
0x2af: {  	[hbm4b:s20+s1] =	stream.linear.scatter [tilespmem:s0], [sflag:$0x2], $0x40, $0x38;
	[tilespmem:$0x18400] =	vst v63  }
0x2b0: {  	_ =	swait.ge [sflag:s25], $0x2000  }
0x2b1: {  	s0 =	simm.s32 $0x10300;
	s18 =	simm.s32 $0x8;
	[sflag:s25] =	ssyncset.done $0x0  }
0x2b2: {  	s20 =	sadd.s32 $0x0, s13;
	s19 =	simm.s32 $0x10380;
	[sflag:s25] =	ssyncadd.s32 $0xFFFFE000  }
.LBB2_40:
0x2b3: {  	[hbm4b:s20+s1] =	stream.linear.scatter [tilespmem:s0], [sflag:$0x2], $0x40, $0x38;
	[tilespmem:$0x18400] =	vst v63  }
0x2b4: {  	s20 =	smov.u32 s18;
	s0 =	smov.u32 s19;
	p0 =	sne.s32 s18, $0x3F8  }
.Ltmp19:
0x2b5: {  	s18 =	sadd.s32 $0x8, s18;
	(pc) =	sbr.rel @p0 .LBB2_40-.Ltmp19, $2  }
0x2b6: {  	_ =	sdelay $0x2  }
0x2b7: {  	s19 =	sadd.s32 $0x80, s19;
	s20 =	sadd.s32 s20, s13  }
0x2b8: {  	[hbm4b:s20+s1] =	stream.linear.scatter [tilespmem:s0], [sflag:$0x2], $0x40, $0x38;
	[tilespmem:$0x18400] =	vst v63  }
0x2b9: {  	_ =	swait.ge [sflag:s25], $0x2000  }
0x2ba: {  	s21 =	simm.s32 $0x0;
	s0 =	simm.s32 $0x320;
	[sflag:s25] =	ssyncset.done $0x0  }
0x2bb: {  	s18 =	simm.s32 $0x8320;
	s22 =	simm.s32 $0x4320;
	[sflag:s25] =	ssyncadd.s32 $0xFFFFE000  }
.LBB2_42:
0x2bc: {  	v1 =	vld [tilespmem:s0+$0x10]  }
0x2bd: {  	v2 =	vld [tilespmem:s22+$0xFFFFFFE0]  }
0x2be: {  	v3 =	vld [tilespmem:s0+$0x0]  }
0x2bf: {  	v4 =	vld [tilespmem:s0+$0xFFFFFFE0]  }
0x2c0: {  	v5 =	vld [tilespmem:s18+$0xFFFFFFE0]  }
0x2c1: {  	v6 =	vld [tilespmem:s0+$0xFFFFFFF0]  }
0x2c2: {  	v7 =	vld [tilespmem:s18+$0xFFFFFFF0]  }
0x2c3: {  	v8 =	vld [tilespmem:s18+$0x0]  }
0x2c4: {  	v9 =	vld [tilespmem:s22+$0xFFFFFFF0]  }
0x2c5: {  	v10 =	vld [tilespmem:s18+$0x10]  }
0x2c6: {  	v11 =	vld [tilespmem:s22+$0x0]  }
0x2c7: {  	v12 =	vld [tilespmem:s22+$0x10];
	s19 =	sadd.s32 $0x80, s0;
	v4 =	vadd.f32 v5, v4;
	v5 =	vadd.f32 v7, v6  }
0x2c8: {  	v13 =	vld [tilespmem:s19+$0x10];
	v3 =	vadd.f32 v8, v3  }
0x2c9: {  	s26 =	sadd.s32 $0x80, s18;
	v6 =	vld [tilespmem:s19+$0xFFFFFFF0];
	v2 =	vsub.f32 v4, v2;
	v4 =	vsub.f32 v5, v9  }
0x2ca: {  	s20 =	sadd.s32 $0x80, s22;
	v7 =	vld [tilespmem:s26+$0xFFFFFFF0];
	v1 =	vadd.f32 v10, v1  }
0x2cb: {  	v14 =	vld [tilespmem:s20+$0xFFFFFFE0];
	v3 =	vsub.f32 v3, v11;
	v2 =	vmul.f32 v2, v2;
	v4 =	vmul.f32 v4, v4  }
0x2cc: {  	v8 =	vld [tilespmem:s20+$0xFFFFFFF0]  }
0x2cd: {  	v16 =	vld [tilespmem:s19+$0xFFFFFFE0];
	v1 =	vsub.f32 v1, v12;
	v2 =	vadd.f32 v4, v2;
	v4 =	vmul.f32 v3, v3  }
0x2ce: {  	v17 =	vld [tilespmem:s26+$0xFFFFFFE0]  }
0x2cf: {  	v15 =	vld [tilespmem:s19+$0x0];
	v1 =	vmul.f32 v1, v1;
	v6 =	vadd.f32 v7, v6;
	v7 =	vadd.f32 v4, v2  }
0x2d0: {  	v5 =	vld [tilespmem:s26+$0x0]  }
0x2d1: {  	v9 =	vld [tilespmem:s26+$0x10];
	v6 =	vsub.f32 v6, v8;
	v8 =	vadd.f32 v1, v7  }
0x2d2: {  	v10 =	vld [tilespmem:s20+$0x0]  }
0x2d3: {  	s30 =	sadd.s32 $0x80, s19;
	v62 =	vadd.f32 v17, v16;
	v11 =	vld [tilespmem:s20+$0x10];
	(xrf2) =	vadd.scan.msk.f32 $0xffff, v8  }
0x2d4: {  	v3 =	vld [tilespmem:s30+$0x10]  }
0x2d5: {  	s29 =	sadd.s32 $0x80, s20;
	v12 =	vsub.f32 v62, v14;
	v15 =	vadd.f32 v5, v15;
	v5 =	vld [tilespmem:s30+$0xFFFFFFE0]  }
0x2d6: {  	v13 =	vadd.f32 v9, v13;
	v2 =	vld [tilespmem:s29+$0xFFFFFFE0]  }
0x2d7: {  	s19 =	sadd.s32 $0x80, s26;
	v9 =	vmul.f32 v12, v12;
	v4 =	vld [tilespmem:s30+$0x0];
	v63 =	vmul.f32 v6, v6;
	v10 =	vsub.f32 v15, v10  }
0x2d8: {  	v6 =	vld [tilespmem:s19+$0xFFFFFFE0]  }
0x2d9: {  	s28 =	simm.s32 $0x1;
	v7 =	vld [tilespmem:s30+$0xFFFFFFF0];
	v8 =	vadd.f32 v63, v9;
	v9 =	vmul.f32 v10, v10;
	v10 =	vsub.f32 v13, v11  }
0x2da: {  	s31 =	simm.s32 $0x0;
	s20 =	simm.s32 $0x2;
	s26 =	simm.s32 $0x3;
	v1 =	vimm.f32 $0.0e+00;
	v11 =	vld [tilespmem:s19+$0xFFFFFFF0]  }
.LBB2_43:
0x2db: {  	p0 =	sne.s32 s26, $0xF;
	v12 =	vld [tilespmem:s19+$0x0];
	v8 =	vadd.f32 v9, v8;
	v14 =	vmul.f32 v10, v10  }
0x2dc: {  	v10 =	vld [tilespmem:s29+$0xFFFFFFF0]  }
0x2dd: {  	v13 =	vld [tilespmem:s19+$0x10];
	v8 =	vadd.f32 v14, v8;
	v9, _, _ =	vpop (xrf2)  }
0x2de: {  	v15 =	vmov s31;
	s31 =	smov.u32 s28;
	s28 =	smov.u32 s20;
	s20 =	smov.u32 s26;
	v14 =	vld [tilespmem:s29+$0x0];
	v9 =	vbroadcast v9, $0xF  }
0x2df: {  	s30 =	sadd.s32 $0x80, s30;
	vm0 =	veq.s32 v15, v0;
	v5 =	vadd.f32 v6, v5;
	v6 =	vadd.f32 v11, v7;
	v11 =	vld [tilespmem:s29+$0x10];
	(xrf2) =	vadd.scan.msk.f32 $0xffff, v8  }
0x2e0: {  	s29 =	sadd.s32 $0x80, s29;
	v15 =	vld [tilespmem:s30+$0x10];
	v7 =	vadd.f32 v12, v4;
	v1 =	vsel vm0, v9, v1  }
0x2e1: {  	v8 =	vsub.f32 v5, v2;
	v2 =	vld [tilespmem:s29+$0xFFFFFFE0];
	v6 =	vsub.f32 v6, v10  }
.Ltmp20:
0x2e2: {  	v4 =	vld [tilespmem:s30+$0x0];
	v12 =	vadd.f32 v13, v3;
	(pc) =	sbr.rel @p0 .LBB2_43-.Ltmp20, $4  }
0x2e3: {  	s19 =	sadd.s32 $0x80, s19;
	v8 =	vmul.f32 v8, v8;
	v5 =	vld [tilespmem:s30+$0xFFFFFFE0];
	v9 =	vmul.f32 v6, v6;
	v10 =	vsub.f32 v7, v14  }
0x2e4: {  	v6 =	vld [tilespmem:s19+$0xFFFFFFE0]  }
0x2e5: {  	v7 =	vld [tilespmem:s30+$0xFFFFFFF0];
	v8 =	vadd.f32 v9, v8;
	v9 =	vmul.f32 v10, v10;
	v10 =	vsub.f32 v12, v11;
	v3 =	vmovc v15  }
0x2e6: {  	s26 =	sadd.s32 $0x1, s26;
	v11 =	vld [tilespmem:s19+$0xFFFFFFF0]  }
0x2e7: {  	v12 =	vld [tilespmem:s19+$0x0]  }
0x2e8: {  	v13 =	vld [tilespmem:s29+$0xFFFFFFF0]  }
0x2e9: {  	v14 =	vld [tilespmem:s19+$0x10]  }
0x2ea: {  	v15 =	vld [tilespmem:s29+$0x0];
	v5 =	vadd.f32 v6, v5  }
0x2eb: {  	v57 =	vadd.f32 v11, v7  }
0x2ec: {  	v58 =	vld [tilespmem:s29+$0x10];
	v2 =	vsub.f32 v5, v2  }
0x2ed: {  	v4 =	vadd.f32 v12, v4;
	v59 =	vsub.f32 v57, v13  }
0x2ee: {  	v3 =	vadd.f32 v14, v3  }
0x2ef: {  	v2 =	vmul.f32 v2, v2;
	v4 =	vsub.f32 v4, v15;
	v5 =	vmul.f32 v59, v59;
	_ =	sdelay $0x1  }
0x2f0: {  	v3 =	vsub.f32 v3, v58;
	v4 =	vmul.f32 v4, v4;
	v2 =	vadd.f32 v5, v2  }
0x2f1: {  	v60 =	vadd.f32 v9, v8;
	v61 =	vmul.f32 v10, v10  }
0x2f2: {  	v3 =	vmul.f32 v3, v3;
	v2 =	vadd.f32 v4, v2  }
0x2f3: {  	v62 =	vadd.f32 v61, v60  }
0x2f4: {  	v2 =	vadd.f32 v3, v2  }
0x2f5: {  	(xrf2) =	vadd.scan.msk.f32 $0xffff, v62  }
0x2f6: {  	(xrf2) =	vadd.scan.msk.f32 $0xffff, v2;
	_ =	sdelay $0x6  }
0x2f7: {  	v2, _, _ =	vpop (xrf2)  }
0x2f8: {  	v3 =	vmov s31;
	v2 =	vbroadcast v2, $0xF  }
0x2f9: {  	vm0 =	veq.s32 v3, v0;
	v4, _, _ =	vpop (xrf2)  }
0x2fa: {  	v3 =	vbroadcast v4, $0xF;
	v1 =	vsel vm0, v2, v1;
	v2 =	vmov s28;
	v63, _, _ =	vpop (xrf2)  }
0x2fb: {  	vm14 =	veq.s32 v2, v0;
	v2 =	vmov s20;
	v4 =	vbroadcast v63, $0xF  }
0x2fc: {  	v1 =	vsel vm14, v3, v1;
	vm15 =	veq.s32 v2, v0  }
0x2fd: {  	v1 =	vsel vm15, v4, v1  }
0x2fe: {  	v2 =	vshrl.u32 v1, $0x1  }
0x2ff: {  	v2 =	vadd.s32 $0x1FBD1DF5, v2  }
0x300: {  	(erf) = vrcp.f32 v2;
	_ =	sdelay $0x8  }
0x301: {  	v3 =	vpop (erf)  }
0x302: {  	v3 =	vmul.f32 v3, v1;
	_ =	sdelay $0x1  }
0x303: {  	v2 =	vadd.f32 v2, v3;
	_ =	sdelay $0x1  }
0x304: {  	v2 =	vmul.f32 $5.000000000e-01, v2;
	_ =	sdelay $0x1  }
0x305: {  	(erf) = vrcp.f32 v2;
	_ =	sdelay $0x8  }
0x306: {  	v3 =	vpop (erf)  }
0x307: {  	v3 =	vmul.f32 v3, v1;
	_ =	sdelay $0x1  }
0x308: {  	v2 =	vadd.f32 v3, v2;
	_ =	sdelay $0x1  }
0x309: {  	v2 =	vmul.f32 $5.000000000e-01, v2;
	_ =	sdelay $0x1  }
0x30a: {  	(erf) = vrcp.f32 v2;
	_ =	sdelay $0x8  }
0x30b: {  	v3 =	vpop (erf)  }
0x30c: {  	s31 =	sshll.u32 s21, $0x4;
	s21 =	sadd.s32 $0x1, s21;
	v1 =	vmul.f32 v3, v1  }
0x30d: {  	p0 =	sne.s32 s21, $0x8  }
.Ltmp21:
0x30e: {  	v1 =	vadd.f32 v1, v2;
	(pc) =	sbr.rel @p0 .LBB2_42-.Ltmp21, $4  }
0x30f: {  	_ = 	snop  }
0x310: {  	v1 =	vmul.f32 $5.000000000e-01, v1  }
0x311: {  	s19 =	sand.u32 $0x3FFFFFF0, s31  }
0x312: {  	s0 =	sadd.s32 $0x800, s0;
	s18 =	sadd.s32 $0x800, s18;
	s22 =	sadd.s32 $0x800, s22;
	[tilespmem:s19+$0x18300] =	vst v1  }
0x313: {  	s21 =	simm.s32 $0x0  }
0x314: {  	s22 =	simm.s32 $0xC320;
	s0 =	simm.s32 $0x14320;
	s18 =	simm.s32 $0x10320  }
.LBB2_46:
0x315: {  	v1 =	vld [tilespmem:s22+$0x10]  }
0x316: {  	v2 =	vld [tilespmem:s18+$0xFFFFFFE0]  }
0x317: {  	v3 =	vld [tilespmem:s22+$0x0]  }
0x318: {  	v4 =	vld [tilespmem:s22+$0xFFFFFFE0]  }
0x319: {  	v5 =	vld [tilespmem:s0+$0xFFFFFFE0]  }
0x31a: {  	v6 =	vld [tilespmem:s22+$0xFFFFFFF0]  }
0x31b: {  	v7 =	vld [tilespmem:s0+$0xFFFFFFF0]  }
0x31c: {  	v8 =	vld [tilespmem:s0+$0x0]  }
0x31d: {  	v9 =	vld [tilespmem:s18+$0xFFFFFFF0]  }
0x31e: {  	v10 =	vld [tilespmem:s0+$0x10]  }
0x31f: {  	v11 =	vld [tilespmem:s18+$0x0]  }
0x320: {  	v12 =	vld [tilespmem:s18+$0x10];
	s19 =	sadd.s32 $0x80, s22;
	v4 =	vadd.f32 v5, v4;
	v5 =	vadd.f32 v7, v6  }
0x321: {  	v13 =	vld [tilespmem:s19+$0x10];
	v3 =	vadd.f32 v8, v3  }
0x322: {  	s26 =	sadd.s32 $0x80, s0;
	v6 =	vld [tilespmem:s19+$0xFFFFFFF0];
	v2 =	vsub.f32 v4, v2;
	v4 =	vsub.f32 v5, v9  }
0x323: {  	s20 =	sadd.s32 $0x80, s18;
	v7 =	vld [tilespmem:s26+$0xFFFFFFF0];
	v1 =	vadd.f32 v10, v1  }
0x324: {  	v14 =	vld [tilespmem:s20+$0xFFFFFFE0];
	v3 =	vsub.f32 v3, v11;
	v2 =	vmul.f32 v2, v2;
	v4 =	vmul.f32 v4, v4  }
0x325: {  	v8 =	vld [tilespmem:s20+$0xFFFFFFF0]  }
0x326: {  	v16 =	vld [tilespmem:s19+$0xFFFFFFE0];
	v1 =	vsub.f32 v1, v12;
	v2 =	vadd.f32 v4, v2;
	v4 =	vmul.f32 v3, v3  }
0x327: {  	v17 =	vld [tilespmem:s26+$0xFFFFFFE0]  }
0x328: {  	v15 =	vld [tilespmem:s19+$0x0];
	v1 =	vmul.f32 v1, v1;
	v6 =	vadd.f32 v7, v6;
	v7 =	vadd.f32 v4, v2  }
0x329: {  	v5 =	vld [tilespmem:s26+$0x0]  }
0x32a: {  	v9 =	vld [tilespmem:s26+$0x10];
	v6 =	vsub.f32 v6, v8;
	v8 =	vadd.f32 v1, v7  }
0x32b: {  	v10 =	vld [tilespmem:s20+$0x0]  }
0x32c: {  	s30 =	sadd.s32 $0x80, s19;
	v62 =	vadd.f32 v17, v16;
	v11 =	vld [tilespmem:s20+$0x10];
	(xrf2) =	vadd.scan.msk.f32 $0xffff, v8  }
0x32d: {  	v3 =	vld [tilespmem:s30+$0x10]  }
0x32e: {  	s29 =	sadd.s32 $0x80, s20;
	v12 =	vsub.f32 v62, v14;
	v15 =	vadd.f32 v5, v15;
	v5 =	vld [tilespmem:s30+$0xFFFFFFE0]  }
0x32f: {  	v13 =	vadd.f32 v9, v13;
	v2 =	vld [tilespmem:s29+$0xFFFFFFE0]  }
0x330: {  	s19 =	sadd.s32 $0x80, s26;
	v9 =	vmul.f32 v12, v12;
	v4 =	vld [tilespmem:s30+$0x0];
	v63 =	vmul.f32 v6, v6;
	v10 =	vsub.f32 v15, v10  }
0x331: {  	v6 =	vld [tilespmem:s19+$0xFFFFFFE0]  }
0x332: {  	s28 =	simm.s32 $0x1;
	v7 =	vld [tilespmem:s30+$0xFFFFFFF0];
	v8 =	vadd.f32 v63, v9;
	v9 =	vmul.f32 v10, v10;
	v10 =	vsub.f32 v13, v11  }
0x333: {  	s31 =	simm.s32 $0x0;
	s20 =	simm.s32 $0x2;
	s26 =	simm.s32 $0x3;
	v1 =	vimm.f32 $0.0e+00;
	v11 =	vld [tilespmem:s19+$0xFFFFFFF0]  }
.LBB2_47:
0x334: {  	p0 =	sne.s32 s26, $0xF;
	v12 =	vld [tilespmem:s19+$0x0];
	v8 =	vadd.f32 v9, v8;
	v14 =	vmul.f32 v10, v10  }
0x335: {  	v10 =	vld [tilespmem:s29+$0xFFFFFFF0]  }
0x336: {  	v13 =	vld [tilespmem:s19+$0x10];
	v8 =	vadd.f32 v14, v8;
	v9, _, _ =	vpop (xrf2)  }
0x337: {  	v15 =	vmov s31;
	s31 =	smov.u32 s28;
	s28 =	smov.u32 s20;
	s20 =	smov.u32 s26;
	v14 =	vld [tilespmem:s29+$0x0];
	v9 =	vbroadcast v9, $0xF  }
0x338: {  	s30 =	sadd.s32 $0x80, s30;
	vm0 =	veq.s32 v15, v0;
	v5 =	vadd.f32 v6, v5;
	v6 =	vadd.f32 v11, v7;
	v11 =	vld [tilespmem:s29+$0x10];
	(xrf2) =	vadd.scan.msk.f32 $0xffff, v8  }
0x339: {  	s29 =	sadd.s32 $0x80, s29;
	v15 =	vld [tilespmem:s30+$0x10];
	v7 =	vadd.f32 v12, v4;
	v1 =	vsel vm0, v9, v1  }
0x33a: {  	v8 =	vsub.f32 v5, v2;
	v2 =	vld [tilespmem:s29+$0xFFFFFFE0];
	v6 =	vsub.f32 v6, v10  }
.Ltmp22:
0x33b: {  	v4 =	vld [tilespmem:s30+$0x0];
	v12 =	vadd.f32 v13, v3;
	(pc) =	sbr.rel @p0 .LBB2_47-.Ltmp22, $4  }
0x33c: {  	s19 =	sadd.s32 $0x80, s19;
	v8 =	vmul.f32 v8, v8;
	v5 =	vld [tilespmem:s30+$0xFFFFFFE0];
	v9 =	vmul.f32 v6, v6;
	v10 =	vsub.f32 v7, v14  }
0x33d: {  	v6 =	vld [tilespmem:s19+$0xFFFFFFE0]  }
0x33e: {  	v7 =	vld [tilespmem:s30+$0xFFFFFFF0];
	v8 =	vadd.f32 v9, v8;
	v9 =	vmul.f32 v10, v10;
	v10 =	vsub.f32 v12, v11;
	v3 =	vmovc v15  }
0x33f: {  	s26 =	sadd.s32 $0x1, s26;
	v11 =	vld [tilespmem:s19+$0xFFFFFFF0]  }
0x340: {  	v12 =	vld [tilespmem:s19+$0x0]  }
0x341: {  	v13 =	vld [tilespmem:s29+$0xFFFFFFF0]  }
0x342: {  	v14 =	vld [tilespmem:s19+$0x10]  }
0x343: {  	v15 =	vld [tilespmem:s29+$0x0];
	v5 =	vadd.f32 v6, v5  }
0x344: {  	v57 =	vadd.f32 v11, v7  }
0x345: {  	v58 =	vld [tilespmem:s29+$0x10];
	v2 =	vsub.f32 v5, v2  }
0x346: {  	v4 =	vadd.f32 v12, v4;
	v59 =	vsub.f32 v57, v13  }
0x347: {  	v3 =	vadd.f32 v14, v3  }
0x348: {  	v2 =	vmul.f32 v2, v2;
	v4 =	vsub.f32 v4, v15;
	v5 =	vmul.f32 v59, v59;
	_ =	sdelay $0x1  }
0x349: {  	v3 =	vsub.f32 v3, v58;
	v4 =	vmul.f32 v4, v4;
	v2 =	vadd.f32 v5, v2  }
0x34a: {  	v60 =	vadd.f32 v9, v8;
	v61 =	vmul.f32 v10, v10  }
0x34b: {  	v3 =	vmul.f32 v3, v3;
	v2 =	vadd.f32 v4, v2  }
0x34c: {  	v62 =	vadd.f32 v61, v60  }
0x34d: {  	v2 =	vadd.f32 v3, v2  }
0x34e: {  	(xrf2) =	vadd.scan.msk.f32 $0xffff, v62  }
0x34f: {  	(xrf2) =	vadd.scan.msk.f32 $0xffff, v2;
	_ =	sdelay $0x6  }
0x350: {  	v2, _, _ =	vpop (xrf2)  }
0x351: {  	v3 =	vmov s31;
	v2 =	vbroadcast v2, $0xF  }
0x352: {  	vm0 =	veq.s32 v3, v0;
	v4, _, _ =	vpop (xrf2)  }
0x353: {  	v3 =	vbroadcast v4, $0xF;
	v1 =	vsel vm0, v2, v1;
	v2 =	vmov s28;
	v63, _, _ =	vpop (xrf2)  }
0x354: {  	vm14 =	veq.s32 v2, v0;
	v2 =	vmov s20;
	v4 =	vbroadcast v63, $0xF  }
0x355: {  	v1 =	vsel vm14, v3, v1;
	vm15 =	veq.s32 v2, v0  }
0x356: {  	v1 =	vsel vm15, v4, v1  }
0x357: {  	v2 =	vshrl.u32 v1, $0x1  }
0x358: {  	v2 =	vadd.s32 $0x1FBD1DF5, v2  }
0x359: {  	(erf) = vrcp.f32 v2;
	_ =	sdelay $0x8  }
0x35a: {  	v3 =	vpop (erf)  }
0x35b: {  	v3 =	vmul.f32 v3, v1;
	_ =	sdelay $0x1  }
0x35c: {  	v2 =	vadd.f32 v2, v3;
	_ =	sdelay $0x1  }
0x35d: {  	v2 =	vmul.f32 $5.000000000e-01, v2;
	_ =	sdelay $0x1  }
0x35e: {  	(erf) = vrcp.f32 v2;
	_ =	sdelay $0x8  }
0x35f: {  	v3 =	vpop (erf)  }
0x360: {  	v3 =	vmul.f32 v3, v1;
	_ =	sdelay $0x1  }
0x361: {  	v2 =	vadd.f32 v3, v2;
	_ =	sdelay $0x1  }
0x362: {  	v2 =	vmul.f32 $5.000000000e-01, v2;
	_ =	sdelay $0x1  }
0x363: {  	(erf) = vrcp.f32 v2;
	_ =	sdelay $0x8  }
0x364: {  	v3 =	vpop (erf)  }
0x365: {  	s31 =	sshll.u32 s21, $0x4;
	s21 =	sadd.s32 $0x1, s21;
	v1 =	vmul.f32 v3, v1  }
0x366: {  	p0 =	sne.s32 s21, $0x8  }
.Ltmp23:
0x367: {  	v1 =	vadd.f32 v1, v2;
	(pc) =	sbr.rel @p0 .LBB2_46-.Ltmp23, $4  }
0x368: {  	_ = 	snop  }
0x369: {  	v1 =	vmul.f32 $5.000000000e-01, v1  }
0x36a: {  	s19 =	sand.u32 $0x3FFFFFF0, s31  }
0x36b: {  	s22 =	sadd.s32 $0x800, s22;
	s0 =	sadd.s32 $0x800, s0;
	s18 =	sadd.s32 $0x800, s18;
	[tilespmem:s19+$0x18380] =	vst v1  }
0x36c: {  	s0 =	sld [smem:$0x7F3];
	_ =	sdelay $0x1  }
0x36d: {  	s18 =	simm.s32 $0x0;
	s19 =	simm.s32 $0x18300  }
0x36e: {  	[hbm4b:s0+s18] =	stream.linear.scatter [tilespmem:s19], [sflag:$0x2], $0x80, $0x38;
	[tilespmem:$0x18400] =	vst v63  }
0x36f: {  	_ =	swait.ge [sflag:s25], $0x80  }
0x370: {  	s20 =	sld [smem:$0x7F4]  }
0x371: {  	[sflag:s25] =	ssyncset.done $0x0  }
0x372: {  	s21 =	simm.s32 $0x18380;
	[sflag:s25] =	ssyncadd.s32 $0xFFFFFF80  }
0x373: {  	[hbm4b:s20+s18] =	stream.linear.scatter [tilespmem:s21], [sflag:$0x2], $0x80, $0x38;
	[tilespmem:$0x18400] =	vst v63  }
0x374: {  	_ =	swait.ge [sflag:s25], $0x80  }
0x375: {  	s22 =	sld [smem:$0x7F5]  }
0x376: {  	[sflag:s25] =	ssyncset.done $0x0  }
0x377: {  	[sflag:s25] =	ssyncadd.s32 $0xFFFFFF80  }
0x378: {  	[tilespmem:s18], [sflag:$0x2] =	stream.linear.gather [hbm4b:s22+s18], $0x80, $0x38;
	[tilespmem:$0x18400] =	vst v63  }
0x379: {  	_ =	swait.ge [sflag:s25], $0x80  }
0x37a: {  	s26 =	sld [smem:$0x7F6]  }
0x37b: {  	[sflag:s25] =	ssyncset.done $0x0  }
0x37c: {  	s19 =	simm.s32 $0x80;
	[sflag:s25] =	ssyncadd.s32 $0xFFFFFF80  }
0x37d: {  	[tilespmem:s19], [sflag:$0x2] =	stream.linear.gather [hbm4b:s26+s18], $0x80, $0x38;
	[tilespmem:$0x18400] =	vst v63  }
0x37e: {  	_ =	swait.ge [sflag:s25], $0x80  }
0x37f: {  	s28 =	sld [smem:$0x7F7]  }
0x380: {  	[sflag:s25] =	ssyncset.done $0x0  }
0x381: {  	s20 =	simm.s32 $0x100;
	[sflag:s25] =	ssyncadd.s32 $0xFFFFFF80  }
0x382: {  	[tilespmem:s20], [sflag:$0x2] =	stream.linear.gather [hbm4b:s28+s18], $0x80, $0x38;
	[tilespmem:$0x18400] =	vst v63  }
0x383: {  	_ =	swait.ge [sflag:s25], $0x80  }
0x384: {  	s29 =	sld [smem:$0x7F8]  }
0x385: {  	[sflag:s25] =	ssyncset.done $0x0  }
0x386: {  	s21 =	simm.s32 $0x180;
	[sflag:s25] =	ssyncadd.s32 $0xFFFFFF80  }
0x387: {  	[tilespmem:s21], [sflag:$0x2] =	stream.linear.gather [hbm4b:s29+s18], $0x80, $0x38;
	[tilespmem:$0x18400] =	vst v63  }
0x388: {  	_ =	swait.ge [sflag:s25], $0x80  }
0x389: {  	s30 =	sld [smem:$0x7F9]  }
0x38a: {  	[sflag:s25] =	ssyncset.done $0x0  }
0x38b: {  	s22 =	simm.s32 $0x200;
	[sflag:s25] =	ssyncadd.s32 $0xFFFFFF80  }
0x38c: {  	[tilespmem:s22], [sflag:$0x2] =	stream.linear.gather [hbm4b:s30+s18], $0x80, $0x38;
	[tilespmem:$0x18400] =	vst v63  }
0x38d: {  	_ =	swait.ge [sflag:s25], $0x80  }
0x38e: {  	s31 =	sld [smem:$0x7FA]  }
0x38f: {  	[sflag:s25] =	ssyncset.done $0x0  }
0x390: {  	s26 =	simm.s32 $0x280;
	[sflag:s25] =	ssyncadd.s32 $0xFFFFFF80  }
0x391: {  	[tilespmem:s26], [sflag:$0x2] =	stream.linear.gather [hbm4b:s31+s18], $0x80, $0x38;
	[tilespmem:$0x18400] =	vst v63  }
0x392: {  	_ =	swait.ge [sflag:s25], $0x80  }
0x393: {  	[sflag:s25] =	ssyncset.done $0x0  }
0x394: {  	s0 =	simm.s32 $0x300;
	[sflag:s25] =	ssyncadd.s32 $0xFFFFFF80  }
0x395: {  	[tilespmem:s0], [sflag:$0x1] =	stream.indirect.gather [hbm4b:s23+s19], $0x80, s18, s19, $0xb8;
	[tilespmem:$0x18400] =	vst v63  }
0x396: {  	s28 =	simm.s32 $0x4300  }
0x397: {  	[tilespmem:s28], [sflag:$0x1] =	stream.indirect.gather [hbm4b:s23+s19], $0x80, s19, s19, $0xb8;
	[tilespmem:$0x18400] =	vst v63  }
0x398: {  	s18 =	rddreg [dreg:$0x7];
	s28 =	simm.s32 $0x8300  }
0x399: {  	[tilespmem:s28], [sflag:$0x1] =	stream.indirect.gather [hbm4b:s18+s19], $0x80, s20, s19, $0xb8;
	[tilespmem:$0x18400] =	vst v63  }
0x39a: {  	s29 =	simm.s32 $0xC300  }
0x39b: {  	[tilespmem:s29], [sflag:$0x1] =	stream.indirect.gather [hbm4b:s23+s19], $0x80, s21, s19, $0xb8;
	[tilespmem:$0x18400] =	vst v63  }
0x39c: {  	s30 =	simm.s32 $0x10300  }
0x39d: {  	[tilespmem:s30], [sflag:$0x1] =	stream.indirect.gather [hbm4b:s23+s19], $0x80, s22, s19, $0xb8;
	[tilespmem:$0x18400] =	vst v63  }
0x39e: {  	s31 =	simm.s32 $0x14300  }
0x39f: {  	[tilespmem:s31], [sflag:$0x1] =	stream.indirect.gather [hbm4b:s18+s19], $0x80, s26, s19, $0xb8;
	[tilespmem:$0x18400] =	vst v63  }
0x3a0: {  	_ =	swait.ge [sflag:s24], $0x4000  }
0x3a1: {  	[sflag:s24] =	ssyncset.done $0x0  }
0x3a2: {  	[sflag:s24] =	ssyncadd.s32 $0xFFFFC000  }
0x3a3: {  	_ =	swait.ge [sflag:s24], $0x4000  }
0x3a4: {  	[sflag:s24] =	ssyncset.done $0x0  }
0x3a5: {  	[sflag:s24] =	ssyncadd.s32 $0xFFFFC000  }
0x3a6: {  	_ =	swait.ge [sflag:s24], $0x4000  }
0x3a7: {  	[sflag:s24] =	ssyncset.done $0x0  }
0x3a8: {  	[sflag:s24] =	ssyncadd.s32 $0xFFFFC000  }
0x3a9: {  	_ =	swait.ge [sflag:s24], $0x4000  }
0x3aa: {  	[sflag:s24] =	ssyncset.done $0x0  }
0x3ab: {  	[sflag:s24] =	ssyncadd.s32 $0xFFFFC000  }
0x3ac: {  	_ =	swait.ge [sflag:s24], $0x4000  }
0x3ad: {  	[sflag:s24] =	ssyncset.done $0x0  }
0x3ae: {  	[sflag:s24] =	ssyncadd.s32 $0xFFFFC000  }
0x3af: {  	_ =	swait.ge [sflag:s24], $0x4000  }
0x3b0: {  	s20 =	sadd.s32 $0x0, s14;
	[sflag:s24] =	ssyncset.done $0x0  }
0x3b1: {  	s18 =	simm.s32 $0x8;
	s19 =	simm.s32 $0x380;
	[sflag:s24] =	ssyncadd.s32 $0xFFFFC000  }
.LBB2_50:
0x3b2: {  	[hbm4b:s20+s1] =	stream.linear.scatter [tilespmem:s0], [sflag:$0x2], $0x40, $0x38;
	[tilespmem:$0x18400] =	vst v63  }
0x3b3: {  	s20 =	smov.u32 s18;
	s0 =	smov.u32 s19;
	p0 =	sne.s32 s18, $0x3F8  }
.Ltmp24:
0x3b4: {  	s18 =	sadd.s32 $0x8, s18;
	(pc) =	sbr.rel @p0 .LBB2_50-.Ltmp24, $2  }
0x3b5: {  	_ =	sdelay $0x2  }
0x3b6: {  	s19 =	sadd.s32 $0x80, s19;
	s20 =	sadd.s32 s20, s14  }
0x3b7: {  	[hbm4b:s20+s1] =	stream.linear.scatter [tilespmem:s0], [sflag:$0x2], $0x40, $0x38;
	[tilespmem:$0x18400] =	vst v63  }
0x3b8: {  	_ =	swait.ge [sflag:s25], $0x2000  }
0x3b9: {  	s0 =	simm.s32 $0x4300;
	s18 =	simm.s32 $0x8;
	[sflag:s25] =	ssyncset.done $0x0  }
0x3ba: {  	s20 =	sadd.s32 $0x0, s15;
	s19 =	simm.s32 $0x4380;
	[sflag:s25] =	ssyncadd.s32 $0xFFFFE000  }
.LBB2_52:
0x3bb: {  	[hbm4b:s20+s1] =	stream.linear.scatter [tilespmem:s0], [sflag:$0x2], $0x40, $0x38;
	[tilespmem:$0x18400] =	vst v63  }
0x3bc: {  	s20 =	smov.u32 s18;
	s0 =	smov.u32 s19;
	p0 =	sne.s32 s18, $0x3F8  }
.Ltmp25:
0x3bd: {  	s18 =	sadd.s32 $0x8, s18;
	(pc) =	sbr.rel @p0 .LBB2_52-.Ltmp25, $2  }
0x3be: {  	_ =	sdelay $0x2  }
0x3bf: {  	s19 =	sadd.s32 $0x80, s19;
	s20 =	sadd.s32 s20, s15  }
0x3c0: {  	[hbm4b:s20+s1] =	stream.linear.scatter [tilespmem:s0], [sflag:$0x2], $0x40, $0x38;
	[tilespmem:$0x18400] =	vst v63  }
0x3c1: {  	_ =	swait.ge [sflag:s25], $0x2000  }
0x3c2: {  	s0 =	simm.s32 $0xC300;
	s18 =	simm.s32 $0x8;
	[sflag:s25] =	ssyncset.done $0x0  }
0x3c3: {  	s20 =	sadd.s32 $0x0, s16;
	s19 =	simm.s32 $0xC380;
	[sflag:s25] =	ssyncadd.s32 $0xFFFFE000  }
.LBB2_54:
0x3c4: {  	[hbm4b:s20+s1] =	stream.linear.scatter [tilespmem:s0], [sflag:$0x2], $0x40, $0x38;
	[tilespmem:$0x18400] =	vst v63  }
0x3c5: {  	s20 =	smov.u32 s18;
	s0 =	smov.u32 s19;
	p0 =	sne.s32 s18, $0x3F8  }
.Ltmp26:
0x3c6: {  	s18 =	sadd.s32 $0x8, s18;
	(pc) =	sbr.rel @p0 .LBB2_54-.Ltmp26, $2  }
0x3c7: {  	_ =	sdelay $0x2  }
0x3c8: {  	s19 =	sadd.s32 $0x80, s19;
	s20 =	sadd.s32 s20, s16  }
0x3c9: {  	[hbm4b:s20+s1] =	stream.linear.scatter [tilespmem:s0], [sflag:$0x2], $0x40, $0x38;
	[tilespmem:$0x18400] =	vst v63  }
0x3ca: {  	_ =	swait.ge [sflag:s25], $0x2000  }
0x3cb: {  	s0 =	simm.s32 $0x10300;
	s18 =	simm.s32 $0x8;
	[sflag:s25] =	ssyncset.done $0x0  }
0x3cc: {  	s20 =	sadd.s32 $0x0, s17;
	s19 =	simm.s32 $0x10380;
	[sflag:s25] =	ssyncadd.s32 $0xFFFFE000  }
.LBB2_56:
0x3cd: {  	[hbm4b:s20+s1] =	stream.linear.scatter [tilespmem:s0], [sflag:$0x2], $0x40, $0x38;
	[tilespmem:$0x18400] =	vst v63  }
0x3ce: {  	s20 =	smov.u32 s18;
	s0 =	smov.u32 s19;
	p0 =	sne.s32 s18, $0x3F8  }
.Ltmp27:
0x3cf: {  	s18 =	sadd.s32 $0x8, s18;
	(pc) =	sbr.rel @p0 .LBB2_56-.Ltmp27, $2  }
0x3d0: {  	_ =	sdelay $0x2  }
0x3d1: {  	s19 =	sadd.s32 $0x80, s19;
	s20 =	sadd.s32 s20, s17  }
0x3d2: {  	[hbm4b:s20+s1] =	stream.linear.scatter [tilespmem:s0], [sflag:$0x2], $0x40, $0x38;
	[tilespmem:$0x18400] =	vst v63  }
0x3d3: {  	_ =	swait.ge [sflag:s25], $0x2000  }
0x3d4: {  	s21 =	simm.s32 $0x0;
	s0 =	simm.s32 $0x320;
	[sflag:s25] =	ssyncset.done $0x0  }
0x3d5: {  	s18 =	simm.s32 $0x8320;
	s22 =	simm.s32 $0x4320;
	[sflag:s25] =	ssyncadd.s32 $0xFFFFE000  }
.LBB2_58:
0x3d6: {  	v1 =	vld [tilespmem:s0+$0x10]  }
0x3d7: {  	v2 =	vld [tilespmem:s22+$0xFFFFFFE0]  }
0x3d8: {  	v3 =	vld [tilespmem:s0+$0x0]  }
0x3d9: {  	v4 =	vld [tilespmem:s0+$0xFFFFFFE0]  }
0x3da: {  	v5 =	vld [tilespmem:s18+$0xFFFFFFE0]  }
0x3db: {  	v6 =	vld [tilespmem:s0+$0xFFFFFFF0]  }
0x3dc: {  	v7 =	vld [tilespmem:s18+$0xFFFFFFF0]  }
0x3dd: {  	v8 =	vld [tilespmem:s18+$0x0]  }
0x3de: {  	v9 =	vld [tilespmem:s22+$0xFFFFFFF0]  }
0x3df: {  	v10 =	vld [tilespmem:s18+$0x10]  }
0x3e0: {  	v11 =	vld [tilespmem:s22+$0x0]  }
0x3e1: {  	v12 =	vld [tilespmem:s22+$0x10];
	s19 =	sadd.s32 $0x80, s0;
	v4 =	vadd.f32 v5, v4;
	v5 =	vadd.f32 v7, v6  }
0x3e2: {  	v13 =	vld [tilespmem:s19+$0x10];
	v3 =	vadd.f32 v8, v3  }
0x3e3: {  	s26 =	sadd.s32 $0x80, s18;
	v6 =	vld [tilespmem:s19+$0xFFFFFFF0];
	v2 =	vsub.f32 v4, v2;
	v4 =	vsub.f32 v5, v9  }
0x3e4: {  	s20 =	sadd.s32 $0x80, s22;
	v7 =	vld [tilespmem:s26+$0xFFFFFFF0];
	v1 =	vadd.f32 v10, v1  }
0x3e5: {  	v14 =	vld [tilespmem:s20+$0xFFFFFFE0];
	v3 =	vsub.f32 v3, v11;
	v2 =	vmul.f32 v2, v2;
	v4 =	vmul.f32 v4, v4  }
0x3e6: {  	v8 =	vld [tilespmem:s20+$0xFFFFFFF0]  }
0x3e7: {  	v16 =	vld [tilespmem:s19+$0xFFFFFFE0];
	v1 =	vsub.f32 v1, v12;
	v2 =	vadd.f32 v4, v2;
	v4 =	vmul.f32 v3, v3  }
0x3e8: {  	v17 =	vld [tilespmem:s26+$0xFFFFFFE0]  }
0x3e9: {  	v15 =	vld [tilespmem:s19+$0x0];
	v1 =	vmul.f32 v1, v1;
	v6 =	vadd.f32 v7, v6;
	v7 =	vadd.f32 v4, v2  }
0x3ea: {  	v5 =	vld [tilespmem:s26+$0x0]  }
0x3eb: {  	v9 =	vld [tilespmem:s26+$0x10];
	v6 =	vsub.f32 v6, v8;
	v8 =	vadd.f32 v1, v7  }
0x3ec: {  	v10 =	vld [tilespmem:s20+$0x0]  }
0x3ed: {  	s30 =	sadd.s32 $0x80, s19;
	v62 =	vadd.f32 v17, v16;
	v11 =	vld [tilespmem:s20+$0x10];
	(xrf2) =	vadd.scan.msk.f32 $0xffff, v8  }
0x3ee: {  	v3 =	vld [tilespmem:s30+$0x10]  }
0x3ef: {  	s29 =	sadd.s32 $0x80, s20;
	v12 =	vsub.f32 v62, v14;
	v15 =	vadd.f32 v5, v15;
	v5 =	vld [tilespmem:s30+$0xFFFFFFE0]  }
0x3f0: {  	v13 =	vadd.f32 v9, v13;
	v2 =	vld [tilespmem:s29+$0xFFFFFFE0]  }
0x3f1: {  	s19 =	sadd.s32 $0x80, s26;
	v9 =	vmul.f32 v12, v12;
	v4 =	vld [tilespmem:s30+$0x0];
	v63 =	vmul.f32 v6, v6;
	v10 =	vsub.f32 v15, v10  }
0x3f2: {  	v6 =	vld [tilespmem:s19+$0xFFFFFFE0]  }
0x3f3: {  	s28 =	simm.s32 $0x1;
	v7 =	vld [tilespmem:s30+$0xFFFFFFF0];
	v8 =	vadd.f32 v63, v9;
	v9 =	vmul.f32 v10, v10;
	v10 =	vsub.f32 v13, v11  }
0x3f4: {  	s31 =	simm.s32 $0x0;
	s20 =	simm.s32 $0x2;
	s26 =	simm.s32 $0x3;
	v1 =	vimm.f32 $0.0e+00;
	v11 =	vld [tilespmem:s19+$0xFFFFFFF0]  }
.LBB2_59:
0x3f5: {  	p0 =	sne.s32 s26, $0xF;
	v12 =	vld [tilespmem:s19+$0x0];
	v8 =	vadd.f32 v9, v8;
	v14 =	vmul.f32 v10, v10  }
0x3f6: {  	v10 =	vld [tilespmem:s29+$0xFFFFFFF0]  }
0x3f7: {  	v13 =	vld [tilespmem:s19+$0x10];
	v8 =	vadd.f32 v14, v8;
	v9, _, _ =	vpop (xrf2)  }
0x3f8: {  	v15 =	vmov s31;
	s31 =	smov.u32 s28;
	s28 =	smov.u32 s20;
	s20 =	smov.u32 s26;
	v14 =	vld [tilespmem:s29+$0x0];
	v9 =	vbroadcast v9, $0xF  }
0x3f9: {  	s30 =	sadd.s32 $0x80, s30;
	vm0 =	veq.s32 v15, v0;
	v5 =	vadd.f32 v6, v5;
	v6 =	vadd.f32 v11, v7;
	v11 =	vld [tilespmem:s29+$0x10];
	(xrf2) =	vadd.scan.msk.f32 $0xffff, v8  }
0x3fa: {  	s29 =	sadd.s32 $0x80, s29;
	v15 =	vld [tilespmem:s30+$0x10];
	v7 =	vadd.f32 v12, v4;
	v1 =	vsel vm0, v9, v1  }
0x3fb: {  	v8 =	vsub.f32 v5, v2;
	v2 =	vld [tilespmem:s29+$0xFFFFFFE0];
	v6 =	vsub.f32 v6, v10  }
.Ltmp28:
0x3fc: {  	v4 =	vld [tilespmem:s30+$0x0];
	v12 =	vadd.f32 v13, v3;
	(pc) =	sbr.rel @p0 .LBB2_59-.Ltmp28, $4  }
0x3fd: {  	s19 =	sadd.s32 $0x80, s19;
	v8 =	vmul.f32 v8, v8;
	v5 =	vld [tilespmem:s30+$0xFFFFFFE0];
	v9 =	vmul.f32 v6, v6;
	v10 =	vsub.f32 v7, v14  }
0x3fe: {  	v6 =	vld [tilespmem:s19+$0xFFFFFFE0]  }
0x3ff: {  	v7 =	vld [tilespmem:s30+$0xFFFFFFF0];
	v8 =	vadd.f32 v9, v8;
	v9 =	vmul.f32 v10, v10;
	v10 =	vsub.f32 v12, v11;
	v3 =	vmovc v15  }
0x400: {  	s26 =	sadd.s32 $0x1, s26;
	v11 =	vld [tilespmem:s19+$0xFFFFFFF0]  }
0x401: {  	v12 =	vld [tilespmem:s19+$0x0]  }
0x402: {  	v13 =	vld [tilespmem:s29+$0xFFFFFFF0]  }
0x403: {  	v14 =	vld [tilespmem:s19+$0x10]  }
0x404: {  	v15 =	vld [tilespmem:s29+$0x0];
	v5 =	vadd.f32 v6, v5  }
0x405: {  	v57 =	vadd.f32 v11, v7  }
0x406: {  	v58 =	vld [tilespmem:s29+$0x10];
	v2 =	vsub.f32 v5, v2  }
0x407: {  	v4 =	vadd.f32 v12, v4;
	v59 =	vsub.f32 v57, v13  }
0x408: {  	v3 =	vadd.f32 v14, v3  }
0x409: {  	v2 =	vmul.f32 v2, v2;
	v4 =	vsub.f32 v4, v15;
	v5 =	vmul.f32 v59, v59;
	_ =	sdelay $0x1  }
0x40a: {  	v3 =	vsub.f32 v3, v58;
	v4 =	vmul.f32 v4, v4;
	v2 =	vadd.f32 v5, v2  }
0x40b: {  	v60 =	vadd.f32 v9, v8;
	v61 =	vmul.f32 v10, v10  }
0x40c: {  	v3 =	vmul.f32 v3, v3;
	v2 =	vadd.f32 v4, v2  }
0x40d: {  	v62 =	vadd.f32 v61, v60  }
0x40e: {  	v2 =	vadd.f32 v3, v2  }
0x40f: {  	(xrf2) =	vadd.scan.msk.f32 $0xffff, v62  }
0x410: {  	(xrf2) =	vadd.scan.msk.f32 $0xffff, v2;
	_ =	sdelay $0x6  }
0x411: {  	v2, _, _ =	vpop (xrf2)  }
0x412: {  	v3 =	vmov s31;
	v2 =	vbroadcast v2, $0xF  }
0x413: {  	vm0 =	veq.s32 v3, v0;
	v4, _, _ =	vpop (xrf2)  }
0x414: {  	v3 =	vbroadcast v4, $0xF;
	v1 =	vsel vm0, v2, v1;
	v2 =	vmov s28;
	v63, _, _ =	vpop (xrf2)  }
0x415: {  	vm14 =	veq.s32 v2, v0;
	v2 =	vmov s20;
	v4 =	vbroadcast v63, $0xF  }
0x416: {  	v1 =	vsel vm14, v3, v1;
	vm15 =	veq.s32 v2, v0  }
0x417: {  	v1 =	vsel vm15, v4, v1  }
0x418: {  	v2 =	vshrl.u32 v1, $0x1  }
0x419: {  	v2 =	vadd.s32 $0x1FBD1DF5, v2  }
0x41a: {  	(erf) = vrcp.f32 v2;
	_ =	sdelay $0x8  }
0x41b: {  	v3 =	vpop (erf)  }
0x41c: {  	v3 =	vmul.f32 v3, v1;
	_ =	sdelay $0x1  }
0x41d: {  	v2 =	vadd.f32 v2, v3;
	_ =	sdelay $0x1  }
0x41e: {  	v2 =	vmul.f32 $5.000000000e-01, v2;
	_ =	sdelay $0x1  }
0x41f: {  	(erf) = vrcp.f32 v2;
	_ =	sdelay $0x8  }
0x420: {  	v3 =	vpop (erf)  }
0x421: {  	v3 =	vmul.f32 v3, v1;
	_ =	sdelay $0x1  }
0x422: {  	v2 =	vadd.f32 v3, v2;
	_ =	sdelay $0x1  }
0x423: {  	v2 =	vmul.f32 $5.000000000e-01, v2;
	_ =	sdelay $0x1  }
0x424: {  	(erf) = vrcp.f32 v2;
	_ =	sdelay $0x8  }
0x425: {  	v3 =	vpop (erf)  }
0x426: {  	s31 =	sshll.u32 s21, $0x4;
	s21 =	sadd.s32 $0x1, s21;
	v1 =	vmul.f32 v3, v1  }
0x427: {  	p0 =	sne.s32 s21, $0x8  }
.Ltmp29:
0x428: {  	v1 =	vadd.f32 v1, v2;
	(pc) =	sbr.rel @p0 .LBB2_58-.Ltmp29, $4  }
0x429: {  	_ = 	snop  }
0x42a: {  	v1 =	vmul.f32 $5.000000000e-01, v1  }
0x42b: {  	s19 =	sand.u32 $0x3FFFFFF0, s31  }
0x42c: {  	s0 =	sadd.s32 $0x800, s0;
	s18 =	sadd.s32 $0x800, s18;
	s22 =	sadd.s32 $0x800, s22;
	[tilespmem:s19+$0x18300] =	vst v1  }
0x42d: {  	s21 =	simm.s32 $0x0  }
0x42e: {  	s22 =	simm.s32 $0xC320;
	s0 =	simm.s32 $0x14320;
	s18 =	simm.s32 $0x10320  }
.LBB2_62:
0x42f: {  	v1 =	vld [tilespmem:s22+$0x10]  }
0x430: {  	v2 =	vld [tilespmem:s18+$0xFFFFFFE0]  }
0x431: {  	v3 =	vld [tilespmem:s22+$0x0]  }
0x432: {  	v4 =	vld [tilespmem:s22+$0xFFFFFFE0]  }
0x433: {  	v5 =	vld [tilespmem:s0+$0xFFFFFFE0]  }
0x434: {  	v6 =	vld [tilespmem:s22+$0xFFFFFFF0]  }
0x435: {  	v7 =	vld [tilespmem:s0+$0xFFFFFFF0]  }
0x436: {  	v8 =	vld [tilespmem:s0+$0x0]  }
0x437: {  	v9 =	vld [tilespmem:s18+$0xFFFFFFF0]  }
0x438: {  	v10 =	vld [tilespmem:s0+$0x10]  }
0x439: {  	v11 =	vld [tilespmem:s18+$0x0]  }
0x43a: {  	v12 =	vld [tilespmem:s18+$0x10];
	s19 =	sadd.s32 $0x80, s22;
	v4 =	vadd.f32 v5, v4;
	v5 =	vadd.f32 v7, v6  }
0x43b: {  	v13 =	vld [tilespmem:s19+$0x10];
	v3 =	vadd.f32 v8, v3  }
0x43c: {  	s26 =	sadd.s32 $0x80, s0;
	v6 =	vld [tilespmem:s19+$0xFFFFFFF0];
	v2 =	vsub.f32 v4, v2;
	v4 =	vsub.f32 v5, v9  }
0x43d: {  	s20 =	sadd.s32 $0x80, s18;
	v7 =	vld [tilespmem:s26+$0xFFFFFFF0];
	v1 =	vadd.f32 v10, v1  }
0x43e: {  	v14 =	vld [tilespmem:s20+$0xFFFFFFE0];
	v3 =	vsub.f32 v3, v11;
	v2 =	vmul.f32 v2, v2;
	v4 =	vmul.f32 v4, v4  }
0x43f: {  	v8 =	vld [tilespmem:s20+$0xFFFFFFF0]  }
0x440: {  	v16 =	vld [tilespmem:s19+$0xFFFFFFE0];
	v1 =	vsub.f32 v1, v12;
	v2 =	vadd.f32 v4, v2;
	v4 =	vmul.f32 v3, v3  }
0x441: {  	v17 =	vld [tilespmem:s26+$0xFFFFFFE0]  }
0x442: {  	v15 =	vld [tilespmem:s19+$0x0];
	v1 =	vmul.f32 v1, v1;
	v6 =	vadd.f32 v7, v6;
	v7 =	vadd.f32 v4, v2  }
0x443: {  	v5 =	vld [tilespmem:s26+$0x0]  }
0x444: {  	v9 =	vld [tilespmem:s26+$0x10];
	v6 =	vsub.f32 v6, v8;
	v8 =	vadd.f32 v1, v7  }
0x445: {  	v10 =	vld [tilespmem:s20+$0x0]  }
0x446: {  	s30 =	sadd.s32 $0x80, s19;
	v62 =	vadd.f32 v17, v16;
	v11 =	vld [tilespmem:s20+$0x10];
	(xrf2) =	vadd.scan.msk.f32 $0xffff, v8  }
0x447: {  	v3 =	vld [tilespmem:s30+$0x10]  }
0x448: {  	s29 =	sadd.s32 $0x80, s20;
	v12 =	vsub.f32 v62, v14;
	v15 =	vadd.f32 v5, v15;
	v5 =	vld [tilespmem:s30+$0xFFFFFFE0]  }
0x449: {  	v13 =	vadd.f32 v9, v13;
	v2 =	vld [tilespmem:s29+$0xFFFFFFE0]  }
0x44a: {  	s19 =	sadd.s32 $0x80, s26;
	v9 =	vmul.f32 v12, v12;
	v4 =	vld [tilespmem:s30+$0x0];
	v63 =	vmul.f32 v6, v6;
	v10 =	vsub.f32 v15, v10  }
0x44b: {  	v6 =	vld [tilespmem:s19+$0xFFFFFFE0]  }
0x44c: {  	s28 =	simm.s32 $0x1;
	v7 =	vld [tilespmem:s30+$0xFFFFFFF0];
	v8 =	vadd.f32 v63, v9;
	v9 =	vmul.f32 v10, v10;
	v10 =	vsub.f32 v13, v11  }
0x44d: {  	s31 =	simm.s32 $0x0;
	s20 =	simm.s32 $0x2;
	s26 =	simm.s32 $0x3;
	v1 =	vimm.f32 $0.0e+00;
	v11 =	vld [tilespmem:s19+$0xFFFFFFF0]  }
.LBB2_63:
0x44e: {  	p0 =	sne.s32 s26, $0xF;
	v12 =	vld [tilespmem:s19+$0x0];
	v8 =	vadd.f32 v9, v8;
	v14 =	vmul.f32 v10, v10  }
0x44f: {  	v10 =	vld [tilespmem:s29+$0xFFFFFFF0]  }
0x450: {  	v13 =	vld [tilespmem:s19+$0x10];
	v8 =	vadd.f32 v14, v8;
	v9, _, _ =	vpop (xrf2)  }
0x451: {  	v15 =	vmov s31;
	s31 =	smov.u32 s28;
	s28 =	smov.u32 s20;
	s20 =	smov.u32 s26;
	v14 =	vld [tilespmem:s29+$0x0];
	v9 =	vbroadcast v9, $0xF  }
0x452: {  	s30 =	sadd.s32 $0x80, s30;
	vm0 =	veq.s32 v15, v0;
	v5 =	vadd.f32 v6, v5;
	v6 =	vadd.f32 v11, v7;
	v11 =	vld [tilespmem:s29+$0x10];
	(xrf2) =	vadd.scan.msk.f32 $0xffff, v8  }
0x453: {  	s29 =	sadd.s32 $0x80, s29;
	v15 =	vld [tilespmem:s30+$0x10];
	v7 =	vadd.f32 v12, v4;
	v1 =	vsel vm0, v9, v1  }
0x454: {  	v8 =	vsub.f32 v5, v2;
	v2 =	vld [tilespmem:s29+$0xFFFFFFE0];
	v6 =	vsub.f32 v6, v10  }
.Ltmp30:
0x455: {  	v4 =	vld [tilespmem:s30+$0x0];
	v12 =	vadd.f32 v13, v3;
	(pc) =	sbr.rel @p0 .LBB2_63-.Ltmp30, $4  }
0x456: {  	s19 =	sadd.s32 $0x80, s19;
	v8 =	vmul.f32 v8, v8;
	v5 =	vld [tilespmem:s30+$0xFFFFFFE0];
	v9 =	vmul.f32 v6, v6;
	v10 =	vsub.f32 v7, v14  }
0x457: {  	v6 =	vld [tilespmem:s19+$0xFFFFFFE0]  }
0x458: {  	v7 =	vld [tilespmem:s30+$0xFFFFFFF0];
	v8 =	vadd.f32 v9, v8;
	v9 =	vmul.f32 v10, v10;
	v10 =	vsub.f32 v12, v11;
	v3 =	vmovc v15  }
0x459: {  	s26 =	sadd.s32 $0x1, s26;
	v11 =	vld [tilespmem:s19+$0xFFFFFFF0]  }
0x45a: {  	v12 =	vld [tilespmem:s19+$0x0]  }
0x45b: {  	v13 =	vld [tilespmem:s29+$0xFFFFFFF0]  }
0x45c: {  	v14 =	vld [tilespmem:s19+$0x10]  }
0x45d: {  	v15 =	vld [tilespmem:s29+$0x0];
	v5 =	vadd.f32 v6, v5  }
0x45e: {  	v57 =	vadd.f32 v11, v7  }
0x45f: {  	v58 =	vld [tilespmem:s29+$0x10];
	v2 =	vsub.f32 v5, v2  }
0x460: {  	v4 =	vadd.f32 v12, v4;
	v59 =	vsub.f32 v57, v13  }
0x461: {  	v3 =	vadd.f32 v14, v3  }
0x462: {  	v2 =	vmul.f32 v2, v2;
	v4 =	vsub.f32 v4, v15;
	v5 =	vmul.f32 v59, v59;
	_ =	sdelay $0x1  }
0x463: {  	v3 =	vsub.f32 v3, v58;
	v4 =	vmul.f32 v4, v4;
	v2 =	vadd.f32 v5, v2  }
0x464: {  	v60 =	vadd.f32 v9, v8;
	v61 =	vmul.f32 v10, v10  }
0x465: {  	v3 =	vmul.f32 v3, v3;
	v2 =	vadd.f32 v4, v2  }
0x466: {  	v62 =	vadd.f32 v61, v60  }
0x467: {  	v2 =	vadd.f32 v3, v2  }
0x468: {  	(xrf2) =	vadd.scan.msk.f32 $0xffff, v62  }
0x469: {  	(xrf2) =	vadd.scan.msk.f32 $0xffff, v2;
	_ =	sdelay $0x6  }
0x46a: {  	v2, _, _ =	vpop (xrf2)  }
0x46b: {  	v3 =	vmov s31;
	v2 =	vbroadcast v2, $0xF  }
0x46c: {  	vm0 =	veq.s32 v3, v0;
	v4, _, _ =	vpop (xrf2)  }
0x46d: {  	v3 =	vbroadcast v4, $0xF;
	v1 =	vsel vm0, v2, v1;
	v2 =	vmov s28;
	v63, _, _ =	vpop (xrf2)  }
0x46e: {  	vm14 =	veq.s32 v2, v0;
	v2 =	vmov s20;
	v4 =	vbroadcast v63, $0xF  }
0x46f: {  	v1 =	vsel vm14, v3, v1;
	vm15 =	veq.s32 v2, v0  }
0x470: {  	v1 =	vsel vm15, v4, v1  }
0x471: {  	v2 =	vshrl.u32 v1, $0x1  }
0x472: {  	v2 =	vadd.s32 $0x1FBD1DF5, v2  }
0x473: {  	(erf) = vrcp.f32 v2;
	_ =	sdelay $0x8  }
0x474: {  	v3 =	vpop (erf)  }
0x475: {  	v3 =	vmul.f32 v3, v1;
	_ =	sdelay $0x1  }
0x476: {  	v2 =	vadd.f32 v2, v3;
	_ =	sdelay $0x1  }
0x477: {  	v2 =	vmul.f32 $5.000000000e-01, v2;
	_ =	sdelay $0x1  }
0x478: {  	(erf) = vrcp.f32 v2;
	_ =	sdelay $0x8  }
0x479: {  	v3 =	vpop (erf)  }
0x47a: {  	v3 =	vmul.f32 v3, v1;
	_ =	sdelay $0x1  }
0x47b: {  	v2 =	vadd.f32 v3, v2;
	_ =	sdelay $0x1  }
0x47c: {  	v2 =	vmul.f32 $5.000000000e-01, v2;
	_ =	sdelay $0x1  }
0x47d: {  	(erf) = vrcp.f32 v2;
	_ =	sdelay $0x8  }
0x47e: {  	v3 =	vpop (erf)  }
0x47f: {  	s31 =	sshll.u32 s21, $0x4;
	s21 =	sadd.s32 $0x1, s21;
	v1 =	vmul.f32 v3, v1  }
0x480: {  	p0 =	sne.s32 s21, $0x8  }
.Ltmp31:
0x481: {  	v1 =	vadd.f32 v1, v2;
	(pc) =	sbr.rel @p0 .LBB2_62-.Ltmp31, $4  }
0x482: {  	_ = 	snop  }
0x483: {  	v1 =	vmul.f32 $5.000000000e-01, v1  }
0x484: {  	s19 =	sand.u32 $0x3FFFFFF0, s31  }
0x485: {  	s22 =	sadd.s32 $0x800, s22;
	s0 =	sadd.s32 $0x800, s0;
	s18 =	sadd.s32 $0x800, s18;
	[tilespmem:s19+$0x18380] =	vst v1  }
0x486: {  	s0 =	sld [smem:$0x7FB];
	_ =	sdelay $0x1  }
0x487: {  	s18 =	simm.s32 $0x18300  }
0x488: {  	[hbm4b:s0+s1] =	stream.linear.scatter [tilespmem:s18], [sflag:$0x2], $0x80, $0x38;
	[tilespmem:$0x18400] =	vst v63  }
0x489: {  	_ =	swait.ge [sflag:s25], $0x80  }
0x48a: {  	s28 =	sld [smem:$0x7FC]  }
0x48b: {  	[sflag:s25] =	ssyncset.done $0x0  }
0x48c: {  	s29 =	simm.s32 $0x18380;
	[sflag:s25] =	ssyncadd.s32 $0xFFFFFF80  }
0x48d: {  	[hbm4b:s28+s1] =	stream.linear.scatter [tilespmem:s29], [sflag:$0x2], $0x80, $0x38;
	[tilespmem:$0x18400] =	vst v63  }
0x48e: {  	_ =	swait.ge [sflag:s25], $0x80  }
0x48f: {  	s30 =	sld [smem:$0x7EF]  }
0x490: {  	s31 =	sld [smem:$0x7FD];
	_ =	sdelay $0x1  }
0x491: {  	s18 =	sadd.s32 $0x1, s30  }
0x492: {  	p0 =	sne.s32 s18, s31  }
.Ltmp32:
0x493: {  	_ = 	snop;
	(pc) =	sbr.rel @p0 .LBB2_1-.Ltmp32, $3  }
0x494: {  	_ =	sdelay $0x1  }
0x495: {  	[sflag:s25] =	ssyncset.done $0x0  }
0x496: {  	[sflag:s25] =	ssyncadd.s32 $0xFFFFFF80  }
0x497: {  	_ =	sfence.sel $0x180000  }
0x498: {  	[bflag:$0x0] =	sbarrier.arrive $0xFFFF  }
0x499: {  	_ =	strace $0x9000004A  }
0x49a: {  	s0 =	stileid.u32;
	[bflag:$0x2] =	sbarrier.arrive $0xFFFF  }
0x49b: {  	p0 =	sne.s32 s0, $0x0;
	s0 =	rddreg [dreg:$0xc]  }
0x49c: {  	s0 =	sadd.s32 @!p0 $0x100000, s0  }
0x49d: {  	[sflag:s0] =	ssyncadd.tile.s32 @!p0 $0x1;
	_ =	shalt  }
.Lfunc_end2:
_tile_overlayer_lowered:
.L_overlay_start_2:
0x49e: {  	(tag) =	ssettag $0x2  }
0x49f: {  	s0 =	rddreg [dreg:$0x0];
	s2 =	stileid.u32  }
0x4a0: {  	s1 =	rddreg [dreg:$0x1];
	p0 =	sne.s32 s2, $0x0  }
0x4a1: {  	s3 =	rddreg [dreg:$0x2];
	[bflag:$0x3] =	sbarrier.arrive $0xFFFF;
	s2 =	simm.s32 @!p0 $0x1C02  }
0x4a2: {  	[timem:s3], [sflag:s2] =	dma.local @!p0 [hbm:s0], s1  }
0x4a3: {  	s0 =	simm.s32 @!p0 $0x2  }
0x4a4: {  	_ =	swait.ge @!p0 [sflag:s0], s1  }
0x4a5: {  	s1 =	ssub.s32 @!p0 $0x0, s1;
	[sflag:s0] =	ssyncset.done @!p0 $0x0  }
0x4a6: {  	[sflag:s0] =	ssyncadd.s32 @!p0 s1  }
0x4a7: {  	[bflag:$0x3] =	sbarrier.arrive $0xFFFF  }
0x4a8: {  	_ =	shalt  }

// kernel: sparse-core-data-format-call.cloned.1.call-start
scs
called_computation_lowered:
.L_overlay_start_0:
0x0: {  	s2 =	sld [smem:$0x3FD9]  }
0x1: {  	s3 =	sld [smem:$0x3FFE];
	_ =	sdelay $0x1  }
0x2: {  	s1 =	srdreg.scid  }
0x3: {  	s0 =	sand.u32 $0x1, s1  }
0x4: {  	s18 =	sshll.u32 s0, $0xA;
	s2 =	sadd.s32 s3, s2  }
0x5: {  	s2 =	sadd.s32 s2, s18  }
0x6: {  	[smem:$0x3FC0] =	sst s2  }
0x7: {  	_ = 	snop  }
0x8: {  	s2 =	sld [smem:$0x3FC3];
	(tm) =	ssettm $0x1  }
0x9: {  	s19 =	sld [smem:$0x3FFB];
	_ =	sdelay $0x3  }
0xa: {  	_ =	strace s19  }
0xb: {  	s3 =	sld [smem:$0x3FFC];
	_ =	sdelay $0x3  }
0xc: {  	_ =	strace s3  }
0xd: {  	s3 =	sld [smem:$0x3FFD];
	_ =	sdelay $0x3  }
0xe: {  	_ =	strace s3  }
0xf: {  	_ =	strace $0x8FFFFFFF  }
0x10: {  	s20 =	sld [smem:$0x3FDB];
	_ =	sdelay $0x1  }
0x11: {  	s4 =	simm.s32 $_scs_section_size  }
0x12: {  	s5 =	simm.s32 $_size__tile_overlayer_lowered;
	s6 =	simm.s32 $_tile_overlayer_lowered  }
0x13: {  	s23 =	simm.s32 $0x1BFF;
	s22 =	sshll.u32 s6, $0x1;
	s3 =	sadd.s32 s4, s20  }
0x14: {  	s7 =	simm.s32 $0x0;
	s21 =	sshll.u32 s5, $0x1;
	s5 =	sadd.s32 s22, s3  }
0x15: {  	[timem:s7], [sflag:s23] =	dma.local [hbm:s5], s21  }
0x16: {  	_ =	swait.ge [sflag:s23], s21  }
0x17: {  	s4 =	ssub.s32 $0x0, s21;
	[sflag:s23] =	ssyncset.done $0x0  }
0x18: {  	[sflag:s23] =	ssyncadd.s32 s4;
	_ =	sdelay $0x1  }
0x19: {  	s24 =	simm.s32 $0x1B8B  }
0x1a: {  	_ =	swait.ge [sflag:s24], $0x1  }
0x1b: {  	[sflag:s24] =	ssyncset.done $0x0  }
0x1c: {  	s26 =	simm.s32 $0x1B8E;
	s25 =	sld [smem:$0x3FFE];
	[sflag:s24] =	ssyncadd.s32 $0xFFFFFFFF  }
0x1d: {  	s27 =	simm.s32 $execute0_lowered;
	[smem:$0x3FD2] =	sst s26  }
0x1e: {  	s5 =	sshll.u32 s27, $0x1;
	_ =	strace $0x80000046;
	[dreg:$0x1] =	wrdreg $0xFFFFFFFF  }
0x1f: {  	s28 =	simm.s32 $_size_execute0_lowered;
	s3 =	sadd.s32 s3, s5;
	[dreg:$0x0] =	wrdreg $0x0  }
0x20: {  	s5 =	sshll.u32 s28, $0x1;
	[dreg:$0x2] =	wrdreg s3  }
0x21: {  	[dreg:$0x3] =	wrdreg s5  }
0x22: {  	[dreg:$0x4] =	wrdreg $0xC0  }
0x23: {  	_ =	task [dreg:s7], $0x5FFFF  }
0x24: {  	[dreg:$0x1] =	wrdreg $0xFFFFFFFF  }
0x25: {  	[dreg:$0x0] =	wrdreg $0x60  }
0x26: {  	[dreg:$0x2] =	wrdreg s2  }
0x27: {  	[dreg:$0x3] =	wrdreg s25  }
0x28: {  	[dreg:$0x4] =	wrdreg $0x9  }
0x29: {  	_ =	task.clear_ibuf [dreg:s7], $0x5FFFF;
	_ =	strace $0x90000046  }
0x2a: {  	s29 =	simm.s32 $0x9;
	_ =	strace $0x80000048  }
0x2b: {  	_ =	swait.ge [sflag:s29], $0x1  }
0x2c: {  	[sflag:s29] =	ssyncadd.s32 $0xFFFFFFFF  }
0x2d: {  	_ =	strace $0x90000048  }
0x2e: {  	_ =	sfence  }
0x2f: {  	s30 =	sld [smem:$0x0];
	_ =	sdelay $0x2  }
0x30: {  	s31 =	sshll.u32 s1, $0xD;
	s1 =	sshrl.u32 s1, $0x2  }
0x31: {  	s3 =	sand.u32 $0x4000, s31;
	s1 =	sadd.s32 s1, s30  }
0x32: {  	s0 =	sor.u32 s3, s0;
	s1 =	sshll.u32 s1, $0x11  }
0x33: {  	s0 =	sor.u32 s1, s0  }
0x34: {  	s0 =	sadd.s32 $0x8F2B, s0  }
0x35: {  	[sflag:s0] =	ssyncadd.remote.s32 $0x1  }
0x36: {  	_ =	sfence.sel $0xFFFF  }
0x37: {  	[dreg:$0x0] =	wrdreg $0xFFFFFFFF;
	(pc) =	sbr.abs _section_cstart, $3  }
0x38: {  	[dreg:$0x1] =	wrdreg $0xFFFFFFFF  }
0x39: {  	_ =	task.clear_ibuf [dreg:s7], $0x2FFFF;
	_ =	strace $0x9FFFFFFF  }
0x3a: {  	(tm) =	ssettm $0x7FFFFFFF  }
0x3b: {  	_ =	shalt  }
tec
execute0_lowered:
.L_overlay_start_1:
0x0: {  	(tag) =	ssettag $0x1  }
0x1: {  	s0 =	srdreg.scid;
	s2 =	rddreg [dreg:$0x0]  }
0x2: {  	s5 =	rddreg [dreg:$0x1];
	s1 =	stileid.u32  }
0x3: {  	s4 =	simm.s32 $0x1;
	s6 =	simm.s32 $0x2;
	s15 =	simm.s32 $0x0  }
0x4: {  	p0 =	por $0x0, $0x0;
	s8 =	simm.s32 $0x80;
	s0 =	sshll.u32 s0, $0x4  }
0x5: {  	s14 =	simm.s32 $0x0;
	s9 =	simm.s32 $0x0;
	s3 =	sand.u32 $0x10, s0  }
.Ltmp0:
0x6: {  	s10 =	simm.s32 $0x0;
	s3 =	sor.u32 s1, s3;
	(pc) =	sbr.rel .LBB1_1-.Ltmp0, $4  }
0x7: {  	s0 =	rddreg [dreg:$0x2];
	_ =	strace $0x80000047;
	s3 =	sshll.u32 s3, $0x7  }
0x8: {  	s12 =	simm.s32 $0x0;
	[sflag:s4] =	ssyncpa.u1 $0x0;
	s7 =	ssub.s32 $0xF4200, s3  }
0x9: {  	s13 =	simm.s32 $0x0;
	[sflag:s6] =	ssyncpa.u1 $0x0;
	s6 =	sshrl.u32 s7, $0xC  }
0xa: {  	s5 =	sadd.s32 $0x1400, s5;
	s11 =	smov.u32 s3;
	s7 =	sadd.s32 $0x2, s6  }
.LBB1_5:
0xb: {  	p1 =	slt.u32 s13, $0x2  }
0xc: {  	s17 =	smov.u32 s15;
	p2 =	sgt.s32 @!p1 s15, $0xF41C0;
	s16 =	sshra.s32 @!p1 s15, $0x1F  }
0xd: {  	p3 =	sgt.s32 @!p1 s14, $0x40;
	s18 =	sshra.s32 @!p1 s14, $0x1F;
	p2 =	por !p2, p1  }
0xe: {  	s15 =	sand.u32 @!p1 s16, s15;
	p3 =	por !p3, p1;
	s16 =	smov.u32 s14  }
0xf: {  	s14 =	sand.u32 @!p1 s18, s14;
	s17 =	simm.s32 @p2 $0xF41C0;
	s16 =	simm.s32 @p3 $0x40  }
0x10: {  	s15 =	ssub.s32 @!p1 s17, s15;
	s14 =	ssub.s32 @!p1 s16, s14  }
0x11: {  	s18 =	smov.u32 s12;
	s16 =	sadd.s32 @!p1 $0xFFF0BE40, s15;
	s17 =	sadd.s32 @!p1 $0xFFFFFFC0, s14  }
0x12: {  	s15 =	ssub.s32 @!p1 $0xF4240, s15;
	p2 =	sgt.s32 @!p1 s16, $0x7F;
	p3 =	sgt.s32 @!p1 s17, $0x3F  }
0x13: {  	s14 =	ssub.s32 @!p1 $0x80, s14;
	p2 =	por !p2, p1;
	p3 =	por !p3, p1  }
0x14: {  	s16 =	sadd.s32 $0x1000, s11;
	s15 =	simm.s32 @!p2 $0x0;
	s14 =	simm.s32 @!p3 $0x0  }
0x15: {  	p2 =	sgt.s32 s16, $0xF423F;
	s14 =	smul.u32 @!p1 s14, s15;
	s15 =	sadd.s32 $0x40, s12  }
0x16: {  	s18 =	smov.u32 @p2 s15  }
0x17: {  	s16 =	smov.u32 @p2 s3;
	p2 =	sgt.s32 s18, $0x3F  }
0x18: {  	s18 =	simm.s32 @p2 $0x0;
	p2 =	sne.s32 s13, s7  }
.Ltmp1:
0x19: {  	p0 =	por !p0, !p0;
	s17 =	simm.s32 @!p1 $0x2;
	(pc) =	sbr.rel @!p2 .LBB1_6-.Ltmp1, $4  }
0x1a: {  	s15 =	smov.u32 s9;
	s9 =	smov.u32 s11;
	s14 =	sand.u32 @!p1 $0x3FFFFFFF, s14  }
0x1b: {  	s11 =	smov.u32 s16;
	_ =	swait.ge @!p1 [sflag:s17], s14;
	s19 =	ssub.s32 @!p1 $0x0, s14  }
0x1c: {  	s14 =	smov.u32 s10;
	s13 =	sadd.s32 $0x1, s13;
	[sflag:s17] =	ssyncset.done @!p1 $0x0  }
0x1d: {  	s10 =	smov.u32 s12;
	s12 =	smov.u32 s18;
	[sflag:s17] =	ssyncadd.s32 @!p1 s19  }
.LBB1_1:
0x1e: {  	p1 =	sgt.u32 s13, s6  }
0x1f: {  	s16 =	sshrl.u32 @!p1 s12, $0x3  }
0x20: {  	s17 =	sshll.u32 @!p1 s11, $0x3;
	s16 =	smul.u32 @!p1 $0x7A1400, s16  }
0x21: {  	s18 =	sshll.u32 @!p1 s12, $0x7;
	s17 =	sand.u32 @!p1 $0xFFFFFC00, s17  }
0x22: {  	s16 =	sadd.s32 @!p1 s16, s17;
	s17 =	sand.u32 @!p1 $0x380, s18  }
0x23: {  	s18 =	sand.u32 @!p1 $0x7F, s11;
	s16 =	sor.u32 @!p1 s17, s16  }
0x24: {  	s17 =	sor.u32 @!p1 s18, s16  }
0x25: {  	s18 =	smulhi.u32 @!p1 $0x218D6287, s17;
	_ =	sdelay $0x1  }
0x26: {  	s16 =	smulhi.u32 @!p1 $0x218D6287, s16;
	s18 =	sshrl.u32 @!p1 s18, $0x11  }
0x27: {  	s18 =	smul.u32 @!p1 $0xF4280, s18  }
0x28: {  	s19 =	sxor.u32 @!p1 $0xFFFFFFFF, s13;
	s16 =	sshrl.u32 @!p1 s16, $0x11  }
0x29: {  	s19 =	sshll.u32 @!p1 s19, $0xD;
	s16 =	sand.u32 @!p1 $0x3F, s16;
	s17 =	ssub.s32 @!p1 s17, s18  }
0x2a: {  	s16 =	smul.u32 @!p1 $0x1E850, s16;
	s18 =	sshrl.u32 @!p1 s17, $0x3;
	s17 =	sand.u32 @!p1 $0x7, s17  }
0x2b: {  	s19 =	sand.u32 @!p1 $0x2000, s19;
	s18 =	sadd.s32 @!p1 s2, s18;
	s17 =	sshll.u32 @!p1 s17, $0x12  }
0x2c: {  	s16 =	sadd.s32 @!p1 s16, s18;
	s17 =	sor.u32 @!p1 $0x400, s17;
	s18 =	simm.s32 @!p1 $0x7A1400  }
0x2d: {  	[tilespmem:s19], [sflag:$0x1] =	stream.strided.gather @!p1 [hbm4b:s16+s17], $0x2000, s18, s17, $0x38;
	[tilespmem:$0x8100] =	vst v63  }
0x2e: {  	p1 =	seq.s32 s13, $0x0  }
0x2f: {  	p2 =	sge.u32 @!p1 s13, s7  }
0x30: {  	p1 =	por p1, p2  }
.Ltmp2:
0x31: {  	_ = 	snop;
	(pc) =	sbr.rel @p1 .LBB1_5-.Ltmp2, $1  }
0x32: {  	_ =	sdelay $0x3  }
0x33: {  	s16 =	simm.s32 $0x1  }
0x34: {  	_ =	swait.ge [sflag:s4], $0x2000;
	s16 =	simm.s32 @!p0 $0x0  }
0x35: {  	[sflag:s4] =	ssyncset.done $0x0;
	s17 =	sshll.u32 s16, $0xD  }
0x36: {  	[sflag:s4] =	ssyncadd.s32 $0xFFFFE000;
	s17 =	sor.u32 $0x40, s17  }
0x37: {  	s16 =	smul.u32 $0x8200, s16;
	v0 =	vld [tilespmem:s17+$0x30]  }
0x38: {  	v1 =	vld [tilespmem:s17+$0xFFFFFFD0]  }
0x39: {  	s16 =	sshrl.u32 s16, $0x2;
	v5 =	vld [tilespmem:s17+$0xFFFFFFE0]  }
0x3a: {  	v6 =	vld [tilespmem:s17+$0xFFFFFFF0];
	s19 =	sor.u32 $0x4000, s16  }
0x3b: {  	s31 =	sand.u32 $0x1, s13;
	v4 =	vld [tilespmem:s17+$0x0];
	s18 =	sadd.s32 $0x0, s19  }
0x3c: {  	v3 =	vld [tilespmem:s17+$0x10];
	s16 =	smul.u32 $0x8200, s31;
	[tilespmem:s18+$0x1C70 ss:$0x41] =	vst.msk $0xffff, v0  }
0x3d: {  	v2 =	vld [tilespmem:s17+$0x20];
	[tilespmem:s18+$0x410 ss:$0x41] =	vst.msk $0xffff, v1  }
0x3e: {  	s16 =	sshrl.u32 s16, $0x2;
	v1 =	vld [tilespmem:s17+$0xFFFFFFC0];
	[tilespmem:s18+$0x820 ss:$0x41] =	vst.msk $0xffff, v5;
	s17 =	sadd.s32 $0x80, s17  }
0x3f: {  	s20 =	simm.s32 $0x4;
	s21 =	simm.s32 $0x8;
	s16 =	sor.u32 $0x4000, s16;
	[tilespmem:s18+$0xC30 ss:$0x41] =	vst.msk $0xffff, v6;
	v0 =	vld [tilespmem:s17+$0x30]  }
.LBB1_3:
0x40: {  	p1 =	sne.s32 s21, $0xFC;
	v5 =	vld [tilespmem:s17+$0xFFFFFFD0];
	[tilespmem:s18+$0x1040 ss:$0x41] =	vst.msk $0xffff, v4  }
0x41: {  	v6 =	vld [tilespmem:s17+$0xFFFFFFE0];
	[tilespmem:s18+$0x1450 ss:$0x41] =	vst.msk $0xffff, v3  }
0x42: {  	s22 =	sshra.s32 s20, $0x2;
	s20 =	smov.u32 s21;
	v7 =	vld [tilespmem:s17+$0xFFFFFFF0];
	[tilespmem:s18+$0x1860 ss:$0x41] =	vst.msk $0xffff, v2  }
.Ltmp3:
0x43: {  	v4 =	vld [tilespmem:s17+$0x0];
	[tilespmem:s18+$0x0 ss:$0x41] =	vst.msk $0xffff, v1;
	s18 =	sadd.s32 s22, s19;
	(pc) =	sbr.rel @p1 .LBB1_3-.Ltmp3, $4  }
0x44: {  	v3 =	vld [tilespmem:s17+$0x10];
	[tilespmem:s18+$0x1C70 ss:$0x41] =	vst.msk $0xffff, v0  }
0x45: {  	[tilespmem:s18+$0x410 ss:$0x41] =	vst.msk $0xffff, v5;
	v2 =	vld [tilespmem:s17+$0x20]  }
0x46: {  	v1 =	vld [tilespmem:s17+$0xFFFFFFC0];
	[tilespmem:s18+$0x820 ss:$0x41] =	vst.msk $0xffff, v6;
	s17 =	sadd.s32 $0x80, s17  }
0x47: {  	s21 =	sadd.s32 $0x4, s21;
	v0 =	vld [tilespmem:s17+$0x30];
	[tilespmem:s18+$0xC30 ss:$0x41] =	vst.msk $0xffff, v7  }
0x48: {  	s21 =	sshll.u32 s9, $0x7;
	s22 =	sshll.u32 s10, $0x3;
	s20 =	sshra.s32 s20, $0x2  }
0x49: {  	p1 =	sgt.s32 s9, $0xF41C0;
	s30 =	sshra.s32 s9, $0x1F;
	s25 =	sshra.s32 s10, $0x1F  }
0x4a: {  	v5 =	vld [tilespmem:s17+$0xFFFFFFD0];
	s28 =	sshrl.u32 s10, $0x3;
	s23 =	sand.u32 $0xFFFFFC00, s21;
	s22 =	sand.u32 $0xFFFFFC00, s22  }
0x4b: {  	[tilespmem:s18+$0x1040 ss:$0x41] =	vst.msk $0xffff, v4;
	v58 =	vld [tilespmem:s17+$0xFFFFFFE0];
	s21 =	sand.u32 $0x380, s21;
	s19 =	sadd.s32 s20, s19;
	s22 =	sadd.s32 s22, s23  }
0x4c: {  	v59 =	vld [tilespmem:s17+$0xFFFFFFF0];
	[tilespmem:s18+$0x1450 ss:$0x41] =	vst.msk $0xffff, v3;
	s29 =	sor.u32 s21, s22;
	s21 =	smov.u32 s9;
	s22 =	sand.u32 s30, s9  }
0x4d: {  	v60 =	vld [tilespmem:s17+$0x0];
	[tilespmem:s18+$0x1860 ss:$0x41] =	vst.msk $0xffff, v2;
	s30 =	sand.u32 $0x7, s10;
	s20 =	sshrl.u32 s29, $0x7;
	s21 =	simm.s32 @!p1 $0xF41C0  }
0x4e: {  	v61 =	vld [tilespmem:s17+$0x10];
	[tilespmem:s18+$0x0 ss:$0x41] =	vst.msk $0xffff, v1;
	p1 =	sgt.s32 s10, $0x40;
	s24 =	ssub.s32 s21, s22;
	s21 =	smov.u32 s10  }
0x4f: {  	v62 =	vld [tilespmem:s17+$0x20];
	[tilespmem:s19+$0x1C70 ss:$0x41] =	vst.msk $0xffff, v0;
	s31 =	smulhi.u32 $0x218DEF5, s20;
	s22 =	sand.u32 s25, s10;
	s21 =	simm.s32 @!p1 $0x40  }
0x50: {  	v63 =	vld [tilespmem:s17+$0xFFFFFFC0];
	[tilespmem:s19+$0x410 ss:$0x41] =	vst.msk $0xffff, v5;
	s26 =	sadd.s32 $0xFFF0BE40, s24;
	s17 =	ssub.s32 $0xF4240, s24;
	s21 =	ssub.s32 s21, s22  }
0x51: {  	[tilespmem:s19+$0x820 ss:$0x41] =	vst.msk $0xffff, v58;
	s23 =	sshrl.u32 s31, $0xD;
	p1 =	sgt.s32 s26, $0x7F;
	s27 =	sadd.s32 $0xFFFFFFC0, s21  }
0x52: {  	[tilespmem:s19+$0xC30 ss:$0x41] =	vst.msk $0xffff, v59;
	s23 =	smul.u32 $0xF4240, s23;
	s18 =	ssub.s32 $0x80, s21;
	p2 =	sgt.s32 s27, $0x3F  }
.Ltmp4:
0x53: {  	[tilespmem:s19+$0x1040 ss:$0x41] =	vst.msk $0xffff, v60;
	s17 =	simm.s32 @p1 $0x0;
	s18 =	simm.s32 @p2 $0x0;
	(pc) =	sbr.rel .LBB1_5-.Ltmp4, $4  }
0x54: {  	s29 =	sand.u32 $0xF, s28;
	[tilespmem:s19+$0x1450 ss:$0x41] =	vst.msk $0xffff, v61;
	s20 =	ssub.s32 s20, s23;
	s17 =	smul.u32 s18, s17  }
0x55: {  	[tilespmem:s19+$0x1860 ss:$0x41] =	vst.msk $0xffff, v62;
	s21 =	sshll.u32 s30, $0x12;
	s20 =	sshll.u32 s20, $0x4;
	s18 =	sadd.s32 s5, s29  }
0x56: {  	[tilespmem:s19+$0x0 ss:$0x41] =	vst.msk $0xffff, v63;
	s31 =	sor.u32 $0x40, s21;
	s18 =	sadd.s32 s20, s18;
	s17 =	sand.u32 $0x3FFFFFFF, s17  }
0x57: {  	[hbm4b:s18+s31] =	stream.strided.scatter [tilespmem:s16], [sflag:$0x2], s17, s8, s31, $0x18;
	[tilespmem:$0x8100] =	vst v63  }
.LBB1_6:
0x58: {  	_ =	sfence.sel $0x180000  }
0x59: {  	s2 =	simm.s32 $0x1;
	[bflag:$0x0] =	sbarrier.arrive $0xFFFF  }
0x5a: {  	s31 =	simm.s32 $0x2;
	[sflag:s2] =	ssyncpa.u1 $0x1  }
0x5b: {  	[sflag:s31] =	ssyncpa.u1 $0x1  }
0x5c: {  	p0 =	sne.s32 s1, $0x0;
	_ =	strace $0x90000047  }
0x5d: {  	s0 =	sadd.s32 @!p0 $0x100000, s0;
	[bflag:$0x2] =	sbarrier.arrive $0xFFFF  }
0x5e: {  	[sflag:s0] =	ssyncadd.tile.s32 @!p0 $0x1;
	_ =	shalt  }
.Lfunc_end1:
_tile_overlayer_lowered:
.L_overlay_start_2:
0x5f: {  	(tag) =	ssettag $0x2  }
0x60: {  	s0 =	rddreg [dreg:$0x0];
	s2 =	stileid.u32  }
0x61: {  	s1 =	rddreg [dreg:$0x1];
	p0 =	sne.s32 s2, $0x0  }
0x62: {  	s3 =	rddreg [dreg:$0x2];
	[bflag:$0x3] =	sbarrier.arrive $0xFFFF;
	s2 =	simm.s32 @!p0 $0x1C01  }
0x63: {  	[timem:s3], [sflag:s2] =	dma.local @!p0 [hbm:s0], s1  }
0x64: {  	s0 =	simm.s32 @!p0 $0x1  }
0x65: {  	_ =	swait.ge @!p0 [sflag:s0], s1  }
0x66: {  	s1 =	ssub.s32 @!p0 $0x0, s1;
	[sflag:s0] =	ssyncset.done @!p0 $0x0  }
0x67: {  	[sflag:s0] =	ssyncadd.s32 @!p0 s1  }
0x68: {  	[bflag:$0x3] =	sbarrier.arrive $0xFFFF  }
0x69: {  	_ =	shalt  }

</sc_bundles>
